<compile_context>
chip_gen: v7x
topology: tpu7x:2x2x1
jax: 0.10.2.dev20260603
libtpu: 0.0.44.dev20260713+nightly
codegen_flags: <defaults>
</compile_context>

<pallas_src>
import jax
import jax.numpy as jnp
from jax import lax
from jax.experimental import pallas as pl
from jax.experimental.pallas import tpu as pltpu
from jax.experimental.pallas import tpu_sc as plsc

N = 10000
E = 320000
D = 128
H = 4
NC, NS = 2, 16
NW = NC * NS
EPW = E // NW
GB = 80
NG = EPW // GB
NPAD = 10240
NPT = NPAD // NS
ZR = NPAD * H // D
EB = 640
L = 16


def _silu(x):
    return x * jax.nn.sigmoid(x)


def _make_gather_body(ng):
    def body(nf, src3d, dst3d, xs_out, xd_out,
             idx_s, idx_d, ra, rb, rc, rd, sa, sb, sc_, sd):
        c = lax.axis_index("c")
        s = lax.axis_index("s")
        w = c * NS + s
        pltpu.sync_copy(src3d.at[w], idx_s)
        pltpu.sync_copy(dst3d.at[w], idx_d)

        def fire_s(i, buf, sem):
            pltpu.async_copy(nf.at[idx_s.at[i]], buf, sem)

        def fire_d(i, buf, sem):
            pltpu.async_copy(nf.at[idx_d.at[i]], buf, sem)

        def drain(buf, sem):
            pltpu.make_async_copy(nf.at[idx_s.at[0]], buf, sem).wait()

        base0 = w * ng * GB
        fire_s(0, ra, sa)
        fire_d(0, rc, sc_)

        @pl.loop(0, ng - 1, step=2)
        def _(i):
            base = base0 + i * GB
            fire_s(i + 1, rb, sb)
            fire_d(i + 1, rd, sd)
            drain(ra, sa)
            pltpu.sync_copy(ra, xs_out.at[pl.ds(base, GB)])
            drain(rc, sc_)
            pltpu.sync_copy(rc, xd_out.at[pl.ds(base, GB)])

            @pl.when(i + 2 < ng)
            def _():
                fire_s(i + 2, ra, sa)
                fire_d(i + 2, rc, sc_)

            drain(rb, sb)
            pltpu.sync_copy(rb, xs_out.at[pl.ds(base + GB, GB)])
            drain(rd, sd)
            pltpu.sync_copy(rd, xd_out.at[pl.ds(base + GB, GB)])

        if ng % 2:
            drain(ra, sa)
            pltpu.sync_copy(ra, xs_out.at[pl.ds(base0 + (ng - 1) * GB, GB)])
            drain(rc, sc_)
            pltpu.sync_copy(rc, xd_out.at[pl.ds(base0 + (ng - 1) * GB, GB)])

    return body


def _gather(node_feat, src3d, dst3d, ng):
    ec = NW * ng * GB
    mesh = plsc.VectorSubcoreMesh(core_axis_name="c", subcore_axis_name="s")
    return pl.kernel(
        _make_gather_body(ng),
        out_type=(
            jax.ShapeDtypeStruct((ec, D), jnp.float32),
            jax.ShapeDtypeStruct((ec, D), jnp.float32),
        ),
        mesh=mesh,
        scratch_types=[
            pltpu.VMEM((ng, GB), jnp.int32),
            pltpu.VMEM((ng, GB), jnp.int32),
            pltpu.VMEM((GB, D), jnp.float32),
            pltpu.VMEM((GB, D), jnp.float32),
            pltpu.VMEM((GB, D), jnp.float32),
            pltpu.VMEM((GB, D), jnp.float32),
            pltpu.SemaphoreType.DMA,
            pltpu.SemaphoreType.DMA,
            pltpu.SemaphoreType.DMA,
            pltpu.SemaphoreType.DMA,
        ],
    )(node_feat, src3d, dst3d)


def _edge_tc(xs, xd, attr, cw, w1kv, w2kv, w3kv, wlt, bb, out_v, out_w):
    sc = attr[...][:, 0:1]
    xsv = xs[...]
    xdb = xd[...].astype(jnp.bfloat16)
    cwv = cw[...]

    h1 = _silu(sc * w1kv[...])
    h2 = _silu(jnp.dot(h1, w2kv[...], preferred_element_type=jnp.float32) * 0.125)
    kmvm = jnp.dot(h2, w3kv[...], preferred_element_type=jnp.float32) * 0.125
    km = kmvm[:, :D]
    vm = kmvm[:, D:]
    key = xsv * km

    tmp = jnp.dot(key.astype(jnp.bfloat16), wlt[...],
                  preferred_element_type=jnp.float32).astype(jnp.bfloat16)
    prod = jnp.concatenate(
        [xdb * tmp[:, hh * D:(hh + 1) * D] for hh in range(H)], axis=1)
    lgb = jnp.dot(prod, bb[...], preferred_element_type=jnp.float32) * (1.0 / D)
    wb = cwv * jnp.exp(lgb)
    out_v[...] = xsv * vm * jnp.sqrt(wb)
    out_w[...] = jnp.concatenate(
        [wb[:, hh * (D // H):hh * (D // H) + 1] for hh in range(H)], axis=1)


def _edge(xs, xd, edge_attr, cutoff, w1kv, w2kv, w3kv, wlt, bb):
    ec = xs.shape[0]
    full = lambda *shape: pl.BlockSpec(shape, lambda i: (0,) * len(shape))
    return pl.pallas_call(
        _edge_tc,
        grid=(ec // EB,),
        in_specs=[
            pl.BlockSpec((EB, D), lambda i: (i, 0)),
            pl.BlockSpec((EB, D), lambda i: (i, 0)),
            pl.BlockSpec((EB, 4), lambda i: (i, 0)),
            pl.BlockSpec((EB, 1), lambda i: (i, 0)),
            full(1, D),
            full(D, D),
            full(D, 2 * D),
            full(D, H * D),
            full(H * D, D),
        ],
        out_specs=[
            pl.BlockSpec((EB, D), lambda i: (i, 0)),
            pl.BlockSpec((EB, H), lambda i: (i, 0)),
        ],
        out_shape=[
            jax.ShapeDtypeStruct((ec, D), jnp.float32),
            jax.ShapeDtypeStruct((ec, H), jnp.float32),
        ],
        compiler_params=pltpu.CompilerParams(dimension_semantics=("arbitrary",)),
    )(xs, xd, edge_attr, cutoff, w1kv, w2kv, w3kv, wlt, bb)


def _make_scatter_val_body(ng):
    def body(ev, dst3d, zeros, parts, idx, ra, rb, acc, sa, sb):
        c = lax.axis_index("c")
        s = lax.axis_index("s")
        w = c * NS + s
        pltpu.sync_copy(zeros, acc.at[pl.ds(s * NPT, NPT)])
        pltpu.sync_copy(dst3d.at[w], idx)
        plsc.subcore_barrier()

        base0 = w * ng * GB

        def fire(i, buf, sem):
            pltpu.async_copy(ev.at[pl.ds(base0 + i * GB, GB)], buf, sem)

        def drain(buf, sem):
            pltpu.make_async_copy(ev.at[pl.ds(base0, GB)], buf, sem).wait()

        fire(0, ra, sa)

        @pl.loop(0, ng - 1, step=2)
        def _(i):
            fire(i + 1, rb, sb)
            drain(ra, sa)
            pltpu.sync_copy(ra, acc.at[idx.at[i]], add=True)

            @pl.when(i + 2 < ng)
            def _():
                fire(i + 2, ra, sa)

            drain(rb, sb)
            pltpu.sync_copy(rb, acc.at[idx.at[i + 1]], add=True)

        if ng % 2:
            drain(ra, sa)
            pltpu.sync_copy(ra, acc.at[idx.at[ng - 1]], add=True)

    return body


def _scatter_val(ev, dst3d, zeros, ng):
    mesh = plsc.VectorSubcoreMesh(core_axis_name="c", subcore_axis_name="s")
    return pl.kernel(
        _make_scatter_val_body(ng),
        out_type=jax.ShapeDtypeStruct((NC * NPAD, D), jnp.float32),
        mesh=mesh,
        scratch_types=[
            pltpu.VMEM((ng, GB), jnp.int32),
            pltpu.VMEM((GB, D), jnp.float32),
            pltpu.VMEM((GB, D), jnp.float32),
            pltpu.VMEM_SHARED((NPAD, D), jnp.float32),
            pltpu.SemaphoreType.DMA,
            pltpu.SemaphoreType.DMA,
        ],
    )(ev, dst3d, zeros)


def _make_scatter_z_body(ng):
    def body(w4, dst3d, zeros, iot2d, zout,
             idx, wbuf, zacc, iotv, zsh, sem):
        c = lax.axis_index("c")
        s = lax.axis_index("s")
        w = c * NS + s

        @pl.when(s < ZR // 64)
        def _():
            pltpu.sync_copy(zeros.at[pl.ds(0, 64)], zsh.at[pl.ds(s * 64, 64)])

        pltpu.sync_copy(dst3d.at[w], idx)
        pltpu.sync_copy(zeros.at[pl.ds(0, ZR)], zacc)
        pltpu.sync_copy(iot2d, iotv)
        plsc.subcore_barrier()

        @pl.loop(0, ng)
        def _(i):
            base = w * ng * GB + i * GB
            pltpu.sync_copy(w4.at[pl.ds(base, GB)], wbuf)
            for j in range(GB // L):
                e16 = lax.iota(jnp.int32, L) + (j * L)
                dd = idx[i, pl.ds(j * L, L)]
                for hh in range(H):
                    h16 = jnp.full((L,), hh, jnp.int32)
                    wv = plsc.load_gather(wbuf, [e16, h16])
                    a = dd * H + hh
                    plsc.addupdate_scatter(
                        zacc, [lax.shift_right_logical(a, 7),
                               lax.bitwise_and(a, 127)], wv)

        for j in range(ZR // 64):
            pltpu.sync_copy(zacc.at[pl.ds(j * 64, 64)],
                            zsh.at[iotv.at[j]], add=True)
        plsc.subcore_barrier()

        @pl.when(s == 0)
        def _():
            pltpu.sync_copy(zsh, zout.at[pl.ds(c * ZR, ZR)])

    return body


def _scatter_z(w4, dst3d, zeros, iot2d, ng):
    mesh = plsc.VectorSubcoreMesh(core_axis_name="c", subcore_axis_name="s")
    return pl.kernel(
        _make_scatter_z_body(ng),
        compiler_params=pltpu.CompilerParams(needs_layout_passes=False),
        out_type=jax.ShapeDtypeStruct((NC * ZR, D), jnp.float32),
        mesh=mesh,
        scratch_types=[
            pltpu.VMEM((ng, GB), jnp.int32),
            pltpu.VMEM((GB, H), jnp.float32),
            pltpu.VMEM((ZR, D), jnp.float32),
            pltpu.VMEM((ZR // 64, 64), jnp.int32),
            pltpu.VMEM_SHARED((ZR, D), jnp.float32),
            pltpu.SemaphoreType.DMA,
        ],
    )(w4, dst3d, zeros, iot2d)


NB = 1280


def _final_tc(p, zp, wout, out):
    pv = p[...]
    val = jnp.sum(pv, axis=0)
    zb = zp[...]
    z = jnp.sum(zb, axis=0)
    g = jnp.where(z > 0, lax.rsqrt(z), 1.0)
    gs = jnp.concatenate(
        [jnp.broadcast_to(g[:, hh:hh + 1], (NB, D // H)) for hh in range(H)], axis=1)
    out[...] = jnp.dot(val * gs, wout[...],
                       preferred_element_type=jnp.float32) * (D ** -0.5)


def _final(parts, z4, Wout):
    return pl.pallas_call(
        _final_tc,
        grid=(NPAD // NB,),
        in_specs=[
            pl.BlockSpec((3 * NC, NB, D), lambda i: (0, i, 0)),
            pl.BlockSpec((3 * NC, NB, H), lambda i: (0, i, 0)),
            pl.BlockSpec((D, D), lambda i: (0, 0)),
        ],
        out_specs=pl.BlockSpec((NB, D), lambda i: (i, 0)),
        out_shape=jax.ShapeDtypeStruct((NPAD, D), jnp.float32),
        compiler_params=pltpu.CompilerParams(dimension_semantics=("arbitrary",)),
    )(parts, z4, Wout)


def kernel(edge_src, edge_dst, edge_weight_cutoff, edge_attr, node_feat,
           Wk1, Wk2, Wk3, Wlog, Wv1, Wv2, Wv3, Wout):
    ngs = (41, 41, 43)
    wlt = jnp.transpose(Wlog, (1, 2, 0)).reshape(D, H * D).astype(jnp.bfloat16)
    kk = jnp.arange(H * D) // D
    jj = jnp.arange(D) // (D // H)
    bb = (kk[:, None] == jj[None, :]).astype(jnp.bfloat16)
    w1kv = jnp.concatenate([Wk1, Wv1], axis=1)
    w2kv = jnp.zeros((D, D), jnp.float32)
    w2kv = w2kv.at[:64, :64].set(Wk2).at[64:, 64:].set(Wv2)
    w3kv = jnp.zeros((D, 2 * D), jnp.float32)
    w3kv = w3kv.at[:64, :D].set(Wk3).at[64:, D:].set(Wv3)
    zeros = jnp.zeros((NPT, D), jnp.float32)
    iot2d = jnp.arange(ZR, dtype=jnp.int32).reshape(ZR // 64, 64)

    parts = []
    zs = []
    bounds = []
    lo = 0
    for ng in ngs:
        bounds.append((ng, lo, lo + NW * ng * GB))
        lo += NW * ng * GB
    for (ng, lo, hi) in bounds:
        s3 = edge_src[lo:hi].reshape(NW, ng, GB)
        d3 = edge_dst[lo:hi].reshape(NW, ng, GB)
        xs, xd = _gather(node_feat, s3, d3, ng)
        ev, w4 = _edge(xs, xd, edge_attr[lo:hi],
                       edge_weight_cutoff[lo:hi].reshape(-1, 1),
                       w1kv, w2kv, w3kv, wlt, bb)
        parts.append(_scatter_val(ev, d3, zeros, ng))
        zs.append(_scatter_z(w4, d3, zeros, iot2d, ng))

    pstack = jnp.stack(parts).reshape(len(ngs) * NC, NPAD, D)
    zstack = jnp.stack(zs).reshape(len(ngs) * NC, NPAD, H)
    out = _final(pstack, zstack, Wout)
    return out[:N]

# --- scband reference (transcript-rebuilt; emitter-appended) ---
"""Pipeline reference for scband-equivariant-transformer-block-12197707121075 (READ-ONLY COPY).

The authoritative reference and input builder live on the scoring server;
editing this copy changes nothing except your own understanding.
"""

import jax, jax.numpy as jnp
import numpy as np

N = 10000
E = 320000
D = 128
H = 4


def setup_inputs(seed: int = 0) -> dict:
    key = jax.random.key(seed)
    ks = jax.random.split(key, 16)
    inp = {}
    inp["edge_src"] = jax.random.randint(ks[0], (E,), 0, N, dtype=jnp.int32)
    inp["edge_dst"] = jax.random.randint(ks[1], (E,), 0, N, dtype=jnp.int32)
    inp["edge_weight_cutoff"] = jax.random.uniform(ks[2], (E,), dtype=jnp.float32)
    inp["edge_attr"] = jax.random.normal(ks[3], (E, 4), dtype=jnp.float32)
    inp["node_feat"] = jax.random.normal(ks[4], (N, D), dtype=jnp.float32)
    # mlp_key: list_neurons (64, 64) + output dim = num_irreps of out1 = 128 (scalar input dim 1 = edge_attr 0e part)
    inp["Wk1"] = jax.random.normal(ks[5], (1, 64), dtype=jnp.float32)
    inp["Wk2"] = jax.random.normal(ks[6], (64, 64), dtype=jnp.float32)
    inp["Wk3"] = jax.random.normal(ks[7], (64, D), dtype=jnp.float32)
    # linear_logit: Linear from (128x0e tensor 128x0e -> 16384x0e) to num_heads x 0e
    inp["Wlog"] = jax.random.normal(ks[8], (D, D, H), dtype=jnp.float32)
    # mlp_val: same structure as mlp_key
    inp["Wv1"] = jax.random.normal(ks[9], (1, 64), dtype=jnp.float32)
    inp["Wv2"] = jax.random.normal(ks[10], (64, 64), dtype=jnp.float32)
    inp["Wv3"] = jax.random.normal(ks[11], (64, D), dtype=jnp.float32)
    # linear_out: 128x0e -> 128x0e
    inp["Wout"] = jax.random.normal(ks[12], (D, D), dtype=jnp.float32)
    return inp


def _mlp(x, Ws):
    # e3nn.flax.MultiLayerPerceptron on 0e scalars: linear layers with 1/sqrt(fan_in)
    # path normalization, activation between layers, no output activation.
    h = x
    for i, W in enumerate(Ws):
        h = (h @ W) / jnp.sqrt(h.shape[-1])
        if i < len(Ws) - 1:
            h = jax.nn.silu(h)
    return h


def reference(edge_src, edge_dst, edge_weight_cutoff, edge_attr, node_feat,
              Wk1, Wk2, Wk3, Wlog, Wv1, Wv2, Wv3, Wout):
    n = node_feat.shape[0]
    d = node_feat.shape[1]
    h = Wlog.shape[-1]
    # edge_attr irreps = 1x0e + 1x1o; filter(keep='0e') -> scalar channel [:, :1].
    sc = edge_attr[:, :1]
    x_src = node_feat[edge_src]
    x_dst = node_feat[edge_dst]
    # f(x, y, filter_ir_out=node_feat.irreps): with 128x0e node features, the
    # tensor_product(x, y.filter(drop='0e')) produces only 1o irreps which are
    # filtered out, so out1 = x; out2 = MLP(y 0e scalars) with 128 outputs.
    edge_key = x_src * _mlp(sc, [Wk1, Wk2, Wk3])
    # tensor_product(x_dst, edge_key, filter_ir_out='0e') = outer product of the
    # 128x0e channels (16384x0e); e3nn Linear to num_heads x 0e with 1/sqrt(fan_in).
    edge_logit = jnp.einsum('ei,ej,ijh->eh', x_dst, edge_key, Wlog) / jnp.sqrt(float(d * d))
    # _index_max: zeros-initialized scatter-max (matches the reference exactly)
    node_logit_max = jnp.zeros((n, h), edge_logit.dtype).at[edge_dst].max(edge_logit)
    exp = edge_weight_cutoff[:, None] * jnp.exp(edge_logit - node_logit_max[edge_dst])
    z = jnp.zeros((n, h), exp.dtype).at[edge_dst].add(exp)
    z = jnp.where(z == 0.0, 1.0, z)
    alpha = exp / z[edge_dst]
    # f(..., irreps_node_output='128x0e', 'mlp_val')
    edge_v = x_src * _mlp(sc, [Wv1, Wv2, Wv3])
    # mul_to_axis(num_heads): [E, 128] -> [E, H, 128/H]
    edge_v = edge_v.reshape(edge_v.shape[0], h, d // h)
    edge_v = edge_v * jnp.sqrt(jax.nn.relu(alpha))[:, :, None]
    # axis_to_mul
    edge_v = edge_v.reshape(edge_v.shape[0], d)
    node_out = jnp.zeros((n, d), edge_v.dtype).at[edge_dst].add(edge_v)
    # linear_out (e3nn Linear on 0e with 1/sqrt(fan_in))
    return (node_out @ Wout) / jnp.sqrt(float(d))

if __name__ == "__main__":
    import jax
    _d = setup_inputs()
    print(jax.jit(kernel)(*tuple(_d.values())))

</pallas_src>

<mosaic_0001>
#map = affine_map<(d0, d1) -> (0, 0)>
#map1 = affine_map<(d0, d1) -> (0, 0, 0)>
module attributes {stable_mosaic.version = 14 : i64} {
  func.func @body(%arg0: i32, %arg1: i32, %arg2: memref<10000x128xf32, #tpu.memory_space<hbm>>, %arg3: memref<32x41x80xi32, #tpu.memory_space<hbm>>, %arg4: memref<32x41x80xi32, #tpu.memory_space<hbm>>, %arg5: memref<104960x128xf32, #tpu.memory_space<hbm>>, %arg6: memref<104960x128xf32, #tpu.memory_space<hbm>>, %arg7: memref<41x80xi32, #tpu.memory_space<vmem>>, %arg8: memref<41x80xi32, #tpu.memory_space<vmem>>, %arg9: memref<80x128xf32, #tpu.memory_space<vmem>>, %arg10: memref<80x128xf32, #tpu.memory_space<vmem>>, %arg11: memref<80x128xf32, #tpu.memory_space<vmem>>, %arg12: memref<80x128xf32, #tpu.memory_space<vmem>>, %arg13: memref<!tpu.dma_semaphore, #tpu.memory_space<semaphore_mem>>, %arg14: memref<!tpu.dma_semaphore, #tpu.memory_space<semaphore_mem>>, %arg15: memref<!tpu.dma_semaphore, #tpu.memory_space<semaphore_mem>>, %arg16: memref<!tpu.dma_semaphore, #tpu.memory_space<semaphore_mem>>) attributes {dimension_semantics = [#tpu.dimension_semantics<core_parallel>, #tpu.dimension_semantics<subcore_parallel>], iteration_bounds = array<i64: 2, 16>, scalar_prefetch = 0 : i64, scratch_operands = 10 : i64, tpu.core_type = #tpu.core_type<sc_vector_subcore>, window_params = [{transform_indices = #map}, {transform_indices = #map1}, {transform_indices = #map1}, {transform_indices = #map}, {transform_indices = #map}]} {
    %mul3A = arith.constant 16 : i32
    %mul3A_0 = arith.muli %arg0, %mul3A : i32
    %add3A = arith.addi %mul3A_0, %arg1 : i32
    "tpu.region"() ({
      %run_scoped3A = tpu.sem_alloc : memref<!tpu.dma_semaphore, #tpu.memory_space<semaphore_mem>>
      %dma_start3A_39 = arith.constant 0 : i32
      %dma_start3A_40 = arith.constant 0 : i32
      %dma_start3A_41 = tpu.memref_slice %arg3[%add3A, %dma_start3A_39, %dma_start3A_40] : memref<32x41x80xi32, #tpu.memory_space<hbm>> -> memref<1x41x80xi32, #tpu.memory_space<hbm>>
      %dma_start3A_42 = tpu.memref_squeeze %dma_start3A_41 : memref<1x41x80xi32, #tpu.memory_space<hbm>> -> memref<41x80xi32, #tpu.memory_space<hbm>>
      %dma_start3A_43 = arith.constant 0 : i32
      %dma_start3A_44 = arith.constant 0 : i32
      %dma_start3A_45 = tpu.memref_slice %arg3[%add3A, %dma_start3A_43, %dma_start3A_44] : memref<32x41x80xi32, #tpu.memory_space<hbm>> -> memref<1x41x80xi32, #tpu.memory_space<hbm>>
      %dma_start3A_46 = tpu.memref_squeeze %dma_start3A_45 : memref<1x41x80xi32, #tpu.memory_space<hbm>> -> memref<41x80xi32, #tpu.memory_space<hbm>>
      tpu.enqueue_dma source(%dma_start3A_46 : memref<41x80xi32, #tpu.memory_space<hbm>>) target(%arg7 : memref<41x80xi32, #tpu.memory_space<vmem>>) target_semaphore(%run_scoped3A : memref<!tpu.dma_semaphore, #tpu.memory_space<semaphore_mem>>)
      %dma_wait3A_47 = arith.constant 0 : i32
      %dma_wait3A_48 = arith.constant 0 : i32
      %dma_wait3A_49 = tpu.memref_slice %arg3[%add3A, %dma_wait3A_47, %dma_wait3A_48] : memref<32x41x80xi32, #tpu.memory_space<hbm>> -> memref<1x41x80xi32, #tpu.memory_space<hbm>>
      %dma_wait3A_50 = tpu.memref_squeeze %dma_wait3A_49 : memref<1x41x80xi32, #tpu.memory_space<hbm>> -> memref<41x80xi32, #tpu.memory_space<hbm>>
      %dma_wait3A_51 = arith.constant 0 : i32
      %dma_wait3A_52 = arith.constant 0 : i32
      %dma_wait3A_53 = tpu.memref_slice %arg3[%add3A, %dma_wait3A_51, %dma_wait3A_52] : memref<32x41x80xi32, #tpu.memory_space<hbm>> -> memref<1x41x80xi32, #tpu.memory_space<hbm>>
      %dma_wait3A_54 = tpu.memref_squeeze %dma_wait3A_53 : memref<1x41x80xi32, #tpu.memory_space<hbm>> -> memref<41x80xi32, #tpu.memory_space<hbm>>
      tpu.wait_dma2 semaphore(%run_scoped3A : memref<!tpu.dma_semaphore, #tpu.memory_space<semaphore_mem>>) src(%dma_wait3A_54 : memref<41x80xi32, #tpu.memory_space<hbm>>) dst(%arg7 : memref<41x80xi32, #tpu.memory_space<vmem>>)
      tpu.yield
    }) : () -> ()
    "tpu.region"() ({
      %run_scoped3A = tpu.sem_alloc : memref<!tpu.dma_semaphore, #tpu.memory_space<semaphore_mem>>
      %dma_start3A_39 = arith.constant 0 : i32
      %dma_start3A_40 = arith.constant 0 : i32
      %dma_start3A_41 = tpu.memref_slice %arg4[%add3A, %dma_start3A_39, %dma_start3A_40] : memref<32x41x80xi32, #tpu.memory_space<hbm>> -> memref<1x41x80xi32, #tpu.memory_space<hbm>>
      %dma_start3A_42 = tpu.memref_squeeze %dma_start3A_41 : memref<1x41x80xi32, #tpu.memory_space<hbm>> -> memref<41x80xi32, #tpu.memory_space<hbm>>
      %dma_start3A_43 = arith.constant 0 : i32
      %dma_start3A_44 = arith.constant 0 : i32
      %dma_start3A_45 = tpu.memref_slice %arg4[%add3A, %dma_start3A_43, %dma_start3A_44] : memref<32x41x80xi32, #tpu.memory_space<hbm>> -> memref<1x41x80xi32, #tpu.memory_space<hbm>>
      %dma_start3A_46 = tpu.memref_squeeze %dma_start3A_45 : memref<1x41x80xi32, #tpu.memory_space<hbm>> -> memref<41x80xi32, #tpu.memory_space<hbm>>
      tpu.enqueue_dma source(%dma_start3A_46 : memref<41x80xi32, #tpu.memory_space<hbm>>) target(%arg8 : memref<41x80xi32, #tpu.memory_space<vmem>>) target_semaphore(%run_scoped3A : memref<!tpu.dma_semaphore, #tpu.memory_space<semaphore_mem>>)
      %dma_wait3A_47 = arith.constant 0 : i32
      %dma_wait3A_48 = arith.constant 0 : i32
      %dma_wait3A_49 = tpu.memref_slice %arg4[%add3A, %dma_wait3A_47, %dma_wait3A_48] : memref<32x41x80xi32, #tpu.memory_space<hbm>> -> memref<1x41x80xi32, #tpu.memory_space<hbm>>
      %dma_wait3A_50 = tpu.memref_squeeze %dma_wait3A_49 : memref<1x41x80xi32, #tpu.memory_space<hbm>> -> memref<41x80xi32, #tpu.memory_space<hbm>>
      %dma_wait3A_51 = arith.constant 0 : i32
      %dma_wait3A_52 = arith.constant 0 : i32
      %dma_wait3A_53 = tpu.memref_slice %arg4[%add3A, %dma_wait3A_51, %dma_wait3A_52] : memref<32x41x80xi32, #tpu.memory_space<hbm>> -> memref<1x41x80xi32, #tpu.memory_space<hbm>>
      %dma_wait3A_54 = tpu.memref_squeeze %dma_wait3A_53 : memref<1x41x80xi32, #tpu.memory_space<hbm>> -> memref<41x80xi32, #tpu.memory_space<hbm>>
      tpu.wait_dma2 semaphore(%run_scoped3A : memref<!tpu.dma_semaphore, #tpu.memory_space<semaphore_mem>>) src(%dma_wait3A_54 : memref<41x80xi32, #tpu.memory_space<hbm>>) dst(%arg8 : memref<41x80xi32, #tpu.memory_space<vmem>>)
      tpu.yield
    }) : () -> ()
    %mul3A_1 = arith.constant 41 : i32
    %mul3A_2 = arith.muli %add3A, %mul3A_1 : i32
    %mul3A_3 = arith.constant 80 : i32
    %mul3A_4 = arith.muli %mul3A_2, %mul3A_3 : i32
    %dma_start3A = arith.constant 0 : i32
    %dma_start3A_5 = arith.constant 0 : i32
    %dma_start3A_6 = tpu.memref_slice %arg7[%dma_start3A, %dma_start3A_5] : memref<41x80xi32, #tpu.memory_space<vmem>> -> memref<1x80xi32, #tpu.memory_space<vmem>>
    %dma_start3A_7 = tpu.memref_squeeze %dma_start3A_6 : memref<1x80xi32, #tpu.memory_space<vmem>> -> memref<80xi32, #tpu.memory_space<vmem>>
    %dma_start3A_8 = arith.constant 0 : i32
    %dma_start3A_9 = arith.constant 0 : i32
    %dma_start3A_10 = tpu.memref_slice %arg2[%dma_start3A_8, %dma_start3A_9] : memref<10000x128xf32, #tpu.memory_space<hbm>> -> memref<10000x128xf32, #tpu.memory_space<hbm>>
    tpu.enqueue_indirect_dma source(%dma_start3A_10 : memref<10000x128xf32, #tpu.memory_space<hbm>>) target(%arg9 : memref<80x128xf32, #tpu.memory_space<vmem>>) offsets(%dma_start3A_7 : memref<80xi32, #tpu.memory_space<vmem>>) semaphore(%arg13 : memref<!tpu.dma_semaphore, #tpu.memory_space<semaphore_mem>>)
    %dma_start3A_11 = arith.constant 0 : i32
    %dma_start3A_12 = arith.constant 0 : i32
    %dma_start3A_13 = tpu.memref_slice %arg8[%dma_start3A_11, %dma_start3A_12] : memref<41x80xi32, #tpu.memory_space<vmem>> -> memref<1x80xi32, #tpu.memory_space<vmem>>
    %dma_start3A_14 = tpu.memref_squeeze %dma_start3A_13 : memref<1x80xi32, #tpu.memory_space<vmem>> -> memref<80xi32, #tpu.memory_space<vmem>>
    %dma_start3A_15 = arith.constant 0 : i32
    %dma_start3A_16 = arith.constant 0 : i32
    %dma_start3A_17 = tpu.memref_slice %arg2[%dma_start3A_15, %dma_start3A_16] : memref<10000x128xf32, #tpu.memory_space<hbm>> -> memref<10000x128xf32, #tpu.memory_space<hbm>>
    tpu.enqueue_indirect_dma source(%dma_start3A_17 : memref<10000x128xf32, #tpu.memory_space<hbm>>) target(%arg11 : memref<80x128xf32, #tpu.memory_space<vmem>>) offsets(%dma_start3A_14 : memref<80xi32, #tpu.memory_space<vmem>>) semaphore(%arg15 : memref<!tpu.dma_semaphore, #tpu.memory_space<semaphore_mem>>)
    %scan3A = arith.constant 0 : i32
    %scan3A_18 = arith.constant 20 : i32
    %scan3A_19 = arith.addi %scan3A, %scan3A_18 : i32
    %scan3A_20 = arith.constant 1 : i32
    scf.for %scan3A_39 = %scan3A to %scan3A_19 step %scan3A_20  : i32 {
      %mul3A_40 = arith.constant 2 : i32
      %mul3A_41 = arith.muli %scan3A_39, %mul3A_40 : i32
      %add3A_42 = arith.constant 0 : i32
      %add3A_43 = arith.addi %add3A_42, %mul3A_41 : i32
      %mul3A_44 = arith.constant 80 : i32
      %mul3A_45 = arith.muli %add3A_43, %mul3A_44 : i32
      %add3A_46 = arith.addi %mul3A_4, %mul3A_45 : i32
      %add3A_47 = arith.constant 1 : i32
      %add3A_48 = arith.addi %add3A_43, %add3A_47 : i32
      %dma_start3A_49 = arith.constant 0 : i32
      %dma_start3A_50 = tpu.memref_slice %arg7[%add3A_48, %dma_start3A_49] : memref<41x80xi32, #tpu.memory_space<vmem>> -> memref<1x80xi32, #tpu.memory_space<vmem>>
      %dma_start3A_51 = tpu.memref_squeeze %dma_start3A_50 : memref<1x80xi32, #tpu.memory_space<vmem>> -> memref<80xi32, #tpu.memory_space<vmem>>
      %dma_start3A_52 = arith.constant 0 : i32
      %dma_start3A_53 = arith.constant 0 : i32
      %dma_start3A_54 = tpu.memref_slice %arg2[%dma_start3A_52, %dma_start3A_53] : memref<10000x128xf32, #tpu.memory_space<hbm>> -> memref<10000x128xf32, #tpu.memory_space<hbm>>
      tpu.enqueue_indirect_dma source(%dma_start3A_54 : memref<10000x128xf32, #tpu.memory_space<hbm>>) target(%arg10 : memref<80x128xf32, #tpu.memory_space<vmem>>) offsets(%dma_start3A_51 : memref<80xi32, #tpu.memory_space<vmem>>) semaphore(%arg14 : memref<!tpu.dma_semaphore, #tpu.memory_space<semaphore_mem>>)
      %add3A_55 = arith.constant 1 : i32
      %add3A_56 = arith.addi %add3A_43, %add3A_55 : i32
      %dma_start3A_57 = arith.constant 0 : i32
      %dma_start3A_58 = tpu.memref_slice %arg8[%add3A_56, %dma_start3A_57] : memref<41x80xi32, #tpu.memory_space<vmem>> -> memref<1x80xi32, #tpu.memory_space<vmem>>
      %dma_start3A_59 = tpu.memref_squeeze %dma_start3A_58 : memref<1x80xi32, #tpu.memory_space<vmem>> -> memref<80xi32, #tpu.memory_space<vmem>>
      %dma_start3A_60 = arith.constant 0 : i32
      %dma_start3A_61 = arith.constant 0 : i32
      %dma_start3A_62 = tpu.memref_slice %arg2[%dma_start3A_60, %dma_start3A_61] : memref<10000x128xf32, #tpu.memory_space<hbm>> -> memref<10000x128xf32, #tpu.memory_space<hbm>>
      tpu.enqueue_indirect_dma source(%dma_start3A_62 : memref<10000x128xf32, #tpu.memory_space<hbm>>) target(%arg12 : memref<80x128xf32, #tpu.memory_space<vmem>>) offsets(%dma_start3A_59 : memref<80xi32, #tpu.memory_space<vmem>>) semaphore(%arg16 : memref<!tpu.dma_semaphore, #tpu.memory_space<semaphore_mem>>)
      %dma_wait3A_63 = arith.constant 0 : i32
      %dma_wait3A_64 = arith.constant 0 : i32
      %dma_wait3A_65 = tpu.memref_slice %arg7[%dma_wait3A_63, %dma_wait3A_64] : memref<41x80xi32, #tpu.memory_space<vmem>> -> memref<1x80xi32, #tpu.memory_space<vmem>>
      %dma_wait3A_66 = tpu.memref_squeeze %dma_wait3A_65 : memref<1x80xi32, #tpu.memory_space<vmem>> -> memref<80xi32, #tpu.memory_space<vmem>>
      %dma_wait3A_67 = arith.constant 0 : i32
      %dma_wait3A_68 = arith.constant 0 : i32
      %dma_wait3A_69 = tpu.memref_slice %arg2[%dma_wait3A_67, %dma_wait3A_68] : memref<10000x128xf32, #tpu.memory_space<hbm>> -> memref<10000x128xf32, #tpu.memory_space<hbm>>
      tpu.wait_indirect_dma semaphore(%arg13 : memref<!tpu.dma_semaphore, #tpu.memory_space<semaphore_mem>>) src(%dma_wait3A_69 : memref<10000x128xf32, #tpu.memory_space<hbm>>) dst(%arg9 : memref<80x128xf32, #tpu.memory_space<vmem>>)
      "tpu.region"() ({
        %run_scoped3A = tpu.sem_alloc : memref<!tpu.dma_semaphore, #tpu.memory_space<semaphore_mem>>
        %dma_start3A_99 = arith.constant 0 : i32
        %dma_start3A_100 = tpu.memref_slice %arg5[%add3A_46, %dma_start3A_99] : memref<104960x128xf32, #tpu.memory_space<hbm>> -> memref<80x128xf32, #tpu.memory_space<hbm>>
        %dma_start3A_101 = arith.constant 0 : i32
        %dma_start3A_102 = tpu.memref_slice %arg5[%add3A_46, %dma_start3A_101] : memref<104960x128xf32, #tpu.memory_space<hbm>> -> memref<80x128xf32, #tpu.memory_space<hbm>>
        tpu.enqueue_dma source(%arg9 : memref<80x128xf32, #tpu.memory_space<vmem>>) target(%dma_start3A_102 : memref<80x128xf32, #tpu.memory_space<hbm>>) target_semaphore(%run_scoped3A : memref<!tpu.dma_semaphore, #tpu.memory_space<semaphore_mem>>)
        %dma_wait3A_103 = arith.constant 0 : i32
        %dma_wait3A_104 = tpu.memref_slice %arg5[%add3A_46, %dma_wait3A_103] : memref<104960x128xf32, #tpu.memory_space<hbm>> -> memref<80x128xf32, #tpu.memory_space<hbm>>
        %dma_wait3A_105 = arith.constant 0 : i32
        %dma_wait3A_106 = tpu.memref_slice %arg5[%add3A_46, %dma_wait3A_105] : memref<104960x128xf32, #tpu.memory_space<hbm>> -> memref<80x128xf32, #tpu.memory_space<hbm>>
        tpu.wait_dma2 semaphore(%run_scoped3A : memref<!tpu.dma_semaphore, #tpu.memory_space<semaphore_mem>>) src(%arg9 : memref<80x128xf32, #tpu.memory_space<vmem>>) dst(%dma_wait3A_106 : memref<80x128xf32, #tpu.memory_space<hbm>>)
        tpu.yield
      }) : () -> ()
      %dma_wait3A_70 = arith.constant 0 : i32
      %dma_wait3A_71 = arith.constant 0 : i32
      %dma_wait3A_72 = tpu.memref_slice %arg7[%dma_wait3A_70, %dma_wait3A_71] : memref<41x80xi32, #tpu.memory_space<vmem>> -> memref<1x80xi32, #tpu.memory_space<vmem>>
      %dma_wait3A_73 = tpu.memref_squeeze %dma_wait3A_72 : memref<1x80xi32, #tpu.memory_space<vmem>> -> memref<80xi32, #tpu.memory_space<vmem>>
      %dma_wait3A_74 = arith.constant 0 : i32
      %dma_wait3A_75 = arith.constant 0 : i32
      %dma_wait3A_76 = tpu.memref_slice %arg2[%dma_wait3A_74, %dma_wait3A_75] : memref<10000x128xf32, #tpu.memory_space<hbm>> -> memref<10000x128xf32, #tpu.memory_space<hbm>>
      tpu.wait_indirect_dma semaphore(%arg15 : memref<!tpu.dma_semaphore, #tpu.memory_space<semaphore_mem>>) src(%dma_wait3A_76 : memref<10000x128xf32, #tpu.memory_space<hbm>>) dst(%arg11 : memref<80x128xf32, #tpu.memory_space<vmem>>)
      "tpu.region"() ({
        %run_scoped3A = tpu.sem_alloc : memref<!tpu.dma_semaphore, #tpu.memory_space<semaphore_mem>>
        %dma_start3A_99 = arith.constant 0 : i32
        %dma_start3A_100 = tpu.memref_slice %arg6[%add3A_46, %dma_start3A_99] : memref<104960x128xf32, #tpu.memory_space<hbm>> -> memref<80x128xf32, #tpu.memory_space<hbm>>
        %dma_start3A_101 = arith.constant 0 : i32
        %dma_start3A_102 = tpu.memref_slice %arg6[%add3A_46, %dma_start3A_101] : memref<104960x128xf32, #tpu.memory_space<hbm>> -> memref<80x128xf32, #tpu.memory_space<hbm>>
        tpu.enqueue_dma source(%arg11 : memref<80x128xf32, #tpu.memory_space<vmem>>) target(%dma_start3A_102 : memref<80x128xf32, #tpu.memory_space<hbm>>) target_semaphore(%run_scoped3A : memref<!tpu.dma_semaphore, #tpu.memory_space<semaphore_mem>>)
        %dma_wait3A_103 = arith.constant 0 : i32
        %dma_wait3A_104 = tpu.memref_slice %arg6[%add3A_46, %dma_wait3A_103] : memref<104960x128xf32, #tpu.memory_space<hbm>> -> memref<80x128xf32, #tpu.memory_space<hbm>>
        %dma_wait3A_105 = arith.constant 0 : i32
        %dma_wait3A_106 = tpu.memref_slice %arg6[%add3A_46, %dma_wait3A_105] : memref<104960x128xf32, #tpu.memory_space<hbm>> -> memref<80x128xf32, #tpu.memory_space<hbm>>
        tpu.wait_dma2 semaphore(%run_scoped3A : memref<!tpu.dma_semaphore, #tpu.memory_space<semaphore_mem>>) src(%arg11 : memref<80x128xf32, #tpu.memory_space<vmem>>) dst(%dma_wait3A_106 : memref<80x128xf32, #tpu.memory_space<hbm>>)
        tpu.yield
      }) : () -> ()
      %add3A_77 = arith.constant 2 : i32
      %add3A_78 = arith.addi %add3A_43, %add3A_77 : i32
      %lt3A = arith.constant 41 : i32
      %lt3A_79 = arith.cmpi slt, %add3A_78, %lt3A : i32
      %convert_element_type3A = arith.extui %lt3A_79 : i1 to i32
      %cond3A = arith.constant 0 : i32
      %cond3A_80 = arith.cmpi ne, %convert_element_type3A, %cond3A : i32
      scf.if %cond3A_80 {
        %add3A_99 = arith.constant 2 : i32
        %add3A_100 = arith.addi %add3A_43, %add3A_99 : i32
        %dma_start3A_101 = arith.constant 0 : i32
        %dma_start3A_102 = tpu.memref_slice %arg7[%add3A_100, %dma_start3A_101] : memref<41x80xi32, #tpu.memory_space<vmem>> -> memref<1x80xi32, #tpu.memory_space<vmem>>
        %dma_start3A_103 = tpu.memref_squeeze %dma_start3A_102 : memref<1x80xi32, #tpu.memory_space<vmem>> -> memref<80xi32, #tpu.memory_space<vmem>>
        %dma_start3A_104 = arith.constant 0 : i32
        %dma_start3A_105 = arith.constant 0 : i32
        %dma_start3A_106 = tpu.memref_slice %arg2[%dma_start3A_104, %dma_start3A_105] : memref<10000x128xf32, #tpu.memory_space<hbm>> -> memref<10000x128xf32, #tpu.memory_space<hbm>>
        tpu.enqueue_indirect_dma source(%dma_start3A_106 : memref<10000x128xf32, #tpu.memory_space<hbm>>) target(%arg9 : memref<80x128xf32, #tpu.memory_space<vmem>>) offsets(%dma_start3A_103 : memref<80xi32, #tpu.memory_space<vmem>>) semaphore(%arg13 : memref<!tpu.dma_semaphore, #tpu.memory_space<semaphore_mem>>)
        %add3A_107 = arith.constant 2 : i32
        %add3A_108 = arith.addi %add3A_43, %add3A_107 : i32
        %dma_start3A_109 = arith.constant 0 : i32
        %dma_start3A_110 = tpu.memref_slice %arg8[%add3A_108, %dma_start3A_109] : memref<41x80xi32, #tpu.memory_space<vmem>> -> memref<1x80xi32, #tpu.memory_space<vmem>>
        %dma_start3A_111 = tpu.memref_squeeze %dma_start3A_110 : memref<1x80xi32, #tpu.memory_space<vmem>> -> memref<80xi32, #tpu.memory_space<vmem>>
        %dma_start3A_112 = arith.constant 0 : i32
        %dma_start3A_113 = arith.constant 0 : i32
        %dma_start3A_114 = tpu.memref_slice %arg2[%dma_start3A_112, %dma_start3A_113] : memref<10000x128xf32, #tpu.memory_space<hbm>> -> memref<10000x128xf32, #tpu.memory_space<hbm>>
        tpu.enqueue_indirect_dma source(%dma_start3A_114 : memref<10000x128xf32, #tpu.memory_space<hbm>>) target(%arg11 : memref<80x128xf32, #tpu.memory_space<vmem>>) offsets(%dma_start3A_111 : memref<80xi32, #tpu.memory_space<vmem>>) semaphore(%arg15 : memref<!tpu.dma_semaphore, #tpu.memory_space<semaphore_mem>>)
      } else {
      }
      %dma_wait3A_81 = arith.constant 0 : i32
      %dma_wait3A_82 = arith.constant 0 : i32
      %dma_wait3A_83 = tpu.memref_slice %arg7[%dma_wait3A_81, %dma_wait3A_82] : memref<41x80xi32, #tpu.memory_space<vmem>> -> memref<1x80xi32, #tpu.memory_space<vmem>>
      %dma_wait3A_84 = tpu.memref_squeeze %dma_wait3A_83 : memref<1x80xi32, #tpu.memory_space<vmem>> -> memref<80xi32, #tpu.memory_space<vmem>>
      %dma_wait3A_85 = arith.constant 0 : i32
      %dma_wait3A_86 = arith.constant 0 : i32
      %dma_wait3A_87 = tpu.memref_slice %arg2[%dma_wait3A_85, %dma_wait3A_86] : memref<10000x128xf32, #tpu.memory_space<hbm>> -> memref<10000x128xf32, #tpu.memory_space<hbm>>
      tpu.wait_indirect_dma semaphore(%arg14 : memref<!tpu.dma_semaphore, #tpu.memory_space<semaphore_mem>>) src(%dma_wait3A_87 : memref<10000x128xf32, #tpu.memory_space<hbm>>) dst(%arg10 : memref<80x128xf32, #tpu.memory_space<vmem>>)
      %add3A_88 = arith.constant 80 : i32
      %add3A_89 = arith.addi %add3A_46, %add3A_88 : i32
      "tpu.region"() ({
        %run_scoped3A = tpu.sem_alloc : memref<!tpu.dma_semaphore, #tpu.memory_space<semaphore_mem>>
        %dma_start3A_99 = arith.constant 0 : i32
        %dma_start3A_100 = tpu.memref_slice %arg5[%add3A_89, %dma_start3A_99] : memref<104960x128xf32, #tpu.memory_space<hbm>> -> memref<80x128xf32, #tpu.memory_space<hbm>>
        %dma_start3A_101 = arith.constant 0 : i32
        %dma_start3A_102 = tpu.memref_slice %arg5[%add3A_89, %dma_start3A_101] : memref<104960x128xf32, #tpu.memory_space<hbm>> -> memref<80x128xf32, #tpu.memory_space<hbm>>
        tpu.enqueue_dma source(%arg10 : memref<80x128xf32, #tpu.memory_space<vmem>>) target(%dma_start3A_102 : memref<80x128xf32, #tpu.memory_space<hbm>>) target_semaphore(%run_scoped3A : memref<!tpu.dma_semaphore, #tpu.memory_space<semaphore_mem>>)
        %dma_wait3A_103 = arith.constant 0 : i32
        %dma_wait3A_104 = tpu.memref_slice %arg5[%add3A_89, %dma_wait3A_103] : memref<104960x128xf32, #tpu.memory_space<hbm>> -> memref<80x128xf32, #tpu.memory_space<hbm>>
        %dma_wait3A_105 = arith.constant 0 : i32
        %dma_wait3A_106 = tpu.memref_slice %arg5[%add3A_89, %dma_wait3A_105] : memref<104960x128xf32, #tpu.memory_space<hbm>> -> memref<80x128xf32, #tpu.memory_space<hbm>>
        tpu.wait_dma2 semaphore(%run_scoped3A : memref<!tpu.dma_semaphore, #tpu.memory_space<semaphore_mem>>) src(%arg10 : memref<80x128xf32, #tpu.memory_space<vmem>>) dst(%dma_wait3A_106 : memref<80x128xf32, #tpu.memory_space<hbm>>)
        tpu.yield
      }) : () -> ()
      %dma_wait3A_90 = arith.constant 0 : i32
      %dma_wait3A_91 = arith.constant 0 : i32
      %dma_wait3A_92 = tpu.memref_slice %arg7[%dma_wait3A_90, %dma_wait3A_91] : memref<41x80xi32, #tpu.memory_space<vmem>> -> memref<1x80xi32, #tpu.memory_space<vmem>>
      %dma_wait3A_93 = tpu.memref_squeeze %dma_wait3A_92 : memref<1x80xi32, #tpu.memory_space<vmem>> -> memref<80xi32, #tpu.memory_space<vmem>>
      %dma_wait3A_94 = arith.constant 0 : i32
      %dma_wait3A_95 = arith.constant 0 : i32
      %dma_wait3A_96 = tpu.memref_slice %arg2[%dma_wait3A_94, %dma_wait3A_95] : memref<10000x128xf32, #tpu.memory_space<hbm>> -> memref<10000x128xf32, #tpu.memory_space<hbm>>
      tpu.wait_indirect_dma semaphore(%arg16 : memref<!tpu.dma_semaphore, #tpu.memory_space<semaphore_mem>>) src(%dma_wait3A_96 : memref<10000x128xf32, #tpu.memory_space<hbm>>) dst(%arg12 : memref<80x128xf32, #tpu.memory_space<vmem>>)
      %add3A_97 = arith.constant 80 : i32
      %add3A_98 = arith.addi %add3A_46, %add3A_97 : i32
      "tpu.region"() ({
        %run_scoped3A = tpu.sem_alloc : memref<!tpu.dma_semaphore, #tpu.memory_space<semaphore_mem>>
        %dma_start3A_99 = arith.constant 0 : i32
        %dma_start3A_100 = tpu.memref_slice %arg6[%add3A_98, %dma_start3A_99] : memref<104960x128xf32, #tpu.memory_space<hbm>> -> memref<80x128xf32, #tpu.memory_space<hbm>>
        %dma_start3A_101 = arith.constant 0 : i32
        %dma_start3A_102 = tpu.memref_slice %arg6[%add3A_98, %dma_start3A_101] : memref<104960x128xf32, #tpu.memory_space<hbm>> -> memref<80x128xf32, #tpu.memory_space<hbm>>
        tpu.enqueue_dma source(%arg12 : memref<80x128xf32, #tpu.memory_space<vmem>>) target(%dma_start3A_102 : memref<80x128xf32, #tpu.memory_space<hbm>>) target_semaphore(%run_scoped3A : memref<!tpu.dma_semaphore, #tpu.memory_space<semaphore_mem>>)
        %dma_wait3A_103 = arith.constant 0 : i32
        %dma_wait3A_104 = tpu.memref_slice %arg6[%add3A_98, %dma_wait3A_103] : memref<104960x128xf32, #tpu.memory_space<hbm>> -> memref<80x128xf32, #tpu.memory_space<hbm>>
        %dma_wait3A_105 = arith.constant 0 : i32
        %dma_wait3A_106 = tpu.memref_slice %arg6[%add3A_98, %dma_wait3A_105] : memref<104960x128xf32, #tpu.memory_space<hbm>> -> memref<80x128xf32, #tpu.memory_space<hbm>>
        tpu.wait_dma2 semaphore(%run_scoped3A : memref<!tpu.dma_semaphore, #tpu.memory_space<semaphore_mem>>) src(%arg12 : memref<80x128xf32, #tpu.memory_space<vmem>>) dst(%dma_wait3A_106 : memref<80x128xf32, #tpu.memory_space<hbm>>)
        tpu.yield
      }) : () -> ()
    }
    %scan3A_21 = arith.constant 20 : i32
    %dma_wait3A = arith.constant 0 : i32
    %dma_wait3A_22 = arith.constant 0 : i32
    %dma_wait3A_23 = tpu.memref_slice %arg7[%dma_wait3A, %dma_wait3A_22] : memref<41x80xi32, #tpu.memory_space<vmem>> -> memref<1x80xi32, #tpu.memory_space<vmem>>
    %dma_wait3A_24 = tpu.memref_squeeze %dma_wait3A_23 : memref<1x80xi32, #tpu.memory_space<vmem>> -> memref<80xi32, #tpu.memory_space<vmem>>
    %dma_wait3A_25 = arith.constant 0 : i32
    %dma_wait3A_26 = arith.constant 0 : i32
    %dma_wait3A_27 = tpu.memref_slice %arg2[%dma_wait3A_25, %dma_wait3A_26] : memref<10000x128xf32, #tpu.memory_space<hbm>> -> memref<10000x128xf32, #tpu.memory_space<hbm>>
    tpu.wait_indirect_dma semaphore(%arg13 : memref<!tpu.dma_semaphore, #tpu.memory_space<semaphore_mem>>) src(%dma_wait3A_27 : memref<10000x128xf32, #tpu.memory_space<hbm>>) dst(%arg9 : memref<80x128xf32, #tpu.memory_space<vmem>>)
    %add3A_28 = arith.constant 3200 : i32
    %add3A_29 = arith.addi %mul3A_4, %add3A_28 : i32
    "tpu.region"() ({
      %run_scoped3A = tpu.sem_alloc : memref<!tpu.dma_semaphore, #tpu.memory_space<semaphore_mem>>
      %dma_start3A_39 = arith.constant 0 : i32
      %dma_start3A_40 = tpu.memref_slice %arg5[%add3A_29, %dma_start3A_39] : memref<104960x128xf32, #tpu.memory_space<hbm>> -> memref<80x128xf32, #tpu.memory_space<hbm>>
      %dma_start3A_41 = arith.constant 0 : i32
      %dma_start3A_42 = tpu.memref_slice %arg5[%add3A_29, %dma_start3A_41] : memref<104960x128xf32, #tpu.memory_space<hbm>> -> memref<80x128xf32, #tpu.memory_space<hbm>>
      tpu.enqueue_dma source(%arg9 : memref<80x128xf32, #tpu.memory_space<vmem>>) target(%dma_start3A_42 : memref<80x128xf32, #tpu.memory_space<hbm>>) target_semaphore(%run_scoped3A : memref<!tpu.dma_semaphore, #tpu.memory_space<semaphore_mem>>)
      %dma_wait3A_43 = arith.constant 0 : i32
      %dma_wait3A_44 = tpu.memref_slice %arg5[%add3A_29, %dma_wait3A_43] : memref<104960x128xf32, #tpu.memory_space<hbm>> -> memref<80x128xf32, #tpu.memory_space<hbm>>
      %dma_wait3A_45 = arith.constant 0 : i32
      %dma_wait3A_46 = tpu.memref_slice %arg5[%add3A_29, %dma_wait3A_45] : memref<104960x128xf32, #tpu.memory_space<hbm>> -> memref<80x128xf32, #tpu.memory_space<hbm>>
      tpu.wait_dma2 semaphore(%run_scoped3A : memref<!tpu.dma_semaphore, #tpu.memory_space<semaphore_mem>>) src(%arg9 : memref<80x128xf32, #tpu.memory_space<vmem>>) dst(%dma_wait3A_46 : memref<80x128xf32, #tpu.memory_space<hbm>>)
      tpu.yield
    }) : () -> ()
    %dma_wait3A_30 = arith.constant 0 : i32
    %dma_wait3A_31 = arith.constant 0 : i32
    %dma_wait3A_32 = tpu.memref_slice %arg7[%dma_wait3A_30, %dma_wait3A_31] : memref<41x80xi32, #tpu.memory_space<vmem>> -> memref<1x80xi32, #tpu.memory_space<vmem>>
    %dma_wait3A_33 = tpu.memref_squeeze %dma_wait3A_32 : memref<1x80xi32, #tpu.memory_space<vmem>> -> memref<80xi32, #tpu.memory_space<vmem>>
    %dma_wait3A_34 = arith.constant 0 : i32
    %dma_wait3A_35 = arith.constant 0 : i32
    %dma_wait3A_36 = tpu.memref_slice %arg2[%dma_wait3A_34, %dma_wait3A_35] : memref<10000x128xf32, #tpu.memory_space<hbm>> -> memref<10000x128xf32, #tpu.memory_space<hbm>>
    tpu.wait_indirect_dma semaphore(%arg15 : memref<!tpu.dma_semaphore, #tpu.memory_space<semaphore_mem>>) src(%dma_wait3A_36 : memref<10000x128xf32, #tpu.memory_space<hbm>>) dst(%arg11 : memref<80x128xf32, #tpu.memory_space<vmem>>)
    %add3A_37 = arith.constant 3200 : i32
    %add3A_38 = arith.addi %mul3A_4, %add3A_37 : i32
    "tpu.region"() ({
      %run_scoped3A = tpu.sem_alloc : memref<!tpu.dma_semaphore, #tpu.memory_space<semaphore_mem>>
      %dma_start3A_39 = arith.constant 0 : i32
      %dma_start3A_40 = tpu.memref_slice %arg6[%add3A_38, %dma_start3A_39] : memref<104960x128xf32, #tpu.memory_space<hbm>> -> memref<80x128xf32, #tpu.memory_space<hbm>>
      %dma_start3A_41 = arith.constant 0 : i32
      %dma_start3A_42 = tpu.memref_slice %arg6[%add3A_38, %dma_start3A_41] : memref<104960x128xf32, #tpu.memory_space<hbm>> -> memref<80x128xf32, #tpu.memory_space<hbm>>
      tpu.enqueue_dma source(%arg11 : memref<80x128xf32, #tpu.memory_space<vmem>>) target(%dma_start3A_42 : memref<80x128xf32, #tpu.memory_space<hbm>>) target_semaphore(%run_scoped3A : memref<!tpu.dma_semaphore, #tpu.memory_space<semaphore_mem>>)
      %dma_wait3A_43 = arith.constant 0 : i32
      %dma_wait3A_44 = tpu.memref_slice %arg6[%add3A_38, %dma_wait3A_43] : memref<104960x128xf32, #tpu.memory_space<hbm>> -> memref<80x128xf32, #tpu.memory_space<hbm>>
      %dma_wait3A_45 = arith.constant 0 : i32
      %dma_wait3A_46 = tpu.memref_slice %arg6[%add3A_38, %dma_wait3A_45] : memref<104960x128xf32, #tpu.memory_space<hbm>> -> memref<80x128xf32, #tpu.memory_space<hbm>>
      tpu.wait_dma2 semaphore(%run_scoped3A : memref<!tpu.dma_semaphore, #tpu.memory_space<semaphore_mem>>) src(%arg11 : memref<80x128xf32, #tpu.memory_space<vmem>>) dst(%dma_wait3A_46 : memref<80x128xf32, #tpu.memory_space<hbm>>)
      tpu.yield
    }) : () -> ()
    return
  }
}

#map = affine_map<(d0, d1) -> (0, 0)>
#map1 = affine_map<(d0, d1) -> (0, 0, 0)>
module attributes {stable_mosaic.version = 14 : i64} {
  func.func @body(%arg0: i32, %arg1: i32, %arg2: memref<104960x4xf32, #tpu.memory_space<hbm>>, %arg3: memref<32x41x80xi32, #tpu.memory_space<hbm>>, %arg4: memref<640x128xf32, #tpu.memory_space<hbm>>, %arg5: memref<5x64xi32, #tpu.memory_space<hbm>>, %arg6: memref<640x128xf32, #tpu.memory_space<hbm>>, %arg7: memref<41x80xi32, #tpu.memory_space<vmem>>, %arg8: memref<80x4xf32, #tpu.memory_space<vmem>>, %arg9: memref<320x128xf32, #tpu.memory_space<vmem>>, %arg10: memref<5x64xi32, #tpu.memory_space<vmem>>, %arg11: memref<320x128xf32, #tpu.memory_space<vmem_shared>>, %arg12: memref<!tpu.dma_semaphore, #tpu.memory_space<semaphore_mem>>) attributes {dimension_semantics = [#tpu.dimension_semantics<core_parallel>, #tpu.dimension_semantics<subcore_parallel>], iteration_bounds = array<i64: 2, 16>, scalar_prefetch = 0 : i64, scratch_operands = 6 : i64, tpu.core_type = #tpu.core_type<sc_vector_subcore>, window_params = [{transform_indices = #map}, {transform_indices = #map1}, {transform_indices = #map}, {transform_indices = #map}, {transform_indices = #map}]} {
    %mul3A = arith.constant 16 : i32
    %mul3A_0 = arith.muli %arg0, %mul3A : i32
    %add3A = arith.addi %mul3A_0, %arg1 : i32
    %lt3A = arith.constant 5 : i32
    %lt3A_1 = arith.cmpi slt, %arg1, %lt3A : i32
    %convert_element_type3A = arith.extui %lt3A_1 : i1 to i32
    %cond3A = arith.constant 0 : i32
    %cond3A_2 = arith.cmpi ne, %convert_element_type3A, %cond3A : i32
    scf.if %cond3A_2 {
      %mul3A_16 = arith.constant 64 : i32
      %mul3A_17 = arith.muli %arg1, %mul3A_16 : i32
      "tpu.region"() ({
        %run_scoped3A_18 = tpu.sem_alloc : memref<!tpu.dma_semaphore, #tpu.memory_space<semaphore_mem>>
        %dma_start3A = arith.constant 0 : i32
        %dma_start3A_19 = tpu.memref_slice %arg11[%mul3A_17, %dma_start3A] : memref<320x128xf32, #tpu.memory_space<vmem_shared>> -> memref<64x128xf32, #tpu.memory_space<vmem_shared>>
        %dma_start3A_20 = arith.constant 0 : i32
        %dma_start3A_21 = arith.constant 0 : i32
        %dma_start3A_22 = tpu.memref_slice %arg4[%dma_start3A_20, %dma_start3A_21] : memref<640x128xf32, #tpu.memory_space<hbm>> -> memref<64x128xf32, #tpu.memory_space<hbm>>
        tpu.enqueue_dma source(%dma_start3A_22 : memref<64x128xf32, #tpu.memory_space<hbm>>) target(%dma_start3A_19 : memref<64x128xf32, #tpu.memory_space<vmem_shared>>) target_semaphore(%run_scoped3A_18 : memref<!tpu.dma_semaphore, #tpu.memory_space<semaphore_mem>>)
        %dma_wait3A = arith.constant 0 : i32
        %dma_wait3A_23 = tpu.memref_slice %arg11[%mul3A_17, %dma_wait3A] : memref<320x128xf32, #tpu.memory_space<vmem_shared>> -> memref<64x128xf32, #tpu.memory_space<vmem_shared>>
        %dma_wait3A_24 = arith.constant 0 : i32
        %dma_wait3A_25 = arith.constant 0 : i32
        %dma_wait3A_26 = tpu.memref_slice %arg4[%dma_wait3A_24, %dma_wait3A_25] : memref<640x128xf32, #tpu.memory_space<hbm>> -> memref<64x128xf32, #tpu.memory_space<hbm>>
        tpu.wait_dma2 semaphore(%run_scoped3A_18 : memref<!tpu.dma_semaphore, #tpu.memory_space<semaphore_mem>>) src(%dma_wait3A_26 : memref<64x128xf32, #tpu.memory_space<hbm>>) dst(%dma_wait3A_23 : memref<64x128xf32, #tpu.memory_space<vmem_shared>>)
        tpu.yield
      }) : () -> ()
    } else {
    }
    "tpu.region"() ({
      %run_scoped3A_16 = tpu.sem_alloc : memref<!tpu.dma_semaphore, #tpu.memory_space<semaphore_mem>>
      %dma_start3A = arith.constant 0 : i32
      %dma_start3A_17 = arith.constant 0 : i32
      %dma_start3A_18 = tpu.memref_slice %arg3[%add3A, %dma_start3A, %dma_start3A_17] : memref<32x41x80xi32, #tpu.memory_space<hbm>> -> memref<1x41x80xi32, #tpu.memory_space<hbm>>
      %dma_start3A_19 = tpu.memref_squeeze %dma_start3A_18 : memref<1x41x80xi32, #tpu.memory_space<hbm>> -> memref<41x80xi32, #tpu.memory_space<hbm>>
      %dma_start3A_20 = arith.constant 0 : i32
      %dma_start3A_21 = arith.constant 0 : i32
      %dma_start3A_22 = tpu.memref_slice %arg3[%add3A, %dma_start3A_20, %dma_start3A_21] : memref<32x41x80xi32, #tpu.memory_space<hbm>> -> memref<1x41x80xi32, #tpu.memory_space<hbm>>
      %dma_start3A_23 = tpu.memref_squeeze %dma_start3A_22 : memref<1x41x80xi32, #tpu.memory_space<hbm>> -> memref<41x80xi32, #tpu.memory_space<hbm>>
      tpu.enqueue_dma source(%dma_start3A_23 : memref<41x80xi32, #tpu.memory_space<hbm>>) target(%arg7 : memref<41x80xi32, #tpu.memory_space<vmem>>) target_semaphore(%run_scoped3A_16 : memref<!tpu.dma_semaphore, #tpu.memory_space<semaphore_mem>>)
      %dma_wait3A = arith.constant 0 : i32
      %dma_wait3A_24 = arith.constant 0 : i32
      %dma_wait3A_25 = tpu.memref_slice %arg3[%add3A, %dma_wait3A, %dma_wait3A_24] : memref<32x41x80xi32, #tpu.memory_space<hbm>> -> memref<1x41x80xi32, #tpu.memory_space<hbm>>
      %dma_wait3A_26 = tpu.memref_squeeze %dma_wait3A_25 : memref<1x41x80xi32, #tpu.memory_space<hbm>> -> memref<41x80xi32, #tpu.memory_space<hbm>>
      %dma_wait3A_27 = arith.constant 0 : i32
      %dma_wait3A_28 = arith.constant 0 : i32
      %dma_wait3A_29 = tpu.memref_slice %arg3[%add3A, %dma_wait3A_27, %dma_wait3A_28] : memref<32x41x80xi32, #tpu.memory_space<hbm>> -> memref<1x41x80xi32, #tpu.memory_space<hbm>>
      %dma_wait3A_30 = tpu.memref_squeeze %dma_wait3A_29 : memref<1x41x80xi32, #tpu.memory_space<hbm>> -> memref<41x80xi32, #tpu.memory_space<hbm>>
      tpu.wait_dma2 semaphore(%run_scoped3A_16 : memref<!tpu.dma_semaphore, #tpu.memory_space<semaphore_mem>>) src(%dma_wait3A_30 : memref<41x80xi32, #tpu.memory_space<hbm>>) dst(%arg7 : memref<41x80xi32, #tpu.memory_space<vmem>>)
      tpu.yield
    }) : () -> ()
    "tpu.region"() ({
      %run_scoped3A_16 = tpu.sem_alloc : memref<!tpu.dma_semaphore, #tpu.memory_space<semaphore_mem>>
      %dma_start3A = arith.constant 0 : i32
      %dma_start3A_17 = arith.constant 0 : i32
      %dma_start3A_18 = tpu.memref_slice %arg4[%dma_start3A, %dma_start3A_17] : memref<640x128xf32, #tpu.memory_space<hbm>> -> memref<320x128xf32, #tpu.memory_space<hbm>>
      %dma_start3A_19 = arith.constant 0 : i32
      %dma_start3A_20 = arith.constant 0 : i32
      %dma_start3A_21 = tpu.memref_slice %arg4[%dma_start3A_19, %dma_start3A_20] : memref<640x128xf32, #tpu.memory_space<hbm>> -> memref<320x128xf32, #tpu.memory_space<hbm>>
      tpu.enqueue_dma source(%dma_start3A_21 : memref<320x128xf32, #tpu.memory_space<hbm>>) target(%arg9 : memref<320x128xf32, #tpu.memory_space<vmem>>) target_semaphore(%run_scoped3A_16 : memref<!tpu.dma_semaphore, #tpu.memory_space<semaphore_mem>>)
      %dma_wait3A = arith.constant 0 : i32
      %dma_wait3A_22 = arith.constant 0 : i32
      %dma_wait3A_23 = tpu.memref_slice %arg4[%dma_wait3A, %dma_wait3A_22] : memref<640x128xf32, #tpu.memory_space<hbm>> -> memref<320x128xf32, #tpu.memory_space<hbm>>
      %dma_wait3A_24 = arith.constant 0 : i32
      %dma_wait3A_25 = arith.constant 0 : i32
      %dma_wait3A_26 = tpu.memref_slice %arg4[%dma_wait3A_24, %dma_wait3A_25] : memref<640x128xf32, #tpu.memory_space<hbm>> -> memref<320x128xf32, #tpu.memory_space<hbm>>
      tpu.wait_dma2 semaphore(%run_scoped3A_16 : memref<!tpu.dma_semaphore, #tpu.memory_space<semaphore_mem>>) src(%dma_wait3A_26 : memref<320x128xf32, #tpu.memory_space<hbm>>) dst(%arg9 : memref<320x128xf32, #tpu.memory_space<vmem>>)
      tpu.yield
    }) : () -> ()
    "tpu.region"() ({
      %run_scoped3A_16 = tpu.sem_alloc : memref<!tpu.dma_semaphore, #tpu.memory_space<semaphore_mem>>
      tpu.enqueue_dma source(%arg5 : memref<5x64xi32, #tpu.memory_space<hbm>>) target(%arg10 : memref<5x64xi32, #tpu.memory_space<vmem>>) target_semaphore(%run_scoped3A_16 : memref<!tpu.dma_semaphore, #tpu.memory_space<semaphore_mem>>)
      tpu.wait_dma2 semaphore(%run_scoped3A_16 : memref<!tpu.dma_semaphore, #tpu.memory_space<semaphore_mem>>) src(%arg5 : memref<5x64xi32, #tpu.memory_space<hbm>>) dst(%arg10 : memref<5x64xi32, #tpu.memory_space<vmem>>)
      tpu.yield
    }) : () -> ()
    %barrier3A = arith.constant 0 : index
    tpu.barrier barrier_id(%barrier3A)
    %scan3A = arith.constant 0 : i32
    %scan3A_3 = arith.constant 41 : i32
    %scan3A_4 = arith.addi %scan3A, %scan3A_3 : i32
    %scan3A_5 = arith.constant 1 : i32
    scf.for %scan3A_16 = %scan3A to %scan3A_4 step %scan3A_5  : i32 {
      %mul3A_17 = arith.constant 1 : i32
      %mul3A_18 = arith.muli %scan3A_16, %mul3A_17 : i32
      %add3A_19 = arith.constant 0 : i32
      %add3A_20 = arith.addi %add3A_19, %mul3A_18 : i32
      %mul3A_21 = arith.constant 41 : i32
      %mul3A_22 = arith.muli %add3A, %mul3A_21 : i32
      %mul3A_23 = arith.constant 80 : i32
      %mul3A_24 = arith.muli %mul3A_22, %mul3A_23 : i32
      %mul3A_25 = arith.constant 80 : i32
      %mul3A_26 = arith.muli %add3A_20, %mul3A_25 : i32
      %add3A_27 = arith.addi %mul3A_24, %mul3A_26 : i32
      "tpu.region"() ({
        %run_scoped3A_357 = tpu.sem_alloc : memref<!tpu.dma_semaphore, #tpu.memory_space<semaphore_mem>>
        %dma_start3A = arith.constant 0 : i32
        %dma_start3A_358 = tpu.memref_slice %arg2[%add3A_27, %dma_start3A] : memref<104960x4xf32, #tpu.memory_space<hbm>> -> memref<80x4xf32, #tpu.memory_space<hbm>>
        %dma_start3A_359 = arith.constant 0 : i32
        %dma_start3A_360 = tpu.memref_slice %arg2[%add3A_27, %dma_start3A_359] : memref<104960x4xf32, #tpu.memory_space<hbm>> -> memref<80x4xf32, #tpu.memory_space<hbm>>
        tpu.enqueue_dma source(%dma_start3A_360 : memref<80x4xf32, #tpu.memory_space<hbm>>) target(%arg8 : memref<80x4xf32, #tpu.memory_space<vmem>>) target_semaphore(%run_scoped3A_357 : memref<!tpu.dma_semaphore, #tpu.memory_space<semaphore_mem>>)
        %dma_wait3A = arith.constant 0 : i32
        %dma_wait3A_361 = tpu.memref_slice %arg2[%add3A_27, %dma_wait3A] : memref<104960x4xf32, #tpu.memory_space<hbm>> -> memref<80x4xf32, #tpu.memory_space<hbm>>
        %dma_wait3A_362 = arith.constant 0 : i32
        %dma_wait3A_363 = tpu.memref_slice %arg2[%add3A_27, %dma_wait3A_362] : memref<104960x4xf32, #tpu.memory_space<hbm>> -> memref<80x4xf32, #tpu.memory_space<hbm>>
        tpu.wait_dma2 semaphore(%run_scoped3A_357 : memref<!tpu.dma_semaphore, #tpu.memory_space<semaphore_mem>>) src(%dma_wait3A_363 : memref<80x4xf32, #tpu.memory_space<hbm>>) dst(%arg8 : memref<80x4xf32, #tpu.memory_space<vmem>>)
        tpu.yield
      }) : () -> ()
      %iota3A = tpu.iota {dimensions = array<i32: 0>} : vector<16xi32>
      %add3A_28 = arith.constant 0 : i32
      %add3A_29 = vector.broadcast %add3A_28 : i32 to vector<16xi32>
      %add3A_30 = arith.addi %iota3A, %add3A_29 : vector<16xi32>
      %get3A = arith.index_cast %add3A_20 : i32 to index
      %get3A_31 = arith.constant 0 : index
      %get3A_32 = tpu.vector_load %arg7[%get3A, %get3A_31] {strides = array<i32>} : memref<41x80xi32, #tpu.memory_space<vmem>>, vector<16xi32>,
      %broadcast_in_dim3A = arith.constant 0 : i32
      %broadcast_in_dim3A_33 = vector.broadcast %broadcast_in_dim3A : i32 to vector<16xi32>
      %gather3A = tpu.vector_load_idx %arg8[%add3A_30, %broadcast_in_dim3A_33] : memref<80x4xf32, #tpu.memory_space<vmem>>[vector<16xi32>, vector<16xi32>], vector<16xf32>,
      %mul3A_34 = arith.constant 4 : i32
      %mul3A_35 = vector.broadcast %mul3A_34 : i32 to vector<16xi32>
      %mul3A_36 = arith.muli %get3A_32, %mul3A_35 : vector<16xi32>
      %add3A_37 = arith.constant 0 : i32
      %add3A_38 = vector.broadcast %add3A_37 : i32 to vector<16xi32>
      %add3A_39 = arith.addi %mul3A_36, %add3A_38 : vector<16xi32>
      %shift_right_logical3A = arith.constant 7 : i32
      %shift_right_logical3A_40 = vector.broadcast %shift_right_logical3A : i32 to vector<16xi32>
      %shift_right_logical3A_41 = arith.shrui %add3A_39, %shift_right_logical3A_40 : vector<16xi32>
      %and3A = arith.constant 127 : i32
      %and3A_42 = vector.broadcast %and3A : i32 to vector<16xi32>
      %and3A_43 = arith.andi %add3A_39, %and3A_42 : vector<16xi32>
      tpu.vector_store_idx %arg9[%shift_right_logical3A_41, %and3A_43], %gather3A {add = true} : memref<320x128xf32, #tpu.memory_space<vmem>>[vector<16xi32>, vector<16xi32>], vector<16xf32>,
      %broadcast_in_dim3A_44 = arith.constant 1 : i32
      %broadcast_in_dim3A_45 = vector.broadcast %broadcast_in_dim3A_44 : i32 to vector<16xi32>
      %gather3A_46 = tpu.vector_load_idx %arg8[%add3A_30, %broadcast_in_dim3A_45] : memref<80x4xf32, #tpu.memory_space<vmem>>[vector<16xi32>, vector<16xi32>], vector<16xf32>,
      %mul3A_47 = arith.constant 4 : i32
      %mul3A_48 = vector.broadcast %mul3A_47 : i32 to vector<16xi32>
      %mul3A_49 = arith.muli %get3A_32, %mul3A_48 : vector<16xi32>
      %add3A_50 = arith.constant 1 : i32
      %add3A_51 = vector.broadcast %add3A_50 : i32 to vector<16xi32>
      %add3A_52 = arith.addi %mul3A_49, %add3A_51 : vector<16xi32>
      %shift_right_logical3A_53 = arith.constant 7 : i32
      %shift_right_logical3A_54 = vector.broadcast %shift_right_logical3A_53 : i32 to vector<16xi32>
      %shift_right_logical3A_55 = arith.shrui %add3A_52, %shift_right_logical3A_54 : vector<16xi32>
      %and3A_56 = arith.constant 127 : i32
      %and3A_57 = vector.broadcast %and3A_56 : i32 to vector<16xi32>
      %and3A_58 = arith.andi %add3A_52, %and3A_57 : vector<16xi32>
      tpu.vector_store_idx %arg9[%shift_right_logical3A_55, %and3A_58], %gather3A_46 {add = true} : memref<320x128xf32, #tpu.memory_space<vmem>>[vector<16xi32>, vector<16xi32>], vector<16xf32>,
      %broadcast_in_dim3A_59 = arith.constant 2 : i32
      %broadcast_in_dim3A_60 = vector.broadcast %broadcast_in_dim3A_59 : i32 to vector<16xi32>
      %gather3A_61 = tpu.vector_load_idx %arg8[%add3A_30, %broadcast_in_dim3A_60] : memref<80x4xf32, #tpu.memory_space<vmem>>[vector<16xi32>, vector<16xi32>], vector<16xf32>,
      %mul3A_62 = arith.constant 4 : i32
      %mul3A_63 = vector.broadcast %mul3A_62 : i32 to vector<16xi32>
      %mul3A_64 = arith.muli %get3A_32, %mul3A_63 : vector<16xi32>
      %add3A_65 = arith.constant 2 : i32
      %add3A_66 = vector.broadcast %add3A_65 : i32 to vector<16xi32>
      %add3A_67 = arith.addi %mul3A_64, %add3A_66 : vector<16xi32>
      %shift_right_logical3A_68 = arith.constant 7 : i32
      %shift_right_logical3A_69 = vector.broadcast %shift_right_logical3A_68 : i32 to vector<16xi32>
      %shift_right_logical3A_70 = arith.shrui %add3A_67, %shift_right_logical3A_69 : vector<16xi32>
      %and3A_71 = arith.constant 127 : i32
      %and3A_72 = vector.broadcast %and3A_71 : i32 to vector<16xi32>
      %and3A_73 = arith.andi %add3A_67, %and3A_72 : vector<16xi32>
      tpu.vector_store_idx %arg9[%shift_right_logical3A_70, %and3A_73], %gather3A_61 {add = true} : memref<320x128xf32, #tpu.memory_space<vmem>>[vector<16xi32>, vector<16xi32>], vector<16xf32>,
      %broadcast_in_dim3A_74 = arith.constant 3 : i32
      %broadcast_in_dim3A_75 = vector.broadcast %broadcast_in_dim3A_74 : i32 to vector<16xi32>
      %gather3A_76 = tpu.vector_load_idx %arg8[%add3A_30, %broadcast_in_dim3A_75] : memref<80x4xf32, #tpu.memory_space<vmem>>[vector<16xi32>, vector<16xi32>], vector<16xf32>,
      %mul3A_77 = arith.constant 4 : i32
      %mul3A_78 = vector.broadcast %mul3A_77 : i32 to vector<16xi32>
      %mul3A_79 = arith.muli %get3A_32, %mul3A_78 : vector<16xi32>
      %add3A_80 = arith.constant 3 : i32
      %add3A_81 = vector.broadcast %add3A_80 : i32 to vector<16xi32>
      %add3A_82 = arith.addi %mul3A_79, %add3A_81 : vector<16xi32>
      %shift_right_logical3A_83 = arith.constant 7 : i32
      %shift_right_logical3A_84 = vector.broadcast %shift_right_logical3A_83 : i32 to vector<16xi32>
      %shift_right_logical3A_85 = arith.shrui %add3A_82, %shift_right_logical3A_84 : vector<16xi32>
      %and3A_86 = arith.constant 127 : i32
      %and3A_87 = vector.broadcast %and3A_86 : i32 to vector<16xi32>
      %and3A_88 = arith.andi %add3A_82, %and3A_87 : vector<16xi32>
      tpu.vector_store_idx %arg9[%shift_right_logical3A_85, %and3A_88], %gather3A_76 {add = true} : memref<320x128xf32, #tpu.memory_space<vmem>>[vector<16xi32>, vector<16xi32>], vector<16xf32>,
      %iota3A_89 = tpu.iota {dimensions = array<i32: 0>} : vector<16xi32>
      %add3A_90 = arith.constant 16 : i32
      %add3A_91 = vector.broadcast %add3A_90 : i32 to vector<16xi32>
      %add3A_92 = arith.addi %iota3A_89, %add3A_91 : vector<16xi32>
      %get3A_93 = arith.index_cast %add3A_20 : i32 to index
      %get3A_94 = arith.constant 16 : index
      %get3A_95 = tpu.vector_load %arg7[%get3A_93, %get3A_94] {strides = array<i32>} : memref<41x80xi32, #tpu.memory_space<vmem>>, vector<16xi32>,
      %broadcast_in_dim3A_96 = arith.constant 0 : i32
      %broadcast_in_dim3A_97 = vector.broadcast %broadcast_in_dim3A_96 : i32 to vector<16xi32>
      %gather3A_98 = tpu.vector_load_idx %arg8[%add3A_92, %broadcast_in_dim3A_97] : memref<80x4xf32, #tpu.memory_space<vmem>>[vector<16xi32>, vector<16xi32>], vector<16xf32>,
      %mul3A_99 = arith.constant 4 : i32
      %mul3A_100 = vector.broadcast %mul3A_99 : i32 to vector<16xi32>
      %mul3A_101 = arith.muli %get3A_95, %mul3A_100 : vector<16xi32>
      %add3A_102 = arith.constant 0 : i32
      %add3A_103 = vector.broadcast %add3A_102 : i32 to vector<16xi32>
      %add3A_104 = arith.addi %mul3A_101, %add3A_103 : vector<16xi32>
      %shift_right_logical3A_105 = arith.constant 7 : i32
      %shift_right_logical3A_106 = vector.broadcast %shift_right_logical3A_105 : i32 to vector<16xi32>
      %shift_right_logical3A_107 = arith.shrui %add3A_104, %shift_right_logical3A_106 : vector<16xi32>
      %and3A_108 = arith.constant 127 : i32
      %and3A_109 = vector.broadcast %and3A_108 : i32 to vector<16xi32>
      %and3A_110 = arith.andi %add3A_104, %and3A_109 : vector<16xi32>
      tpu.vector_store_idx %arg9[%shift_right_logical3A_107, %and3A_110], %gather3A_98 {add = true} : memref<320x128xf32, #tpu.memory_space<vmem>>[vector<16xi32>, vector<16xi32>], vector<16xf32>,
      %broadcast_in_dim3A_111 = arith.constant 1 : i32
      %broadcast_in_dim3A_112 = vector.broadcast %broadcast_in_dim3A_111 : i32 to vector<16xi32>
      %gather3A_113 = tpu.vector_load_idx %arg8[%add3A_92, %broadcast_in_dim3A_112] : memref<80x4xf32, #tpu.memory_space<vmem>>[vector<16xi32>, vector<16xi32>], vector<16xf32>,
      %mul3A_114 = arith.constant 4 : i32
      %mul3A_115 = vector.broadcast %mul3A_114 : i32 to vector<16xi32>
      %mul3A_116 = arith.muli %get3A_95, %mul3A_115 : vector<16xi32>
      %add3A_117 = arith.constant 1 : i32
      %add3A_118 = vector.broadcast %add3A_117 : i32 to vector<16xi32>
      %add3A_119 = arith.addi %mul3A_116, %add3A_118 : vector<16xi32>
      %shift_right_logical3A_120 = arith.constant 7 : i32
      %shift_right_logical3A_121 = vector.broadcast %shift_right_logical3A_120 : i32 to vector<16xi32>
      %shift_right_logical3A_122 = arith.shrui %add3A_119, %shift_right_logical3A_121 : vector<16xi32>
      %and3A_123 = arith.constant 127 : i32
      %and3A_124 = vector.broadcast %and3A_123 : i32 to vector<16xi32>
      %and3A_125 = arith.andi %add3A_119, %and3A_124 : vector<16xi32>
      tpu.vector_store_idx %arg9[%shift_right_logical3A_122, %and3A_125], %gather3A_113 {add = true} : memref<320x128xf32, #tpu.memory_space<vmem>>[vector<16xi32>, vector<16xi32>], vector<16xf32>,
      %broadcast_in_dim3A_126 = arith.constant 2 : i32
      %broadcast_in_dim3A_127 = vector.broadcast %broadcast_in_dim3A_126 : i32 to vector<16xi32>
      %gather3A_128 = tpu.vector_load_idx %arg8[%add3A_92, %broadcast_in_dim3A_127] : memref<80x4xf32, #tpu.memory_space<vmem>>[vector<16xi32>, vector<16xi32>], vector<16xf32>,
      %mul3A_129 = arith.constant 4 : i32
      %mul3A_130 = vector.broadcast %mul3A_129 : i32 to vector<16xi32>
      %mul3A_131 = arith.muli %get3A_95, %mul3A_130 : vector<16xi32>
      %add3A_132 = arith.constant 2 : i32
      %add3A_133 = vector.broadcast %add3A_132 : i32 to vector<16xi32>
      %add3A_134 = arith.addi %mul3A_131, %add3A_133 : vector<16xi32>
      %shift_right_logical3A_135 = arith.constant 7 : i32
      %shift_right_logical3A_136 = vector.broadcast %shift_right_logical3A_135 : i32 to vector<16xi32>
      %shift_right_logical3A_137 = arith.shrui %add3A_134, %shift_right_logical3A_136 : vector<16xi32>
      %and3A_138 = arith.constant 127 : i32
      %and3A_139 = vector.broadcast %and3A_138 : i32 to vector<16xi32>
      %and3A_140 = arith.andi %add3A_134, %and3A_139 : vector<16xi32>
      tpu.vector_store_idx %arg9[%shift_right_logical3A_137, %and3A_140], %gather3A_128 {add = true} : memref<320x128xf32, #tpu.memory_space<vmem>>[vector<16xi32>, vector<16xi32>], vector<16xf32>,
      %broadcast_in_dim3A_141 = arith.constant 3 : i32
      %broadcast_in_dim3A_142 = vector.broadcast %broadcast_in_dim3A_141 : i32 to vector<16xi32>
      %gather3A_143 = tpu.vector_load_idx %arg8[%add3A_92, %broadcast_in_dim3A_142] : memref<80x4xf32, #tpu.memory_space<vmem>>[vector<16xi32>, vector<16xi32>], vector<16xf32>,
      %mul3A_144 = arith.constant 4 : i32
      %mul3A_145 = vector.broadcast %mul3A_144 : i32 to vector<16xi32>
      %mul3A_146 = arith.muli %get3A_95, %mul3A_145 : vector<16xi32>
      %add3A_147 = arith.constant 3 : i32
      %add3A_148 = vector.broadcast %add3A_147 : i32 to vector<16xi32>
      %add3A_149 = arith.addi %mul3A_146, %add3A_148 : vector<16xi32>
      %shift_right_logical3A_150 = arith.constant 7 : i32
      %shift_right_logical3A_151 = vector.broadcast %shift_right_logical3A_150 : i32 to vector<16xi32>
      %shift_right_logical3A_152 = arith.shrui %add3A_149, %shift_right_logical3A_151 : vector<16xi32>
      %and3A_153 = arith.constant 127 : i32
      %and3A_154 = vector.broadcast %and3A_153 : i32 to vector<16xi32>
      %and3A_155 = arith.andi %add3A_149, %and3A_154 : vector<16xi32>
      tpu.vector_store_idx %arg9[%shift_right_logical3A_152, %and3A_155], %gather3A_143 {add = true} : memref<320x128xf32, #tpu.memory_space<vmem>>[vector<16xi32>, vector<16xi32>], vector<16xf32>,
      %iota3A_156 = tpu.iota {dimensions = array<i32: 0>} : vector<16xi32>
      %add3A_157 = arith.constant 32 : i32
      %add3A_158 = vector.broadcast %add3A_157 : i32 to vector<16xi32>
      %add3A_159 = arith.addi %iota3A_156, %add3A_158 : vector<16xi32>
      %get3A_160 = arith.index_cast %add3A_20 : i32 to index
      %get3A_161 = arith.constant 32 : index
      %get3A_162 = tpu.vector_load %arg7[%get3A_160, %get3A_161] {strides = array<i32>} : memref<41x80xi32, #tpu.memory_space<vmem>>, vector<16xi32>,
      %broadcast_in_dim3A_163 = arith.constant 0 : i32
      %broadcast_in_dim3A_164 = vector.broadcast %broadcast_in_dim3A_163 : i32 to vector<16xi32>
      %gather3A_165 = tpu.vector_load_idx %arg8[%add3A_159, %broadcast_in_dim3A_164] : memref<80x4xf32, #tpu.memory_space<vmem>>[vector<16xi32>, vector<16xi32>], vector<16xf32>,
      %mul3A_166 = arith.constant 4 : i32
      %mul3A_167 = vector.broadcast %mul3A_166 : i32 to vector<16xi32>
      %mul3A_168 = arith.muli %get3A_162, %mul3A_167 : vector<16xi32>
      %add3A_169 = arith.constant 0 : i32
      %add3A_170 = vector.broadcast %add3A_169 : i32 to vector<16xi32>
      %add3A_171 = arith.addi %mul3A_168, %add3A_170 : vector<16xi32>
      %shift_right_logical3A_172 = arith.constant 7 : i32
      %shift_right_logical3A_173 = vector.broadcast %shift_right_logical3A_172 : i32 to vector<16xi32>
      %shift_right_logical3A_174 = arith.shrui %add3A_171, %shift_right_logical3A_173 : vector<16xi32>
      %and3A_175 = arith.constant 127 : i32
      %and3A_176 = vector.broadcast %and3A_175 : i32 to vector<16xi32>
      %and3A_177 = arith.andi %add3A_171, %and3A_176 : vector<16xi32>
      tpu.vector_store_idx %arg9[%shift_right_logical3A_174, %and3A_177], %gather3A_165 {add = true} : memref<320x128xf32, #tpu.memory_space<vmem>>[vector<16xi32>, vector<16xi32>], vector<16xf32>,
      %broadcast_in_dim3A_178 = arith.constant 1 : i32
      %broadcast_in_dim3A_179 = vector.broadcast %broadcast_in_dim3A_178 : i32 to vector<16xi32>
      %gather3A_180 = tpu.vector_load_idx %arg8[%add3A_159, %broadcast_in_dim3A_179] : memref<80x4xf32, #tpu.memory_space<vmem>>[vector<16xi32>, vector<16xi32>], vector<16xf32>,
      %mul3A_181 = arith.constant 4 : i32
      %mul3A_182 = vector.broadcast %mul3A_181 : i32 to vector<16xi32>
      %mul3A_183 = arith.muli %get3A_162, %mul3A_182 : vector<16xi32>
      %add3A_184 = arith.constant 1 : i32
      %add3A_185 = vector.broadcast %add3A_184 : i32 to vector<16xi32>
      %add3A_186 = arith.addi %mul3A_183, %add3A_185 : vector<16xi32>
      %shift_right_logical3A_187 = arith.constant 7 : i32
      %shift_right_logical3A_188 = vector.broadcast %shift_right_logical3A_187 : i32 to vector<16xi32>
      %shift_right_logical3A_189 = arith.shrui %add3A_186, %shift_right_logical3A_188 : vector<16xi32>
      %and3A_190 = arith.constant 127 : i32
      %and3A_191 = vector.broadcast %and3A_190 : i32 to vector<16xi32>
      %and3A_192 = arith.andi %add3A_186, %and3A_191 : vector<16xi32>
      tpu.vector_store_idx %arg9[%shift_right_logical3A_189, %and3A_192], %gather3A_180 {add = true} : memref<320x128xf32, #tpu.memory_space<vmem>>[vector<16xi32>, vector<16xi32>], vector<16xf32>,
      %broadcast_in_dim3A_193 = arith.constant 2 : i32
      %broadcast_in_dim3A_194 = vector.broadcast %broadcast_in_dim3A_193 : i32 to vector<16xi32>
      %gather3A_195 = tpu.vector_load_idx %arg8[%add3A_159, %broadcast_in_dim3A_194] : memref<80x4xf32, #tpu.memory_space<vmem>>[vector<16xi32>, vector<16xi32>], vector<16xf32>,
      %mul3A_196 = arith.constant 4 : i32
      %mul3A_197 = vector.broadcast %mul3A_196 : i32 to vector<16xi32>
      %mul3A_198 = arith.muli %get3A_162, %mul3A_197 : vector<16xi32>
      %add3A_199 = arith.constant 2 : i32
      %add3A_200 = vector.broadcast %add3A_199 : i32 to vector<16xi32>
      %add3A_201 = arith.addi %mul3A_198, %add3A_200 : vector<16xi32>
      %shift_right_logical3A_202 = arith.constant 7 : i32
      %shift_right_logical3A_203 = vector.broadcast %shift_right_logical3A_202 : i32 to vector<16xi32>
      %shift_right_logical3A_204 = arith.shrui %add3A_201, %shift_right_logical3A_203 : vector<16xi32>
      %and3A_205 = arith.constant 127 : i32
      %and3A_206 = vector.broadcast %and3A_205 : i32 to vector<16xi32>
      %and3A_207 = arith.andi %add3A_201, %and3A_206 : vector<16xi32>
      tpu.vector_store_idx %arg9[%shift_right_logical3A_204, %and3A_207], %gather3A_195 {add = true} : memref<320x128xf32, #tpu.memory_space<vmem>>[vector<16xi32>, vector<16xi32>], vector<16xf32>,
      %broadcast_in_dim3A_208 = arith.constant 3 : i32
      %broadcast_in_dim3A_209 = vector.broadcast %broadcast_in_dim3A_208 : i32 to vector<16xi32>
      %gather3A_210 = tpu.vector_load_idx %arg8[%add3A_159, %broadcast_in_dim3A_209] : memref<80x4xf32, #tpu.memory_space<vmem>>[vector<16xi32>, vector<16xi32>], vector<16xf32>,
      %mul3A_211 = arith.constant 4 : i32
      %mul3A_212 = vector.broadcast %mul3A_211 : i32 to vector<16xi32>
      %mul3A_213 = arith.muli %get3A_162, %mul3A_212 : vector<16xi32>
      %add3A_214 = arith.constant 3 : i32
      %add3A_215 = vector.broadcast %add3A_214 : i32 to vector<16xi32>
      %add3A_216 = arith.addi %mul3A_213, %add3A_215 : vector<16xi32>
      %shift_right_logical3A_217 = arith.constant 7 : i32
      %shift_right_logical3A_218 = vector.broadcast %shift_right_logical3A_217 : i32 to vector<16xi32>
      %shift_right_logical3A_219 = arith.shrui %add3A_216, %shift_right_logical3A_218 : vector<16xi32>
      %and3A_220 = arith.constant 127 : i32
      %and3A_221 = vector.broadcast %and3A_220 : i32 to vector<16xi32>
      %and3A_222 = arith.andi %add3A_216, %and3A_221 : vector<16xi32>
      tpu.vector_store_idx %arg9[%shift_right_logical3A_219, %and3A_222], %gather3A_210 {add = true} : memref<320x128xf32, #tpu.memory_space<vmem>>[vector<16xi32>, vector<16xi32>], vector<16xf32>,
      %iota3A_223 = tpu.iota {dimensions = array<i32: 0>} : vector<16xi32>
      %add3A_224 = arith.constant 48 : i32
      %add3A_225 = vector.broadcast %add3A_224 : i32 to vector<16xi32>
      %add3A_226 = arith.addi %iota3A_223, %add3A_225 : vector<16xi32>
      %get3A_227 = arith.index_cast %add3A_20 : i32 to index
      %get3A_228 = arith.constant 48 : index
      %get3A_229 = tpu.vector_load %arg7[%get3A_227, %get3A_228] {strides = array<i32>} : memref<41x80xi32, #tpu.memory_space<vmem>>, vector<16xi32>,
      %broadcast_in_dim3A_230 = arith.constant 0 : i32
      %broadcast_in_dim3A_231 = vector.broadcast %broadcast_in_dim3A_230 : i32 to vector<16xi32>
      %gather3A_232 = tpu.vector_load_idx %arg8[%add3A_226, %broadcast_in_dim3A_231] : memref<80x4xf32, #tpu.memory_space<vmem>>[vector<16xi32>, vector<16xi32>], vector<16xf32>,
      %mul3A_233 = arith.constant 4 : i32
      %mul3A_234 = vector.broadcast %mul3A_233 : i32 to vector<16xi32>
      %mul3A_235 = arith.muli %get3A_229, %mul3A_234 : vector<16xi32>
      %add3A_236 = arith.constant 0 : i32
      %add3A_237 = vector.broadcast %add3A_236 : i32 to vector<16xi32>
      %add3A_238 = arith.addi %mul3A_235, %add3A_237 : vector<16xi32>
      %shift_right_logical3A_239 = arith.constant 7 : i32
      %shift_right_logical3A_240 = vector.broadcast %shift_right_logical3A_239 : i32 to vector<16xi32>
      %shift_right_logical3A_241 = arith.shrui %add3A_238, %shift_right_logical3A_240 : vector<16xi32>
      %and3A_242 = arith.constant 127 : i32
      %and3A_243 = vector.broadcast %and3A_242 : i32 to vector<16xi32>
      %and3A_244 = arith.andi %add3A_238, %and3A_243 : vector<16xi32>
      tpu.vector_store_idx %arg9[%shift_right_logical3A_241, %and3A_244], %gather3A_232 {add = true} : memref<320x128xf32, #tpu.memory_space<vmem>>[vector<16xi32>, vector<16xi32>], vector<16xf32>,
      %broadcast_in_dim3A_245 = arith.constant 1 : i32
      %broadcast_in_dim3A_246 = vector.broadcast %broadcast_in_dim3A_245 : i32 to vector<16xi32>
      %gather3A_247 = tpu.vector_load_idx %arg8[%add3A_226, %broadcast_in_dim3A_246] : memref<80x4xf32, #tpu.memory_space<vmem>>[vector<16xi32>, vector<16xi32>], vector<16xf32>,
      %mul3A_248 = arith.constant 4 : i32
      %mul3A_249 = vector.broadcast %mul3A_248 : i32 to vector<16xi32>
      %mul3A_250 = arith.muli %get3A_229, %mul3A_249 : vector<16xi32>
      %add3A_251 = arith.constant 1 : i32
      %add3A_252 = vector.broadcast %add3A_251 : i32 to vector<16xi32>
      %add3A_253 = arith.addi %mul3A_250, %add3A_252 : vector<16xi32>
      %shift_right_logical3A_254 = arith.constant 7 : i32
      %shift_right_logical3A_255 = vector.broadcast %shift_right_logical3A_254 : i32 to vector<16xi32>
      %shift_right_logical3A_256 = arith.shrui %add3A_253, %shift_right_logical3A_255 : vector<16xi32>
      %and3A_257 = arith.constant 127 : i32
      %and3A_258 = vector.broadcast %and3A_257 : i32 to vector<16xi32>
      %and3A_259 = arith.andi %add3A_253, %and3A_258 : vector<16xi32>
      tpu.vector_store_idx %arg9[%shift_right_logical3A_256, %and3A_259], %gather3A_247 {add = true} : memref<320x128xf32, #tpu.memory_space<vmem>>[vector<16xi32>, vector<16xi32>], vector<16xf32>,
      %broadcast_in_dim3A_260 = arith.constant 2 : i32
      %broadcast_in_dim3A_261 = vector.broadcast %broadcast_in_dim3A_260 : i32 to vector<16xi32>
      %gather3A_262 = tpu.vector_load_idx %arg8[%add3A_226, %broadcast_in_dim3A_261] : memref<80x4xf32, #tpu.memory_space<vmem>>[vector<16xi32>, vector<16xi32>], vector<16xf32>,
      %mul3A_263 = arith.constant 4 : i32
      %mul3A_264 = vector.broadcast %mul3A_263 : i32 to vector<16xi32>
      %mul3A_265 = arith.muli %get3A_229, %mul3A_264 : vector<16xi32>
      %add3A_266 = arith.constant 2 : i32
      %add3A_267 = vector.broadcast %add3A_266 : i32 to vector<16xi32>
      %add3A_268 = arith.addi %mul3A_265, %add3A_267 : vector<16xi32>
      %shift_right_logical3A_269 = arith.constant 7 : i32
      %shift_right_logical3A_270 = vector.broadcast %shift_right_logical3A_269 : i32 to vector<16xi32>
      %shift_right_logical3A_271 = arith.shrui %add3A_268, %shift_right_logical3A_270 : vector<16xi32>
      %and3A_272 = arith.constant 127 : i32
      %and3A_273 = vector.broadcast %and3A_272 : i32 to vector<16xi32>
      %and3A_274 = arith.andi %add3A_268, %and3A_273 : vector<16xi32>
      tpu.vector_store_idx %arg9[%shift_right_logical3A_271, %and3A_274], %gather3A_262 {add = true} : memref<320x128xf32, #tpu.memory_space<vmem>>[vector<16xi32>, vector<16xi32>], vector<16xf32>,
      %broadcast_in_dim3A_275 = arith.constant 3 : i32
      %broadcast_in_dim3A_276 = vector.broadcast %broadcast_in_dim3A_275 : i32 to vector<16xi32>
      %gather3A_277 = tpu.vector_load_idx %arg8[%add3A_226, %broadcast_in_dim3A_276] : memref<80x4xf32, #tpu.memory_space<vmem>>[vector<16xi32>, vector<16xi32>], vector<16xf32>,
      %mul3A_278 = arith.constant 4 : i32
      %mul3A_279 = vector.broadcast %mul3A_278 : i32 to vector<16xi32>
      %mul3A_280 = arith.muli %get3A_229, %mul3A_279 : vector<16xi32>
      %add3A_281 = arith.constant 3 : i32
      %add3A_282 = vector.broadcast %add3A_281 : i32 to vector<16xi32>
      %add3A_283 = arith.addi %mul3A_280, %add3A_282 : vector<16xi32>
      %shift_right_logical3A_284 = arith.constant 7 : i32
      %shift_right_logical3A_285 = vector.broadcast %shift_right_logical3A_284 : i32 to vector<16xi32>
      %shift_right_logical3A_286 = arith.shrui %add3A_283, %shift_right_logical3A_285 : vector<16xi32>
      %and3A_287 = arith.constant 127 : i32
      %and3A_288 = vector.broadcast %and3A_287 : i32 to vector<16xi32>
      %and3A_289 = arith.andi %add3A_283, %and3A_288 : vector<16xi32>
      tpu.vector_store_idx %arg9[%shift_right_logical3A_286, %and3A_289], %gather3A_277 {add = true} : memref<320x128xf32, #tpu.memory_space<vmem>>[vector<16xi32>, vector<16xi32>], vector<16xf32>,
      %iota3A_290 = tpu.iota {dimensions = array<i32: 0>} : vector<16xi32>
      %add3A_291 = arith.constant 64 : i32
      %add3A_292 = vector.broadcast %add3A_291 : i32 to vector<16xi32>
      %add3A_293 = arith.addi %iota3A_290, %add3A_292 : vector<16xi32>
      %get3A_294 = arith.index_cast %add3A_20 : i32 to index
      %get3A_295 = arith.constant 64 : index
      %get3A_296 = tpu.vector_load %arg7[%get3A_294, %get3A_295] {strides = array<i32>} : memref<41x80xi32, #tpu.memory_space<vmem>>, vector<16xi32>,
      %broadcast_in_dim3A_297 = arith.constant 0 : i32
      %broadcast_in_dim3A_298 = vector.broadcast %broadcast_in_dim3A_297 : i32 to vector<16xi32>
      %gather3A_299 = tpu.vector_load_idx %arg8[%add3A_293, %broadcast_in_dim3A_298] : memref<80x4xf32, #tpu.memory_space<vmem>>[vector<16xi32>, vector<16xi32>], vector<16xf32>,
      %mul3A_300 = arith.constant 4 : i32
      %mul3A_301 = vector.broadcast %mul3A_300 : i32 to vector<16xi32>
      %mul3A_302 = arith.muli %get3A_296, %mul3A_301 : vector<16xi32>
      %add3A_303 = arith.constant 0 : i32
      %add3A_304 = vector.broadcast %add3A_303 : i32 to vector<16xi32>
      %add3A_305 = arith.addi %mul3A_302, %add3A_304 : vector<16xi32>
      %shift_right_logical3A_306 = arith.constant 7 : i32
      %shift_right_logical3A_307 = vector.broadcast %shift_right_logical3A_306 : i32 to vector<16xi32>
      %shift_right_logical3A_308 = arith.shrui %add3A_305, %shift_right_logical3A_307 : vector<16xi32>
      %and3A_309 = arith.constant 127 : i32
      %and3A_310 = vector.broadcast %and3A_309 : i32 to vector<16xi32>
      %and3A_311 = arith.andi %add3A_305, %and3A_310 : vector<16xi32>
      tpu.vector_store_idx %arg9[%shift_right_logical3A_308, %and3A_311], %gather3A_299 {add = true} : memref<320x128xf32, #tpu.memory_space<vmem>>[vector<16xi32>, vector<16xi32>], vector<16xf32>,
      %broadcast_in_dim3A_312 = arith.constant 1 : i32
      %broadcast_in_dim3A_313 = vector.broadcast %broadcast_in_dim3A_312 : i32 to vector<16xi32>
      %gather3A_314 = tpu.vector_load_idx %arg8[%add3A_293, %broadcast_in_dim3A_313] : memref<80x4xf32, #tpu.memory_space<vmem>>[vector<16xi32>, vector<16xi32>], vector<16xf32>,
      %mul3A_315 = arith.constant 4 : i32
      %mul3A_316 = vector.broadcast %mul3A_315 : i32 to vector<16xi32>
      %mul3A_317 = arith.muli %get3A_296, %mul3A_316 : vector<16xi32>
      %add3A_318 = arith.constant 1 : i32
      %add3A_319 = vector.broadcast %add3A_318 : i32 to vector<16xi32>
      %add3A_320 = arith.addi %mul3A_317, %add3A_319 : vector<16xi32>
      %shift_right_logical3A_321 = arith.constant 7 : i32
      %shift_right_logical3A_322 = vector.broadcast %shift_right_logical3A_321 : i32 to vector<16xi32>
      %shift_right_logical3A_323 = arith.shrui %add3A_320, %shift_right_logical3A_322 : vector<16xi32>
      %and3A_324 = arith.constant 127 : i32
      %and3A_325 = vector.broadcast %and3A_324 : i32 to vector<16xi32>
      %and3A_326 = arith.andi %add3A_320, %and3A_325 : vector<16xi32>
      tpu.vector_store_idx %arg9[%shift_right_logical3A_323, %and3A_326], %gather3A_314 {add = true} : memref<320x128xf32, #tpu.memory_space<vmem>>[vector<16xi32>, vector<16xi32>], vector<16xf32>,
      %broadcast_in_dim3A_327 = arith.constant 2 : i32
      %broadcast_in_dim3A_328 = vector.broadcast %broadcast_in_dim3A_327 : i32 to vector<16xi32>
      %gather3A_329 = tpu.vector_load_idx %arg8[%add3A_293, %broadcast_in_dim3A_328] : memref<80x4xf32, #tpu.memory_space<vmem>>[vector<16xi32>, vector<16xi32>], vector<16xf32>,
      %mul3A_330 = arith.constant 4 : i32
      %mul3A_331 = vector.broadcast %mul3A_330 : i32 to vector<16xi32>
      %mul3A_332 = arith.muli %get3A_296, %mul3A_331 : vector<16xi32>
      %add3A_333 = arith.constant 2 : i32
      %add3A_334 = vector.broadcast %add3A_333 : i32 to vector<16xi32>
      %add3A_335 = arith.addi %mul3A_332, %add3A_334 : vector<16xi32>
      %shift_right_logical3A_336 = arith.constant 7 : i32
      %shift_right_logical3A_337 = vector.broadcast %shift_right_logical3A_336 : i32 to vector<16xi32>
      %shift_right_logical3A_338 = arith.shrui %add3A_335, %shift_right_logical3A_337 : vector<16xi32>
      %and3A_339 = arith.constant 127 : i32
      %and3A_340 = vector.broadcast %and3A_339 : i32 to vector<16xi32>
      %and3A_341 = arith.andi %add3A_335, %and3A_340 : vector<16xi32>
      tpu.vector_store_idx %arg9[%shift_right_logical3A_338, %and3A_341], %gather3A_329 {add = true} : memref<320x128xf32, #tpu.memory_space<vmem>>[vector<16xi32>, vector<16xi32>], vector<16xf32>,
      %broadcast_in_dim3A_342 = arith.constant 3 : i32
      %broadcast_in_dim3A_343 = vector.broadcast %broadcast_in_dim3A_342 : i32 to vector<16xi32>
      %gather3A_344 = tpu.vector_load_idx %arg8[%add3A_293, %broadcast_in_dim3A_343] : memref<80x4xf32, #tpu.memory_space<vmem>>[vector<16xi32>, vector<16xi32>], vector<16xf32>,
      %mul3A_345 = arith.constant 4 : i32
      %mul3A_346 = vector.broadcast %mul3A_345 : i32 to vector<16xi32>
      %mul3A_347 = arith.muli %get3A_296, %mul3A_346 : vector<16xi32>
      %add3A_348 = arith.constant 3 : i32
      %add3A_349 = vector.broadcast %add3A_348 : i32 to vector<16xi32>
      %add3A_350 = arith.addi %mul3A_347, %add3A_349 : vector<16xi32>
      %shift_right_logical3A_351 = arith.constant 7 : i32
      %shift_right_logical3A_352 = vector.broadcast %shift_right_logical3A_351 : i32 to vector<16xi32>
      %shift_right_logical3A_353 = arith.shrui %add3A_350, %shift_right_logical3A_352 : vector<16xi32>
      %and3A_354 = arith.constant 127 : i32
      %and3A_355 = vector.broadcast %and3A_354 : i32 to vector<16xi32>
      %and3A_356 = arith.andi %add3A_350, %and3A_355 : vector<16xi32>
      tpu.vector_store_idx %arg9[%shift_right_logical3A_353, %and3A_356], %gather3A_344 {add = true} : memref<320x128xf32, #tpu.memory_space<vmem>>[vector<16xi32>, vector<16xi32>], vector<16xf32>,
    }
    %scan3A_6 = arith.constant 41 : i32
    %run_scoped3A = arith.constant 0 : i32
    "tpu.region"() ({
      %run_scoped3A_16 = tpu.sem_alloc : memref<!tpu.dma_semaphore, #tpu.memory_space<semaphore_mem>>
      %dma_start3A = arith.constant 0 : i32
      %dma_start3A_17 = arith.constant 0 : i32
      %dma_start3A_18 = tpu.memref_slice %arg9[%dma_start3A, %dma_start3A_17] : memref<320x128xf32, #tpu.memory_space<vmem>> -> memref<64x128xf32, #tpu.memory_space<vmem>>
      %dma_start3A_19 = arith.constant 0 : i32
      %dma_start3A_20 = tpu.memref_slice %arg10[%run_scoped3A, %dma_start3A_19] : memref<5x64xi32, #tpu.memory_space<vmem>> -> memref<1x64xi32, #tpu.memory_space<vmem>>
      %dma_start3A_21 = tpu.memref_squeeze %dma_start3A_20 : memref<1x64xi32, #tpu.memory_space<vmem>> -> memref<64xi32, #tpu.memory_space<vmem>>
      %dma_start3A_22 = arith.constant 0 : i32
      %dma_start3A_23 = arith.constant 0 : i32
      %dma_start3A_24 = tpu.memref_slice %arg11[%dma_start3A_22, %dma_start3A_23] : memref<320x128xf32, #tpu.memory_space<vmem_shared>> -> memref<320x128xf32, #tpu.memory_space<vmem_shared>>
      tpu.enqueue_indirect_dma source(%dma_start3A_18 : memref<64x128xf32, #tpu.memory_space<vmem>>) target(%dma_start3A_24 : memref<320x128xf32, #tpu.memory_space<vmem_shared>>) offsets(%dma_start3A_21 : memref<64xi32, #tpu.memory_space<vmem>>) semaphore(%run_scoped3A_16 : memref<!tpu.dma_semaphore, #tpu.memory_space<semaphore_mem>>) {add = true}
      %dma_wait3A = arith.constant 0 : i32
      %dma_wait3A_25 = arith.constant 0 : i32
      %dma_wait3A_26 = tpu.memref_slice %arg9[%dma_wait3A, %dma_wait3A_25] : memref<320x128xf32, #tpu.memory_space<vmem>> -> memref<64x128xf32, #tpu.memory_space<vmem>>
      %dma_wait3A_27 = arith.constant 0 : i32
      %dma_wait3A_28 = tpu.memref_slice %arg10[%run_scoped3A, %dma_wait3A_27] : memref<5x64xi32, #tpu.memory_space<vmem>> -> memref<1x64xi32, #tpu.memory_space<vmem>>
      %dma_wait3A_29 = tpu.memref_squeeze %dma_wait3A_28 : memref<1x64xi32, #tpu.memory_space<vmem>> -> memref<64xi32, #tpu.memory_space<vmem>>
      %dma_wait3A_30 = arith.constant 0 : i32
      %dma_wait3A_31 = arith.constant 0 : i32
      %dma_wait3A_32 = tpu.memref_slice %arg11[%dma_wait3A_30, %dma_wait3A_31] : memref<320x128xf32, #tpu.memory_space<vmem_shared>> -> memref<320x128xf32, #tpu.memory_space<vmem_shared>>
      tpu.wait_indirect_dma semaphore(%run_scoped3A_16 : memref<!tpu.dma_semaphore, #tpu.memory_space<semaphore_mem>>) src(%dma_wait3A_26 : memref<64x128xf32, #tpu.memory_space<vmem>>) dst(%dma_wait3A_32 : memref<320x128xf32, #tpu.memory_space<vmem_shared>>)
      tpu.yield
    }) : () -> ()
    %run_scoped3A_7 = arith.constant 1 : i32
    "tpu.region"() ({
      %run_scoped3A_16 = tpu.sem_alloc : memref<!tpu.dma_semaphore, #tpu.memory_space<semaphore_mem>>
      %dma_start3A = arith.constant 64 : i32
      %dma_start3A_17 = arith.constant 0 : i32
      %dma_start3A_18 = tpu.memref_slice %arg9[%dma_start3A, %dma_start3A_17] : memref<320x128xf32, #tpu.memory_space<vmem>> -> memref<64x128xf32, #tpu.memory_space<vmem>>
      %dma_start3A_19 = arith.constant 0 : i32
      %dma_start3A_20 = tpu.memref_slice %arg10[%run_scoped3A_7, %dma_start3A_19] : memref<5x64xi32, #tpu.memory_space<vmem>> -> memref<1x64xi32, #tpu.memory_space<vmem>>
      %dma_start3A_21 = tpu.memref_squeeze %dma_start3A_20 : memref<1x64xi32, #tpu.memory_space<vmem>> -> memref<64xi32, #tpu.memory_space<vmem>>
      %dma_start3A_22 = arith.constant 0 : i32
      %dma_start3A_23 = arith.constant 0 : i32
      %dma_start3A_24 = tpu.memref_slice %arg11[%dma_start3A_22, %dma_start3A_23] : memref<320x128xf32, #tpu.memory_space<vmem_shared>> -> memref<320x128xf32, #tpu.memory_space<vmem_shared>>
      tpu.enqueue_indirect_dma source(%dma_start3A_18 : memref<64x128xf32, #tpu.memory_space<vmem>>) target(%dma_start3A_24 : memref<320x128xf32, #tpu.memory_space<vmem_shared>>) offsets(%dma_start3A_21 : memref<64xi32, #tpu.memory_space<vmem>>) semaphore(%run_scoped3A_16 : memref<!tpu.dma_semaphore, #tpu.memory_space<semaphore_mem>>) {add = true}
      %dma_wait3A = arith.constant 64 : i32
      %dma_wait3A_25 = arith.constant 0 : i32
      %dma_wait3A_26 = tpu.memref_slice %arg9[%dma_wait3A, %dma_wait3A_25] : memref<320x128xf32, #tpu.memory_space<vmem>> -> memref<64x128xf32, #tpu.memory_space<vmem>>
      %dma_wait3A_27 = arith.constant 0 : i32
      %dma_wait3A_28 = tpu.memref_slice %arg10[%run_scoped3A_7, %dma_wait3A_27] : memref<5x64xi32, #tpu.memory_space<vmem>> -> memref<1x64xi32, #tpu.memory_space<vmem>>
      %dma_wait3A_29 = tpu.memref_squeeze %dma_wait3A_28 : memref<1x64xi32, #tpu.memory_space<vmem>> -> memref<64xi32, #tpu.memory_space<vmem>>
      %dma_wait3A_30 = arith.constant 0 : i32
      %dma_wait3A_31 = arith.constant 0 : i32
      %dma_wait3A_32 = tpu.memref_slice %arg11[%dma_wait3A_30, %dma_wait3A_31] : memref<320x128xf32, #tpu.memory_space<vmem_shared>> -> memref<320x128xf32, #tpu.memory_space<vmem_shared>>
      tpu.wait_indirect_dma semaphore(%run_scoped3A_16 : memref<!tpu.dma_semaphore, #tpu.memory_space<semaphore_mem>>) src(%dma_wait3A_26 : memref<64x128xf32, #tpu.memory_space<vmem>>) dst(%dma_wait3A_32 : memref<320x128xf32, #tpu.memory_space<vmem_shared>>)
      tpu.yield
    }) : () -> ()
    %run_scoped3A_8 = arith.constant 2 : i32
    "tpu.region"() ({
      %run_scoped3A_16 = tpu.sem_alloc : memref<!tpu.dma_semaphore, #tpu.memory_space<semaphore_mem>>
      %dma_start3A = arith.constant 128 : i32
      %dma_start3A_17 = arith.constant 0 : i32
      %dma_start3A_18 = tpu.memref_slice %arg9[%dma_start3A, %dma_start3A_17] : memref<320x128xf32, #tpu.memory_space<vmem>> -> memref<64x128xf32, #tpu.memory_space<vmem>>
      %dma_start3A_19 = arith.constant 0 : i32
      %dma_start3A_20 = tpu.memref_slice %arg10[%run_scoped3A_8, %dma_start3A_19] : memref<5x64xi32, #tpu.memory_space<vmem>> -> memref<1x64xi32, #tpu.memory_space<vmem>>
      %dma_start3A_21 = tpu.memref_squeeze %dma_start3A_20 : memref<1x64xi32, #tpu.memory_space<vmem>> -> memref<64xi32, #tpu.memory_space<vmem>>
      %dma_start3A_22 = arith.constant 0 : i32
      %dma_start3A_23 = arith.constant 0 : i32
      %dma_start3A_24 = tpu.memref_slice %arg11[%dma_start3A_22, %dma_start3A_23] : memref<320x128xf32, #tpu.memory_space<vmem_shared>> -> memref<320x128xf32, #tpu.memory_space<vmem_shared>>
      tpu.enqueue_indirect_dma source(%dma_start3A_18 : memref<64x128xf32, #tpu.memory_space<vmem>>) target(%dma_start3A_24 : memref<320x128xf32, #tpu.memory_space<vmem_shared>>) offsets(%dma_start3A_21 : memref<64xi32, #tpu.memory_space<vmem>>) semaphore(%run_scoped3A_16 : memref<!tpu.dma_semaphore, #tpu.memory_space<semaphore_mem>>) {add = true}
      %dma_wait3A = arith.constant 128 : i32
      %dma_wait3A_25 = arith.constant 0 : i32
      %dma_wait3A_26 = tpu.memref_slice %arg9[%dma_wait3A, %dma_wait3A_25] : memref<320x128xf32, #tpu.memory_space<vmem>> -> memref<64x128xf32, #tpu.memory_space<vmem>>
      %dma_wait3A_27 = arith.constant 0 : i32
      %dma_wait3A_28 = tpu.memref_slice %arg10[%run_scoped3A_8, %dma_wait3A_27] : memref<5x64xi32, #tpu.memory_space<vmem>> -> memref<1x64xi32, #tpu.memory_space<vmem>>
      %dma_wait3A_29 = tpu.memref_squeeze %dma_wait3A_28 : memref<1x64xi32, #tpu.memory_space<vmem>> -> memref<64xi32, #tpu.memory_space<vmem>>
      %dma_wait3A_30 = arith.constant 0 : i32
      %dma_wait3A_31 = arith.constant 0 : i32
      %dma_wait3A_32 = tpu.memref_slice %arg11[%dma_wait3A_30, %dma_wait3A_31] : memref<320x128xf32, #tpu.memory_space<vmem_shared>> -> memref<320x128xf32, #tpu.memory_space<vmem_shared>>
      tpu.wait_indirect_dma semaphore(%run_scoped3A_16 : memref<!tpu.dma_semaphore, #tpu.memory_space<semaphore_mem>>) src(%dma_wait3A_26 : memref<64x128xf32, #tpu.memory_space<vmem>>) dst(%dma_wait3A_32 : memref<320x128xf32, #tpu.memory_space<vmem_shared>>)
      tpu.yield
    }) : () -> ()
    %run_scoped3A_9 = arith.constant 3 : i32
    "tpu.region"() ({
      %run_scoped3A_16 = tpu.sem_alloc : memref<!tpu.dma_semaphore, #tpu.memory_space<semaphore_mem>>
      %dma_start3A = arith.constant 192 : i32
      %dma_start3A_17 = arith.constant 0 : i32
      %dma_start3A_18 = tpu.memref_slice %arg9[%dma_start3A, %dma_start3A_17] : memref<320x128xf32, #tpu.memory_space<vmem>> -> memref<64x128xf32, #tpu.memory_space<vmem>>
      %dma_start3A_19 = arith.constant 0 : i32
      %dma_start3A_20 = tpu.memref_slice %arg10[%run_scoped3A_9, %dma_start3A_19] : memref<5x64xi32, #tpu.memory_space<vmem>> -> memref<1x64xi32, #tpu.memory_space<vmem>>
      %dma_start3A_21 = tpu.memref_squeeze %dma_start3A_20 : memref<1x64xi32, #tpu.memory_space<vmem>> -> memref<64xi32, #tpu.memory_space<vmem>>
      %dma_start3A_22 = arith.constant 0 : i32
      %dma_start3A_23 = arith.constant 0 : i32
      %dma_start3A_24 = tpu.memref_slice %arg11[%dma_start3A_22, %dma_start3A_23] : memref<320x128xf32, #tpu.memory_space<vmem_shared>> -> memref<320x128xf32, #tpu.memory_space<vmem_shared>>
      tpu.enqueue_indirect_dma source(%dma_start3A_18 : memref<64x128xf32, #tpu.memory_space<vmem>>) target(%dma_start3A_24 : memref<320x128xf32, #tpu.memory_space<vmem_shared>>) offsets(%dma_start3A_21 : memref<64xi32, #tpu.memory_space<vmem>>) semaphore(%run_scoped3A_16 : memref<!tpu.dma_semaphore, #tpu.memory_space<semaphore_mem>>) {add = true}
      %dma_wait3A = arith.constant 192 : i32
      %dma_wait3A_25 = arith.constant 0 : i32
      %dma_wait3A_26 = tpu.memref_slice %arg9[%dma_wait3A, %dma_wait3A_25] : memref<320x128xf32, #tpu.memory_space<vmem>> -> memref<64x128xf32, #tpu.memory_space<vmem>>
      %dma_wait3A_27 = arith.constant 0 : i32
      %dma_wait3A_28 = tpu.memref_slice %arg10[%run_scoped3A_9, %dma_wait3A_27] : memref<5x64xi32, #tpu.memory_space<vmem>> -> memref<1x64xi32, #tpu.memory_space<vmem>>
      %dma_wait3A_29 = tpu.memref_squeeze %dma_wait3A_28 : memref<1x64xi32, #tpu.memory_space<vmem>> -> memref<64xi32, #tpu.memory_space<vmem>>
      %dma_wait3A_30 = arith.constant 0 : i32
      %dma_wait3A_31 = arith.constant 0 : i32
      %dma_wait3A_32 = tpu.memref_slice %arg11[%dma_wait3A_30, %dma_wait3A_31] : memref<320x128xf32, #tpu.memory_space<vmem_shared>> -> memref<320x128xf32, #tpu.memory_space<vmem_shared>>
      tpu.wait_indirect_dma semaphore(%run_scoped3A_16 : memref<!tpu.dma_semaphore, #tpu.memory_space<semaphore_mem>>) src(%dma_wait3A_26 : memref<64x128xf32, #tpu.memory_space<vmem>>) dst(%dma_wait3A_32 : memref<320x128xf32, #tpu.memory_space<vmem_shared>>)
      tpu.yield
    }) : () -> ()
    %run_scoped3A_10 = arith.constant 4 : i32
    "tpu.region"() ({
      %run_scoped3A_16 = tpu.sem_alloc : memref<!tpu.dma_semaphore, #tpu.memory_space<semaphore_mem>>
      %dma_start3A = arith.constant 256 : i32
      %dma_start3A_17 = arith.constant 0 : i32
      %dma_start3A_18 = tpu.memref_slice %arg9[%dma_start3A, %dma_start3A_17] : memref<320x128xf32, #tpu.memory_space<vmem>> -> memref<64x128xf32, #tpu.memory_space<vmem>>
      %dma_start3A_19 = arith.constant 0 : i32
      %dma_start3A_20 = tpu.memref_slice %arg10[%run_scoped3A_10, %dma_start3A_19] : memref<5x64xi32, #tpu.memory_space<vmem>> -> memref<1x64xi32, #tpu.memory_space<vmem>>
      %dma_start3A_21 = tpu.memref_squeeze %dma_start3A_20 : memref<1x64xi32, #tpu.memory_space<vmem>> -> memref<64xi32, #tpu.memory_space<vmem>>
      %dma_start3A_22 = arith.constant 0 : i32
      %dma_start3A_23 = arith.constant 0 : i32
      %dma_start3A_24 = tpu.memref_slice %arg11[%dma_start3A_22, %dma_start3A_23] : memref<320x128xf32, #tpu.memory_space<vmem_shared>> -> memref<320x128xf32, #tpu.memory_space<vmem_shared>>
      tpu.enqueue_indirect_dma source(%dma_start3A_18 : memref<64x128xf32, #tpu.memory_space<vmem>>) target(%dma_start3A_24 : memref<320x128xf32, #tpu.memory_space<vmem_shared>>) offsets(%dma_start3A_21 : memref<64xi32, #tpu.memory_space<vmem>>) semaphore(%run_scoped3A_16 : memref<!tpu.dma_semaphore, #tpu.memory_space<semaphore_mem>>) {add = true}
      %dma_wait3A = arith.constant 256 : i32
      %dma_wait3A_25 = arith.constant 0 : i32
      %dma_wait3A_26 = tpu.memref_slice %arg9[%dma_wait3A, %dma_wait3A_25] : memref<320x128xf32, #tpu.memory_space<vmem>> -> memref<64x128xf32, #tpu.memory_space<vmem>>
      %dma_wait3A_27 = arith.constant 0 : i32
      %dma_wait3A_28 = tpu.memref_slice %arg10[%run_scoped3A_10, %dma_wait3A_27] : memref<5x64xi32, #tpu.memory_space<vmem>> -> memref<1x64xi32, #tpu.memory_space<vmem>>
      %dma_wait3A_29 = tpu.memref_squeeze %dma_wait3A_28 : memref<1x64xi32, #tpu.memory_space<vmem>> -> memref<64xi32, #tpu.memory_space<vmem>>
      %dma_wait3A_30 = arith.constant 0 : i32
      %dma_wait3A_31 = arith.constant 0 : i32
      %dma_wait3A_32 = tpu.memref_slice %arg11[%dma_wait3A_30, %dma_wait3A_31] : memref<320x128xf32, #tpu.memory_space<vmem_shared>> -> memref<320x128xf32, #tpu.memory_space<vmem_shared>>
      tpu.wait_indirect_dma semaphore(%run_scoped3A_16 : memref<!tpu.dma_semaphore, #tpu.memory_space<semaphore_mem>>) src(%dma_wait3A_26 : memref<64x128xf32, #tpu.memory_space<vmem>>) dst(%dma_wait3A_32 : memref<320x128xf32, #tpu.memory_space<vmem_shared>>)
      tpu.yield
    }) : () -> ()
    %barrier3A_11 = arith.constant 0 : index
    tpu.barrier barrier_id(%barrier3A_11)
    %eq3A = arith.constant 0 : i32
    %eq3A_12 = arith.cmpi eq, %arg1, %eq3A : i32
    %convert_element_type3A_13 = arith.extui %eq3A_12 : i1 to i32
    %cond3A_14 = arith.constant 0 : i32
    %cond3A_15 = arith.cmpi ne, %convert_element_type3A_13, %cond3A_14 : i32
    scf.if %cond3A_15 {
      %mul3A_16 = arith.constant 320 : i32
      %mul3A_17 = arith.muli %arg0, %mul3A_16 : i32
      "tpu.region"() ({
        %run_scoped3A_18 = tpu.sem_alloc : memref<!tpu.dma_semaphore, #tpu.memory_space<semaphore_mem>>
        %dma_start3A = arith.constant 0 : i32
        %dma_start3A_19 = tpu.memref_slice %arg6[%mul3A_17, %dma_start3A] : memref<640x128xf32, #tpu.memory_space<hbm>> -> memref<320x128xf32, #tpu.memory_space<hbm>>
        tpu.enqueue_dma source(%arg11 : memref<320x128xf32, #tpu.memory_space<vmem_shared>>) target(%dma_start3A_19 : memref<320x128xf32, #tpu.memory_space<hbm>>) target_semaphore(%run_scoped3A_18 : memref<!tpu.dma_semaphore, #tpu.memory_space<semaphore_mem>>)
        %dma_wait3A = arith.constant 0 : i32
        %dma_wait3A_20 = tpu.memref_slice %arg6[%mul3A_17, %dma_wait3A] : memref<640x128xf32, #tpu.memory_space<hbm>> -> memref<320x128xf32, #tpu.memory_space<hbm>>
        tpu.wait_dma2 semaphore(%run_scoped3A_18 : memref<!tpu.dma_semaphore, #tpu.memory_space<semaphore_mem>>) src(%arg11 : memref<320x128xf32, #tpu.memory_space<vmem_shared>>) dst(%dma_wait3A_20 : memref<320x128xf32, #tpu.memory_space<hbm>>)
        tpu.yield
      }) : () -> ()
    } else {
    }
    return
  }
}

#map = affine_map<(d0, d1) -> (0, 0)>
#map1 = affine_map<(d0, d1) -> (0, 0, 0)>
module attributes {stable_mosaic.version = 14 : i64} {
  func.func @body(%arg0: i32, %arg1: i32, %arg2: memref<10000x128xf32, #tpu.memory_space<hbm>>, %arg3: memref<32x43x80xi32, #tpu.memory_space<hbm>>, %arg4: memref<32x43x80xi32, #tpu.memory_space<hbm>>, %arg5: memref<110080x128xf32, #tpu.memory_space<hbm>>, %arg6: memref<110080x128xf32, #tpu.memory_space<hbm>>, %arg7: memref<43x80xi32, #tpu.memory_space<vmem>>, %arg8: memref<43x80xi32, #tpu.memory_space<vmem>>, %arg9: memref<80x128xf32, #tpu.memory_space<vmem>>, %arg10: memref<80x128xf32, #tpu.memory_space<vmem>>, %arg11: memref<80x128xf32, #tpu.memory_space<vmem>>, %arg12: memref<80x128xf32, #tpu.memory_space<vmem>>, %arg13: memref<!tpu.dma_semaphore, #tpu.memory_space<semaphore_mem>>, %arg14: memref<!tpu.dma_semaphore, #tpu.memory_space<semaphore_mem>>, %arg15: memref<!tpu.dma_semaphore, #tpu.memory_space<semaphore_mem>>, %arg16: memref<!tpu.dma_semaphore, #tpu.memory_space<semaphore_mem>>) attributes {dimension_semantics = [#tpu.dimension_semantics<core_parallel>, #tpu.dimension_semantics<subcore_parallel>], iteration_bounds = array<i64: 2, 16>, scalar_prefetch = 0 : i64, scratch_operands = 10 : i64, tpu.core_type = #tpu.core_type<sc_vector_subcore>, window_params = [{transform_indices = #map}, {transform_indices = #map1}, {transform_indices = #map1}, {transform_indices = #map}, {transform_indices = #map}]} {
    %mul3A = arith.constant 16 : i32
    %mul3A_0 = arith.muli %arg0, %mul3A : i32
    %add3A = arith.addi %mul3A_0, %arg1 : i32
    "tpu.region"() ({
      %run_scoped3A = tpu.sem_alloc : memref<!tpu.dma_semaphore, #tpu.memory_space<semaphore_mem>>
      %dma_start3A_39 = arith.constant 0 : i32
      %dma_start3A_40 = arith.constant 0 : i32
      %dma_start3A_41 = tpu.memref_slice %arg3[%add3A, %dma_start3A_39, %dma_start3A_40] : memref<32x43x80xi32, #tpu.memory_space<hbm>> -> memref<1x43x80xi32, #tpu.memory_space<hbm>>
      %dma_start3A_42 = tpu.memref_squeeze %dma_start3A_41 : memref<1x43x80xi32, #tpu.memory_space<hbm>> -> memref<43x80xi32, #tpu.memory_space<hbm>>
      %dma_start3A_43 = arith.constant 0 : i32
      %dma_start3A_44 = arith.constant 0 : i32
      %dma_start3A_45 = tpu.memref_slice %arg3[%add3A, %dma_start3A_43, %dma_start3A_44] : memref<32x43x80xi32, #tpu.memory_space<hbm>> -> memref<1x43x80xi32, #tpu.memory_space<hbm>>
      %dma_start3A_46 = tpu.memref_squeeze %dma_start3A_45 : memref<1x43x80xi32, #tpu.memory_space<hbm>> -> memref<43x80xi32, #tpu.memory_space<hbm>>
      tpu.enqueue_dma source(%dma_start3A_46 : memref<43x80xi32, #tpu.memory_space<hbm>>) target(%arg7 : memref<43x80xi32, #tpu.memory_space<vmem>>) target_semaphore(%run_scoped3A : memref<!tpu.dma_semaphore, #tpu.memory_space<semaphore_mem>>)
      %dma_wait3A_47 = arith.constant 0 : i32
      %dma_wait3A_48 = arith.constant 0 : i32
      %dma_wait3A_49 = tpu.memref_slice %arg3[%add3A, %dma_wait3A_47, %dma_wait3A_48] : memref<32x43x80xi32, #tpu.memory_space<hbm>> -> memref<1x43x80xi32, #tpu.memory_space<hbm>>
      %dma_wait3A_50 = tpu.memref_squeeze %dma_wait3A_49 : memref<1x43x80xi32, #tpu.memory_space<hbm>> -> memref<43x80xi32, #tpu.memory_space<hbm>>
      %dma_wait3A_51 = arith.constant 0 : i32
      %dma_wait3A_52 = arith.constant 0 : i32
      %dma_wait3A_53 = tpu.memref_slice %arg3[%add3A, %dma_wait3A_51, %dma_wait3A_52] : memref<32x43x80xi32, #tpu.memory_space<hbm>> -> memref<1x43x80xi32, #tpu.memory_space<hbm>>
      %dma_wait3A_54 = tpu.memref_squeeze %dma_wait3A_53 : memref<1x43x80xi32, #tpu.memory_space<hbm>> -> memref<43x80xi32, #tpu.memory_space<hbm>>
      tpu.wait_dma2 semaphore(%run_scoped3A : memref<!tpu.dma_semaphore, #tpu.memory_space<semaphore_mem>>) src(%dma_wait3A_54 : memref<43x80xi32, #tpu.memory_space<hbm>>) dst(%arg7 : memref<43x80xi32, #tpu.memory_space<vmem>>)
      tpu.yield
    }) : () -> ()
    "tpu.region"() ({
      %run_scoped3A = tpu.sem_alloc : memref<!tpu.dma_semaphore, #tpu.memory_space<semaphore_mem>>
      %dma_start3A_39 = arith.constant 0 : i32
      %dma_start3A_40 = arith.constant 0 : i32
      %dma_start3A_41 = tpu.memref_slice %arg4[%add3A, %dma_start3A_39, %dma_start3A_40] : memref<32x43x80xi32, #tpu.memory_space<hbm>> -> memref<1x43x80xi32, #tpu.memory_space<hbm>>
      %dma_start3A_42 = tpu.memref_squeeze %dma_start3A_41 : memref<1x43x80xi32, #tpu.memory_space<hbm>> -> memref<43x80xi32, #tpu.memory_space<hbm>>
      %dma_start3A_43 = arith.constant 0 : i32
      %dma_start3A_44 = arith.constant 0 : i32
      %dma_start3A_45 = tpu.memref_slice %arg4[%add3A, %dma_start3A_43, %dma_start3A_44] : memref<32x43x80xi32, #tpu.memory_space<hbm>> -> memref<1x43x80xi32, #tpu.memory_space<hbm>>
      %dma_start3A_46 = tpu.memref_squeeze %dma_start3A_45 : memref<1x43x80xi32, #tpu.memory_space<hbm>> -> memref<43x80xi32, #tpu.memory_space<hbm>>
      tpu.enqueue_dma source(%dma_start3A_46 : memref<43x80xi32, #tpu.memory_space<hbm>>) target(%arg8 : memref<43x80xi32, #tpu.memory_space<vmem>>) target_semaphore(%run_scoped3A : memref<!tpu.dma_semaphore, #tpu.memory_space<semaphore_mem>>)
      %dma_wait3A_47 = arith.constant 0 : i32
      %dma_wait3A_48 = arith.constant 0 : i32
      %dma_wait3A_49 = tpu.memref_slice %arg4[%add3A, %dma_wait3A_47, %dma_wait3A_48] : memref<32x43x80xi32, #tpu.memory_space<hbm>> -> memref<1x43x80xi32, #tpu.memory_space<hbm>>
      %dma_wait3A_50 = tpu.memref_squeeze %dma_wait3A_49 : memref<1x43x80xi32, #tpu.memory_space<hbm>> -> memref<43x80xi32, #tpu.memory_space<hbm>>
      %dma_wait3A_51 = arith.constant 0 : i32
      %dma_wait3A_52 = arith.constant 0 : i32
      %dma_wait3A_53 = tpu.memref_slice %arg4[%add3A, %dma_wait3A_51, %dma_wait3A_52] : memref<32x43x80xi32, #tpu.memory_space<hbm>> -> memref<1x43x80xi32, #tpu.memory_space<hbm>>
      %dma_wait3A_54 = tpu.memref_squeeze %dma_wait3A_53 : memref<1x43x80xi32, #tpu.memory_space<hbm>> -> memref<43x80xi32, #tpu.memory_space<hbm>>
      tpu.wait_dma2 semaphore(%run_scoped3A : memref<!tpu.dma_semaphore, #tpu.memory_space<semaphore_mem>>) src(%dma_wait3A_54 : memref<43x80xi32, #tpu.memory_space<hbm>>) dst(%arg8 : memref<43x80xi32, #tpu.memory_space<vmem>>)
      tpu.yield
    }) : () -> ()
    %mul3A_1 = arith.constant 43 : i32
    %mul3A_2 = arith.muli %add3A, %mul3A_1 : i32
    %mul3A_3 = arith.constant 80 : i32
    %mul3A_4 = arith.muli %mul3A_2, %mul3A_3 : i32
    %dma_start3A = arith.constant 0 : i32
    %dma_start3A_5 = arith.constant 0 : i32
    %dma_start3A_6 = tpu.memref_slice %arg7[%dma_start3A, %dma_start3A_5] : memref<43x80xi32, #tpu.memory_space<vmem>> -> memref<1x80xi32, #tpu.memory_space<vmem>>
    %dma_start3A_7 = tpu.memref_squeeze %dma_start3A_6 : memref<1x80xi32, #tpu.memory_space<vmem>> -> memref<80xi32, #tpu.memory_space<vmem>>
    %dma_start3A_8 = arith.constant 0 : i32
    %dma_start3A_9 = arith.constant 0 : i32
    %dma_start3A_10 = tpu.memref_slice %arg2[%dma_start3A_8, %dma_start3A_9] : memref<10000x128xf32, #tpu.memory_space<hbm>> -> memref<10000x128xf32, #tpu.memory_space<hbm>>
    tpu.enqueue_indirect_dma source(%dma_start3A_10 : memref<10000x128xf32, #tpu.memory_space<hbm>>) target(%arg9 : memref<80x128xf32, #tpu.memory_space<vmem>>) offsets(%dma_start3A_7 : memref<80xi32, #tpu.memory_space<vmem>>) semaphore(%arg13 : memref<!tpu.dma_semaphore, #tpu.memory_space<semaphore_mem>>)
    %dma_start3A_11 = arith.constant 0 : i32
    %dma_start3A_12 = arith.constant 0 : i32
    %dma_start3A_13 = tpu.memref_slice %arg8[%dma_start3A_11, %dma_start3A_12] : memref<43x80xi32, #tpu.memory_space<vmem>> -> memref<1x80xi32, #tpu.memory_space<vmem>>
    %dma_start3A_14 = tpu.memref_squeeze %dma_start3A_13 : memref<1x80xi32, #tpu.memory_space<vmem>> -> memref<80xi32, #tpu.memory_space<vmem>>
    %dma_start3A_15 = arith.constant 0 : i32
    %dma_start3A_16 = arith.constant 0 : i32
    %dma_start3A_17 = tpu.memref_slice %arg2[%dma_start3A_15, %dma_start3A_16] : memref<10000x128xf32, #tpu.memory_space<hbm>> -> memref<10000x128xf32, #tpu.memory_space<hbm>>
    tpu.enqueue_indirect_dma source(%dma_start3A_17 : memref<10000x128xf32, #tpu.memory_space<hbm>>) target(%arg11 : memref<80x128xf32, #tpu.memory_space<vmem>>) offsets(%dma_start3A_14 : memref<80xi32, #tpu.memory_space<vmem>>) semaphore(%arg15 : memref<!tpu.dma_semaphore, #tpu.memory_space<semaphore_mem>>)
    %scan3A = arith.constant 0 : i32
    %scan3A_18 = arith.constant 21 : i32
    %scan3A_19 = arith.addi %scan3A, %scan3A_18 : i32
    %scan3A_20 = arith.constant 1 : i32
    scf.for %scan3A_39 = %scan3A to %scan3A_19 step %scan3A_20  : i32 {
      %mul3A_40 = arith.constant 2 : i32
      %mul3A_41 = arith.muli %scan3A_39, %mul3A_40 : i32
      %add3A_42 = arith.constant 0 : i32
      %add3A_43 = arith.addi %add3A_42, %mul3A_41 : i32
      %mul3A_44 = arith.constant 80 : i32
      %mul3A_45 = arith.muli %add3A_43, %mul3A_44 : i32
      %add3A_46 = arith.addi %mul3A_4, %mul3A_45 : i32
      %add3A_47 = arith.constant 1 : i32
      %add3A_48 = arith.addi %add3A_43, %add3A_47 : i32
      %dma_start3A_49 = arith.constant 0 : i32
      %dma_start3A_50 = tpu.memref_slice %arg7[%add3A_48, %dma_start3A_49] : memref<43x80xi32, #tpu.memory_space<vmem>> -> memref<1x80xi32, #tpu.memory_space<vmem>>
      %dma_start3A_51 = tpu.memref_squeeze %dma_start3A_50 : memref<1x80xi32, #tpu.memory_space<vmem>> -> memref<80xi32, #tpu.memory_space<vmem>>
      %dma_start3A_52 = arith.constant 0 : i32
      %dma_start3A_53 = arith.constant 0 : i32
      %dma_start3A_54 = tpu.memref_slice %arg2[%dma_start3A_52, %dma_start3A_53] : memref<10000x128xf32, #tpu.memory_space<hbm>> -> memref<10000x128xf32, #tpu.memory_space<hbm>>
      tpu.enqueue_indirect_dma source(%dma_start3A_54 : memref<10000x128xf32, #tpu.memory_space<hbm>>) target(%arg10 : memref<80x128xf32, #tpu.memory_space<vmem>>) offsets(%dma_start3A_51 : memref<80xi32, #tpu.memory_space<vmem>>) semaphore(%arg14 : memref<!tpu.dma_semaphore, #tpu.memory_space<semaphore_mem>>)
      %add3A_55 = arith.constant 1 : i32
      %add3A_56 = arith.addi %add3A_43, %add3A_55 : i32
      %dma_start3A_57 = arith.constant 0 : i32
      %dma_start3A_58 = tpu.memref_slice %arg8[%add3A_56, %dma_start3A_57] : memref<43x80xi32, #tpu.memory_space<vmem>> -> memref<1x80xi32, #tpu.memory_space<vmem>>
      %dma_start3A_59 = tpu.memref_squeeze %dma_start3A_58 : memref<1x80xi32, #tpu.memory_space<vmem>> -> memref<80xi32, #tpu.memory_space<vmem>>
      %dma_start3A_60 = arith.constant 0 : i32
      %dma_start3A_61 = arith.constant 0 : i32
      %dma_start3A_62 = tpu.memref_slice %arg2[%dma_start3A_60, %dma_start3A_61] : memref<10000x128xf32, #tpu.memory_space<hbm>> -> memref<10000x128xf32, #tpu.memory_space<hbm>>
      tpu.enqueue_indirect_dma source(%dma_start3A_62 : memref<10000x128xf32, #tpu.memory_space<hbm>>) target(%arg12 : memref<80x128xf32, #tpu.memory_space<vmem>>) offsets(%dma_start3A_59 : memref<80xi32, #tpu.memory_space<vmem>>) semaphore(%arg16 : memref<!tpu.dma_semaphore, #tpu.memory_space<semaphore_mem>>)
      %dma_wait3A_63 = arith.constant 0 : i32
      %dma_wait3A_64 = arith.constant 0 : i32
      %dma_wait3A_65 = tpu.memref_slice %arg7[%dma_wait3A_63, %dma_wait3A_64] : memref<43x80xi32, #tpu.memory_space<vmem>> -> memref<1x80xi32, #tpu.memory_space<vmem>>
      %dma_wait3A_66 = tpu.memref_squeeze %dma_wait3A_65 : memref<1x80xi32, #tpu.memory_space<vmem>> -> memref<80xi32, #tpu.memory_space<vmem>>
      %dma_wait3A_67 = arith.constant 0 : i32
      %dma_wait3A_68 = arith.constant 0 : i32
      %dma_wait3A_69 = tpu.memref_slice %arg2[%dma_wait3A_67, %dma_wait3A_68] : memref<10000x128xf32, #tpu.memory_space<hbm>> -> memref<10000x128xf32, #tpu.memory_space<hbm>>
      tpu.wait_indirect_dma semaphore(%arg13 : memref<!tpu.dma_semaphore, #tpu.memory_space<semaphore_mem>>) src(%dma_wait3A_69 : memref<10000x128xf32, #tpu.memory_space<hbm>>) dst(%arg9 : memref<80x128xf32, #tpu.memory_space<vmem>>)
      "tpu.region"() ({
        %run_scoped3A = tpu.sem_alloc : memref<!tpu.dma_semaphore, #tpu.memory_space<semaphore_mem>>
        %dma_start3A_99 = arith.constant 0 : i32
        %dma_start3A_100 = tpu.memref_slice %arg5[%add3A_46, %dma_start3A_99] : memref<110080x128xf32, #tpu.memory_space<hbm>> -> memref<80x128xf32, #tpu.memory_space<hbm>>
        %dma_start3A_101 = arith.constant 0 : i32
        %dma_start3A_102 = tpu.memref_slice %arg5[%add3A_46, %dma_start3A_101] : memref<110080x128xf32, #tpu.memory_space<hbm>> -> memref<80x128xf32, #tpu.memory_space<hbm>>
        tpu.enqueue_dma source(%arg9 : memref<80x128xf32, #tpu.memory_space<vmem>>) target(%dma_start3A_102 : memref<80x128xf32, #tpu.memory_space<hbm>>) target_semaphore(%run_scoped3A : memref<!tpu.dma_semaphore, #tpu.memory_space<semaphore_mem>>)
        %dma_wait3A_103 = arith.constant 0 : i32
        %dma_wait3A_104 = tpu.memref_slice %arg5[%add3A_46, %dma_wait3A_103] : memref<110080x128xf32, #tpu.memory_space<hbm>> -> memref<80x128xf32, #tpu.memory_space<hbm>>
        %dma_wait3A_105 = arith.constant 0 : i32
        %dma_wait3A_106 = tpu.memref_slice %arg5[%add3A_46, %dma_wait3A_105] : memref<110080x128xf32, #tpu.memory_space<hbm>> -> memref<80x128xf32, #tpu.memory_space<hbm>>
        tpu.wait_dma2 semaphore(%run_scoped3A : memref<!tpu.dma_semaphore, #tpu.memory_space<semaphore_mem>>) src(%arg9 : memref<80x128xf32, #tpu.memory_space<vmem>>) dst(%dma_wait3A_106 : memref<80x128xf32, #tpu.memory_space<hbm>>)
        tpu.yield
      }) : () -> ()
      %dma_wait3A_70 = arith.constant 0 : i32
      %dma_wait3A_71 = arith.constant 0 : i32
      %dma_wait3A_72 = tpu.memref_slice %arg7[%dma_wait3A_70, %dma_wait3A_71] : memref<43x80xi32, #tpu.memory_space<vmem>> -> memref<1x80xi32, #tpu.memory_space<vmem>>
      %dma_wait3A_73 = tpu.memref_squeeze %dma_wait3A_72 : memref<1x80xi32, #tpu.memory_space<vmem>> -> memref<80xi32, #tpu.memory_space<vmem>>
      %dma_wait3A_74 = arith.constant 0 : i32
      %dma_wait3A_75 = arith.constant 0 : i32
      %dma_wait3A_76 = tpu.memref_slice %arg2[%dma_wait3A_74, %dma_wait3A_75] : memref<10000x128xf32, #tpu.memory_space<hbm>> -> memref<10000x128xf32, #tpu.memory_space<hbm>>
      tpu.wait_indirect_dma semaphore(%arg15 : memref<!tpu.dma_semaphore, #tpu.memory_space<semaphore_mem>>) src(%dma_wait3A_76 : memref<10000x128xf32, #tpu.memory_space<hbm>>) dst(%arg11 : memref<80x128xf32, #tpu.memory_space<vmem>>)
      "tpu.region"() ({
        %run_scoped3A = tpu.sem_alloc : memref<!tpu.dma_semaphore, #tpu.memory_space<semaphore_mem>>
        %dma_start3A_99 = arith.constant 0 : i32
        %dma_start3A_100 = tpu.memref_slice %arg6[%add3A_46, %dma_start3A_99] : memref<110080x128xf32, #tpu.memory_space<hbm>> -> memref<80x128xf32, #tpu.memory_space<hbm>>
        %dma_start3A_101 = arith.constant 0 : i32
        %dma_start3A_102 = tpu.memref_slice %arg6[%add3A_46, %dma_start3A_101] : memref<110080x128xf32, #tpu.memory_space<hbm>> -> memref<80x128xf32, #tpu.memory_space<hbm>>
        tpu.enqueue_dma source(%arg11 : memref<80x128xf32, #tpu.memory_space<vmem>>) target(%dma_start3A_102 : memref<80x128xf32, #tpu.memory_space<hbm>>) target_semaphore(%run_scoped3A : memref<!tpu.dma_semaphore, #tpu.memory_space<semaphore_mem>>)
        %dma_wait3A_103 = arith.constant 0 : i32
        %dma_wait3A_104 = tpu.memref_slice %arg6[%add3A_46, %dma_wait3A_103] : memref<110080x128xf32, #tpu.memory_space<hbm>> -> memref<80x128xf32, #tpu.memory_space<hbm>>
        %dma_wait3A_105 = arith.constant 0 : i32
        %dma_wait3A_106 = tpu.memref_slice %arg6[%add3A_46, %dma_wait3A_105] : memref<110080x128xf32, #tpu.memory_space<hbm>> -> memref<80x128xf32, #tpu.memory_space<hbm>>
        tpu.wait_dma2 semaphore(%run_scoped3A : memref<!tpu.dma_semaphore, #tpu.memory_space<semaphore_mem>>) src(%arg11 : memref<80x128xf32, #tpu.memory_space<vmem>>) dst(%dma_wait3A_106 : memref<80x128xf32, #tpu.memory_space<hbm>>)
        tpu.yield
      }) : () -> ()
      %add3A_77 = arith.constant 2 : i32
      %add3A_78 = arith.addi %add3A_43, %add3A_77 : i32
      %lt3A = arith.constant 43 : i32
      %lt3A_79 = arith.cmpi slt, %add3A_78, %lt3A : i32
      %convert_element_type3A = arith.extui %lt3A_79 : i1 to i32
      %cond3A = arith.constant 0 : i32
      %cond3A_80 = arith.cmpi ne, %convert_element_type3A, %cond3A : i32
      scf.if %cond3A_80 {
        %add3A_99 = arith.constant 2 : i32
        %add3A_100 = arith.addi %add3A_43, %add3A_99 : i32
        %dma_start3A_101 = arith.constant 0 : i32
        %dma_start3A_102 = tpu.memref_slice %arg7[%add3A_100, %dma_start3A_101] : memref<43x80xi32, #tpu.memory_space<vmem>> -> memref<1x80xi32, #tpu.memory_space<vmem>>
        %dma_start3A_103 = tpu.memref_squeeze %dma_start3A_102 : memref<1x80xi32, #tpu.memory_space<vmem>> -> memref<80xi32, #tpu.memory_space<vmem>>
        %dma_start3A_104 = arith.constant 0 : i32
        %dma_start3A_105 = arith.constant 0 : i32
        %dma_start3A_106 = tpu.memref_slice %arg2[%dma_start3A_104, %dma_start3A_105] : memref<10000x128xf32, #tpu.memory_space<hbm>> -> memref<10000x128xf32, #tpu.memory_space<hbm>>
        tpu.enqueue_indirect_dma source(%dma_start3A_106 : memref<10000x128xf32, #tpu.memory_space<hbm>>) target(%arg9 : memref<80x128xf32, #tpu.memory_space<vmem>>) offsets(%dma_start3A_103 : memref<80xi32, #tpu.memory_space<vmem>>) semaphore(%arg13 : memref<!tpu.dma_semaphore, #tpu.memory_space<semaphore_mem>>)
        %add3A_107 = arith.constant 2 : i32
        %add3A_108 = arith.addi %add3A_43, %add3A_107 : i32
        %dma_start3A_109 = arith.constant 0 : i32
        %dma_start3A_110 = tpu.memref_slice %arg8[%add3A_108, %dma_start3A_109] : memref<43x80xi32, #tpu.memory_space<vmem>> -> memref<1x80xi32, #tpu.memory_space<vmem>>
        %dma_start3A_111 = tpu.memref_squeeze %dma_start3A_110 : memref<1x80xi32, #tpu.memory_space<vmem>> -> memref<80xi32, #tpu.memory_space<vmem>>
        %dma_start3A_112 = arith.constant 0 : i32
        %dma_start3A_113 = arith.constant 0 : i32
        %dma_start3A_114 = tpu.memref_slice %arg2[%dma_start3A_112, %dma_start3A_113] : memref<10000x128xf32, #tpu.memory_space<hbm>> -> memref<10000x128xf32, #tpu.memory_space<hbm>>
        tpu.enqueue_indirect_dma source(%dma_start3A_114 : memref<10000x128xf32, #tpu.memory_space<hbm>>) target(%arg11 : memref<80x128xf32, #tpu.memory_space<vmem>>) offsets(%dma_start3A_111 : memref<80xi32, #tpu.memory_space<vmem>>) semaphore(%arg15 : memref<!tpu.dma_semaphore, #tpu.memory_space<semaphore_mem>>)
      } else {
      }
      %dma_wait3A_81 = arith.constant 0 : i32
      %dma_wait3A_82 = arith.constant 0 : i32
      %dma_wait3A_83 = tpu.memref_slice %arg7[%dma_wait3A_81, %dma_wait3A_82] : memref<43x80xi32, #tpu.memory_space<vmem>> -> memref<1x80xi32, #tpu.memory_space<vmem>>
      %dma_wait3A_84 = tpu.memref_squeeze %dma_wait3A_83 : memref<1x80xi32, #tpu.memory_space<vmem>> -> memref<80xi32, #tpu.memory_space<vmem>>
      %dma_wait3A_85 = arith.constant 0 : i32
      %dma_wait3A_86 = arith.constant 0 : i32
      %dma_wait3A_87 = tpu.memref_slice %arg2[%dma_wait3A_85, %dma_wait3A_86] : memref<10000x128xf32, #tpu.memory_space<hbm>> -> memref<10000x128xf32, #tpu.memory_space<hbm>>
      tpu.wait_indirect_dma semaphore(%arg14 : memref<!tpu.dma_semaphore, #tpu.memory_space<semaphore_mem>>) src(%dma_wait3A_87 : memref<10000x128xf32, #tpu.memory_space<hbm>>) dst(%arg10 : memref<80x128xf32, #tpu.memory_space<vmem>>)
      %add3A_88 = arith.constant 80 : i32
      %add3A_89 = arith.addi %add3A_46, %add3A_88 : i32
      "tpu.region"() ({
        %run_scoped3A = tpu.sem_alloc : memref<!tpu.dma_semaphore, #tpu.memory_space<semaphore_mem>>
        %dma_start3A_99 = arith.constant 0 : i32
        %dma_start3A_100 = tpu.memref_slice %arg5[%add3A_89, %dma_start3A_99] : memref<110080x128xf32, #tpu.memory_space<hbm>> -> memref<80x128xf32, #tpu.memory_space<hbm>>
        %dma_start3A_101 = arith.constant 0 : i32
        %dma_start3A_102 = tpu.memref_slice %arg5[%add3A_89, %dma_start3A_101] : memref<110080x128xf32, #tpu.memory_space<hbm>> -> memref<80x128xf32, #tpu.memory_space<hbm>>
        tpu.enqueue_dma source(%arg10 : memref<80x128xf32, #tpu.memory_space<vmem>>) target(%dma_start3A_102 : memref<80x128xf32, #tpu.memory_space<hbm>>) target_semaphore(%run_scoped3A : memref<!tpu.dma_semaphore, #tpu.memory_space<semaphore_mem>>)
        %dma_wait3A_103 = arith.constant 0 : i32
        %dma_wait3A_104 = tpu.memref_slice %arg5[%add3A_89, %dma_wait3A_103] : memref<110080x128xf32, #tpu.memory_space<hbm>> -> memref<80x128xf32, #tpu.memory_space<hbm>>
        %dma_wait3A_105 = arith.constant 0 : i32
        %dma_wait3A_106 = tpu.memref_slice %arg5[%add3A_89, %dma_wait3A_105] : memref<110080x128xf32, #tpu.memory_space<hbm>> -> memref<80x128xf32, #tpu.memory_space<hbm>>
        tpu.wait_dma2 semaphore(%run_scoped3A : memref<!tpu.dma_semaphore, #tpu.memory_space<semaphore_mem>>) src(%arg10 : memref<80x128xf32, #tpu.memory_space<vmem>>) dst(%dma_wait3A_106 : memref<80x128xf32, #tpu.memory_space<hbm>>)
        tpu.yield
      }) : () -> ()
      %dma_wait3A_90 = arith.constant 0 : i32
      %dma_wait3A_91 = arith.constant 0 : i32
      %dma_wait3A_92 = tpu.memref_slice %arg7[%dma_wait3A_90, %dma_wait3A_91] : memref<43x80xi32, #tpu.memory_space<vmem>> -> memref<1x80xi32, #tpu.memory_space<vmem>>
      %dma_wait3A_93 = tpu.memref_squeeze %dma_wait3A_92 : memref<1x80xi32, #tpu.memory_space<vmem>> -> memref<80xi32, #tpu.memory_space<vmem>>
      %dma_wait3A_94 = arith.constant 0 : i32
      %dma_wait3A_95 = arith.constant 0 : i32
      %dma_wait3A_96 = tpu.memref_slice %arg2[%dma_wait3A_94, %dma_wait3A_95] : memref<10000x128xf32, #tpu.memory_space<hbm>> -> memref<10000x128xf32, #tpu.memory_space<hbm>>
      tpu.wait_indirect_dma semaphore(%arg16 : memref<!tpu.dma_semaphore, #tpu.memory_space<semaphore_mem>>) src(%dma_wait3A_96 : memref<10000x128xf32, #tpu.memory_space<hbm>>) dst(%arg12 : memref<80x128xf32, #tpu.memory_space<vmem>>)
      %add3A_97 = arith.constant 80 : i32
      %add3A_98 = arith.addi %add3A_46, %add3A_97 : i32
      "tpu.region"() ({
        %run_scoped3A = tpu.sem_alloc : memref<!tpu.dma_semaphore, #tpu.memory_space<semaphore_mem>>
        %dma_start3A_99 = arith.constant 0 : i32
        %dma_start3A_100 = tpu.memref_slice %arg6[%add3A_98, %dma_start3A_99] : memref<110080x128xf32, #tpu.memory_space<hbm>> -> memref<80x128xf32, #tpu.memory_space<hbm>>
        %dma_start3A_101 = arith.constant 0 : i32
        %dma_start3A_102 = tpu.memref_slice %arg6[%add3A_98, %dma_start3A_101] : memref<110080x128xf32, #tpu.memory_space<hbm>> -> memref<80x128xf32, #tpu.memory_space<hbm>>
        tpu.enqueue_dma source(%arg12 : memref<80x128xf32, #tpu.memory_space<vmem>>) target(%dma_start3A_102 : memref<80x128xf32, #tpu.memory_space<hbm>>) target_semaphore(%run_scoped3A : memref<!tpu.dma_semaphore, #tpu.memory_space<semaphore_mem>>)
        %dma_wait3A_103 = arith.constant 0 : i32
        %dma_wait3A_104 = tpu.memref_slice %arg6[%add3A_98, %dma_wait3A_103] : memref<110080x128xf32, #tpu.memory_space<hbm>> -> memref<80x128xf32, #tpu.memory_space<hbm>>
        %dma_wait3A_105 = arith.constant 0 : i32
        %dma_wait3A_106 = tpu.memref_slice %arg6[%add3A_98, %dma_wait3A_105] : memref<110080x128xf32, #tpu.memory_space<hbm>> -> memref<80x128xf32, #tpu.memory_space<hbm>>
        tpu.wait_dma2 semaphore(%run_scoped3A : memref<!tpu.dma_semaphore, #tpu.memory_space<semaphore_mem>>) src(%arg12 : memref<80x128xf32, #tpu.memory_space<vmem>>) dst(%dma_wait3A_106 : memref<80x128xf32, #tpu.memory_space<hbm>>)
        tpu.yield
      }) : () -> ()
    }
    %scan3A_21 = arith.constant 21 : i32
    %dma_wait3A = arith.constant 0 : i32
    %dma_wait3A_22 = arith.constant 0 : i32
    %dma_wait3A_23 = tpu.memref_slice %arg7[%dma_wait3A, %dma_wait3A_22] : memref<43x80xi32, #tpu.memory_space<vmem>> -> memref<1x80xi32, #tpu.memory_space<vmem>>
    %dma_wait3A_24 = tpu.memref_squeeze %dma_wait3A_23 : memref<1x80xi32, #tpu.memory_space<vmem>> -> memref<80xi32, #tpu.memory_space<vmem>>
    %dma_wait3A_25 = arith.constant 0 : i32
    %dma_wait3A_26 = arith.constant 0 : i32
    %dma_wait3A_27 = tpu.memref_slice %arg2[%dma_wait3A_25, %dma_wait3A_26] : memref<10000x128xf32, #tpu.memory_space<hbm>> -> memref<10000x128xf32, #tpu.memory_space<hbm>>
    tpu.wait_indirect_dma semaphore(%arg13 : memref<!tpu.dma_semaphore, #tpu.memory_space<semaphore_mem>>) src(%dma_wait3A_27 : memref<10000x128xf32, #tpu.memory_space<hbm>>) dst(%arg9 : memref<80x128xf32, #tpu.memory_space<vmem>>)
    %add3A_28 = arith.constant 3360 : i32
    %add3A_29 = arith.addi %mul3A_4, %add3A_28 : i32
    "tpu.region"() ({
      %run_scoped3A = tpu.sem_alloc : memref<!tpu.dma_semaphore, #tpu.memory_space<semaphore_mem>>
      %dma_start3A_39 = arith.constant 0 : i32
      %dma_start3A_40 = tpu.memref_slice %arg5[%add3A_29, %dma_start3A_39] : memref<110080x128xf32, #tpu.memory_space<hbm>> -> memref<80x128xf32, #tpu.memory_space<hbm>>
      %dma_start3A_41 = arith.constant 0 : i32
      %dma_start3A_42 = tpu.memref_slice %arg5[%add3A_29, %dma_start3A_41] : memref<110080x128xf32, #tpu.memory_space<hbm>> -> memref<80x128xf32, #tpu.memory_space<hbm>>
      tpu.enqueue_dma source(%arg9 : memref<80x128xf32, #tpu.memory_space<vmem>>) target(%dma_start3A_42 : memref<80x128xf32, #tpu.memory_space<hbm>>) target_semaphore(%run_scoped3A : memref<!tpu.dma_semaphore, #tpu.memory_space<semaphore_mem>>)
      %dma_wait3A_43 = arith.constant 0 : i32
      %dma_wait3A_44 = tpu.memref_slice %arg5[%add3A_29, %dma_wait3A_43] : memref<110080x128xf32, #tpu.memory_space<hbm>> -> memref<80x128xf32, #tpu.memory_space<hbm>>
      %dma_wait3A_45 = arith.constant 0 : i32
      %dma_wait3A_46 = tpu.memref_slice %arg5[%add3A_29, %dma_wait3A_45] : memref<110080x128xf32, #tpu.memory_space<hbm>> -> memref<80x128xf32, #tpu.memory_space<hbm>>
      tpu.wait_dma2 semaphore(%run_scoped3A : memref<!tpu.dma_semaphore, #tpu.memory_space<semaphore_mem>>) src(%arg9 : memref<80x128xf32, #tpu.memory_space<vmem>>) dst(%dma_wait3A_46 : memref<80x128xf32, #tpu.memory_space<hbm>>)
      tpu.yield
    }) : () -> ()
    %dma_wait3A_30 = arith.constant 0 : i32
    %dma_wait3A_31 = arith.constant 0 : i32
    %dma_wait3A_32 = tpu.memref_slice %arg7[%dma_wait3A_30, %dma_wait3A_31] : memref<43x80xi32, #tpu.memory_space<vmem>> -> memref<1x80xi32, #tpu.memory_space<vmem>>
    %dma_wait3A_33 = tpu.memref_squeeze %dma_wait3A_32 : memref<1x80xi32, #tpu.memory_space<vmem>> -> memref<80xi32, #tpu.memory_space<vmem>>
    %dma_wait3A_34 = arith.constant 0 : i32
    %dma_wait3A_35 = arith.constant 0 : i32
    %dma_wait3A_36 = tpu.memref_slice %arg2[%dma_wait3A_34, %dma_wait3A_35] : memref<10000x128xf32, #tpu.memory_space<hbm>> -> memref<10000x128xf32, #tpu.memory_space<hbm>>
    tpu.wait_indirect_dma semaphore(%arg15 : memref<!tpu.dma_semaphore, #tpu.memory_space<semaphore_mem>>) src(%dma_wait3A_36 : memref<10000x128xf32, #tpu.memory_space<hbm>>) dst(%arg11 : memref<80x128xf32, #tpu.memory_space<vmem>>)
    %add3A_37 = arith.constant 3360 : i32
    %add3A_38 = arith.addi %mul3A_4, %add3A_37 : i32
    "tpu.region"() ({
      %run_scoped3A = tpu.sem_alloc : memref<!tpu.dma_semaphore, #tpu.memory_space<semaphore_mem>>
      %dma_start3A_39 = arith.constant 0 : i32
      %dma_start3A_40 = tpu.memref_slice %arg6[%add3A_38, %dma_start3A_39] : memref<110080x128xf32, #tpu.memory_space<hbm>> -> memref<80x128xf32, #tpu.memory_space<hbm>>
      %dma_start3A_41 = arith.constant 0 : i32
      %dma_start3A_42 = tpu.memref_slice %arg6[%add3A_38, %dma_start3A_41] : memref<110080x128xf32, #tpu.memory_space<hbm>> -> memref<80x128xf32, #tpu.memory_space<hbm>>
      tpu.enqueue_dma source(%arg11 : memref<80x128xf32, #tpu.memory_space<vmem>>) target(%dma_start3A_42 : memref<80x128xf32, #tpu.memory_space<hbm>>) target_semaphore(%run_scoped3A : memref<!tpu.dma_semaphore, #tpu.memory_space<semaphore_mem>>)
      %dma_wait3A_43 = arith.constant 0 : i32
      %dma_wait3A_44 = tpu.memref_slice %arg6[%add3A_38, %dma_wait3A_43] : memref<110080x128xf32, #tpu.memory_space<hbm>> -> memref<80x128xf32, #tpu.memory_space<hbm>>
      %dma_wait3A_45 = arith.constant 0 : i32
      %dma_wait3A_46 = tpu.memref_slice %arg6[%add3A_38, %dma_wait3A_45] : memref<110080x128xf32, #tpu.memory_space<hbm>> -> memref<80x128xf32, #tpu.memory_space<hbm>>
      tpu.wait_dma2 semaphore(%run_scoped3A : memref<!tpu.dma_semaphore, #tpu.memory_space<semaphore_mem>>) src(%arg11 : memref<80x128xf32, #tpu.memory_space<vmem>>) dst(%dma_wait3A_46 : memref<80x128xf32, #tpu.memory_space<hbm>>)
      tpu.yield
    }) : () -> ()
    return
  }
}

#map = affine_map<(d0, d1) -> (0, 0)>
#map1 = affine_map<(d0, d1) -> (0, 0, 0)>
module attributes {stable_mosaic.version = 14 : i64} {
  func.func @body(%arg0: i32, %arg1: i32, %arg2: memref<10000x128xf32, #tpu.memory_space<hbm>>, %arg3: memref<32x41x80xi32, #tpu.memory_space<hbm>>, %arg4: memref<32x41x80xi32, #tpu.memory_space<hbm>>, %arg5: memref<104960x128xf32, #tpu.memory_space<hbm>>, %arg6: memref<104960x128xf32, #tpu.memory_space<hbm>>, %arg7: memref<41x80xi32, #tpu.memory_space<vmem>>, %arg8: memref<41x80xi32, #tpu.memory_space<vmem>>, %arg9: memref<80x128xf32, #tpu.memory_space<vmem>>, %arg10: memref<80x128xf32, #tpu.memory_space<vmem>>, %arg11: memref<80x128xf32, #tpu.memory_space<vmem>>, %arg12: memref<80x128xf32, #tpu.memory_space<vmem>>, %arg13: memref<!tpu.dma_semaphore, #tpu.memory_space<semaphore_mem>>, %arg14: memref<!tpu.dma_semaphore, #tpu.memory_space<semaphore_mem>>, %arg15: memref<!tpu.dma_semaphore, #tpu.memory_space<semaphore_mem>>, %arg16: memref<!tpu.dma_semaphore, #tpu.memory_space<semaphore_mem>>) attributes {dimension_semantics = [#tpu.dimension_semantics<core_parallel>, #tpu.dimension_semantics<subcore_parallel>], iteration_bounds = array<i64: 2, 16>, scalar_prefetch = 0 : i64, scratch_operands = 10 : i64, tpu.core_type = #tpu.core_type<sc_vector_subcore>, window_params = [{transform_indices = #map}, {transform_indices = #map1}, {transform_indices = #map1}, {transform_indices = #map}, {transform_indices = #map}]} {
    %mul3A = arith.constant 16 : i32
    %mul3A_0 = arith.muli %arg0, %mul3A : i32
    %add3A = arith.addi %mul3A_0, %arg1 : i32
    "tpu.region"() ({
      %run_scoped3A = tpu.sem_alloc : memref<!tpu.dma_semaphore, #tpu.memory_space<semaphore_mem>>
      %dma_start3A_39 = arith.constant 0 : i32
      %dma_start3A_40 = arith.constant 0 : i32
      %dma_start3A_41 = tpu.memref_slice %arg3[%add3A, %dma_start3A_39, %dma_start3A_40] : memref<32x41x80xi32, #tpu.memory_space<hbm>> -> memref<1x41x80xi32, #tpu.memory_space<hbm>>
      %dma_start3A_42 = tpu.memref_squeeze %dma_start3A_41 : memref<1x41x80xi32, #tpu.memory_space<hbm>> -> memref<41x80xi32, #tpu.memory_space<hbm>>
      %dma_start3A_43 = arith.constant 0 : i32
      %dma_start3A_44 = arith.constant 0 : i32
      %dma_start3A_45 = tpu.memref_slice %arg3[%add3A, %dma_start3A_43, %dma_start3A_44] : memref<32x41x80xi32, #tpu.memory_space<hbm>> -> memref<1x41x80xi32, #tpu.memory_space<hbm>>
      %dma_start3A_46 = tpu.memref_squeeze %dma_start3A_45 : memref<1x41x80xi32, #tpu.memory_space<hbm>> -> memref<41x80xi32, #tpu.memory_space<hbm>>
      tpu.enqueue_dma source(%dma_start3A_46 : memref<41x80xi32, #tpu.memory_space<hbm>>) target(%arg7 : memref<41x80xi32, #tpu.memory_space<vmem>>) target_semaphore(%run_scoped3A : memref<!tpu.dma_semaphore, #tpu.memory_space<semaphore_mem>>)
      %dma_wait3A_47 = arith.constant 0 : i32
      %dma_wait3A_48 = arith.constant 0 : i32
      %dma_wait3A_49 = tpu.memref_slice %arg3[%add3A, %dma_wait3A_47, %dma_wait3A_48] : memref<32x41x80xi32, #tpu.memory_space<hbm>> -> memref<1x41x80xi32, #tpu.memory_space<hbm>>
      %dma_wait3A_50 = tpu.memref_squeeze %dma_wait3A_49 : memref<1x41x80xi32, #tpu.memory_space<hbm>> -> memref<41x80xi32, #tpu.memory_space<hbm>>
      %dma_wait3A_51 = arith.constant 0 : i32
      %dma_wait3A_52 = arith.constant 0 : i32
      %dma_wait3A_53 = tpu.memref_slice %arg3[%add3A, %dma_wait3A_51, %dma_wait3A_52] : memref<32x41x80xi32, #tpu.memory_space<hbm>> -> memref<1x41x80xi32, #tpu.memory_space<hbm>>
      %dma_wait3A_54 = tpu.memref_squeeze %dma_wait3A_53 : memref<1x41x80xi32, #tpu.memory_space<hbm>> -> memref<41x80xi32, #tpu.memory_space<hbm>>
      tpu.wait_dma2 semaphore(%run_scoped3A : memref<!tpu.dma_semaphore, #tpu.memory_space<semaphore_mem>>) src(%dma_wait3A_54 : memref<41x80xi32, #tpu.memory_space<hbm>>) dst(%arg7 : memref<41x80xi32, #tpu.memory_space<vmem>>)
      tpu.yield
    }) : () -> ()
    "tpu.region"() ({
      %run_scoped3A = tpu.sem_alloc : memref<!tpu.dma_semaphore, #tpu.memory_space<semaphore_mem>>
      %dma_start3A_39 = arith.constant 0 : i32
      %dma_start3A_40 = arith.constant 0 : i32
      %dma_start3A_41 = tpu.memref_slice %arg4[%add3A, %dma_start3A_39, %dma_start3A_40] : memref<32x41x80xi32, #tpu.memory_space<hbm>> -> memref<1x41x80xi32, #tpu.memory_space<hbm>>
      %dma_start3A_42 = tpu.memref_squeeze %dma_start3A_41 : memref<1x41x80xi32, #tpu.memory_space<hbm>> -> memref<41x80xi32, #tpu.memory_space<hbm>>
      %dma_start3A_43 = arith.constant 0 : i32
      %dma_start3A_44 = arith.constant 0 : i32
      %dma_start3A_45 = tpu.memref_slice %arg4[%add3A, %dma_start3A_43, %dma_start3A_44] : memref<32x41x80xi32, #tpu.memory_space<hbm>> -> memref<1x41x80xi32, #tpu.memory_space<hbm>>
      %dma_start3A_46 = tpu.memref_squeeze %dma_start3A_45 : memref<1x41x80xi32, #tpu.memory_space<hbm>> -> memref<41x80xi32, #tpu.memory_space<hbm>>
      tpu.enqueue_dma source(%dma_start3A_46 : memref<41x80xi32, #tpu.memory_space<hbm>>) target(%arg8 : memref<41x80xi32, #tpu.memory_space<vmem>>) target_semaphore(%run_scoped3A : memref<!tpu.dma_semaphore, #tpu.memory_space<semaphore_mem>>)
      %dma_wait3A_47 = arith.constant 0 : i32
      %dma_wait3A_48 = arith.constant 0 : i32
      %dma_wait3A_49 = tpu.memref_slice %arg4[%add3A, %dma_wait3A_47, %dma_wait3A_48] : memref<32x41x80xi32, #tpu.memory_space<hbm>> -> memref<1x41x80xi32, #tpu.memory_space<hbm>>
      %dma_wait3A_50 = tpu.memref_squeeze %dma_wait3A_49 : memref<1x41x80xi32, #tpu.memory_space<hbm>> -> memref<41x80xi32, #tpu.memory_space<hbm>>
      %dma_wait3A_51 = arith.constant 0 : i32
      %dma_wait3A_52 = arith.constant 0 : i32
      %dma_wait3A_53 = tpu.memref_slice %arg4[%add3A, %dma_wait3A_51, %dma_wait3A_52] : memref<32x41x80xi32, #tpu.memory_space<hbm>> -> memref<1x41x80xi32, #tpu.memory_space<hbm>>
      %dma_wait3A_54 = tpu.memref_squeeze %dma_wait3A_53 : memref<1x41x80xi32, #tpu.memory_space<hbm>> -> memref<41x80xi32, #tpu.memory_space<hbm>>
      tpu.wait_dma2 semaphore(%run_scoped3A : memref<!tpu.dma_semaphore, #tpu.memory_space<semaphore_mem>>) src(%dma_wait3A_54 : memref<41x80xi32, #tpu.memory_space<hbm>>) dst(%arg8 : memref<41x80xi32, #tpu.memory_space<vmem>>)
      tpu.yield
    }) : () -> ()
    %mul3A_1 = arith.constant 41 : i32
    %mul3A_2 = arith.muli %add3A, %mul3A_1 : i32
    %mul3A_3 = arith.constant 80 : i32
    %mul3A_4 = arith.muli %mul3A_2, %mul3A_3 : i32
    %dma_start3A = arith.constant 0 : i32
    %dma_start3A_5 = arith.constant 0 : i32
    %dma_start3A_6 = tpu.memref_slice %arg7[%dma_start3A, %dma_start3A_5] : memref<41x80xi32, #tpu.memory_space<vmem>> -> memref<1x80xi32, #tpu.memory_space<vmem>>
    %dma_start3A_7 = tpu.memref_squeeze %dma_start3A_6 : memref<1x80xi32, #tpu.memory_space<vmem>> -> memref<80xi32, #tpu.memory_space<vmem>>
    %dma_start3A_8 = arith.constant 0 : i32
    %dma_start3A_9 = arith.constant 0 : i32
    %dma_start3A_10 = tpu.memref_slice %arg2[%dma_start3A_8, %dma_start3A_9] : memref<10000x128xf32, #tpu.memory_space<hbm>> -> memref<10000x128xf32, #tpu.memory_space<hbm>>
    tpu.enqueue_indirect_dma source(%dma_start3A_10 : memref<10000x128xf32, #tpu.memory_space<hbm>>) target(%arg9 : memref<80x128xf32, #tpu.memory_space<vmem>>) offsets(%dma_start3A_7 : memref<80xi32, #tpu.memory_space<vmem>>) semaphore(%arg13 : memref<!tpu.dma_semaphore, #tpu.memory_space<semaphore_mem>>)
    %dma_start3A_11 = arith.constant 0 : i32
    %dma_start3A_12 = arith.constant 0 : i32
    %dma_start3A_13 = tpu.memref_slice %arg8[%dma_start3A_11, %dma_start3A_12] : memref<41x80xi32, #tpu.memory_space<vmem>> -> memref<1x80xi32, #tpu.memory_space<vmem>>
    %dma_start3A_14 = tpu.memref_squeeze %dma_start3A_13 : memref<1x80xi32, #tpu.memory_space<vmem>> -> memref<80xi32, #tpu.memory_space<vmem>>
    %dma_start3A_15 = arith.constant 0 : i32
    %dma_start3A_16 = arith.constant 0 : i32
    %dma_start3A_17 = tpu.memref_slice %arg2[%dma_start3A_15, %dma_start3A_16] : memref<10000x128xf32, #tpu.memory_space<hbm>> -> memref<10000x128xf32, #tpu.memory_space<hbm>>
    tpu.enqueue_indirect_dma source(%dma_start3A_17 : memref<10000x128xf32, #tpu.memory_space<hbm>>) target(%arg11 : memref<80x128xf32, #tpu.memory_space<vmem>>) offsets(%dma_start3A_14 : memref<80xi32, #tpu.memory_space<vmem>>) semaphore(%arg15 : memref<!tpu.dma_semaphore, #tpu.memory_space<semaphore_mem>>)
    %scan3A = arith.constant 0 : i32
    %scan3A_18 = arith.constant 20 : i32
    %scan3A_19 = arith.addi %scan3A, %scan3A_18 : i32
    %scan3A_20 = arith.constant 1 : i32
    scf.for %scan3A_39 = %scan3A to %scan3A_19 step %scan3A_20  : i32 {
      %mul3A_40 = arith.constant 2 : i32
      %mul3A_41 = arith.muli %scan3A_39, %mul3A_40 : i32
      %add3A_42 = arith.constant 0 : i32
      %add3A_43 = arith.addi %add3A_42, %mul3A_41 : i32
      %mul3A_44 = arith.constant 80 : i32
      %mul3A_45 = arith.muli %add3A_43, %mul3A_44 : i32
      %add3A_46 = arith.addi %mul3A_4, %mul3A_45 : i32
      %add3A_47 = arith.constant 1 : i32
      %add3A_48 = arith.addi %add3A_43, %add3A_47 : i32
      %dma_start3A_49 = arith.constant 0 : i32
      %dma_start3A_50 = tpu.memref_slice %arg7[%add3A_48, %dma_start3A_49] : memref<41x80xi32, #tpu.memory_space<vmem>> -> memref<1x80xi32, #tpu.memory_space<vmem>>
      %dma_start3A_51 = tpu.memref_squeeze %dma_start3A_50 : memref<1x80xi32, #tpu.memory_space<vmem>> -> memref<80xi32, #tpu.memory_space<vmem>>
      %dma_start3A_52 = arith.constant 0 : i32
      %dma_start3A_53 = arith.constant 0 : i32
      %dma_start3A_54 = tpu.memref_slice %arg2[%dma_start3A_52, %dma_start3A_53] : memref<10000x128xf32, #tpu.memory_space<hbm>> -> memref<10000x128xf32, #tpu.memory_space<hbm>>
      tpu.enqueue_indirect_dma source(%dma_start3A_54 : memref<10000x128xf32, #tpu.memory_space<hbm>>) target(%arg10 : memref<80x128xf32, #tpu.memory_space<vmem>>) offsets(%dma_start3A_51 : memref<80xi32, #tpu.memory_space<vmem>>) semaphore(%arg14 : memref<!tpu.dma_semaphore, #tpu.memory_space<semaphore_mem>>)
      %add3A_55 = arith.constant 1 : i32
      %add3A_56 = arith.addi %add3A_43, %add3A_55 : i32
      %dma_start3A_57 = arith.constant 0 : i32
      %dma_start3A_58 = tpu.memref_slice %arg8[%add3A_56, %dma_start3A_57] : memref<41x80xi32, #tpu.memory_space<vmem>> -> memref<1x80xi32, #tpu.memory_space<vmem>>
      %dma_start3A_59 = tpu.memref_squeeze %dma_start3A_58 : memref<1x80xi32, #tpu.memory_space<vmem>> -> memref<80xi32, #tpu.memory_space<vmem>>
      %dma_start3A_60 = arith.constant 0 : i32
      %dma_start3A_61 = arith.constant 0 : i32
      %dma_start3A_62 = tpu.memref_slice %arg2[%dma_start3A_60, %dma_start3A_61] : memref<10000x128xf32, #tpu.memory_space<hbm>> -> memref<10000x128xf32, #tpu.memory_space<hbm>>
      tpu.enqueue_indirect_dma source(%dma_start3A_62 : memref<10000x128xf32, #tpu.memory_space<hbm>>) target(%arg12 : memref<80x128xf32, #tpu.memory_space<vmem>>) offsets(%dma_start3A_59 : memref<80xi32, #tpu.memory_space<vmem>>) semaphore(%arg16 : memref<!tpu.dma_semaphore, #tpu.memory_space<semaphore_mem>>)
      %dma_wait3A_63 = arith.constant 0 : i32
      %dma_wait3A_64 = arith.constant 0 : i32
      %dma_wait3A_65 = tpu.memref_slice %arg7[%dma_wait3A_63, %dma_wait3A_64] : memref<41x80xi32, #tpu.memory_space<vmem>> -> memref<1x80xi32, #tpu.memory_space<vmem>>
      %dma_wait3A_66 = tpu.memref_squeeze %dma_wait3A_65 : memref<1x80xi32, #tpu.memory_space<vmem>> -> memref<80xi32, #tpu.memory_space<vmem>>
      %dma_wait3A_67 = arith.constant 0 : i32
      %dma_wait3A_68 = arith.constant 0 : i32
      %dma_wait3A_69 = tpu.memref_slice %arg2[%dma_wait3A_67, %dma_wait3A_68] : memref<10000x128xf32, #tpu.memory_space<hbm>> -> memref<10000x128xf32, #tpu.memory_space<hbm>>
      tpu.wait_indirect_dma semaphore(%arg13 : memref<!tpu.dma_semaphore, #tpu.memory_space<semaphore_mem>>) src(%dma_wait3A_69 : memref<10000x128xf32, #tpu.memory_space<hbm>>) dst(%arg9 : memref<80x128xf32, #tpu.memory_space<vmem>>)
      "tpu.region"() ({
        %run_scoped3A = tpu.sem_alloc : memref<!tpu.dma_semaphore, #tpu.memory_space<semaphore_mem>>
        %dma_start3A_99 = arith.constant 0 : i32
        %dma_start3A_100 = tpu.memref_slice %arg5[%add3A_46, %dma_start3A_99] : memref<104960x128xf32, #tpu.memory_space<hbm>> -> memref<80x128xf32, #tpu.memory_space<hbm>>
        %dma_start3A_101 = arith.constant 0 : i32
        %dma_start3A_102 = tpu.memref_slice %arg5[%add3A_46, %dma_start3A_101] : memref<104960x128xf32, #tpu.memory_space<hbm>> -> memref<80x128xf32, #tpu.memory_space<hbm>>
        tpu.enqueue_dma source(%arg9 : memref<80x128xf32, #tpu.memory_space<vmem>>) target(%dma_start3A_102 : memref<80x128xf32, #tpu.memory_space<hbm>>) target_semaphore(%run_scoped3A : memref<!tpu.dma_semaphore, #tpu.memory_space<semaphore_mem>>)
        %dma_wait3A_103 = arith.constant 0 : i32
        %dma_wait3A_104 = tpu.memref_slice %arg5[%add3A_46, %dma_wait3A_103] : memref<104960x128xf32, #tpu.memory_space<hbm>> -> memref<80x128xf32, #tpu.memory_space<hbm>>
        %dma_wait3A_105 = arith.constant 0 : i32
        %dma_wait3A_106 = tpu.memref_slice %arg5[%add3A_46, %dma_wait3A_105] : memref<104960x128xf32, #tpu.memory_space<hbm>> -> memref<80x128xf32, #tpu.memory_space<hbm>>
        tpu.wait_dma2 semaphore(%run_scoped3A : memref<!tpu.dma_semaphore, #tpu.memory_space<semaphore_mem>>) src(%arg9 : memref<80x128xf32, #tpu.memory_space<vmem>>) dst(%dma_wait3A_106 : memref<80x128xf32, #tpu.memory_space<hbm>>)
        tpu.yield
      }) : () -> ()
      %dma_wait3A_70 = arith.constant 0 : i32
      %dma_wait3A_71 = arith.constant 0 : i32
      %dma_wait3A_72 = tpu.memref_slice %arg7[%dma_wait3A_70, %dma_wait3A_71] : memref<41x80xi32, #tpu.memory_space<vmem>> -> memref<1x80xi32, #tpu.memory_space<vmem>>
      %dma_wait3A_73 = tpu.memref_squeeze %dma_wait3A_72 : memref<1x80xi32, #tpu.memory_space<vmem>> -> memref<80xi32, #tpu.memory_space<vmem>>
      %dma_wait3A_74 = arith.constant 0 : i32
      %dma_wait3A_75 = arith.constant 0 : i32
      %dma_wait3A_76 = tpu.memref_slice %arg2[%dma_wait3A_74, %dma_wait3A_75] : memref<10000x128xf32, #tpu.memory_space<hbm>> -> memref<10000x128xf32, #tpu.memory_space<hbm>>
      tpu.wait_indirect_dma semaphore(%arg15 : memref<!tpu.dma_semaphore, #tpu.memory_space<semaphore_mem>>) src(%dma_wait3A_76 : memref<10000x128xf32, #tpu.memory_space<hbm>>) dst(%arg11 : memref<80x128xf32, #tpu.memory_space<vmem>>)
      "tpu.region"() ({
        %run_scoped3A = tpu.sem_alloc : memref<!tpu.dma_semaphore, #tpu.memory_space<semaphore_mem>>
        %dma_start3A_99 = arith.constant 0 : i32
        %dma_start3A_100 = tpu.memref_slice %arg6[%add3A_46, %dma_start3A_99] : memref<104960x128xf32, #tpu.memory_space<hbm>> -> memref<80x128xf32, #tpu.memory_space<hbm>>
        %dma_start3A_101 = arith.constant 0 : i32
        %dma_start3A_102 = tpu.memref_slice %arg6[%add3A_46, %dma_start3A_101] : memref<104960x128xf32, #tpu.memory_space<hbm>> -> memref<80x128xf32, #tpu.memory_space<hbm>>
        tpu.enqueue_dma source(%arg11 : memref<80x128xf32, #tpu.memory_space<vmem>>) target(%dma_start3A_102 : memref<80x128xf32, #tpu.memory_space<hbm>>) target_semaphore(%run_scoped3A : memref<!tpu.dma_semaphore, #tpu.memory_space<semaphore_mem>>)
        %dma_wait3A_103 = arith.constant 0 : i32
        %dma_wait3A_104 = tpu.memref_slice %arg6[%add3A_46, %dma_wait3A_103] : memref<104960x128xf32, #tpu.memory_space<hbm>> -> memref<80x128xf32, #tpu.memory_space<hbm>>
        %dma_wait3A_105 = arith.constant 0 : i32
        %dma_wait3A_106 = tpu.memref_slice %arg6[%add3A_46, %dma_wait3A_105] : memref<104960x128xf32, #tpu.memory_space<hbm>> -> memref<80x128xf32, #tpu.memory_space<hbm>>
        tpu.wait_dma2 semaphore(%run_scoped3A : memref<!tpu.dma_semaphore, #tpu.memory_space<semaphore_mem>>) src(%arg11 : memref<80x128xf32, #tpu.memory_space<vmem>>) dst(%dma_wait3A_106 : memref<80x128xf32, #tpu.memory_space<hbm>>)
        tpu.yield
      }) : () -> ()
      %add3A_77 = arith.constant 2 : i32
      %add3A_78 = arith.addi %add3A_43, %add3A_77 : i32
      %lt3A = arith.constant 41 : i32
      %lt3A_79 = arith.cmpi slt, %add3A_78, %lt3A : i32
      %convert_element_type3A = arith.extui %lt3A_79 : i1 to i32
      %cond3A = arith.constant 0 : i32
      %cond3A_80 = arith.cmpi ne, %convert_element_type3A, %cond3A : i32
      scf.if %cond3A_80 {
        %add3A_99 = arith.constant 2 : i32
        %add3A_100 = arith.addi %add3A_43, %add3A_99 : i32
        %dma_start3A_101 = arith.constant 0 : i32
        %dma_start3A_102 = tpu.memref_slice %arg7[%add3A_100, %dma_start3A_101] : memref<41x80xi32, #tpu.memory_space<vmem>> -> memref<1x80xi32, #tpu.memory_space<vmem>>
        %dma_start3A_103 = tpu.memref_squeeze %dma_start3A_102 : memref<1x80xi32, #tpu.memory_space<vmem>> -> memref<80xi32, #tpu.memory_space<vmem>>
        %dma_start3A_104 = arith.constant 0 : i32
        %dma_start3A_105 = arith.constant 0 : i32
        %dma_start3A_106 = tpu.memref_slice %arg2[%dma_start3A_104, %dma_start3A_105] : memref<10000x128xf32, #tpu.memory_space<hbm>> -> memref<10000x128xf32, #tpu.memory_space<hbm>>
        tpu.enqueue_indirect_dma source(%dma_start3A_106 : memref<10000x128xf32, #tpu.memory_space<hbm>>) target(%arg9 : memref<80x128xf32, #tpu.memory_space<vmem>>) offsets(%dma_start3A_103 : memref<80xi32, #tpu.memory_space<vmem>>) semaphore(%arg13 : memref<!tpu.dma_semaphore, #tpu.memory_space<semaphore_mem>>)
        %add3A_107 = arith.constant 2 : i32
        %add3A_108 = arith.addi %add3A_43, %add3A_107 : i32
        %dma_start3A_109 = arith.constant 0 : i32
        %dma_start3A_110 = tpu.memref_slice %arg8[%add3A_108, %dma_start3A_109] : memref<41x80xi32, #tpu.memory_space<vmem>> -> memref<1x80xi32, #tpu.memory_space<vmem>>
        %dma_start3A_111 = tpu.memref_squeeze %dma_start3A_110 : memref<1x80xi32, #tpu.memory_space<vmem>> -> memref<80xi32, #tpu.memory_space<vmem>>
        %dma_start3A_112 = arith.constant 0 : i32
        %dma_start3A_113 = arith.constant 0 : i32
        %dma_start3A_114 = tpu.memref_slice %arg2[%dma_start3A_112, %dma_start3A_113] : memref<10000x128xf32, #tpu.memory_space<hbm>> -> memref<10000x128xf32, #tpu.memory_space<hbm>>
        tpu.enqueue_indirect_dma source(%dma_start3A_114 : memref<10000x128xf32, #tpu.memory_space<hbm>>) target(%arg11 : memref<80x128xf32, #tpu.memory_space<vmem>>) offsets(%dma_start3A_111 : memref<80xi32, #tpu.memory_space<vmem>>) semaphore(%arg15 : memref<!tpu.dma_semaphore, #tpu.memory_space<semaphore_mem>>)
      } else {
      }
      %dma_wait3A_81 = arith.constant 0 : i32
      %dma_wait3A_82 = arith.constant 0 : i32
      %dma_wait3A_83 = tpu.memref_slice %arg7[%dma_wait3A_81, %dma_wait3A_82] : memref<41x80xi32, #tpu.memory_space<vmem>> -> memref<1x80xi32, #tpu.memory_space<vmem>>
      %dma_wait3A_84 = tpu.memref_squeeze %dma_wait3A_83 : memref<1x80xi32, #tpu.memory_space<vmem>> -> memref<80xi32, #tpu.memory_space<vmem>>
      %dma_wait3A_85 = arith.constant 0 : i32
      %dma_wait3A_86 = arith.constant 0 : i32
      %dma_wait3A_87 = tpu.memref_slice %arg2[%dma_wait3A_85, %dma_wait3A_86] : memref<10000x128xf32, #tpu.memory_space<hbm>> -> memref<10000x128xf32, #tpu.memory_space<hbm>>
      tpu.wait_indirect_dma semaphore(%arg14 : memref<!tpu.dma_semaphore, #tpu.memory_space<semaphore_mem>>) src(%dma_wait3A_87 : memref<10000x128xf32, #tpu.memory_space<hbm>>) dst(%arg10 : memref<80x128xf32, #tpu.memory_space<vmem>>)
      %add3A_88 = arith.constant 80 : i32
      %add3A_89 = arith.addi %add3A_46, %add3A_88 : i32
      "tpu.region"() ({
        %run_scoped3A = tpu.sem_alloc : memref<!tpu.dma_semaphore, #tpu.memory_space<semaphore_mem>>
        %dma_start3A_99 = arith.constant 0 : i32
        %dma_start3A_100 = tpu.memref_slice %arg5[%add3A_89, %dma_start3A_99] : memref<104960x128xf32, #tpu.memory_space<hbm>> -> memref<80x128xf32, #tpu.memory_space<hbm>>
        %dma_start3A_101 = arith.constant 0 : i32
        %dma_start3A_102 = tpu.memref_slice %arg5[%add3A_89, %dma_start3A_101] : memref<104960x128xf32, #tpu.memory_space<hbm>> -> memref<80x128xf32, #tpu.memory_space<hbm>>
        tpu.enqueue_dma source(%arg10 : memref<80x128xf32, #tpu.memory_space<vmem>>) target(%dma_start3A_102 : memref<80x128xf32, #tpu.memory_space<hbm>>) target_semaphore(%run_scoped3A : memref<!tpu.dma_semaphore, #tpu.memory_space<semaphore_mem>>)
        %dma_wait3A_103 = arith.constant 0 : i32
        %dma_wait3A_104 = tpu.memref_slice %arg5[%add3A_89, %dma_wait3A_103] : memref<104960x128xf32, #tpu.memory_space<hbm>> -> memref<80x128xf32, #tpu.memory_space<hbm>>
        %dma_wait3A_105 = arith.constant 0 : i32
        %dma_wait3A_106 = tpu.memref_slice %arg5[%add3A_89, %dma_wait3A_105] : memref<104960x128xf32, #tpu.memory_space<hbm>> -> memref<80x128xf32, #tpu.memory_space<hbm>>
        tpu.wait_dma2 semaphore(%run_scoped3A : memref<!tpu.dma_semaphore, #tpu.memory_space<semaphore_mem>>) src(%arg10 : memref<80x128xf32, #tpu.memory_space<vmem>>) dst(%dma_wait3A_106 : memref<80x128xf32, #tpu.memory_space<hbm>>)
        tpu.yield
      }) : () -> ()
      %dma_wait3A_90 = arith.constant 0 : i32
      %dma_wait3A_91 = arith.constant 0 : i32
      %dma_wait3A_92 = tpu.memref_slice %arg7[%dma_wait3A_90, %dma_wait3A_91] : memref<41x80xi32, #tpu.memory_space<vmem>> -> memref<1x80xi32, #tpu.memory_space<vmem>>
      %dma_wait3A_93 = tpu.memref_squeeze %dma_wait3A_92 : memref<1x80xi32, #tpu.memory_space<vmem>> -> memref<80xi32, #tpu.memory_space<vmem>>
      %dma_wait3A_94 = arith.constant 0 : i32
      %dma_wait3A_95 = arith.constant 0 : i32
      %dma_wait3A_96 = tpu.memref_slice %arg2[%dma_wait3A_94, %dma_wait3A_95] : memref<10000x128xf32, #tpu.memory_space<hbm>> -> memref<10000x128xf32, #tpu.memory_space<hbm>>
      tpu.wait_indirect_dma semaphore(%arg16 : memref<!tpu.dma_semaphore, #tpu.memory_space<semaphore_mem>>) src(%dma_wait3A_96 : memref<10000x128xf32, #tpu.memory_space<hbm>>) dst(%arg12 : memref<80x128xf32, #tpu.memory_space<vmem>>)
      %add3A_97 = arith.constant 80 : i32
      %add3A_98 = arith.addi %add3A_46, %add3A_97 : i32
      "tpu.region"() ({
        %run_scoped3A = tpu.sem_alloc : memref<!tpu.dma_semaphore, #tpu.memory_space<semaphore_mem>>
        %dma_start3A_99 = arith.constant 0 : i32
        %dma_start3A_100 = tpu.memref_slice %arg6[%add3A_98, %dma_start3A_99] : memref<104960x128xf32, #tpu.memory_space<hbm>> -> memref<80x128xf32, #tpu.memory_space<hbm>>
        %dma_start3A_101 = arith.constant 0 : i32
        %dma_start3A_102 = tpu.memref_slice %arg6[%add3A_98, %dma_start3A_101] : memref<104960x128xf32, #tpu.memory_space<hbm>> -> memref<80x128xf32, #tpu.memory_space<hbm>>
        tpu.enqueue_dma source(%arg12 : memref<80x128xf32, #tpu.memory_space<vmem>>) target(%dma_start3A_102 : memref<80x128xf32, #tpu.memory_space<hbm>>) target_semaphore(%run_scoped3A : memref<!tpu.dma_semaphore, #tpu.memory_space<semaphore_mem>>)
        %dma_wait3A_103 = arith.constant 0 : i32
        %dma_wait3A_104 = tpu.memref_slice %arg6[%add3A_98, %dma_wait3A_103] : memref<104960x128xf32, #tpu.memory_space<hbm>> -> memref<80x128xf32, #tpu.memory_space<hbm>>
        %dma_wait3A_105 = arith.constant 0 : i32
        %dma_wait3A_106 = tpu.memref_slice %arg6[%add3A_98, %dma_wait3A_105] : memref<104960x128xf32, #tpu.memory_space<hbm>> -> memref<80x128xf32, #tpu.memory_space<hbm>>
        tpu.wait_dma2 semaphore(%run_scoped3A : memref<!tpu.dma_semaphore, #tpu.memory_space<semaphore_mem>>) src(%arg12 : memref<80x128xf32, #tpu.memory_space<vmem>>) dst(%dma_wait3A_106 : memref<80x128xf32, #tpu.memory_space<hbm>>)
        tpu.yield
      }) : () -> ()
    }
    %scan3A_21 = arith.constant 20 : i32
    %dma_wait3A = arith.constant 0 : i32
    %dma_wait3A_22 = arith.constant 0 : i32
    %dma_wait3A_23 = tpu.memref_slice %arg7[%dma_wait3A, %dma_wait3A_22] : memref<41x80xi32, #tpu.memory_space<vmem>> -> memref<1x80xi32, #tpu.memory_space<vmem>>
    %dma_wait3A_24 = tpu.memref_squeeze %dma_wait3A_23 : memref<1x80xi32, #tpu.memory_space<vmem>> -> memref<80xi32, #tpu.memory_space<vmem>>
    %dma_wait3A_25 = arith.constant 0 : i32
    %dma_wait3A_26 = arith.constant 0 : i32
    %dma_wait3A_27 = tpu.memref_slice %arg2[%dma_wait3A_25, %dma_wait3A_26] : memref<10000x128xf32, #tpu.memory_space<hbm>> -> memref<10000x128xf32, #tpu.memory_space<hbm>>
    tpu.wait_indirect_dma semaphore(%arg13 : memref<!tpu.dma_semaphore, #tpu.memory_space<semaphore_mem>>) src(%dma_wait3A_27 : memref<10000x128xf32, #tpu.memory_space<hbm>>) dst(%arg9 : memref<80x128xf32, #tpu.memory_space<vmem>>)
    %add3A_28 = arith.constant 3200 : i32
    %add3A_29 = arith.addi %mul3A_4, %add3A_28 : i32
    "tpu.region"() ({
      %run_scoped3A = tpu.sem_alloc : memref<!tpu.dma_semaphore, #tpu.memory_space<semaphore_mem>>
      %dma_start3A_39 = arith.constant 0 : i32
      %dma_start3A_40 = tpu.memref_slice %arg5[%add3A_29, %dma_start3A_39] : memref<104960x128xf32, #tpu.memory_space<hbm>> -> memref<80x128xf32, #tpu.memory_space<hbm>>
      %dma_start3A_41 = arith.constant 0 : i32
      %dma_start3A_42 = tpu.memref_slice %arg5[%add3A_29, %dma_start3A_41] : memref<104960x128xf32, #tpu.memory_space<hbm>> -> memref<80x128xf32, #tpu.memory_space<hbm>>
      tpu.enqueue_dma source(%arg9 : memref<80x128xf32, #tpu.memory_space<vmem>>) target(%dma_start3A_42 : memref<80x128xf32, #tpu.memory_space<hbm>>) target_semaphore(%run_scoped3A : memref<!tpu.dma_semaphore, #tpu.memory_space<semaphore_mem>>)
      %dma_wait3A_43 = arith.constant 0 : i32
      %dma_wait3A_44 = tpu.memref_slice %arg5[%add3A_29, %dma_wait3A_43] : memref<104960x128xf32, #tpu.memory_space<hbm>> -> memref<80x128xf32, #tpu.memory_space<hbm>>
      %dma_wait3A_45 = arith.constant 0 : i32
      %dma_wait3A_46 = tpu.memref_slice %arg5[%add3A_29, %dma_wait3A_45] : memref<104960x128xf32, #tpu.memory_space<hbm>> -> memref<80x128xf32, #tpu.memory_space<hbm>>
      tpu.wait_dma2 semaphore(%run_scoped3A : memref<!tpu.dma_semaphore, #tpu.memory_space<semaphore_mem>>) src(%arg9 : memref<80x128xf32, #tpu.memory_space<vmem>>) dst(%dma_wait3A_46 : memref<80x128xf32, #tpu.memory_space<hbm>>)
      tpu.yield
    }) : () -> ()
    %dma_wait3A_30 = arith.constant 0 : i32
    %dma_wait3A_31 = arith.constant 0 : i32
    %dma_wait3A_32 = tpu.memref_slice %arg7[%dma_wait3A_30, %dma_wait3A_31] : memref<41x80xi32, #tpu.memory_space<vmem>> -> memref<1x80xi32, #tpu.memory_space<vmem>>
    %dma_wait3A_33 = tpu.memref_squeeze %dma_wait3A_32 : memref<1x80xi32, #tpu.memory_space<vmem>> -> memref<80xi32, #tpu.memory_space<vmem>>
    %dma_wait3A_34 = arith.constant 0 : i32
    %dma_wait3A_35 = arith.constant 0 : i32
    %dma_wait3A_36 = tpu.memref_slice %arg2[%dma_wait3A_34, %dma_wait3A_35] : memref<10000x128xf32, #tpu.memory_space<hbm>> -> memref<10000x128xf32, #tpu.memory_space<hbm>>
    tpu.wait_indirect_dma semaphore(%arg15 : memref<!tpu.dma_semaphore, #tpu.memory_space<semaphore_mem>>) src(%dma_wait3A_36 : memref<10000x128xf32, #tpu.memory_space<hbm>>) dst(%arg11 : memref<80x128xf32, #tpu.memory_space<vmem>>)
    %add3A_37 = arith.constant 3200 : i32
    %add3A_38 = arith.addi %mul3A_4, %add3A_37 : i32
    "tpu.region"() ({
      %run_scoped3A = tpu.sem_alloc : memref<!tpu.dma_semaphore, #tpu.memory_space<semaphore_mem>>
      %dma_start3A_39 = arith.constant 0 : i32
      %dma_start3A_40 = tpu.memref_slice %arg6[%add3A_38, %dma_start3A_39] : memref<104960x128xf32, #tpu.memory_space<hbm>> -> memref<80x128xf32, #tpu.memory_space<hbm>>
      %dma_start3A_41 = arith.constant 0 : i32
      %dma_start3A_42 = tpu.memref_slice %arg6[%add3A_38, %dma_start3A_41] : memref<104960x128xf32, #tpu.memory_space<hbm>> -> memref<80x128xf32, #tpu.memory_space<hbm>>
      tpu.enqueue_dma source(%arg11 : memref<80x128xf32, #tpu.memory_space<vmem>>) target(%dma_start3A_42 : memref<80x128xf32, #tpu.memory_space<hbm>>) target_semaphore(%run_scoped3A : memref<!tpu.dma_semaphore, #tpu.memory_space<semaphore_mem>>)
      %dma_wait3A_43 = arith.constant 0 : i32
      %dma_wait3A_44 = tpu.memref_slice %arg6[%add3A_38, %dma_wait3A_43] : memref<104960x128xf32, #tpu.memory_space<hbm>> -> memref<80x128xf32, #tpu.memory_space<hbm>>
      %dma_wait3A_45 = arith.constant 0 : i32
      %dma_wait3A_46 = tpu.memref_slice %arg6[%add3A_38, %dma_wait3A_45] : memref<104960x128xf32, #tpu.memory_space<hbm>> -> memref<80x128xf32, #tpu.memory_space<hbm>>
      tpu.wait_dma2 semaphore(%run_scoped3A : memref<!tpu.dma_semaphore, #tpu.memory_space<semaphore_mem>>) src(%arg11 : memref<80x128xf32, #tpu.memory_space<vmem>>) dst(%dma_wait3A_46 : memref<80x128xf32, #tpu.memory_space<hbm>>)
      tpu.yield
    }) : () -> ()
    return
  }
}

#map = affine_map<(d0, d1) -> (0, 0)>
#map1 = affine_map<(d0, d1) -> (0, 0, 0)>
module attributes {stable_mosaic.version = 14 : i64} {
  func.func @body(%arg0: i32, %arg1: i32, %arg2: memref<104960x4xf32, #tpu.memory_space<hbm>>, %arg3: memref<32x41x80xi32, #tpu.memory_space<hbm>>, %arg4: memref<640x128xf32, #tpu.memory_space<hbm>>, %arg5: memref<5x64xi32, #tpu.memory_space<hbm>>, %arg6: memref<640x128xf32, #tpu.memory_space<hbm>>, %arg7: memref<41x80xi32, #tpu.memory_space<vmem>>, %arg8: memref<80x4xf32, #tpu.memory_space<vmem>>, %arg9: memref<320x128xf32, #tpu.memory_space<vmem>>, %arg10: memref<5x64xi32, #tpu.memory_space<vmem>>, %arg11: memref<320x128xf32, #tpu.memory_space<vmem_shared>>, %arg12: memref<!tpu.dma_semaphore, #tpu.memory_space<semaphore_mem>>) attributes {dimension_semantics = [#tpu.dimension_semantics<core_parallel>, #tpu.dimension_semantics<subcore_parallel>], iteration_bounds = array<i64: 2, 16>, scalar_prefetch = 0 : i64, scratch_operands = 6 : i64, tpu.core_type = #tpu.core_type<sc_vector_subcore>, window_params = [{transform_indices = #map}, {transform_indices = #map1}, {transform_indices = #map}, {transform_indices = #map}, {transform_indices = #map}]} {
    %mul3A = arith.constant 16 : i32
    %mul3A_0 = arith.muli %arg0, %mul3A : i32
    %add3A = arith.addi %mul3A_0, %arg1 : i32
    %lt3A = arith.constant 5 : i32
    %lt3A_1 = arith.cmpi slt, %arg1, %lt3A : i32
    %convert_element_type3A = arith.extui %lt3A_1 : i1 to i32
    %cond3A = arith.constant 0 : i32
    %cond3A_2 = arith.cmpi ne, %convert_element_type3A, %cond3A : i32
    scf.if %cond3A_2 {
      %mul3A_16 = arith.constant 64 : i32
      %mul3A_17 = arith.muli %arg1, %mul3A_16 : i32
      "tpu.region"() ({
        %run_scoped3A_18 = tpu.sem_alloc : memref<!tpu.dma_semaphore, #tpu.memory_space<semaphore_mem>>
        %dma_start3A = arith.constant 0 : i32
        %dma_start3A_19 = tpu.memref_slice %arg11[%mul3A_17, %dma_start3A] : memref<320x128xf32, #tpu.memory_space<vmem_shared>> -> memref<64x128xf32, #tpu.memory_space<vmem_shared>>
        %dma_start3A_20 = arith.constant 0 : i32
        %dma_start3A_21 = arith.constant 0 : i32
        %dma_start3A_22 = tpu.memref_slice %arg4[%dma_start3A_20, %dma_start3A_21] : memref<640x128xf32, #tpu.memory_space<hbm>> -> memref<64x128xf32, #tpu.memory_space<hbm>>
        tpu.enqueue_dma source(%dma_start3A_22 : memref<64x128xf32, #tpu.memory_space<hbm>>) target(%dma_start3A_19 : memref<64x128xf32, #tpu.memory_space<vmem_shared>>) target_semaphore(%run_scoped3A_18 : memref<!tpu.dma_semaphore, #tpu.memory_space<semaphore_mem>>)
        %dma_wait3A = arith.constant 0 : i32
        %dma_wait3A_23 = tpu.memref_slice %arg11[%mul3A_17, %dma_wait3A] : memref<320x128xf32, #tpu.memory_space<vmem_shared>> -> memref<64x128xf32, #tpu.memory_space<vmem_shared>>
        %dma_wait3A_24 = arith.constant 0 : i32
        %dma_wait3A_25 = arith.constant 0 : i32
        %dma_wait3A_26 = tpu.memref_slice %arg4[%dma_wait3A_24, %dma_wait3A_25] : memref<640x128xf32, #tpu.memory_space<hbm>> -> memref<64x128xf32, #tpu.memory_space<hbm>>
        tpu.wait_dma2 semaphore(%run_scoped3A_18 : memref<!tpu.dma_semaphore, #tpu.memory_space<semaphore_mem>>) src(%dma_wait3A_26 : memref<64x128xf32, #tpu.memory_space<hbm>>) dst(%dma_wait3A_23 : memref<64x128xf32, #tpu.memory_space<vmem_shared>>)
        tpu.yield
      }) : () -> ()
    } else {
    }
    "tpu.region"() ({
      %run_scoped3A_16 = tpu.sem_alloc : memref<!tpu.dma_semaphore, #tpu.memory_space<semaphore_mem>>
      %dma_start3A = arith.constant 0 : i32
      %dma_start3A_17 = arith.constant 0 : i32
      %dma_start3A_18 = tpu.memref_slice %arg3[%add3A, %dma_start3A, %dma_start3A_17] : memref<32x41x80xi32, #tpu.memory_space<hbm>> -> memref<1x41x80xi32, #tpu.memory_space<hbm>>
      %dma_start3A_19 = tpu.memref_squeeze %dma_start3A_18 : memref<1x41x80xi32, #tpu.memory_space<hbm>> -> memref<41x80xi32, #tpu.memory_space<hbm>>
      %dma_start3A_20 = arith.constant 0 : i32
      %dma_start3A_21 = arith.constant 0 : i32
      %dma_start3A_22 = tpu.memref_slice %arg3[%add3A, %dma_start3A_20, %dma_start3A_21] : memref<32x41x80xi32, #tpu.memory_space<hbm>> -> memref<1x41x80xi32, #tpu.memory_space<hbm>>
      %dma_start3A_23 = tpu.memref_squeeze %dma_start3A_22 : memref<1x41x80xi32, #tpu.memory_space<hbm>> -> memref<41x80xi32, #tpu.memory_space<hbm>>
      tpu.enqueue_dma source(%dma_start3A_23 : memref<41x80xi32, #tpu.memory_space<hbm>>) target(%arg7 : memref<41x80xi32, #tpu.memory_space<vmem>>) target_semaphore(%run_scoped3A_16 : memref<!tpu.dma_semaphore, #tpu.memory_space<semaphore_mem>>)
      %dma_wait3A = arith.constant 0 : i32
      %dma_wait3A_24 = arith.constant 0 : i32
      %dma_wait3A_25 = tpu.memref_slice %arg3[%add3A, %dma_wait3A, %dma_wait3A_24] : memref<32x41x80xi32, #tpu.memory_space<hbm>> -> memref<1x41x80xi32, #tpu.memory_space<hbm>>
      %dma_wait3A_26 = tpu.memref_squeeze %dma_wait3A_25 : memref<1x41x80xi32, #tpu.memory_space<hbm>> -> memref<41x80xi32, #tpu.memory_space<hbm>>
      %dma_wait3A_27 = arith.constant 0 : i32
      %dma_wait3A_28 = arith.constant 0 : i32
      %dma_wait3A_29 = tpu.memref_slice %arg3[%add3A, %dma_wait3A_27, %dma_wait3A_28] : memref<32x41x80xi32, #tpu.memory_space<hbm>> -> memref<1x41x80xi32, #tpu.memory_space<hbm>>
      %dma_wait3A_30 = tpu.memref_squeeze %dma_wait3A_29 : memref<1x41x80xi32, #tpu.memory_space<hbm>> -> memref<41x80xi32, #tpu.memory_space<hbm>>
      tpu.wait_dma2 semaphore(%run_scoped3A_16 : memref<!tpu.dma_semaphore, #tpu.memory_space<semaphore_mem>>) src(%dma_wait3A_30 : memref<41x80xi32, #tpu.memory_space<hbm>>) dst(%arg7 : memref<41x80xi32, #tpu.memory_space<vmem>>)
      tpu.yield
    }) : () -> ()
    "tpu.region"() ({
      %run_scoped3A_16 = tpu.sem_alloc : memref<!tpu.dma_semaphore, #tpu.memory_space<semaphore_mem>>
      %dma_start3A = arith.constant 0 : i32
      %dma_start3A_17 = arith.constant 0 : i32
      %dma_start3A_18 = tpu.memref_slice %arg4[%dma_start3A, %dma_start3A_17] : memref<640x128xf32, #tpu.memory_space<hbm>> -> memref<320x128xf32, #tpu.memory_space<hbm>>
      %dma_start3A_19 = arith.constant 0 : i32
      %dma_start3A_20 = arith.constant 0 : i32
      %dma_start3A_21 = tpu.memref_slice %arg4[%dma_start3A_19, %dma_start3A_20] : memref<640x128xf32, #tpu.memory_space<hbm>> -> memref<320x128xf32, #tpu.memory_space<hbm>>
      tpu.enqueue_dma source(%dma_start3A_21 : memref<320x128xf32, #tpu.memory_space<hbm>>) target(%arg9 : memref<320x128xf32, #tpu.memory_space<vmem>>) target_semaphore(%run_scoped3A_16 : memref<!tpu.dma_semaphore, #tpu.memory_space<semaphore_mem>>)
      %dma_wait3A = arith.constant 0 : i32
      %dma_wait3A_22 = arith.constant 0 : i32
      %dma_wait3A_23 = tpu.memref_slice %arg4[%dma_wait3A, %dma_wait3A_22] : memref<640x128xf32, #tpu.memory_space<hbm>> -> memref<320x128xf32, #tpu.memory_space<hbm>>
      %dma_wait3A_24 = arith.constant 0 : i32
      %dma_wait3A_25 = arith.constant 0 : i32
      %dma_wait3A_26 = tpu.memref_slice %arg4[%dma_wait3A_24, %dma_wait3A_25] : memref<640x128xf32, #tpu.memory_space<hbm>> -> memref<320x128xf32, #tpu.memory_space<hbm>>
      tpu.wait_dma2 semaphore(%run_scoped3A_16 : memref<!tpu.dma_semaphore, #tpu.memory_space<semaphore_mem>>) src(%dma_wait3A_26 : memref<320x128xf32, #tpu.memory_space<hbm>>) dst(%arg9 : memref<320x128xf32, #tpu.memory_space<vmem>>)
      tpu.yield
    }) : () -> ()
    "tpu.region"() ({
      %run_scoped3A_16 = tpu.sem_alloc : memref<!tpu.dma_semaphore, #tpu.memory_space<semaphore_mem>>
      tpu.enqueue_dma source(%arg5 : memref<5x64xi32, #tpu.memory_space<hbm>>) target(%arg10 : memref<5x64xi32, #tpu.memory_space<vmem>>) target_semaphore(%run_scoped3A_16 : memref<!tpu.dma_semaphore, #tpu.memory_space<semaphore_mem>>)
      tpu.wait_dma2 semaphore(%run_scoped3A_16 : memref<!tpu.dma_semaphore, #tpu.memory_space<semaphore_mem>>) src(%arg5 : memref<5x64xi32, #tpu.memory_space<hbm>>) dst(%arg10 : memref<5x64xi32, #tpu.memory_space<vmem>>)
      tpu.yield
    }) : () -> ()
    %barrier3A = arith.constant 0 : index
    tpu.barrier barrier_id(%barrier3A)
    %scan3A = arith.constant 0 : i32
    %scan3A_3 = arith.constant 41 : i32
    %scan3A_4 = arith.addi %scan3A, %scan3A_3 : i32
    %scan3A_5 = arith.constant 1 : i32
    scf.for %scan3A_16 = %scan3A to %scan3A_4 step %scan3A_5  : i32 {
      %mul3A_17 = arith.constant 1 : i32
      %mul3A_18 = arith.muli %scan3A_16, %mul3A_17 : i32
      %add3A_19 = arith.constant 0 : i32
      %add3A_20 = arith.addi %add3A_19, %mul3A_18 : i32
      %mul3A_21 = arith.constant 41 : i32
      %mul3A_22 = arith.muli %add3A, %mul3A_21 : i32
      %mul3A_23 = arith.constant 80 : i32
      %mul3A_24 = arith.muli %mul3A_22, %mul3A_23 : i32
      %mul3A_25 = arith.constant 80 : i32
      %mul3A_26 = arith.muli %add3A_20, %mul3A_25 : i32
      %add3A_27 = arith.addi %mul3A_24, %mul3A_26 : i32
      "tpu.region"() ({
        %run_scoped3A_357 = tpu.sem_alloc : memref<!tpu.dma_semaphore, #tpu.memory_space<semaphore_mem>>
        %dma_start3A = arith.constant 0 : i32
        %dma_start3A_358 = tpu.memref_slice %arg2[%add3A_27, %dma_start3A] : memref<104960x4xf32, #tpu.memory_space<hbm>> -> memref<80x4xf32, #tpu.memory_space<hbm>>
        %dma_start3A_359 = arith.constant 0 : i32
        %dma_start3A_360 = tpu.memref_slice %arg2[%add3A_27, %dma_start3A_359] : memref<104960x4xf32, #tpu.memory_space<hbm>> -> memref<80x4xf32, #tpu.memory_space<hbm>>
        tpu.enqueue_dma source(%dma_start3A_360 : memref<80x4xf32, #tpu.memory_space<hbm>>) target(%arg8 : memref<80x4xf32, #tpu.memory_space<vmem>>) target_semaphore(%run_scoped3A_357 : memref<!tpu.dma_semaphore, #tpu.memory_space<semaphore_mem>>)
        %dma_wait3A = arith.constant 0 : i32
        %dma_wait3A_361 = tpu.memref_slice %arg2[%add3A_27, %dma_wait3A] : memref<104960x4xf32, #tpu.memory_space<hbm>> -> memref<80x4xf32, #tpu.memory_space<hbm>>
        %dma_wait3A_362 = arith.constant 0 : i32
        %dma_wait3A_363 = tpu.memref_slice %arg2[%add3A_27, %dma_wait3A_362] : memref<104960x4xf32, #tpu.memory_space<hbm>> -> memref<80x4xf32, #tpu.memory_space<hbm>>
        tpu.wait_dma2 semaphore(%run_scoped3A_357 : memref<!tpu.dma_semaphore, #tpu.memory_space<semaphore_mem>>) src(%dma_wait3A_363 : memref<80x4xf32, #tpu.memory_space<hbm>>) dst(%arg8 : memref<80x4xf32, #tpu.memory_space<vmem>>)
        tpu.yield
      }) : () -> ()
      %iota3A = tpu.iota {dimensions = array<i32: 0>} : vector<16xi32>
      %add3A_28 = arith.constant 0 : i32
      %add3A_29 = vector.broadcast %add3A_28 : i32 to vector<16xi32>
      %add3A_30 = arith.addi %iota3A, %add3A_29 : vector<16xi32>
      %get3A = arith.index_cast %add3A_20 : i32 to index
      %get3A_31 = arith.constant 0 : index
      %get3A_32 = tpu.vector_load %arg7[%get3A, %get3A_31] {strides = array<i32>} : memref<41x80xi32, #tpu.memory_space<vmem>>, vector<16xi32>,
      %broadcast_in_dim3A = arith.constant 0 : i32
      %broadcast_in_dim3A_33 = vector.broadcast %broadcast_in_dim3A : i32 to vector<16xi32>
      %gather3A = tpu.vector_load_idx %arg8[%add3A_30, %broadcast_in_dim3A_33] : memref<80x4xf32, #tpu.memory_space<vmem>>[vector<16xi32>, vector<16xi32>], vector<16xf32>,
      %mul3A_34 = arith.constant 4 : i32
      %mul3A_35 = vector.broadcast %mul3A_34 : i32 to vector<16xi32>
      %mul3A_36 = arith.muli %get3A_32, %mul3A_35 : vector<16xi32>
      %add3A_37 = arith.constant 0 : i32
      %add3A_38 = vector.broadcast %add3A_37 : i32 to vector<16xi32>
      %add3A_39 = arith.addi %mul3A_36, %add3A_38 : vector<16xi32>
      %shift_right_logical3A = arith.constant 7 : i32
      %shift_right_logical3A_40 = vector.broadcast %shift_right_logical3A : i32 to vector<16xi32>
      %shift_right_logical3A_41 = arith.shrui %add3A_39, %shift_right_logical3A_40 : vector<16xi32>
      %and3A = arith.constant 127 : i32
      %and3A_42 = vector.broadcast %and3A : i32 to vector<16xi32>
      %and3A_43 = arith.andi %add3A_39, %and3A_42 : vector<16xi32>
      tpu.vector_store_idx %arg9[%shift_right_logical3A_41, %and3A_43], %gather3A {add = true} : memref<320x128xf32, #tpu.memory_space<vmem>>[vector<16xi32>, vector<16xi32>], vector<16xf32>,
      %broadcast_in_dim3A_44 = arith.constant 1 : i32
      %broadcast_in_dim3A_45 = vector.broadcast %broadcast_in_dim3A_44 : i32 to vector<16xi32>
      %gather3A_46 = tpu.vector_load_idx %arg8[%add3A_30, %broadcast_in_dim3A_45] : memref<80x4xf32, #tpu.memory_space<vmem>>[vector<16xi32>, vector<16xi32>], vector<16xf32>,
      %mul3A_47 = arith.constant 4 : i32
      %mul3A_48 = vector.broadcast %mul3A_47 : i32 to vector<16xi32>
      %mul3A_49 = arith.muli %get3A_32, %mul3A_48 : vector<16xi32>
      %add3A_50 = arith.constant 1 : i32
      %add3A_51 = vector.broadcast %add3A_50 : i32 to vector<16xi32>
      %add3A_52 = arith.addi %mul3A_49, %add3A_51 : vector<16xi32>
      %shift_right_logical3A_53 = arith.constant 7 : i32
      %shift_right_logical3A_54 = vector.broadcast %shift_right_logical3A_53 : i32 to vector<16xi32>
      %shift_right_logical3A_55 = arith.shrui %add3A_52, %shift_right_logical3A_54 : vector<16xi32>
      %and3A_56 = arith.constant 127 : i32
      %and3A_57 = vector.broadcast %and3A_56 : i32 to vector<16xi32>
      %and3A_58 = arith.andi %add3A_52, %and3A_57 : vector<16xi32>
      tpu.vector_store_idx %arg9[%shift_right_logical3A_55, %and3A_58], %gather3A_46 {add = true} : memref<320x128xf32, #tpu.memory_space<vmem>>[vector<16xi32>, vector<16xi32>], vector<16xf32>,
      %broadcast_in_dim3A_59 = arith.constant 2 : i32
      %broadcast_in_dim3A_60 = vector.broadcast %broadcast_in_dim3A_59 : i32 to vector<16xi32>
      %gather3A_61 = tpu.vector_load_idx %arg8[%add3A_30, %broadcast_in_dim3A_60] : memref<80x4xf32, #tpu.memory_space<vmem>>[vector<16xi32>, vector<16xi32>], vector<16xf32>,
      %mul3A_62 = arith.constant 4 : i32
      %mul3A_63 = vector.broadcast %mul3A_62 : i32 to vector<16xi32>
      %mul3A_64 = arith.muli %get3A_32, %mul3A_63 : vector<16xi32>
      %add3A_65 = arith.constant 2 : i32
      %add3A_66 = vector.broadcast %add3A_65 : i32 to vector<16xi32>
      %add3A_67 = arith.addi %mul3A_64, %add3A_66 : vector<16xi32>
      %shift_right_logical3A_68 = arith.constant 7 : i32
      %shift_right_logical3A_69 = vector.broadcast %shift_right_logical3A_68 : i32 to vector<16xi32>
      %shift_right_logical3A_70 = arith.shrui %add3A_67, %shift_right_logical3A_69 : vector<16xi32>
      %and3A_71 = arith.constant 127 : i32
      %and3A_72 = vector.broadcast %and3A_71 : i32 to vector<16xi32>
      %and3A_73 = arith.andi %add3A_67, %and3A_72 : vector<16xi32>
      tpu.vector_store_idx %arg9[%shift_right_logical3A_70, %and3A_73], %gather3A_61 {add = true} : memref<320x128xf32, #tpu.memory_space<vmem>>[vector<16xi32>, vector<16xi32>], vector<16xf32>,
      %broadcast_in_dim3A_74 = arith.constant 3 : i32
      %broadcast_in_dim3A_75 = vector.broadcast %broadcast_in_dim3A_74 : i32 to vector<16xi32>
      %gather3A_76 = tpu.vector_load_idx %arg8[%add3A_30, %broadcast_in_dim3A_75] : memref<80x4xf32, #tpu.memory_space<vmem>>[vector<16xi32>, vector<16xi32>], vector<16xf32>,
      %mul3A_77 = arith.constant 4 : i32
      %mul3A_78 = vector.broadcast %mul3A_77 : i32 to vector<16xi32>
      %mul3A_79 = arith.muli %get3A_32, %mul3A_78 : vector<16xi32>
      %add3A_80 = arith.constant 3 : i32
      %add3A_81 = vector.broadcast %add3A_80 : i32 to vector<16xi32>
      %add3A_82 = arith.addi %mul3A_79, %add3A_81 : vector<16xi32>
      %shift_right_logical3A_83 = arith.constant 7 : i32
      %shift_right_logical3A_84 = vector.broadcast %shift_right_logical3A_83 : i32 to vector<16xi32>
      %shift_right_logical3A_85 = arith.shrui %add3A_82, %shift_right_logical3A_84 : vector<16xi32>
      %and3A_86 = arith.constant 127 : i32
      %and3A_87 = vector.broadcast %and3A_86 : i32 to vector<16xi32>
      %and3A_88 = arith.andi %add3A_82, %and3A_87 : vector<16xi32>
      tpu.vector_store_idx %arg9[%shift_right_logical3A_85, %and3A_88], %gather3A_76 {add = true} : memref<320x128xf32, #tpu.memory_space<vmem>>[vector<16xi32>, vector<16xi32>], vector<16xf32>,
      %iota3A_89 = tpu.iota {dimensions = array<i32: 0>} : vector<16xi32>
      %add3A_90 = arith.constant 16 : i32
      %add3A_91 = vector.broadcast %add3A_90 : i32 to vector<16xi32>
      %add3A_92 = arith.addi %iota3A_89, %add3A_91 : vector<16xi32>
      %get3A_93 = arith.index_cast %add3A_20 : i32 to index
      %get3A_94 = arith.constant 16 : index
      %get3A_95 = tpu.vector_load %arg7[%get3A_93, %get3A_94] {strides = array<i32>} : memref<41x80xi32, #tpu.memory_space<vmem>>, vector<16xi32>,
      %broadcast_in_dim3A_96 = arith.constant 0 : i32
      %broadcast_in_dim3A_97 = vector.broadcast %broadcast_in_dim3A_96 : i32 to vector<16xi32>
      %gather3A_98 = tpu.vector_load_idx %arg8[%add3A_92, %broadcast_in_dim3A_97] : memref<80x4xf32, #tpu.memory_space<vmem>>[vector<16xi32>, vector<16xi32>], vector<16xf32>,
      %mul3A_99 = arith.constant 4 : i32
      %mul3A_100 = vector.broadcast %mul3A_99 : i32 to vector<16xi32>
      %mul3A_101 = arith.muli %get3A_95, %mul3A_100 : vector<16xi32>
      %add3A_102 = arith.constant 0 : i32
      %add3A_103 = vector.broadcast %add3A_102 : i32 to vector<16xi32>
      %add3A_104 = arith.addi %mul3A_101, %add3A_103 : vector<16xi32>
      %shift_right_logical3A_105 = arith.constant 7 : i32
      %shift_right_logical3A_106 = vector.broadcast %shift_right_logical3A_105 : i32 to vector<16xi32>
      %shift_right_logical3A_107 = arith.shrui %add3A_104, %shift_right_logical3A_106 : vector<16xi32>
      %and3A_108 = arith.constant 127 : i32
      %and3A_109 = vector.broadcast %and3A_108 : i32 to vector<16xi32>
      %and3A_110 = arith.andi %add3A_104, %and3A_109 : vector<16xi32>
      tpu.vector_store_idx %arg9[%shift_right_logical3A_107, %and3A_110], %gather3A_98 {add = true} : memref<320x128xf32, #tpu.memory_space<vmem>>[vector<16xi32>, vector<16xi32>], vector<16xf32>,
      %broadcast_in_dim3A_111 = arith.constant 1 : i32
      %broadcast_in_dim3A_112 = vector.broadcast %broadcast_in_dim3A_111 : i32 to vector<16xi32>
      %gather3A_113 = tpu.vector_load_idx %arg8[%add3A_92, %broadcast_in_dim3A_112] : memref<80x4xf32, #tpu.memory_space<vmem>>[vector<16xi32>, vector<16xi32>], vector<16xf32>,
      %mul3A_114 = arith.constant 4 : i32
      %mul3A_115 = vector.broadcast %mul3A_114 : i32 to vector<16xi32>
      %mul3A_116 = arith.muli %get3A_95, %mul3A_115 : vector<16xi32>
      %add3A_117 = arith.constant 1 : i32
      %add3A_118 = vector.broadcast %add3A_117 : i32 to vector<16xi32>
      %add3A_119 = arith.addi %mul3A_116, %add3A_118 : vector<16xi32>
      %shift_right_logical3A_120 = arith.constant 7 : i32
      %shift_right_logical3A_121 = vector.broadcast %shift_right_logical3A_120 : i32 to vector<16xi32>
      %shift_right_logical3A_122 = arith.shrui %add3A_119, %shift_right_logical3A_121 : vector<16xi32>
      %and3A_123 = arith.constant 127 : i32
      %and3A_124 = vector.broadcast %and3A_123 : i32 to vector<16xi32>
      %and3A_125 = arith.andi %add3A_119, %and3A_124 : vector<16xi32>
      tpu.vector_store_idx %arg9[%shift_right_logical3A_122, %and3A_125], %gather3A_113 {add = true} : memref<320x128xf32, #tpu.memory_space<vmem>>[vector<16xi32>, vector<16xi32>], vector<16xf32>,
      %broadcast_in_dim3A_126 = arith.constant 2 : i32
      %broadcast_in_dim3A_127 = vector.broadcast %broadcast_in_dim3A_126 : i32 to vector<16xi32>
      %gather3A_128 = tpu.vector_load_idx %arg8[%add3A_92, %broadcast_in_dim3A_127] : memref<80x4xf32, #tpu.memory_space<vmem>>[vector<16xi32>, vector<16xi32>], vector<16xf32>,
      %mul3A_129 = arith.constant 4 : i32
      %mul3A_130 = vector.broadcast %mul3A_129 : i32 to vector<16xi32>
      %mul3A_131 = arith.muli %get3A_95, %mul3A_130 : vector<16xi32>
      %add3A_132 = arith.constant 2 : i32
      %add3A_133 = vector.broadcast %add3A_132 : i32 to vector<16xi32>
      %add3A_134 = arith.addi %mul3A_131, %add3A_133 : vector<16xi32>
      %shift_right_logical3A_135 = arith.constant 7 : i32
      %shift_right_logical3A_136 = vector.broadcast %shift_right_logical3A_135 : i32 to vector<16xi32>
      %shift_right_logical3A_137 = arith.shrui %add3A_134, %shift_right_logical3A_136 : vector<16xi32>
      %and3A_138 = arith.constant 127 : i32
      %and3A_139 = vector.broadcast %and3A_138 : i32 to vector<16xi32>
      %and3A_140 = arith.andi %add3A_134, %and3A_139 : vector<16xi32>
      tpu.vector_store_idx %arg9[%shift_right_logical3A_137, %and3A_140], %gather3A_128 {add = true} : memref<320x128xf32, #tpu.memory_space<vmem>>[vector<16xi32>, vector<16xi32>], vector<16xf32>,
      %broadcast_in_dim3A_141 = arith.constant 3 : i32
      %broadcast_in_dim3A_142 = vector.broadcast %broadcast_in_dim3A_141 : i32 to vector<16xi32>
      %gather3A_143 = tpu.vector_load_idx %arg8[%add3A_92, %broadcast_in_dim3A_142] : memref<80x4xf32, #tpu.memory_space<vmem>>[vector<16xi32>, vector<16xi32>], vector<16xf32>,
      %mul3A_144 = arith.constant 4 : i32
      %mul3A_145 = vector.broadcast %mul3A_144 : i32 to vector<16xi32>
      %mul3A_146 = arith.muli %get3A_95, %mul3A_145 : vector<16xi32>
      %add3A_147 = arith.constant 3 : i32
      %add3A_148 = vector.broadcast %add3A_147 : i32 to vector<16xi32>
      %add3A_149 = arith.addi %mul3A_146, %add3A_148 : vector<16xi32>
      %shift_right_logical3A_150 = arith.constant 7 : i32
      %shift_right_logical3A_151 = vector.broadcast %shift_right_logical3A_150 : i32 to vector<16xi32>
      %shift_right_logical3A_152 = arith.shrui %add3A_149, %shift_right_logical3A_151 : vector<16xi32>
      %and3A_153 = arith.constant 127 : i32
      %and3A_154 = vector.broadcast %and3A_153 : i32 to vector<16xi32>
      %and3A_155 = arith.andi %add3A_149, %and3A_154 : vector<16xi32>
      tpu.vector_store_idx %arg9[%shift_right_logical3A_152, %and3A_155], %gather3A_143 {add = true} : memref<320x128xf32, #tpu.memory_space<vmem>>[vector<16xi32>, vector<16xi32>], vector<16xf32>,
      %iota3A_156 = tpu.iota {dimensions = array<i32: 0>} : vector<16xi32>
      %add3A_157 = arith.constant 32 : i32
      %add3A_158 = vector.broadcast %add3A_157 : i32 to vector<16xi32>
      %add3A_159 = arith.addi %iota3A_156, %add3A_158 : vector<16xi32>
      %get3A_160 = arith.index_cast %add3A_20 : i32 to index
      %get3A_161 = arith.constant 32 : index
      %get3A_162 = tpu.vector_load %arg7[%get3A_160, %get3A_161] {strides = array<i32>} : memref<41x80xi32, #tpu.memory_space<vmem>>, vector<16xi32>,
      %broadcast_in_dim3A_163 = arith.constant 0 : i32
      %broadcast_in_dim3A_164 = vector.broadcast %broadcast_in_dim3A_163 : i32 to vector<16xi32>
      %gather3A_165 = tpu.vector_load_idx %arg8[%add3A_159, %broadcast_in_dim3A_164] : memref<80x4xf32, #tpu.memory_space<vmem>>[vector<16xi32>, vector<16xi32>], vector<16xf32>,
      %mul3A_166 = arith.constant 4 : i32
      %mul3A_167 = vector.broadcast %mul3A_166 : i32 to vector<16xi32>
      %mul3A_168 = arith.muli %get3A_162, %mul3A_167 : vector<16xi32>
      %add3A_169 = arith.constant 0 : i32
      %add3A_170 = vector.broadcast %add3A_169 : i32 to vector<16xi32>
      %add3A_171 = arith.addi %mul3A_168, %add3A_170 : vector<16xi32>
      %shift_right_logical3A_172 = arith.constant 7 : i32
      %shift_right_logical3A_173 = vector.broadcast %shift_right_logical3A_172 : i32 to vector<16xi32>
      %shift_right_logical3A_174 = arith.shrui %add3A_171, %shift_right_logical3A_173 : vector<16xi32>
      %and3A_175 = arith.constant 127 : i32
      %and3A_176 = vector.broadcast %and3A_175 : i32 to vector<16xi32>
      %and3A_177 = arith.andi %add3A_171, %and3A_176 : vector<16xi32>
      tpu.vector_store_idx %arg9[%shift_right_logical3A_174, %and3A_177], %gather3A_165 {add = true} : memref<320x128xf32, #tpu.memory_space<vmem>>[vector<16xi32>, vector<16xi32>], vector<16xf32>,
      %broadcast_in_dim3A_178 = arith.constant 1 : i32
      %broadcast_in_dim3A_179 = vector.broadcast %broadcast_in_dim3A_178 : i32 to vector<16xi32>
      %gather3A_180 = tpu.vector_load_idx %arg8[%add3A_159, %broadcast_in_dim3A_179] : memref<80x4xf32, #tpu.memory_space<vmem>>[vector<16xi32>, vector<16xi32>], vector<16xf32>,
      %mul3A_181 = arith.constant 4 : i32
      %mul3A_182 = vector.broadcast %mul3A_181 : i32 to vector<16xi32>
      %mul3A_183 = arith.muli %get3A_162, %mul3A_182 : vector<16xi32>
      %add3A_184 = arith.constant 1 : i32
      %add3A_185 = vector.broadcast %add3A_184 : i32 to vector<16xi32>
      %add3A_186 = arith.addi %mul3A_183, %add3A_185 : vector<16xi32>
      %shift_right_logical3A_187 = arith.constant 7 : i32
      %shift_right_logical3A_188 = vector.broadcast %shift_right_logical3A_187 : i32 to vector<16xi32>
      %shift_right_logical3A_189 = arith.shrui %add3A_186, %shift_right_logical3A_188 : vector<16xi32>
      %and3A_190 = arith.constant 127 : i32
      %and3A_191 = vector.broadcast %and3A_190 : i32 to vector<16xi32>
      %and3A_192 = arith.andi %add3A_186, %and3A_191 : vector<16xi32>
      tpu.vector_store_idx %arg9[%shift_right_logical3A_189, %and3A_192], %gather3A_180 {add = true} : memref<320x128xf32, #tpu.memory_space<vmem>>[vector<16xi32>, vector<16xi32>], vector<16xf32>,
      %broadcast_in_dim3A_193 = arith.constant 2 : i32
      %broadcast_in_dim3A_194 = vector.broadcast %broadcast_in_dim3A_193 : i32 to vector<16xi32>
      %gather3A_195 = tpu.vector_load_idx %arg8[%add3A_159, %broadcast_in_dim3A_194] : memref<80x4xf32, #tpu.memory_space<vmem>>[vector<16xi32>, vector<16xi32>], vector<16xf32>,
      %mul3A_196 = arith.constant 4 : i32
      %mul3A_197 = vector.broadcast %mul3A_196 : i32 to vector<16xi32>
      %mul3A_198 = arith.muli %get3A_162, %mul3A_197 : vector<16xi32>
      %add3A_199 = arith.constant 2 : i32
      %add3A_200 = vector.broadcast %add3A_199 : i32 to vector<16xi32>
      %add3A_201 = arith.addi %mul3A_198, %add3A_200 : vector<16xi32>
      %shift_right_logical3A_202 = arith.constant 7 : i32
      %shift_right_logical3A_203 = vector.broadcast %shift_right_logical3A_202 : i32 to vector<16xi32>
      %shift_right_logical3A_204 = arith.shrui %add3A_201, %shift_right_logical3A_203 : vector<16xi32>
      %and3A_205 = arith.constant 127 : i32
      %and3A_206 = vector.broadcast %and3A_205 : i32 to vector<16xi32>
      %and3A_207 = arith.andi %add3A_201, %and3A_206 : vector<16xi32>
      tpu.vector_store_idx %arg9[%shift_right_logical3A_204, %and3A_207], %gather3A_195 {add = true} : memref<320x128xf32, #tpu.memory_space<vmem>>[vector<16xi32>, vector<16xi32>], vector<16xf32>,
      %broadcast_in_dim3A_208 = arith.constant 3 : i32
      %broadcast_in_dim3A_209 = vector.broadcast %broadcast_in_dim3A_208 : i32 to vector<16xi32>
      %gather3A_210 = tpu.vector_load_idx %arg8[%add3A_159, %broadcast_in_dim3A_209] : memref<80x4xf32, #tpu.memory_space<vmem>>[vector<16xi32>, vector<16xi32>], vector<16xf32>,
      %mul3A_211 = arith.constant 4 : i32
      %mul3A_212 = vector.broadcast %mul3A_211 : i32 to vector<16xi32>
      %mul3A_213 = arith.muli %get3A_162, %mul3A_212 : vector<16xi32>
      %add3A_214 = arith.constant 3 : i32
      %add3A_215 = vector.broadcast %add3A_214 : i32 to vector<16xi32>
      %add3A_216 = arith.addi %mul3A_213, %add3A_215 : vector<16xi32>
      %shift_right_logical3A_217 = arith.constant 7 : i32
      %shift_right_logical3A_218 = vector.broadcast %shift_right_logical3A_217 : i32 to vector<16xi32>
      %shift_right_logical3A_219 = arith.shrui %add3A_216, %shift_right_logical3A_218 : vector<16xi32>
      %and3A_220 = arith.constant 127 : i32
      %and3A_221 = vector.broadcast %and3A_220 : i32 to vector<16xi32>
      %and3A_222 = arith.andi %add3A_216, %and3A_221 : vector<16xi32>
      tpu.vector_store_idx %arg9[%shift_right_logical3A_219, %and3A_222], %gather3A_210 {add = true} : memref<320x128xf32, #tpu.memory_space<vmem>>[vector<16xi32>, vector<16xi32>], vector<16xf32>,
      %iota3A_223 = tpu.iota {dimensions = array<i32: 0>} : vector<16xi32>
      %add3A_224 = arith.constant 48 : i32
      %add3A_225 = vector.broadcast %add3A_224 : i32 to vector<16xi32>
      %add3A_226 = arith.addi %iota3A_223, %add3A_225 : vector<16xi32>
      %get3A_227 = arith.index_cast %add3A_20 : i32 to index
      %get3A_228 = arith.constant 48 : index
      %get3A_229 = tpu.vector_load %arg7[%get3A_227, %get3A_228] {strides = array<i32>} : memref<41x80xi32, #tpu.memory_space<vmem>>, vector<16xi32>,
      %broadcast_in_dim3A_230 = arith.constant 0 : i32
      %broadcast_in_dim3A_231 = vector.broadcast %broadcast_in_dim3A_230 : i32 to vector<16xi32>
      %gather3A_232 = tpu.vector_load_idx %arg8[%add3A_226, %broadcast_in_dim3A_231] : memref<80x4xf32, #tpu.memory_space<vmem>>[vector<16xi32>, vector<16xi32>], vector<16xf32>,
      %mul3A_233 = arith.constant 4 : i32
      %mul3A_234 = vector.broadcast %mul3A_233 : i32 to vector<16xi32>
      %mul3A_235 = arith.muli %get3A_229, %mul3A_234 : vector<16xi32>
      %add3A_236 = arith.constant 0 : i32
      %add3A_237 = vector.broadcast %add3A_236 : i32 to vector<16xi32>
      %add3A_238 = arith.addi %mul3A_235, %add3A_237 : vector<16xi32>
      %shift_right_logical3A_239 = arith.constant 7 : i32
      %shift_right_logical3A_240 = vector.broadcast %shift_right_logical3A_239 : i32 to vector<16xi32>
      %shift_right_logical3A_241 = arith.shrui %add3A_238, %shift_right_logical3A_240 : vector<16xi32>
      %and3A_242 = arith.constant 127 : i32
      %and3A_243 = vector.broadcast %and3A_242 : i32 to vector<16xi32>
      %and3A_244 = arith.andi %add3A_238, %and3A_243 : vector<16xi32>
      tpu.vector_store_idx %arg9[%shift_right_logical3A_241, %and3A_244], %gather3A_232 {add = true} : memref<320x128xf32, #tpu.memory_space<vmem>>[vector<16xi32>, vector<16xi32>], vector<16xf32>,
      %broadcast_in_dim3A_245 = arith.constant 1 : i32
      %broadcast_in_dim3A_246 = vector.broadcast %broadcast_in_dim3A_245 : i32 to vector<16xi32>
      %gather3A_247 = tpu.vector_load_idx %arg8[%add3A_226, %broadcast_in_dim3A_246] : memref<80x4xf32, #tpu.memory_space<vmem>>[vector<16xi32>, vector<16xi32>], vector<16xf32>,
      %mul3A_248 = arith.constant 4 : i32
      %mul3A_249 = vector.broadcast %mul3A_248 : i32 to vector<16xi32>
      %mul3A_250 = arith.muli %get3A_229, %mul3A_249 : vector<16xi32>
      %add3A_251 = arith.constant 1 : i32
      %add3A_252 = vector.broadcast %add3A_251 : i32 to vector<16xi32>
      %add3A_253 = arith.addi %mul3A_250, %add3A_252 : vector<16xi32>
      %shift_right_logical3A_254 = arith.constant 7 : i32
      %shift_right_logical3A_255 = vector.broadcast %shift_right_logical3A_254 : i32 to vector<16xi32>
      %shift_right_logical3A_256 = arith.shrui %add3A_253, %shift_right_logical3A_255 : vector<16xi32>
      %and3A_257 = arith.constant 127 : i32
      %and3A_258 = vector.broadcast %and3A_257 : i32 to vector<16xi32>
      %and3A_259 = arith.andi %add3A_253, %and3A_258 : vector<16xi32>
      tpu.vector_store_idx %arg9[%shift_right_logical3A_256, %and3A_259], %gather3A_247 {add = true} : memref<320x128xf32, #tpu.memory_space<vmem>>[vector<16xi32>, vector<16xi32>], vector<16xf32>,
      %broadcast_in_dim3A_260 = arith.constant 2 : i32
      %broadcast_in_dim3A_261 = vector.broadcast %broadcast_in_dim3A_260 : i32 to vector<16xi32>
      %gather3A_262 = tpu.vector_load_idx %arg8[%add3A_226, %broadcast_in_dim3A_261] : memref<80x4xf32, #tpu.memory_space<vmem>>[vector<16xi32>, vector<16xi32>], vector<16xf32>,
      %mul3A_263 = arith.constant 4 : i32
      %mul3A_264 = vector.broadcast %mul3A_263 : i32 to vector<16xi32>
      %mul3A_265 = arith.muli %get3A_229, %mul3A_264 : vector<16xi32>
      %add3A_266 = arith.constant 2 : i32
      %add3A_267 = vector.broadcast %add3A_266 : i32 to vector<16xi32>
      %add3A_268 = arith.addi %mul3A_265, %add3A_267 : vector<16xi32>
      %shift_right_logical3A_269 = arith.constant 7 : i32
      %shift_right_logical3A_270 = vector.broadcast %shift_right_logical3A_269 : i32 to vector<16xi32>
      %shift_right_logical3A_271 = arith.shrui %add3A_268, %shift_right_logical3A_270 : vector<16xi32>
      %and3A_272 = arith.constant 127 : i32
      %and3A_273 = vector.broadcast %and3A_272 : i32 to vector<16xi32>
      %and3A_274 = arith.andi %add3A_268, %and3A_273 : vector<16xi32>
      tpu.vector_store_idx %arg9[%shift_right_logical3A_271, %and3A_274], %gather3A_262 {add = true} : memref<320x128xf32, #tpu.memory_space<vmem>>[vector<16xi32>, vector<16xi32>], vector<16xf32>,
      %broadcast_in_dim3A_275 = arith.constant 3 : i32
      %broadcast_in_dim3A_276 = vector.broadcast %broadcast_in_dim3A_275 : i32 to vector<16xi32>
      %gather3A_277 = tpu.vector_load_idx %arg8[%add3A_226, %broadcast_in_dim3A_276] : memref<80x4xf32, #tpu.memory_space<vmem>>[vector<16xi32>, vector<16xi32>], vector<16xf32>,
      %mul3A_278 = arith.constant 4 : i32
      %mul3A_279 = vector.broadcast %mul3A_278 : i32 to vector<16xi32>
      %mul3A_280 = arith.muli %get3A_229, %mul3A_279 : vector<16xi32>
      %add3A_281 = arith.constant 3 : i32
      %add3A_282 = vector.broadcast %add3A_281 : i32 to vector<16xi32>
      %add3A_283 = arith.addi %mul3A_280, %add3A_282 : vector<16xi32>
      %shift_right_logical3A_284 = arith.constant 7 : i32
      %shift_right_logical3A_285 = vector.broadcast %shift_right_logical3A_284 : i32 to vector<16xi32>
      %shift_right_logical3A_286 = arith.shrui %add3A_283, %shift_right_logical3A_285 : vector<16xi32>
      %and3A_287 = arith.constant 127 : i32
      %and3A_288 = vector.broadcast %and3A_287 : i32 to vector<16xi32>
      %and3A_289 = arith.andi %add3A_283, %and3A_288 : vector<16xi32>
      tpu.vector_store_idx %arg9[%shift_right_logical3A_286, %and3A_289], %gather3A_277 {add = true} : memref<320x128xf32, #tpu.memory_space<vmem>>[vector<16xi32>, vector<16xi32>], vector<16xf32>,
      %iota3A_290 = tpu.iota {dimensions = array<i32: 0>} : vector<16xi32>
      %add3A_291 = arith.constant 64 : i32
      %add3A_292 = vector.broadcast %add3A_291 : i32 to vector<16xi32>
      %add3A_293 = arith.addi %iota3A_290, %add3A_292 : vector<16xi32>
      %get3A_294 = arith.index_cast %add3A_20 : i32 to index
      %get3A_295 = arith.constant 64 : index
      %get3A_296 = tpu.vector_load %arg7[%get3A_294, %get3A_295] {strides = array<i32>} : memref<41x80xi32, #tpu.memory_space<vmem>>, vector<16xi32>,
      %broadcast_in_dim3A_297 = arith.constant 0 : i32
      %broadcast_in_dim3A_298 = vector.broadcast %broadcast_in_dim3A_297 : i32 to vector<16xi32>
      %gather3A_299 = tpu.vector_load_idx %arg8[%add3A_293, %broadcast_in_dim3A_298] : memref<80x4xf32, #tpu.memory_space<vmem>>[vector<16xi32>, vector<16xi32>], vector<16xf32>,
      %mul3A_300 = arith.constant 4 : i32
      %mul3A_301 = vector.broadcast %mul3A_300 : i32 to vector<16xi32>
      %mul3A_302 = arith.muli %get3A_296, %mul3A_301 : vector<16xi32>
      %add3A_303 = arith.constant 0 : i32
      %add3A_304 = vector.broadcast %add3A_303 : i32 to vector<16xi32>
      %add3A_305 = arith.addi %mul3A_302, %add3A_304 : vector<16xi32>
      %shift_right_logical3A_306 = arith.constant 7 : i32
      %shift_right_logical3A_307 = vector.broadcast %shift_right_logical3A_306 : i32 to vector<16xi32>
      %shift_right_logical3A_308 = arith.shrui %add3A_305, %shift_right_logical3A_307 : vector<16xi32>
      %and3A_309 = arith.constant 127 : i32
      %and3A_310 = vector.broadcast %and3A_309 : i32 to vector<16xi32>
      %and3A_311 = arith.andi %add3A_305, %and3A_310 : vector<16xi32>
      tpu.vector_store_idx %arg9[%shift_right_logical3A_308, %and3A_311], %gather3A_299 {add = true} : memref<320x128xf32, #tpu.memory_space<vmem>>[vector<16xi32>, vector<16xi32>], vector<16xf32>,
      %broadcast_in_dim3A_312 = arith.constant 1 : i32
      %broadcast_in_dim3A_313 = vector.broadcast %broadcast_in_dim3A_312 : i32 to vector<16xi32>
      %gather3A_314 = tpu.vector_load_idx %arg8[%add3A_293, %broadcast_in_dim3A_313] : memref<80x4xf32, #tpu.memory_space<vmem>>[vector<16xi32>, vector<16xi32>], vector<16xf32>,
      %mul3A_315 = arith.constant 4 : i32
      %mul3A_316 = vector.broadcast %mul3A_315 : i32 to vector<16xi32>
      %mul3A_317 = arith.muli %get3A_296, %mul3A_316 : vector<16xi32>
      %add3A_318 = arith.constant 1 : i32
      %add3A_319 = vector.broadcast %add3A_318 : i32 to vector<16xi32>
      %add3A_320 = arith.addi %mul3A_317, %add3A_319 : vector<16xi32>
      %shift_right_logical3A_321 = arith.constant 7 : i32
      %shift_right_logical3A_322 = vector.broadcast %shift_right_logical3A_321 : i32 to vector<16xi32>
      %shift_right_logical3A_323 = arith.shrui %add3A_320, %shift_right_logical3A_322 : vector<16xi32>
      %and3A_324 = arith.constant 127 : i32
      %and3A_325 = vector.broadcast %and3A_324 : i32 to vector<16xi32>
      %and3A_326 = arith.andi %add3A_320, %and3A_325 : vector<16xi32>
      tpu.vector_store_idx %arg9[%shift_right_logical3A_323, %and3A_326], %gather3A_314 {add = true} : memref<320x128xf32, #tpu.memory_space<vmem>>[vector<16xi32>, vector<16xi32>], vector<16xf32>,
      %broadcast_in_dim3A_327 = arith.constant 2 : i32
      %broadcast_in_dim3A_328 = vector.broadcast %broadcast_in_dim3A_327 : i32 to vector<16xi32>
      %gather3A_329 = tpu.vector_load_idx %arg8[%add3A_293, %broadcast_in_dim3A_328] : memref<80x4xf32, #tpu.memory_space<vmem>>[vector<16xi32>, vector<16xi32>], vector<16xf32>,
      %mul3A_330 = arith.constant 4 : i32
      %mul3A_331 = vector.broadcast %mul3A_330 : i32 to vector<16xi32>
      %mul3A_332 = arith.muli %get3A_296, %mul3A_331 : vector<16xi32>
      %add3A_333 = arith.constant 2 : i32
      %add3A_334 = vector.broadcast %add3A_333 : i32 to vector<16xi32>
      %add3A_335 = arith.addi %mul3A_332, %add3A_334 : vector<16xi32>
      %shift_right_logical3A_336 = arith.constant 7 : i32
      %shift_right_logical3A_337 = vector.broadcast %shift_right_logical3A_336 : i32 to vector<16xi32>
      %shift_right_logical3A_338 = arith.shrui %add3A_335, %shift_right_logical3A_337 : vector<16xi32>
      %and3A_339 = arith.constant 127 : i32
      %and3A_340 = vector.broadcast %and3A_339 : i32 to vector<16xi32>
      %and3A_341 = arith.andi %add3A_335, %and3A_340 : vector<16xi32>
      tpu.vector_store_idx %arg9[%shift_right_logical3A_338, %and3A_341], %gather3A_329 {add = true} : memref<320x128xf32, #tpu.memory_space<vmem>>[vector<16xi32>, vector<16xi32>], vector<16xf32>,
      %broadcast_in_dim3A_342 = arith.constant 3 : i32
      %broadcast_in_dim3A_343 = vector.broadcast %broadcast_in_dim3A_342 : i32 to vector<16xi32>
      %gather3A_344 = tpu.vector_load_idx %arg8[%add3A_293, %broadcast_in_dim3A_343] : memref<80x4xf32, #tpu.memory_space<vmem>>[vector<16xi32>, vector<16xi32>], vector<16xf32>,
      %mul3A_345 = arith.constant 4 : i32
      %mul3A_346 = vector.broadcast %mul3A_345 : i32 to vector<16xi32>
      %mul3A_347 = arith.muli %get3A_296, %mul3A_346 : vector<16xi32>
      %add3A_348 = arith.constant 3 : i32
      %add3A_349 = vector.broadcast %add3A_348 : i32 to vector<16xi32>
      %add3A_350 = arith.addi %mul3A_347, %add3A_349 : vector<16xi32>
      %shift_right_logical3A_351 = arith.constant 7 : i32
      %shift_right_logical3A_352 = vector.broadcast %shift_right_logical3A_351 : i32 to vector<16xi32>
      %shift_right_logical3A_353 = arith.shrui %add3A_350, %shift_right_logical3A_352 : vector<16xi32>
      %and3A_354 = arith.constant 127 : i32
      %and3A_355 = vector.broadcast %and3A_354 : i32 to vector<16xi32>
      %and3A_356 = arith.andi %add3A_350, %and3A_355 : vector<16xi32>
      tpu.vector_store_idx %arg9[%shift_right_logical3A_353, %and3A_356], %gather3A_344 {add = true} : memref<320x128xf32, #tpu.memory_space<vmem>>[vector<16xi32>, vector<16xi32>], vector<16xf32>,
    }
    %scan3A_6 = arith.constant 41 : i32
    %run_scoped3A = arith.constant 0 : i32
    "tpu.region"() ({
      %run_scoped3A_16 = tpu.sem_alloc : memref<!tpu.dma_semaphore, #tpu.memory_space<semaphore_mem>>
      %dma_start3A = arith.constant 0 : i32
      %dma_start3A_17 = arith.constant 0 : i32
      %dma_start3A_18 = tpu.memref_slice %arg9[%dma_start3A, %dma_start3A_17] : memref<320x128xf32, #tpu.memory_space<vmem>> -> memref<64x128xf32, #tpu.memory_space<vmem>>
      %dma_start3A_19 = arith.constant 0 : i32
      %dma_start3A_20 = tpu.memref_slice %arg10[%run_scoped3A, %dma_start3A_19] : memref<5x64xi32, #tpu.memory_space<vmem>> -> memref<1x64xi32, #tpu.memory_space<vmem>>
      %dma_start3A_21 = tpu.memref_squeeze %dma_start3A_20 : memref<1x64xi32, #tpu.memory_space<vmem>> -> memref<64xi32, #tpu.memory_space<vmem>>
      %dma_start3A_22 = arith.constant 0 : i32
      %dma_start3A_23 = arith.constant 0 : i32
      %dma_start3A_24 = tpu.memref_slice %arg11[%dma_start3A_22, %dma_start3A_23] : memref<320x128xf32, #tpu.memory_space<vmem_shared>> -> memref<320x128xf32, #tpu.memory_space<vmem_shared>>
      tpu.enqueue_indirect_dma source(%dma_start3A_18 : memref<64x128xf32, #tpu.memory_space<vmem>>) target(%dma_start3A_24 : memref<320x128xf32, #tpu.memory_space<vmem_shared>>) offsets(%dma_start3A_21 : memref<64xi32, #tpu.memory_space<vmem>>) semaphore(%run_scoped3A_16 : memref<!tpu.dma_semaphore, #tpu.memory_space<semaphore_mem>>) {add = true}
      %dma_wait3A = arith.constant 0 : i32
      %dma_wait3A_25 = arith.constant 0 : i32
      %dma_wait3A_26 = tpu.memref_slice %arg9[%dma_wait3A, %dma_wait3A_25] : memref<320x128xf32, #tpu.memory_space<vmem>> -> memref<64x128xf32, #tpu.memory_space<vmem>>
      %dma_wait3A_27 = arith.constant 0 : i32
      %dma_wait3A_28 = tpu.memref_slice %arg10[%run_scoped3A, %dma_wait3A_27] : memref<5x64xi32, #tpu.memory_space<vmem>> -> memref<1x64xi32, #tpu.memory_space<vmem>>
      %dma_wait3A_29 = tpu.memref_squeeze %dma_wait3A_28 : memref<1x64xi32, #tpu.memory_space<vmem>> -> memref<64xi32, #tpu.memory_space<vmem>>
      %dma_wait3A_30 = arith.constant 0 : i32
      %dma_wait3A_31 = arith.constant 0 : i32
      %dma_wait3A_32 = tpu.memref_slice %arg11[%dma_wait3A_30, %dma_wait3A_31] : memref<320x128xf32, #tpu.memory_space<vmem_shared>> -> memref<320x128xf32, #tpu.memory_space<vmem_shared>>
      tpu.wait_indirect_dma semaphore(%run_scoped3A_16 : memref<!tpu.dma_semaphore, #tpu.memory_space<semaphore_mem>>) src(%dma_wait3A_26 : memref<64x128xf32, #tpu.memory_space<vmem>>) dst(%dma_wait3A_32 : memref<320x128xf32, #tpu.memory_space<vmem_shared>>)
      tpu.yield
    }) : () -> ()
    %run_scoped3A_7 = arith.constant 1 : i32
    "tpu.region"() ({
      %run_scoped3A_16 = tpu.sem_alloc : memref<!tpu.dma_semaphore, #tpu.memory_space<semaphore_mem>>
      %dma_start3A = arith.constant 64 : i32
      %dma_start3A_17 = arith.constant 0 : i32
      %dma_start3A_18 = tpu.memref_slice %arg9[%dma_start3A, %dma_start3A_17] : memref<320x128xf32, #tpu.memory_space<vmem>> -> memref<64x128xf32, #tpu.memory_space<vmem>>
      %dma_start3A_19 = arith.constant 0 : i32
      %dma_start3A_20 = tpu.memref_slice %arg10[%run_scoped3A_7, %dma_start3A_19] : memref<5x64xi32, #tpu.memory_space<vmem>> -> memref<1x64xi32, #tpu.memory_space<vmem>>
      %dma_start3A_21 = tpu.memref_squeeze %dma_start3A_20 : memref<1x64xi32, #tpu.memory_space<vmem>> -> memref<64xi32, #tpu.memory_space<vmem>>
      %dma_start3A_22 = arith.constant 0 : i32
      %dma_start3A_23 = arith.constant 0 : i32
      %dma_start3A_24 = tpu.memref_slice %arg11[%dma_start3A_22, %dma_start3A_23] : memref<320x128xf32, #tpu.memory_space<vmem_shared>> -> memref<320x128xf32, #tpu.memory_space<vmem_shared>>
      tpu.enqueue_indirect_dma source(%dma_start3A_18 : memref<64x128xf32, #tpu.memory_space<vmem>>) target(%dma_start3A_24 : memref<320x128xf32, #tpu.memory_space<vmem_shared>>) offsets(%dma_start3A_21 : memref<64xi32, #tpu.memory_space<vmem>>) semaphore(%run_scoped3A_16 : memref<!tpu.dma_semaphore, #tpu.memory_space<semaphore_mem>>) {add = true}
      %dma_wait3A = arith.constant 64 : i32
      %dma_wait3A_25 = arith.constant 0 : i32
      %dma_wait3A_26 = tpu.memref_slice %arg9[%dma_wait3A, %dma_wait3A_25] : memref<320x128xf32, #tpu.memory_space<vmem>> -> memref<64x128xf32, #tpu.memory_space<vmem>>
      %dma_wait3A_27 = arith.constant 0 : i32
      %dma_wait3A_28 = tpu.memref_slice %arg10[%run_scoped3A_7, %dma_wait3A_27] : memref<5x64xi32, #tpu.memory_space<vmem>> -> memref<1x64xi32, #tpu.memory_space<vmem>>
      %dma_wait3A_29 = tpu.memref_squeeze %dma_wait3A_28 : memref<1x64xi32, #tpu.memory_space<vmem>> -> memref<64xi32, #tpu.memory_space<vmem>>
      %dma_wait3A_30 = arith.constant 0 : i32
      %dma_wait3A_31 = arith.constant 0 : i32
      %dma_wait3A_32 = tpu.memref_slice %arg11[%dma_wait3A_30, %dma_wait3A_31] : memref<320x128xf32, #tpu.memory_space<vmem_shared>> -> memref<320x128xf32, #tpu.memory_space<vmem_shared>>
      tpu.wait_indirect_dma semaphore(%run_scoped3A_16 : memref<!tpu.dma_semaphore, #tpu.memory_space<semaphore_mem>>) src(%dma_wait3A_26 : memref<64x128xf32, #tpu.memory_space<vmem>>) dst(%dma_wait3A_32 : memref<320x128xf32, #tpu.memory_space<vmem_shared>>)
      tpu.yield
    }) : () -> ()
    %run_scoped3A_8 = arith.constant 2 : i32
    "tpu.region"() ({
      %run_scoped3A_16 = tpu.sem_alloc : memref<!tpu.dma_semaphore, #tpu.memory_space<semaphore_mem>>
      %dma_start3A = arith.constant 128 : i32
      %dma_start3A_17 = arith.constant 0 : i32
      %dma_start3A_18 = tpu.memref_slice %arg9[%dma_start3A, %dma_start3A_17] : memref<320x128xf32, #tpu.memory_space<vmem>> -> memref<64x128xf32, #tpu.memory_space<vmem>>
      %dma_start3A_19 = arith.constant 0 : i32
      %dma_start3A_20 = tpu.memref_slice %arg10[%run_scoped3A_8, %dma_start3A_19] : memref<5x64xi32, #tpu.memory_space<vmem>> -> memref<1x64xi32, #tpu.memory_space<vmem>>
      %dma_start3A_21 = tpu.memref_squeeze %dma_start3A_20 : memref<1x64xi32, #tpu.memory_space<vmem>> -> memref<64xi32, #tpu.memory_space<vmem>>
      %dma_start3A_22 = arith.constant 0 : i32
      %dma_start3A_23 = arith.constant 0 : i32
      %dma_start3A_24 = tpu.memref_slice %arg11[%dma_start3A_22, %dma_start3A_23] : memref<320x128xf32, #tpu.memory_space<vmem_shared>> -> memref<320x128xf32, #tpu.memory_space<vmem_shared>>
      tpu.enqueue_indirect_dma source(%dma_start3A_18 : memref<64x128xf32, #tpu.memory_space<vmem>>) target(%dma_start3A_24 : memref<320x128xf32, #tpu.memory_space<vmem_shared>>) offsets(%dma_start3A_21 : memref<64xi32, #tpu.memory_space<vmem>>) semaphore(%run_scoped3A_16 : memref<!tpu.dma_semaphore, #tpu.memory_space<semaphore_mem>>) {add = true}
      %dma_wait3A = arith.constant 128 : i32
      %dma_wait3A_25 = arith.constant 0 : i32
      %dma_wait3A_26 = tpu.memref_slice %arg9[%dma_wait3A, %dma_wait3A_25] : memref<320x128xf32, #tpu.memory_space<vmem>> -> memref<64x128xf32, #tpu.memory_space<vmem>>
      %dma_wait3A_27 = arith.constant 0 : i32
      %dma_wait3A_28 = tpu.memref_slice %arg10[%run_scoped3A_8, %dma_wait3A_27] : memref<5x64xi32, #tpu.memory_space<vmem>> -> memref<1x64xi32, #tpu.memory_space<vmem>>
      %dma_wait3A_29 = tpu.memref_squeeze %dma_wait3A_28 : memref<1x64xi32, #tpu.memory_space<vmem>> -> memref<64xi32, #tpu.memory_space<vmem>>
      %dma_wait3A_30 = arith.constant 0 : i32
      %dma_wait3A_31 = arith.constant 0 : i32
      %dma_wait3A_32 = tpu.memref_slice %arg11[%dma_wait3A_30, %dma_wait3A_31] : memref<320x128xf32, #tpu.memory_space<vmem_shared>> -> memref<320x128xf32, #tpu.memory_space<vmem_shared>>
      tpu.wait_indirect_dma semaphore(%run_scoped3A_16 : memref<!tpu.dma_semaphore, #tpu.memory_space<semaphore_mem>>) src(%dma_wait3A_26 : memref<64x128xf32, #tpu.memory_space<vmem>>) dst(%dma_wait3A_32 : memref<320x128xf32, #tpu.memory_space<vmem_shared>>)
      tpu.yield
    }) : () -> ()
    %run_scoped3A_9 = arith.constant 3 : i32
    "tpu.region"() ({
      %run_scoped3A_16 = tpu.sem_alloc : memref<!tpu.dma_semaphore, #tpu.memory_space<semaphore_mem>>
      %dma_start3A = arith.constant 192 : i32
      %dma_start3A_17 = arith.constant 0 : i32
      %dma_start3A_18 = tpu.memref_slice %arg9[%dma_start3A, %dma_start3A_17] : memref<320x128xf32, #tpu.memory_space<vmem>> -> memref<64x128xf32, #tpu.memory_space<vmem>>
      %dma_start3A_19 = arith.constant 0 : i32
      %dma_start3A_20 = tpu.memref_slice %arg10[%run_scoped3A_9, %dma_start3A_19] : memref<5x64xi32, #tpu.memory_space<vmem>> -> memref<1x64xi32, #tpu.memory_space<vmem>>
      %dma_start3A_21 = tpu.memref_squeeze %dma_start3A_20 : memref<1x64xi32, #tpu.memory_space<vmem>> -> memref<64xi32, #tpu.memory_space<vmem>>
      %dma_start3A_22 = arith.constant 0 : i32
      %dma_start3A_23 = arith.constant 0 : i32
      %dma_start3A_24 = tpu.memref_slice %arg11[%dma_start3A_22, %dma_start3A_23] : memref<320x128xf32, #tpu.memory_space<vmem_shared>> -> memref<320x128xf32, #tpu.memory_space<vmem_shared>>
      tpu.enqueue_indirect_dma source(%dma_start3A_18 : memref<64x128xf32, #tpu.memory_space<vmem>>) target(%dma_start3A_24 : memref<320x128xf32, #tpu.memory_space<vmem_shared>>) offsets(%dma_start3A_21 : memref<64xi32, #tpu.memory_space<vmem>>) semaphore(%run_scoped3A_16 : memref<!tpu.dma_semaphore, #tpu.memory_space<semaphore_mem>>) {add = true}
      %dma_wait3A = arith.constant 192 : i32
      %dma_wait3A_25 = arith.constant 0 : i32
      %dma_wait3A_26 = tpu.memref_slice %arg9[%dma_wait3A, %dma_wait3A_25] : memref<320x128xf32, #tpu.memory_space<vmem>> -> memref<64x128xf32, #tpu.memory_space<vmem>>
      %dma_wait3A_27 = arith.constant 0 : i32
      %dma_wait3A_28 = tpu.memref_slice %arg10[%run_scoped3A_9, %dma_wait3A_27] : memref<5x64xi32, #tpu.memory_space<vmem>> -> memref<1x64xi32, #tpu.memory_space<vmem>>
      %dma_wait3A_29 = tpu.memref_squeeze %dma_wait3A_28 : memref<1x64xi32, #tpu.memory_space<vmem>> -> memref<64xi32, #tpu.memory_space<vmem>>
      %dma_wait3A_30 = arith.constant 0 : i32
      %dma_wait3A_31 = arith.constant 0 : i32
      %dma_wait3A_32 = tpu.memref_slice %arg11[%dma_wait3A_30, %dma_wait3A_31] : memref<320x128xf32, #tpu.memory_space<vmem_shared>> -> memref<320x128xf32, #tpu.memory_space<vmem_shared>>
      tpu.wait_indirect_dma semaphore(%run_scoped3A_16 : memref<!tpu.dma_semaphore, #tpu.memory_space<semaphore_mem>>) src(%dma_wait3A_26 : memref<64x128xf32, #tpu.memory_space<vmem>>) dst(%dma_wait3A_32 : memref<320x128xf32, #tpu.memory_space<vmem_shared>>)
      tpu.yield
    }) : () -> ()
    %run_scoped3A_10 = arith.constant 4 : i32
    "tpu.region"() ({
      %run_scoped3A_16 = tpu.sem_alloc : memref<!tpu.dma_semaphore, #tpu.memory_space<semaphore_mem>>
      %dma_start3A = arith.constant 256 : i32
      %dma_start3A_17 = arith.constant 0 : i32
      %dma_start3A_18 = tpu.memref_slice %arg9[%dma_start3A, %dma_start3A_17] : memref<320x128xf32, #tpu.memory_space<vmem>> -> memref<64x128xf32, #tpu.memory_space<vmem>>
      %dma_start3A_19 = arith.constant 0 : i32
      %dma_start3A_20 = tpu.memref_slice %arg10[%run_scoped3A_10, %dma_start3A_19] : memref<5x64xi32, #tpu.memory_space<vmem>> -> memref<1x64xi32, #tpu.memory_space<vmem>>
      %dma_start3A_21 = tpu.memref_squeeze %dma_start3A_20 : memref<1x64xi32, #tpu.memory_space<vmem>> -> memref<64xi32, #tpu.memory_space<vmem>>
      %dma_start3A_22 = arith.constant 0 : i32
      %dma_start3A_23 = arith.constant 0 : i32
      %dma_start3A_24 = tpu.memref_slice %arg11[%dma_start3A_22, %dma_start3A_23] : memref<320x128xf32, #tpu.memory_space<vmem_shared>> -> memref<320x128xf32, #tpu.memory_space<vmem_shared>>
      tpu.enqueue_indirect_dma source(%dma_start3A_18 : memref<64x128xf32, #tpu.memory_space<vmem>>) target(%dma_start3A_24 : memref<320x128xf32, #tpu.memory_space<vmem_shared>>) offsets(%dma_start3A_21 : memref<64xi32, #tpu.memory_space<vmem>>) semaphore(%run_scoped3A_16 : memref<!tpu.dma_semaphore, #tpu.memory_space<semaphore_mem>>) {add = true}
      %dma_wait3A = arith.constant 256 : i32
      %dma_wait3A_25 = arith.constant 0 : i32
      %dma_wait3A_26 = tpu.memref_slice %arg9[%dma_wait3A, %dma_wait3A_25] : memref<320x128xf32, #tpu.memory_space<vmem>> -> memref<64x128xf32, #tpu.memory_space<vmem>>
      %dma_wait3A_27 = arith.constant 0 : i32
      %dma_wait3A_28 = tpu.memref_slice %arg10[%run_scoped3A_10, %dma_wait3A_27] : memref<5x64xi32, #tpu.memory_space<vmem>> -> memref<1x64xi32, #tpu.memory_space<vmem>>
      %dma_wait3A_29 = tpu.memref_squeeze %dma_wait3A_28 : memref<1x64xi32, #tpu.memory_space<vmem>> -> memref<64xi32, #tpu.memory_space<vmem>>
      %dma_wait3A_30 = arith.constant 0 : i32
      %dma_wait3A_31 = arith.constant 0 : i32
      %dma_wait3A_32 = tpu.memref_slice %arg11[%dma_wait3A_30, %dma_wait3A_31] : memref<320x128xf32, #tpu.memory_space<vmem_shared>> -> memref<320x128xf32, #tpu.memory_space<vmem_shared>>
      tpu.wait_indirect_dma semaphore(%run_scoped3A_16 : memref<!tpu.dma_semaphore, #tpu.memory_space<semaphore_mem>>) src(%dma_wait3A_26 : memref<64x128xf32, #tpu.memory_space<vmem>>) dst(%dma_wait3A_32 : memref<320x128xf32, #tpu.memory_space<vmem_shared>>)
      tpu.yield
    }) : () -> ()
    %barrier3A_11 = arith.constant 0 : index
    tpu.barrier barrier_id(%barrier3A_11)
    %eq3A = arith.constant 0 : i32
    %eq3A_12 = arith.cmpi eq, %arg1, %eq3A : i32
    %convert_element_type3A_13 = arith.extui %eq3A_12 : i1 to i32
    %cond3A_14 = arith.constant 0 : i32
    %cond3A_15 = arith.cmpi ne, %convert_element_type3A_13, %cond3A_14 : i32
    scf.if %cond3A_15 {
      %mul3A_16 = arith.constant 320 : i32
      %mul3A_17 = arith.muli %arg0, %mul3A_16 : i32
      "tpu.region"() ({
        %run_scoped3A_18 = tpu.sem_alloc : memref<!tpu.dma_semaphore, #tpu.memory_space<semaphore_mem>>
        %dma_start3A = arith.constant 0 : i32
        %dma_start3A_19 = tpu.memref_slice %arg6[%mul3A_17, %dma_start3A] : memref<640x128xf32, #tpu.memory_space<hbm>> -> memref<320x128xf32, #tpu.memory_space<hbm>>
        tpu.enqueue_dma source(%arg11 : memref<320x128xf32, #tpu.memory_space<vmem_shared>>) target(%dma_start3A_19 : memref<320x128xf32, #tpu.memory_space<hbm>>) target_semaphore(%run_scoped3A_18 : memref<!tpu.dma_semaphore, #tpu.memory_space<semaphore_mem>>)
        %dma_wait3A = arith.constant 0 : i32
        %dma_wait3A_20 = tpu.memref_slice %arg6[%mul3A_17, %dma_wait3A] : memref<640x128xf32, #tpu.memory_space<hbm>> -> memref<320x128xf32, #tpu.memory_space<hbm>>
        tpu.wait_dma2 semaphore(%run_scoped3A_18 : memref<!tpu.dma_semaphore, #tpu.memory_space<semaphore_mem>>) src(%arg11 : memref<320x128xf32, #tpu.memory_space<vmem_shared>>) dst(%dma_wait3A_20 : memref<320x128xf32, #tpu.memory_space<hbm>>)
        tpu.yield
      }) : () -> ()
    } else {
    }
    return
  }
}

#map = affine_map<(d0, d1) -> (0, 0)>
#map1 = affine_map<(d0, d1) -> (0, 0, 0)>
module attributes {stable_mosaic.version = 14 : i64} {
  func.func @body(%arg0: i32, %arg1: i32, %arg2: memref<110080x4xf32, #tpu.memory_space<hbm>>, %arg3: memref<32x43x80xi32, #tpu.memory_space<hbm>>, %arg4: memref<640x128xf32, #tpu.memory_space<hbm>>, %arg5: memref<5x64xi32, #tpu.memory_space<hbm>>, %arg6: memref<640x128xf32, #tpu.memory_space<hbm>>, %arg7: memref<43x80xi32, #tpu.memory_space<vmem>>, %arg8: memref<80x4xf32, #tpu.memory_space<vmem>>, %arg9: memref<320x128xf32, #tpu.memory_space<vmem>>, %arg10: memref<5x64xi32, #tpu.memory_space<vmem>>, %arg11: memref<320x128xf32, #tpu.memory_space<vmem_shared>>, %arg12: memref<!tpu.dma_semaphore, #tpu.memory_space<semaphore_mem>>) attributes {dimension_semantics = [#tpu.dimension_semantics<core_parallel>, #tpu.dimension_semantics<subcore_parallel>], iteration_bounds = array<i64: 2, 16>, scalar_prefetch = 0 : i64, scratch_operands = 6 : i64, tpu.core_type = #tpu.core_type<sc_vector_subcore>, window_params = [{transform_indices = #map}, {transform_indices = #map1}, {transform_indices = #map}, {transform_indices = #map}, {transform_indices = #map}]} {
    %mul3A = arith.constant 16 : i32
    %mul3A_0 = arith.muli %arg0, %mul3A : i32
    %add3A = arith.addi %mul3A_0, %arg1 : i32
    %lt3A = arith.constant 5 : i32
    %lt3A_1 = arith.cmpi slt, %arg1, %lt3A : i32
    %convert_element_type3A = arith.extui %lt3A_1 : i1 to i32
    %cond3A = arith.constant 0 : i32
    %cond3A_2 = arith.cmpi ne, %convert_element_type3A, %cond3A : i32
    scf.if %cond3A_2 {
      %mul3A_16 = arith.constant 64 : i32
      %mul3A_17 = arith.muli %arg1, %mul3A_16 : i32
      "tpu.region"() ({
        %run_scoped3A_18 = tpu.sem_alloc : memref<!tpu.dma_semaphore, #tpu.memory_space<semaphore_mem>>
        %dma_start3A = arith.constant 0 : i32
        %dma_start3A_19 = tpu.memref_slice %arg11[%mul3A_17, %dma_start3A] : memref<320x128xf32, #tpu.memory_space<vmem_shared>> -> memref<64x128xf32, #tpu.memory_space<vmem_shared>>
        %dma_start3A_20 = arith.constant 0 : i32
        %dma_start3A_21 = arith.constant 0 : i32
        %dma_start3A_22 = tpu.memref_slice %arg4[%dma_start3A_20, %dma_start3A_21] : memref<640x128xf32, #tpu.memory_space<hbm>> -> memref<64x128xf32, #tpu.memory_space<hbm>>
        tpu.enqueue_dma source(%dma_start3A_22 : memref<64x128xf32, #tpu.memory_space<hbm>>) target(%dma_start3A_19 : memref<64x128xf32, #tpu.memory_space<vmem_shared>>) target_semaphore(%run_scoped3A_18 : memref<!tpu.dma_semaphore, #tpu.memory_space<semaphore_mem>>)
        %dma_wait3A = arith.constant 0 : i32
        %dma_wait3A_23 = tpu.memref_slice %arg11[%mul3A_17, %dma_wait3A] : memref<320x128xf32, #tpu.memory_space<vmem_shared>> -> memref<64x128xf32, #tpu.memory_space<vmem_shared>>
        %dma_wait3A_24 = arith.constant 0 : i32
        %dma_wait3A_25 = arith.constant 0 : i32
        %dma_wait3A_26 = tpu.memref_slice %arg4[%dma_wait3A_24, %dma_wait3A_25] : memref<640x128xf32, #tpu.memory_space<hbm>> -> memref<64x128xf32, #tpu.memory_space<hbm>>
        tpu.wait_dma2 semaphore(%run_scoped3A_18 : memref<!tpu.dma_semaphore, #tpu.memory_space<semaphore_mem>>) src(%dma_wait3A_26 : memref<64x128xf32, #tpu.memory_space<hbm>>) dst(%dma_wait3A_23 : memref<64x128xf32, #tpu.memory_space<vmem_shared>>)
        tpu.yield
      }) : () -> ()
    } else {
    }
    "tpu.region"() ({
      %run_scoped3A_16 = tpu.sem_alloc : memref<!tpu.dma_semaphore, #tpu.memory_space<semaphore_mem>>
      %dma_start3A = arith.constant 0 : i32
      %dma_start3A_17 = arith.constant 0 : i32
      %dma_start3A_18 = tpu.memref_slice %arg3[%add3A, %dma_start3A, %dma_start3A_17] : memref<32x43x80xi32, #tpu.memory_space<hbm>> -> memref<1x43x80xi32, #tpu.memory_space<hbm>>
      %dma_start3A_19 = tpu.memref_squeeze %dma_start3A_18 : memref<1x43x80xi32, #tpu.memory_space<hbm>> -> memref<43x80xi32, #tpu.memory_space<hbm>>
      %dma_start3A_20 = arith.constant 0 : i32
      %dma_start3A_21 = arith.constant 0 : i32
      %dma_start3A_22 = tpu.memref_slice %arg3[%add3A, %dma_start3A_20, %dma_start3A_21] : memref<32x43x80xi32, #tpu.memory_space<hbm>> -> memref<1x43x80xi32, #tpu.memory_space<hbm>>
      %dma_start3A_23 = tpu.memref_squeeze %dma_start3A_22 : memref<1x43x80xi32, #tpu.memory_space<hbm>> -> memref<43x80xi32, #tpu.memory_space<hbm>>
      tpu.enqueue_dma source(%dma_start3A_23 : memref<43x80xi32, #tpu.memory_space<hbm>>) target(%arg7 : memref<43x80xi32, #tpu.memory_space<vmem>>) target_semaphore(%run_scoped3A_16 : memref<!tpu.dma_semaphore, #tpu.memory_space<semaphore_mem>>)
      %dma_wait3A = arith.constant 0 : i32
      %dma_wait3A_24 = arith.constant 0 : i32
      %dma_wait3A_25 = tpu.memref_slice %arg3[%add3A, %dma_wait3A, %dma_wait3A_24] : memref<32x43x80xi32, #tpu.memory_space<hbm>> -> memref<1x43x80xi32, #tpu.memory_space<hbm>>
      %dma_wait3A_26 = tpu.memref_squeeze %dma_wait3A_25 : memref<1x43x80xi32, #tpu.memory_space<hbm>> -> memref<43x80xi32, #tpu.memory_space<hbm>>
      %dma_wait3A_27 = arith.constant 0 : i32
      %dma_wait3A_28 = arith.constant 0 : i32
      %dma_wait3A_29 = tpu.memref_slice %arg3[%add3A, %dma_wait3A_27, %dma_wait3A_28] : memref<32x43x80xi32, #tpu.memory_space<hbm>> -> memref<1x43x80xi32, #tpu.memory_space<hbm>>
      %dma_wait3A_30 = tpu.memref_squeeze %dma_wait3A_29 : memref<1x43x80xi32, #tpu.memory_space<hbm>> -> memref<43x80xi32, #tpu.memory_space<hbm>>
      tpu.wait_dma2 semaphore(%run_scoped3A_16 : memref<!tpu.dma_semaphore, #tpu.memory_space<semaphore_mem>>) src(%dma_wait3A_30 : memref<43x80xi32, #tpu.memory_space<hbm>>) dst(%arg7 : memref<43x80xi32, #tpu.memory_space<vmem>>)
      tpu.yield
    }) : () -> ()
    "tpu.region"() ({
      %run_scoped3A_16 = tpu.sem_alloc : memref<!tpu.dma_semaphore, #tpu.memory_space<semaphore_mem>>
      %dma_start3A = arith.constant 0 : i32
      %dma_start3A_17 = arith.constant 0 : i32
      %dma_start3A_18 = tpu.memref_slice %arg4[%dma_start3A, %dma_start3A_17] : memref<640x128xf32, #tpu.memory_space<hbm>> -> memref<320x128xf32, #tpu.memory_space<hbm>>
      %dma_start3A_19 = arith.constant 0 : i32
      %dma_start3A_20 = arith.constant 0 : i32
      %dma_start3A_21 = tpu.memref_slice %arg4[%dma_start3A_19, %dma_start3A_20] : memref<640x128xf32, #tpu.memory_space<hbm>> -> memref<320x128xf32, #tpu.memory_space<hbm>>
      tpu.enqueue_dma source(%dma_start3A_21 : memref<320x128xf32, #tpu.memory_space<hbm>>) target(%arg9 : memref<320x128xf32, #tpu.memory_space<vmem>>) target_semaphore(%run_scoped3A_16 : memref<!tpu.dma_semaphore, #tpu.memory_space<semaphore_mem>>)
      %dma_wait3A = arith.constant 0 : i32
      %dma_wait3A_22 = arith.constant 0 : i32
      %dma_wait3A_23 = tpu.memref_slice %arg4[%dma_wait3A, %dma_wait3A_22] : memref<640x128xf32, #tpu.memory_space<hbm>> -> memref<320x128xf32, #tpu.memory_space<hbm>>
      %dma_wait3A_24 = arith.constant 0 : i32
      %dma_wait3A_25 = arith.constant 0 : i32
      %dma_wait3A_26 = tpu.memref_slice %arg4[%dma_wait3A_24, %dma_wait3A_25] : memref<640x128xf32, #tpu.memory_space<hbm>> -> memref<320x128xf32, #tpu.memory_space<hbm>>
      tpu.wait_dma2 semaphore(%run_scoped3A_16 : memref<!tpu.dma_semaphore, #tpu.memory_space<semaphore_mem>>) src(%dma_wait3A_26 : memref<320x128xf32, #tpu.memory_space<hbm>>) dst(%arg9 : memref<320x128xf32, #tpu.memory_space<vmem>>)
      tpu.yield
    }) : () -> ()
    "tpu.region"() ({
      %run_scoped3A_16 = tpu.sem_alloc : memref<!tpu.dma_semaphore, #tpu.memory_space<semaphore_mem>>
      tpu.enqueue_dma source(%arg5 : memref<5x64xi32, #tpu.memory_space<hbm>>) target(%arg10 : memref<5x64xi32, #tpu.memory_space<vmem>>) target_semaphore(%run_scoped3A_16 : memref<!tpu.dma_semaphore, #tpu.memory_space<semaphore_mem>>)
      tpu.wait_dma2 semaphore(%run_scoped3A_16 : memref<!tpu.dma_semaphore, #tpu.memory_space<semaphore_mem>>) src(%arg5 : memref<5x64xi32, #tpu.memory_space<hbm>>) dst(%arg10 : memref<5x64xi32, #tpu.memory_space<vmem>>)
      tpu.yield
    }) : () -> ()
    %barrier3A = arith.constant 0 : index
    tpu.barrier barrier_id(%barrier3A)
    %scan3A = arith.constant 0 : i32
    %scan3A_3 = arith.constant 43 : i32
    %scan3A_4 = arith.addi %scan3A, %scan3A_3 : i32
    %scan3A_5 = arith.constant 1 : i32
    scf.for %scan3A_16 = %scan3A to %scan3A_4 step %scan3A_5  : i32 {
      %mul3A_17 = arith.constant 1 : i32
      %mul3A_18 = arith.muli %scan3A_16, %mul3A_17 : i32
      %add3A_19 = arith.constant 0 : i32
      %add3A_20 = arith.addi %add3A_19, %mul3A_18 : i32
      %mul3A_21 = arith.constant 43 : i32
      %mul3A_22 = arith.muli %add3A, %mul3A_21 : i32
      %mul3A_23 = arith.constant 80 : i32
      %mul3A_24 = arith.muli %mul3A_22, %mul3A_23 : i32
      %mul3A_25 = arith.constant 80 : i32
      %mul3A_26 = arith.muli %add3A_20, %mul3A_25 : i32
      %add3A_27 = arith.addi %mul3A_24, %mul3A_26 : i32
      "tpu.region"() ({
        %run_scoped3A_357 = tpu.sem_alloc : memref<!tpu.dma_semaphore, #tpu.memory_space<semaphore_mem>>
        %dma_start3A = arith.constant 0 : i32
        %dma_start3A_358 = tpu.memref_slice %arg2[%add3A_27, %dma_start3A] : memref<110080x4xf32, #tpu.memory_space<hbm>> -> memref<80x4xf32, #tpu.memory_space<hbm>>
        %dma_start3A_359 = arith.constant 0 : i32
        %dma_start3A_360 = tpu.memref_slice %arg2[%add3A_27, %dma_start3A_359] : memref<110080x4xf32, #tpu.memory_space<hbm>> -> memref<80x4xf32, #tpu.memory_space<hbm>>
        tpu.enqueue_dma source(%dma_start3A_360 : memref<80x4xf32, #tpu.memory_space<hbm>>) target(%arg8 : memref<80x4xf32, #tpu.memory_space<vmem>>) target_semaphore(%run_scoped3A_357 : memref<!tpu.dma_semaphore, #tpu.memory_space<semaphore_mem>>)
        %dma_wait3A = arith.constant 0 : i32
        %dma_wait3A_361 = tpu.memref_slice %arg2[%add3A_27, %dma_wait3A] : memref<110080x4xf32, #tpu.memory_space<hbm>> -> memref<80x4xf32, #tpu.memory_space<hbm>>
        %dma_wait3A_362 = arith.constant 0 : i32
        %dma_wait3A_363 = tpu.memref_slice %arg2[%add3A_27, %dma_wait3A_362] : memref<110080x4xf32, #tpu.memory_space<hbm>> -> memref<80x4xf32, #tpu.memory_space<hbm>>
        tpu.wait_dma2 semaphore(%run_scoped3A_357 : memref<!tpu.dma_semaphore, #tpu.memory_space<semaphore_mem>>) src(%dma_wait3A_363 : memref<80x4xf32, #tpu.memory_space<hbm>>) dst(%arg8 : memref<80x4xf32, #tpu.memory_space<vmem>>)
        tpu.yield
      }) : () -> ()
      %iota3A = tpu.iota {dimensions = array<i32: 0>} : vector<16xi32>
      %add3A_28 = arith.constant 0 : i32
      %add3A_29 = vector.broadcast %add3A_28 : i32 to vector<16xi32>
      %add3A_30 = arith.addi %iota3A, %add3A_29 : vector<16xi32>
      %get3A = arith.index_cast %add3A_20 : i32 to index
      %get3A_31 = arith.constant 0 : index
      %get3A_32 = tpu.vector_load %arg7[%get3A, %get3A_31] {strides = array<i32>} : memref<43x80xi32, #tpu.memory_space<vmem>>, vector<16xi32>,
      %broadcast_in_dim3A = arith.constant 0 : i32
      %broadcast_in_dim3A_33 = vector.broadcast %broadcast_in_dim3A : i32 to vector<16xi32>
      %gather3A = tpu.vector_load_idx %arg8[%add3A_30, %broadcast_in_dim3A_33] : memref<80x4xf32, #tpu.memory_space<vmem>>[vector<16xi32>, vector<16xi32>], vector<16xf32>,
      %mul3A_34 = arith.constant 4 : i32
      %mul3A_35 = vector.broadcast %mul3A_34 : i32 to vector<16xi32>
      %mul3A_36 = arith.muli %get3A_32, %mul3A_35 : vector<16xi32>
      %add3A_37 = arith.constant 0 : i32
      %add3A_38 = vector.broadcast %add3A_37 : i32 to vector<16xi32>
      %add3A_39 = arith.addi %mul3A_36, %add3A_38 : vector<16xi32>
      %shift_right_logical3A = arith.constant 7 : i32
      %shift_right_logical3A_40 = vector.broadcast %shift_right_logical3A : i32 to vector<16xi32>
      %shift_right_logical3A_41 = arith.shrui %add3A_39, %shift_right_logical3A_40 : vector<16xi32>
      %and3A = arith.constant 127 : i32
      %and3A_42 = vector.broadcast %and3A : i32 to vector<16xi32>
      %and3A_43 = arith.andi %add3A_39, %and3A_42 : vector<16xi32>
      tpu.vector_store_idx %arg9[%shift_right_logical3A_41, %and3A_43], %gather3A {add = true} : memref<320x128xf32, #tpu.memory_space<vmem>>[vector<16xi32>, vector<16xi32>], vector<16xf32>,
      %broadcast_in_dim3A_44 = arith.constant 1 : i32
      %broadcast_in_dim3A_45 = vector.broadcast %broadcast_in_dim3A_44 : i32 to vector<16xi32>
      %gather3A_46 = tpu.vector_load_idx %arg8[%add3A_30, %broadcast_in_dim3A_45] : memref<80x4xf32, #tpu.memory_space<vmem>>[vector<16xi32>, vector<16xi32>], vector<16xf32>,
      %mul3A_47 = arith.constant 4 : i32
      %mul3A_48 = vector.broadcast %mul3A_47 : i32 to vector<16xi32>
      %mul3A_49 = arith.muli %get3A_32, %mul3A_48 : vector<16xi32>
      %add3A_50 = arith.constant 1 : i32
      %add3A_51 = vector.broadcast %add3A_50 : i32 to vector<16xi32>
      %add3A_52 = arith.addi %mul3A_49, %add3A_51 : vector<16xi32>
      %shift_right_logical3A_53 = arith.constant 7 : i32
      %shift_right_logical3A_54 = vector.broadcast %shift_right_logical3A_53 : i32 to vector<16xi32>
      %shift_right_logical3A_55 = arith.shrui %add3A_52, %shift_right_logical3A_54 : vector<16xi32>
      %and3A_56 = arith.constant 127 : i32
      %and3A_57 = vector.broadcast %and3A_56 : i32 to vector<16xi32>
      %and3A_58 = arith.andi %add3A_52, %and3A_57 : vector<16xi32>
      tpu.vector_store_idx %arg9[%shift_right_logical3A_55, %and3A_58], %gather3A_46 {add = true} : memref<320x128xf32, #tpu.memory_space<vmem>>[vector<16xi32>, vector<16xi32>], vector<16xf32>,
      %broadcast_in_dim3A_59 = arith.constant 2 : i32
      %broadcast_in_dim3A_60 = vector.broadcast %broadcast_in_dim3A_59 : i32 to vector<16xi32>
      %gather3A_61 = tpu.vector_load_idx %arg8[%add3A_30, %broadcast_in_dim3A_60] : memref<80x4xf32, #tpu.memory_space<vmem>>[vector<16xi32>, vector<16xi32>], vector<16xf32>,
      %mul3A_62 = arith.constant 4 : i32
      %mul3A_63 = vector.broadcast %mul3A_62 : i32 to vector<16xi32>
      %mul3A_64 = arith.muli %get3A_32, %mul3A_63 : vector<16xi32>
      %add3A_65 = arith.constant 2 : i32
      %add3A_66 = vector.broadcast %add3A_65 : i32 to vector<16xi32>
      %add3A_67 = arith.addi %mul3A_64, %add3A_66 : vector<16xi32>
      %shift_right_logical3A_68 = arith.constant 7 : i32
      %shift_right_logical3A_69 = vector.broadcast %shift_right_logical3A_68 : i32 to vector<16xi32>
      %shift_right_logical3A_70 = arith.shrui %add3A_67, %shift_right_logical3A_69 : vector<16xi32>
      %and3A_71 = arith.constant 127 : i32
      %and3A_72 = vector.broadcast %and3A_71 : i32 to vector<16xi32>
      %and3A_73 = arith.andi %add3A_67, %and3A_72 : vector<16xi32>
      tpu.vector_store_idx %arg9[%shift_right_logical3A_70, %and3A_73], %gather3A_61 {add = true} : memref<320x128xf32, #tpu.memory_space<vmem>>[vector<16xi32>, vector<16xi32>], vector<16xf32>,
      %broadcast_in_dim3A_74 = arith.constant 3 : i32
      %broadcast_in_dim3A_75 = vector.broadcast %broadcast_in_dim3A_74 : i32 to vector<16xi32>
      %gather3A_76 = tpu.vector_load_idx %arg8[%add3A_30, %broadcast_in_dim3A_75] : memref<80x4xf32, #tpu.memory_space<vmem>>[vector<16xi32>, vector<16xi32>], vector<16xf32>,
      %mul3A_77 = arith.constant 4 : i32
      %mul3A_78 = vector.broadcast %mul3A_77 : i32 to vector<16xi32>
      %mul3A_79 = arith.muli %get3A_32, %mul3A_78 : vector<16xi32>
      %add3A_80 = arith.constant 3 : i32
      %add3A_81 = vector.broadcast %add3A_80 : i32 to vector<16xi32>
      %add3A_82 = arith.addi %mul3A_79, %add3A_81 : vector<16xi32>
      %shift_right_logical3A_83 = arith.constant 7 : i32
      %shift_right_logical3A_84 = vector.broadcast %shift_right_logical3A_83 : i32 to vector<16xi32>
      %shift_right_logical3A_85 = arith.shrui %add3A_82, %shift_right_logical3A_84 : vector<16xi32>
      %and3A_86 = arith.constant 127 : i32
      %and3A_87 = vector.broadcast %and3A_86 : i32 to vector<16xi32>
      %and3A_88 = arith.andi %add3A_82, %and3A_87 : vector<16xi32>
      tpu.vector_store_idx %arg9[%shift_right_logical3A_85, %and3A_88], %gather3A_76 {add = true} : memref<320x128xf32, #tpu.memory_space<vmem>>[vector<16xi32>, vector<16xi32>], vector<16xf32>,
      %iota3A_89 = tpu.iota {dimensions = array<i32: 0>} : vector<16xi32>
      %add3A_90 = arith.constant 16 : i32
      %add3A_91 = vector.broadcast %add3A_90 : i32 to vector<16xi32>
      %add3A_92 = arith.addi %iota3A_89, %add3A_91 : vector<16xi32>
      %get3A_93 = arith.index_cast %add3A_20 : i32 to index
      %get3A_94 = arith.constant 16 : index
      %get3A_95 = tpu.vector_load %arg7[%get3A_93, %get3A_94] {strides = array<i32>} : memref<43x80xi32, #tpu.memory_space<vmem>>, vector<16xi32>,
      %broadcast_in_dim3A_96 = arith.constant 0 : i32
      %broadcast_in_dim3A_97 = vector.broadcast %broadcast_in_dim3A_96 : i32 to vector<16xi32>
      %gather3A_98 = tpu.vector_load_idx %arg8[%add3A_92, %broadcast_in_dim3A_97] : memref<80x4xf32, #tpu.memory_space<vmem>>[vector<16xi32>, vector<16xi32>], vector<16xf32>,
      %mul3A_99 = arith.constant 4 : i32
      %mul3A_100 = vector.broadcast %mul3A_99 : i32 to vector<16xi32>
      %mul3A_101 = arith.muli %get3A_95, %mul3A_100 : vector<16xi32>
      %add3A_102 = arith.constant 0 : i32
      %add3A_103 = vector.broadcast %add3A_102 : i32 to vector<16xi32>
      %add3A_104 = arith.addi %mul3A_101, %add3A_103 : vector<16xi32>
      %shift_right_logical3A_105 = arith.constant 7 : i32
      %shift_right_logical3A_106 = vector.broadcast %shift_right_logical3A_105 : i32 to vector<16xi32>
      %shift_right_logical3A_107 = arith.shrui %add3A_104, %shift_right_logical3A_106 : vector<16xi32>
      %and3A_108 = arith.constant 127 : i32
      %and3A_109 = vector.broadcast %and3A_108 : i32 to vector<16xi32>
      %and3A_110 = arith.andi %add3A_104, %and3A_109 : vector<16xi32>
      tpu.vector_store_idx %arg9[%shift_right_logical3A_107, %and3A_110], %gather3A_98 {add = true} : memref<320x128xf32, #tpu.memory_space<vmem>>[vector<16xi32>, vector<16xi32>], vector<16xf32>,
      %broadcast_in_dim3A_111 = arith.constant 1 : i32
      %broadcast_in_dim3A_112 = vector.broadcast %broadcast_in_dim3A_111 : i32 to vector<16xi32>
      %gather3A_113 = tpu.vector_load_idx %arg8[%add3A_92, %broadcast_in_dim3A_112] : memref<80x4xf32, #tpu.memory_space<vmem>>[vector<16xi32>, vector<16xi32>], vector<16xf32>,
      %mul3A_114 = arith.constant 4 : i32
      %mul3A_115 = vector.broadcast %mul3A_114 : i32 to vector<16xi32>
      %mul3A_116 = arith.muli %get3A_95, %mul3A_115 : vector<16xi32>
      %add3A_117 = arith.constant 1 : i32
      %add3A_118 = vector.broadcast %add3A_117 : i32 to vector<16xi32>
      %add3A_119 = arith.addi %mul3A_116, %add3A_118 : vector<16xi32>
      %shift_right_logical3A_120 = arith.constant 7 : i32
      %shift_right_logical3A_121 = vector.broadcast %shift_right_logical3A_120 : i32 to vector<16xi32>
      %shift_right_logical3A_122 = arith.shrui %add3A_119, %shift_right_logical3A_121 : vector<16xi32>
      %and3A_123 = arith.constant 127 : i32
      %and3A_124 = vector.broadcast %and3A_123 : i32 to vector<16xi32>
      %and3A_125 = arith.andi %add3A_119, %and3A_124 : vector<16xi32>
      tpu.vector_store_idx %arg9[%shift_right_logical3A_122, %and3A_125], %gather3A_113 {add = true} : memref<320x128xf32, #tpu.memory_space<vmem>>[vector<16xi32>, vector<16xi32>], vector<16xf32>,
      %broadcast_in_dim3A_126 = arith.constant 2 : i32
      %broadcast_in_dim3A_127 = vector.broadcast %broadcast_in_dim3A_126 : i32 to vector<16xi32>
      %gather3A_128 = tpu.vector_load_idx %arg8[%add3A_92, %broadcast_in_dim3A_127] : memref<80x4xf32, #tpu.memory_space<vmem>>[vector<16xi32>, vector<16xi32>], vector<16xf32>,
      %mul3A_129 = arith.constant 4 : i32
      %mul3A_130 = vector.broadcast %mul3A_129 : i32 to vector<16xi32>
      %mul3A_131 = arith.muli %get3A_95, %mul3A_130 : vector<16xi32>
      %add3A_132 = arith.constant 2 : i32
      %add3A_133 = vector.broadcast %add3A_132 : i32 to vector<16xi32>
      %add3A_134 = arith.addi %mul3A_131, %add3A_133 : vector<16xi32>
      %shift_right_logical3A_135 = arith.constant 7 : i32
      %shift_right_logical3A_136 = vector.broadcast %shift_right_logical3A_135 : i32 to vector<16xi32>
      %shift_right_logical3A_137 = arith.shrui %add3A_134, %shift_right_logical3A_136 : vector<16xi32>
      %and3A_138 = arith.constant 127 : i32
      %and3A_139 = vector.broadcast %and3A_138 : i32 to vector<16xi32>
      %and3A_140 = arith.andi %add3A_134, %and3A_139 : vector<16xi32>
      tpu.vector_store_idx %arg9[%shift_right_logical3A_137, %and3A_140], %gather3A_128 {add = true} : memref<320x128xf32, #tpu.memory_space<vmem>>[vector<16xi32>, vector<16xi32>], vector<16xf32>,
      %broadcast_in_dim3A_141 = arith.constant 3 : i32
      %broadcast_in_dim3A_142 = vector.broadcast %broadcast_in_dim3A_141 : i32 to vector<16xi32>
      %gather3A_143 = tpu.vector_load_idx %arg8[%add3A_92, %broadcast_in_dim3A_142] : memref<80x4xf32, #tpu.memory_space<vmem>>[vector<16xi32>, vector<16xi32>], vector<16xf32>,
      %mul3A_144 = arith.constant 4 : i32
      %mul3A_145 = vector.broadcast %mul3A_144 : i32 to vector<16xi32>
      %mul3A_146 = arith.muli %get3A_95, %mul3A_145 : vector<16xi32>
      %add3A_147 = arith.constant 3 : i32
      %add3A_148 = vector.broadcast %add3A_147 : i32 to vector<16xi32>
      %add3A_149 = arith.addi %mul3A_146, %add3A_148 : vector<16xi32>
      %shift_right_logical3A_150 = arith.constant 7 : i32
      %shift_right_logical3A_151 = vector.broadcast %shift_right_logical3A_150 : i32 to vector<16xi32>
      %shift_right_logical3A_152 = arith.shrui %add3A_149, %shift_right_logical3A_151 : vector<16xi32>
      %and3A_153 = arith.constant 127 : i32
      %and3A_154 = vector.broadcast %and3A_153 : i32 to vector<16xi32>
      %and3A_155 = arith.andi %add3A_149, %and3A_154 : vector<16xi32>
      tpu.vector_store_idx %arg9[%shift_right_logical3A_152, %and3A_155], %gather3A_143 {add = true} : memref<320x128xf32, #tpu.memory_space<vmem>>[vector<16xi32>, vector<16xi32>], vector<16xf32>,
      %iota3A_156 = tpu.iota {dimensions = array<i32: 0>} : vector<16xi32>
      %add3A_157 = arith.constant 32 : i32
      %add3A_158 = vector.broadcast %add3A_157 : i32 to vector<16xi32>
      %add3A_159 = arith.addi %iota3A_156, %add3A_158 : vector<16xi32>
      %get3A_160 = arith.index_cast %add3A_20 : i32 to index
      %get3A_161 = arith.constant 32 : index
      %get3A_162 = tpu.vector_load %arg7[%get3A_160, %get3A_161] {strides = array<i32>} : memref<43x80xi32, #tpu.memory_space<vmem>>, vector<16xi32>,
      %broadcast_in_dim3A_163 = arith.constant 0 : i32
      %broadcast_in_dim3A_164 = vector.broadcast %broadcast_in_dim3A_163 : i32 to vector<16xi32>
      %gather3A_165 = tpu.vector_load_idx %arg8[%add3A_159, %broadcast_in_dim3A_164] : memref<80x4xf32, #tpu.memory_space<vmem>>[vector<16xi32>, vector<16xi32>], vector<16xf32>,
      %mul3A_166 = arith.constant 4 : i32
      %mul3A_167 = vector.broadcast %mul3A_166 : i32 to vector<16xi32>
      %mul3A_168 = arith.muli %get3A_162, %mul3A_167 : vector<16xi32>
      %add3A_169 = arith.constant 0 : i32
      %add3A_170 = vector.broadcast %add3A_169 : i32 to vector<16xi32>
      %add3A_171 = arith.addi %mul3A_168, %add3A_170 : vector<16xi32>
      %shift_right_logical3A_172 = arith.constant 7 : i32
      %shift_right_logical3A_173 = vector.broadcast %shift_right_logical3A_172 : i32 to vector<16xi32>
      %shift_right_logical3A_174 = arith.shrui %add3A_171, %shift_right_logical3A_173 : vector<16xi32>
      %and3A_175 = arith.constant 127 : i32
      %and3A_176 = vector.broadcast %and3A_175 : i32 to vector<16xi32>
      %and3A_177 = arith.andi %add3A_171, %and3A_176 : vector<16xi32>
      tpu.vector_store_idx %arg9[%shift_right_logical3A_174, %and3A_177], %gather3A_165 {add = true} : memref<320x128xf32, #tpu.memory_space<vmem>>[vector<16xi32>, vector<16xi32>], vector<16xf32>,
      %broadcast_in_dim3A_178 = arith.constant 1 : i32
      %broadcast_in_dim3A_179 = vector.broadcast %broadcast_in_dim3A_178 : i32 to vector<16xi32>
      %gather3A_180 = tpu.vector_load_idx %arg8[%add3A_159, %broadcast_in_dim3A_179] : memref<80x4xf32, #tpu.memory_space<vmem>>[vector<16xi32>, vector<16xi32>], vector<16xf32>,
      %mul3A_181 = arith.constant 4 : i32
      %mul3A_182 = vector.broadcast %mul3A_181 : i32 to vector<16xi32>
      %mul3A_183 = arith.muli %get3A_162, %mul3A_182 : vector<16xi32>
      %add3A_184 = arith.constant 1 : i32
      %add3A_185 = vector.broadcast %add3A_184 : i32 to vector<16xi32>
      %add3A_186 = arith.addi %mul3A_183, %add3A_185 : vector<16xi32>
      %shift_right_logical3A_187 = arith.constant 7 : i32
      %shift_right_logical3A_188 = vector.broadcast %shift_right_logical3A_187 : i32 to vector<16xi32>
      %shift_right_logical3A_189 = arith.shrui %add3A_186, %shift_right_logical3A_188 : vector<16xi32>
      %and3A_190 = arith.constant 127 : i32
      %and3A_191 = vector.broadcast %and3A_190 : i32 to vector<16xi32>
      %and3A_192 = arith.andi %add3A_186, %and3A_191 : vector<16xi32>
      tpu.vector_store_idx %arg9[%shift_right_logical3A_189, %and3A_192], %gather3A_180 {add = true} : memref<320x128xf32, #tpu.memory_space<vmem>>[vector<16xi32>, vector<16xi32>], vector<16xf32>,
      %broadcast_in_dim3A_193 = arith.constant 2 : i32
      %broadcast_in_dim3A_194 = vector.broadcast %broadcast_in_dim3A_193 : i32 to vector<16xi32>
      %gather3A_195 = tpu.vector_load_idx %arg8[%add3A_159, %broadcast_in_dim3A_194] : memref<80x4xf32, #tpu.memory_space<vmem>>[vector<16xi32>, vector<16xi32>], vector<16xf32>,
      %mul3A_196 = arith.constant 4 : i32
      %mul3A_197 = vector.broadcast %mul3A_196 : i32 to vector<16xi32>
      %mul3A_198 = arith.muli %get3A_162, %mul3A_197 : vector<16xi32>
      %add3A_199 = arith.constant 2 : i32
      %add3A_200 = vector.broadcast %add3A_199 : i32 to vector<16xi32>
      %add3A_201 = arith.addi %mul3A_198, %add3A_200 : vector<16xi32>
      %shift_right_logical3A_202 = arith.constant 7 : i32
      %shift_right_logical3A_203 = vector.broadcast %shift_right_logical3A_202 : i32 to vector<16xi32>
      %shift_right_logical3A_204 = arith.shrui %add3A_201, %shift_right_logical3A_203 : vector<16xi32>
      %and3A_205 = arith.constant 127 : i32
      %and3A_206 = vector.broadcast %and3A_205 : i32 to vector<16xi32>
      %and3A_207 = arith.andi %add3A_201, %and3A_206 : vector<16xi32>
      tpu.vector_store_idx %arg9[%shift_right_logical3A_204, %and3A_207], %gather3A_195 {add = true} : memref<320x128xf32, #tpu.memory_space<vmem>>[vector<16xi32>, vector<16xi32>], vector<16xf32>,
      %broadcast_in_dim3A_208 = arith.constant 3 : i32
      %broadcast_in_dim3A_209 = vector.broadcast %broadcast_in_dim3A_208 : i32 to vector<16xi32>
      %gather3A_210 = tpu.vector_load_idx %arg8[%add3A_159, %broadcast_in_dim3A_209] : memref<80x4xf32, #tpu.memory_space<vmem>>[vector<16xi32>, vector<16xi32>], vector<16xf32>,
      %mul3A_211 = arith.constant 4 : i32
      %mul3A_212 = vector.broadcast %mul3A_211 : i32 to vector<16xi32>
      %mul3A_213 = arith.muli %get3A_162, %mul3A_212 : vector<16xi32>
      %add3A_214 = arith.constant 3 : i32
      %add3A_215 = vector.broadcast %add3A_214 : i32 to vector<16xi32>
      %add3A_216 = arith.addi %mul3A_213, %add3A_215 : vector<16xi32>
      %shift_right_logical3A_217 = arith.constant 7 : i32
      %shift_right_logical3A_218 = vector.broadcast %shift_right_logical3A_217 : i32 to vector<16xi32>
      %shift_right_logical3A_219 = arith.shrui %add3A_216, %shift_right_logical3A_218 : vector<16xi32>
      %and3A_220 = arith.constant 127 : i32
      %and3A_221 = vector.broadcast %and3A_220 : i32 to vector<16xi32>
      %and3A_222 = arith.andi %add3A_216, %and3A_221 : vector<16xi32>
      tpu.vector_store_idx %arg9[%shift_right_logical3A_219, %and3A_222], %gather3A_210 {add = true} : memref<320x128xf32, #tpu.memory_space<vmem>>[vector<16xi32>, vector<16xi32>], vector<16xf32>,
      %iota3A_223 = tpu.iota {dimensions = array<i32: 0>} : vector<16xi32>
      %add3A_224 = arith.constant 48 : i32
      %add3A_225 = vector.broadcast %add3A_224 : i32 to vector<16xi32>
      %add3A_226 = arith.addi %iota3A_223, %add3A_225 : vector<16xi32>
      %get3A_227 = arith.index_cast %add3A_20 : i32 to index
      %get3A_228 = arith.constant 48 : index
      %get3A_229 = tpu.vector_load %arg7[%get3A_227, %get3A_228] {strides = array<i32>} : memref<43x80xi32, #tpu.memory_space<vmem>>, vector<16xi32>,
      %broadcast_in_dim3A_230 = arith.constant 0 : i32
      %broadcast_in_dim3A_231 = vector.broadcast %broadcast_in_dim3A_230 : i32 to vector<16xi32>
      %gather3A_232 = tpu.vector_load_idx %arg8[%add3A_226, %broadcast_in_dim3A_231] : memref<80x4xf32, #tpu.memory_space<vmem>>[vector<16xi32>, vector<16xi32>], vector<16xf32>,
      %mul3A_233 = arith.constant 4 : i32
      %mul3A_234 = vector.broadcast %mul3A_233 : i32 to vector<16xi32>
      %mul3A_235 = arith.muli %get3A_229, %mul3A_234 : vector<16xi32>
      %add3A_236 = arith.constant 0 : i32
      %add3A_237 = vector.broadcast %add3A_236 : i32 to vector<16xi32>
      %add3A_238 = arith.addi %mul3A_235, %add3A_237 : vector<16xi32>
      %shift_right_logical3A_239 = arith.constant 7 : i32
      %shift_right_logical3A_240 = vector.broadcast %shift_right_logical3A_239 : i32 to vector<16xi32>
      %shift_right_logical3A_241 = arith.shrui %add3A_238, %shift_right_logical3A_240 : vector<16xi32>
      %and3A_242 = arith.constant 127 : i32
      %and3A_243 = vector.broadcast %and3A_242 : i32 to vector<16xi32>
      %and3A_244 = arith.andi %add3A_238, %and3A_243 : vector<16xi32>
      tpu.vector_store_idx %arg9[%shift_right_logical3A_241, %and3A_244], %gather3A_232 {add = true} : memref<320x128xf32, #tpu.memory_space<vmem>>[vector<16xi32>, vector<16xi32>], vector<16xf32>,
      %broadcast_in_dim3A_245 = arith.constant 1 : i32
      %broadcast_in_dim3A_246 = vector.broadcast %broadcast_in_dim3A_245 : i32 to vector<16xi32>
      %gather3A_247 = tpu.vector_load_idx %arg8[%add3A_226, %broadcast_in_dim3A_246] : memref<80x4xf32, #tpu.memory_space<vmem>>[vector<16xi32>, vector<16xi32>], vector<16xf32>,
      %mul3A_248 = arith.constant 4 : i32
      %mul3A_249 = vector.broadcast %mul3A_248 : i32 to vector<16xi32>
      %mul3A_250 = arith.muli %get3A_229, %mul3A_249 : vector<16xi32>
      %add3A_251 = arith.constant 1 : i32
      %add3A_252 = vector.broadcast %add3A_251 : i32 to vector<16xi32>
      %add3A_253 = arith.addi %mul3A_250, %add3A_252 : vector<16xi32>
      %shift_right_logical3A_254 = arith.constant 7 : i32
      %shift_right_logical3A_255 = vector.broadcast %shift_right_logical3A_254 : i32 to vector<16xi32>
      %shift_right_logical3A_256 = arith.shrui %add3A_253, %shift_right_logical3A_255 : vector<16xi32>
      %and3A_257 = arith.constant 127 : i32
      %and3A_258 = vector.broadcast %and3A_257 : i32 to vector<16xi32>
      %and3A_259 = arith.andi %add3A_253, %and3A_258 : vector<16xi32>
      tpu.vector_store_idx %arg9[%shift_right_logical3A_256, %and3A_259], %gather3A_247 {add = true} : memref<320x128xf32, #tpu.memory_space<vmem>>[vector<16xi32>, vector<16xi32>], vector<16xf32>,
      %broadcast_in_dim3A_260 = arith.constant 2 : i32
      %broadcast_in_dim3A_261 = vector.broadcast %broadcast_in_dim3A_260 : i32 to vector<16xi32>
      %gather3A_262 = tpu.vector_load_idx %arg8[%add3A_226, %broadcast_in_dim3A_261] : memref<80x4xf32, #tpu.memory_space<vmem>>[vector<16xi32>, vector<16xi32>], vector<16xf32>,
      %mul3A_263 = arith.constant 4 : i32
      %mul3A_264 = vector.broadcast %mul3A_263 : i32 to vector<16xi32>
      %mul3A_265 = arith.muli %get3A_229, %mul3A_264 : vector<16xi32>
      %add3A_266 = arith.constant 2 : i32
      %add3A_267 = vector.broadcast %add3A_266 : i32 to vector<16xi32>
      %add3A_268 = arith.addi %mul3A_265, %add3A_267 : vector<16xi32>
      %shift_right_logical3A_269 = arith.constant 7 : i32
      %shift_right_logical3A_270 = vector.broadcast %shift_right_logical3A_269 : i32 to vector<16xi32>
      %shift_right_logical3A_271 = arith.shrui %add3A_268, %shift_right_logical3A_270 : vector<16xi32>
      %and3A_272 = arith.constant 127 : i32
      %and3A_273 = vector.broadcast %and3A_272 : i32 to vector<16xi32>
      %and3A_274 = arith.andi %add3A_268, %and3A_273 : vector<16xi32>
      tpu.vector_store_idx %arg9[%shift_right_logical3A_271, %and3A_274], %gather3A_262 {add = true} : memref<320x128xf32, #tpu.memory_space<vmem>>[vector<16xi32>, vector<16xi32>], vector<16xf32>,
      %broadcast_in_dim3A_275 = arith.constant 3 : i32
      %broadcast_in_dim3A_276 = vector.broadcast %broadcast_in_dim3A_275 : i32 to vector<16xi32>
      %gather3A_277 = tpu.vector_load_idx %arg8[%add3A_226, %broadcast_in_dim3A_276] : memref<80x4xf32, #tpu.memory_space<vmem>>[vector<16xi32>, vector<16xi32>], vector<16xf32>,
      %mul3A_278 = arith.constant 4 : i32
      %mul3A_279 = vector.broadcast %mul3A_278 : i32 to vector<16xi32>
      %mul3A_280 = arith.muli %get3A_229, %mul3A_279 : vector<16xi32>
      %add3A_281 = arith.constant 3 : i32
      %add3A_282 = vector.broadcast %add3A_281 : i32 to vector<16xi32>
      %add3A_283 = arith.addi %mul3A_280, %add3A_282 : vector<16xi32>
      %shift_right_logical3A_284 = arith.constant 7 : i32
      %shift_right_logical3A_285 = vector.broadcast %shift_right_logical3A_284 : i32 to vector<16xi32>
      %shift_right_logical3A_286 = arith.shrui %add3A_283, %shift_right_logical3A_285 : vector<16xi32>
      %and3A_287 = arith.constant 127 : i32
      %and3A_288 = vector.broadcast %and3A_287 : i32 to vector<16xi32>
      %and3A_289 = arith.andi %add3A_283, %and3A_288 : vector<16xi32>
      tpu.vector_store_idx %arg9[%shift_right_logical3A_286, %and3A_289], %gather3A_277 {add = true} : memref<320x128xf32, #tpu.memory_space<vmem>>[vector<16xi32>, vector<16xi32>], vector<16xf32>,
      %iota3A_290 = tpu.iota {dimensions = array<i32: 0>} : vector<16xi32>
      %add3A_291 = arith.constant 64 : i32
      %add3A_292 = vector.broadcast %add3A_291 : i32 to vector<16xi32>
      %add3A_293 = arith.addi %iota3A_290, %add3A_292 : vector<16xi32>
      %get3A_294 = arith.index_cast %add3A_20 : i32 to index
      %get3A_295 = arith.constant 64 : index
      %get3A_296 = tpu.vector_load %arg7[%get3A_294, %get3A_295] {strides = array<i32>} : memref<43x80xi32, #tpu.memory_space<vmem>>, vector<16xi32>,
      %broadcast_in_dim3A_297 = arith.constant 0 : i32
      %broadcast_in_dim3A_298 = vector.broadcast %broadcast_in_dim3A_297 : i32 to vector<16xi32>
      %gather3A_299 = tpu.vector_load_idx %arg8[%add3A_293, %broadcast_in_dim3A_298] : memref<80x4xf32, #tpu.memory_space<vmem>>[vector<16xi32>, vector<16xi32>], vector<16xf32>,
      %mul3A_300 = arith.constant 4 : i32
      %mul3A_301 = vector.broadcast %mul3A_300 : i32 to vector<16xi32>
      %mul3A_302 = arith.muli %get3A_296, %mul3A_301 : vector<16xi32>
      %add3A_303 = arith.constant 0 : i32
      %add3A_304 = vector.broadcast %add3A_303 : i32 to vector<16xi32>
      %add3A_305 = arith.addi %mul3A_302, %add3A_304 : vector<16xi32>
      %shift_right_logical3A_306 = arith.constant 7 : i32
      %shift_right_logical3A_307 = vector.broadcast %shift_right_logical3A_306 : i32 to vector<16xi32>
      %shift_right_logical3A_308 = arith.shrui %add3A_305, %shift_right_logical3A_307 : vector<16xi32>
      %and3A_309 = arith.constant 127 : i32
      %and3A_310 = vector.broadcast %and3A_309 : i32 to vector<16xi32>
      %and3A_311 = arith.andi %add3A_305, %and3A_310 : vector<16xi32>
      tpu.vector_store_idx %arg9[%shift_right_logical3A_308, %and3A_311], %gather3A_299 {add = true} : memref<320x128xf32, #tpu.memory_space<vmem>>[vector<16xi32>, vector<16xi32>], vector<16xf32>,
      %broadcast_in_dim3A_312 = arith.constant 1 : i32
      %broadcast_in_dim3A_313 = vector.broadcast %broadcast_in_dim3A_312 : i32 to vector<16xi32>
      %gather3A_314 = tpu.vector_load_idx %arg8[%add3A_293, %broadcast_in_dim3A_313] : memref<80x4xf32, #tpu.memory_space<vmem>>[vector<16xi32>, vector<16xi32>], vector<16xf32>,
      %mul3A_315 = arith.constant 4 : i32
      %mul3A_316 = vector.broadcast %mul3A_315 : i32 to vector<16xi32>
      %mul3A_317 = arith.muli %get3A_296, %mul3A_316 : vector<16xi32>
      %add3A_318 = arith.constant 1 : i32
      %add3A_319 = vector.broadcast %add3A_318 : i32 to vector<16xi32>
      %add3A_320 = arith.addi %mul3A_317, %add3A_319 : vector<16xi32>
      %shift_right_logical3A_321 = arith.constant 7 : i32
      %shift_right_logical3A_322 = vector.broadcast %shift_right_logical3A_321 : i32 to vector<16xi32>
      %shift_right_logical3A_323 = arith.shrui %add3A_320, %shift_right_logical3A_322 : vector<16xi32>
      %and3A_324 = arith.constant 127 : i32
      %and3A_325 = vector.broadcast %and3A_324 : i32 to vector<16xi32>
      %and3A_326 = arith.andi %add3A_320, %and3A_325 : vector<16xi32>
      tpu.vector_store_idx %arg9[%shift_right_logical3A_323, %and3A_326], %gather3A_314 {add = true} : memref<320x128xf32, #tpu.memory_space<vmem>>[vector<16xi32>, vector<16xi32>], vector<16xf32>,
      %broadcast_in_dim3A_327 = arith.constant 2 : i32
      %broadcast_in_dim3A_328 = vector.broadcast %broadcast_in_dim3A_327 : i32 to vector<16xi32>
      %gather3A_329 = tpu.vector_load_idx %arg8[%add3A_293, %broadcast_in_dim3A_328] : memref<80x4xf32, #tpu.memory_space<vmem>>[vector<16xi32>, vector<16xi32>], vector<16xf32>,
      %mul3A_330 = arith.constant 4 : i32
      %mul3A_331 = vector.broadcast %mul3A_330 : i32 to vector<16xi32>
      %mul3A_332 = arith.muli %get3A_296, %mul3A_331 : vector<16xi32>
      %add3A_333 = arith.constant 2 : i32
      %add3A_334 = vector.broadcast %add3A_333 : i32 to vector<16xi32>
      %add3A_335 = arith.addi %mul3A_332, %add3A_334 : vector<16xi32>
      %shift_right_logical3A_336 = arith.constant 7 : i32
      %shift_right_logical3A_337 = vector.broadcast %shift_right_logical3A_336 : i32 to vector<16xi32>
      %shift_right_logical3A_338 = arith.shrui %add3A_335, %shift_right_logical3A_337 : vector<16xi32>
      %and3A_339 = arith.constant 127 : i32
      %and3A_340 = vector.broadcast %and3A_339 : i32 to vector<16xi32>
      %and3A_341 = arith.andi %add3A_335, %and3A_340 : vector<16xi32>
      tpu.vector_store_idx %arg9[%shift_right_logical3A_338, %and3A_341], %gather3A_329 {add = true} : memref<320x128xf32, #tpu.memory_space<vmem>>[vector<16xi32>, vector<16xi32>], vector<16xf32>,
      %broadcast_in_dim3A_342 = arith.constant 3 : i32
      %broadcast_in_dim3A_343 = vector.broadcast %broadcast_in_dim3A_342 : i32 to vector<16xi32>
      %gather3A_344 = tpu.vector_load_idx %arg8[%add3A_293, %broadcast_in_dim3A_343] : memref<80x4xf32, #tpu.memory_space<vmem>>[vector<16xi32>, vector<16xi32>], vector<16xf32>,
      %mul3A_345 = arith.constant 4 : i32
      %mul3A_346 = vector.broadcast %mul3A_345 : i32 to vector<16xi32>
      %mul3A_347 = arith.muli %get3A_296, %mul3A_346 : vector<16xi32>
      %add3A_348 = arith.constant 3 : i32
      %add3A_349 = vector.broadcast %add3A_348 : i32 to vector<16xi32>
      %add3A_350 = arith.addi %mul3A_347, %add3A_349 : vector<16xi32>
      %shift_right_logical3A_351 = arith.constant 7 : i32
      %shift_right_logical3A_352 = vector.broadcast %shift_right_logical3A_351 : i32 to vector<16xi32>
      %shift_right_logical3A_353 = arith.shrui %add3A_350, %shift_right_logical3A_352 : vector<16xi32>
      %and3A_354 = arith.constant 127 : i32
      %and3A_355 = vector.broadcast %and3A_354 : i32 to vector<16xi32>
      %and3A_356 = arith.andi %add3A_350, %and3A_355 : vector<16xi32>
      tpu.vector_store_idx %arg9[%shift_right_logical3A_353, %and3A_356], %gather3A_344 {add = true} : memref<320x128xf32, #tpu.memory_space<vmem>>[vector<16xi32>, vector<16xi32>], vector<16xf32>,
    }
    %scan3A_6 = arith.constant 43 : i32
    %run_scoped3A = arith.constant 0 : i32
    "tpu.region"() ({
      %run_scoped3A_16 = tpu.sem_alloc : memref<!tpu.dma_semaphore, #tpu.memory_space<semaphore_mem>>
      %dma_start3A = arith.constant 0 : i32
      %dma_start3A_17 = arith.constant 0 : i32
      %dma_start3A_18 = tpu.memref_slice %arg9[%dma_start3A, %dma_start3A_17] : memref<320x128xf32, #tpu.memory_space<vmem>> -> memref<64x128xf32, #tpu.memory_space<vmem>>
      %dma_start3A_19 = arith.constant 0 : i32
      %dma_start3A_20 = tpu.memref_slice %arg10[%run_scoped3A, %dma_start3A_19] : memref<5x64xi32, #tpu.memory_space<vmem>> -> memref<1x64xi32, #tpu.memory_space<vmem>>
      %dma_start3A_21 = tpu.memref_squeeze %dma_start3A_20 : memref<1x64xi32, #tpu.memory_space<vmem>> -> memref<64xi32, #tpu.memory_space<vmem>>
      %dma_start3A_22 = arith.constant 0 : i32
      %dma_start3A_23 = arith.constant 0 : i32
      %dma_start3A_24 = tpu.memref_slice %arg11[%dma_start3A_22, %dma_start3A_23] : memref<320x128xf32, #tpu.memory_space<vmem_shared>> -> memref<320x128xf32, #tpu.memory_space<vmem_shared>>
      tpu.enqueue_indirect_dma source(%dma_start3A_18 : memref<64x128xf32, #tpu.memory_space<vmem>>) target(%dma_start3A_24 : memref<320x128xf32, #tpu.memory_space<vmem_shared>>) offsets(%dma_start3A_21 : memref<64xi32, #tpu.memory_space<vmem>>) semaphore(%run_scoped3A_16 : memref<!tpu.dma_semaphore, #tpu.memory_space<semaphore_mem>>) {add = true}
      %dma_wait3A = arith.constant 0 : i32
      %dma_wait3A_25 = arith.constant 0 : i32
      %dma_wait3A_26 = tpu.memref_slice %arg9[%dma_wait3A, %dma_wait3A_25] : memref<320x128xf32, #tpu.memory_space<vmem>> -> memref<64x128xf32, #tpu.memory_space<vmem>>
      %dma_wait3A_27 = arith.constant 0 : i32
      %dma_wait3A_28 = tpu.memref_slice %arg10[%run_scoped3A, %dma_wait3A_27] : memref<5x64xi32, #tpu.memory_space<vmem>> -> memref<1x64xi32, #tpu.memory_space<vmem>>
      %dma_wait3A_29 = tpu.memref_squeeze %dma_wait3A_28 : memref<1x64xi32, #tpu.memory_space<vmem>> -> memref<64xi32, #tpu.memory_space<vmem>>
      %dma_wait3A_30 = arith.constant 0 : i32
      %dma_wait3A_31 = arith.constant 0 : i32
      %dma_wait3A_32 = tpu.memref_slice %arg11[%dma_wait3A_30, %dma_wait3A_31] : memref<320x128xf32, #tpu.memory_space<vmem_shared>> -> memref<320x128xf32, #tpu.memory_space<vmem_shared>>
      tpu.wait_indirect_dma semaphore(%run_scoped3A_16 : memref<!tpu.dma_semaphore, #tpu.memory_space<semaphore_mem>>) src(%dma_wait3A_26 : memref<64x128xf32, #tpu.memory_space<vmem>>) dst(%dma_wait3A_32 : memref<320x128xf32, #tpu.memory_space<vmem_shared>>)
      tpu.yield
    }) : () -> ()
    %run_scoped3A_7 = arith.constant 1 : i32
    "tpu.region"() ({
      %run_scoped3A_16 = tpu.sem_alloc : memref<!tpu.dma_semaphore, #tpu.memory_space<semaphore_mem>>
      %dma_start3A = arith.constant 64 : i32
      %dma_start3A_17 = arith.constant 0 : i32
      %dma_start3A_18 = tpu.memref_slice %arg9[%dma_start3A, %dma_start3A_17] : memref<320x128xf32, #tpu.memory_space<vmem>> -> memref<64x128xf32, #tpu.memory_space<vmem>>
      %dma_start3A_19 = arith.constant 0 : i32
      %dma_start3A_20 = tpu.memref_slice %arg10[%run_scoped3A_7, %dma_start3A_19] : memref<5x64xi32, #tpu.memory_space<vmem>> -> memref<1x64xi32, #tpu.memory_space<vmem>>
      %dma_start3A_21 = tpu.memref_squeeze %dma_start3A_20 : memref<1x64xi32, #tpu.memory_space<vmem>> -> memref<64xi32, #tpu.memory_space<vmem>>
      %dma_start3A_22 = arith.constant 0 : i32
      %dma_start3A_23 = arith.constant 0 : i32
      %dma_start3A_24 = tpu.memref_slice %arg11[%dma_start3A_22, %dma_start3A_23] : memref<320x128xf32, #tpu.memory_space<vmem_shared>> -> memref<320x128xf32, #tpu.memory_space<vmem_shared>>
      tpu.enqueue_indirect_dma source(%dma_start3A_18 : memref<64x128xf32, #tpu.memory_space<vmem>>) target(%dma_start3A_24 : memref<320x128xf32, #tpu.memory_space<vmem_shared>>) offsets(%dma_start3A_21 : memref<64xi32, #tpu.memory_space<vmem>>) semaphore(%run_scoped3A_16 : memref<!tpu.dma_semaphore, #tpu.memory_space<semaphore_mem>>) {add = true}
      %dma_wait3A = arith.constant 64 : i32
      %dma_wait3A_25 = arith.constant 0 : i32
      %dma_wait3A_26 = tpu.memref_slice %arg9[%dma_wait3A, %dma_wait3A_25] : memref<320x128xf32, #tpu.memory_space<vmem>> -> memref<64x128xf32, #tpu.memory_space<vmem>>
      %dma_wait3A_27 = arith.constant 0 : i32
      %dma_wait3A_28 = tpu.memref_slice %arg10[%run_scoped3A_7, %dma_wait3A_27] : memref<5x64xi32, #tpu.memory_space<vmem>> -> memref<1x64xi32, #tpu.memory_space<vmem>>
      %dma_wait3A_29 = tpu.memref_squeeze %dma_wait3A_28 : memref<1x64xi32, #tpu.memory_space<vmem>> -> memref<64xi32, #tpu.memory_space<vmem>>
      %dma_wait3A_30 = arith.constant 0 : i32
      %dma_wait3A_31 = arith.constant 0 : i32
      %dma_wait3A_32 = tpu.memref_slice %arg11[%dma_wait3A_30, %dma_wait3A_31] : memref<320x128xf32, #tpu.memory_space<vmem_shared>> -> memref<320x128xf32, #tpu.memory_space<vmem_shared>>
      tpu.wait_indirect_dma semaphore(%run_scoped3A_16 : memref<!tpu.dma_semaphore, #tpu.memory_space<semaphore_mem>>) src(%dma_wait3A_26 : memref<64x128xf32, #tpu.memory_space<vmem>>) dst(%dma_wait3A_32 : memref<320x128xf32, #tpu.memory_space<vmem_shared>>)
      tpu.yield
    }) : () -> ()
    %run_scoped3A_8 = arith.constant 2 : i32
    "tpu.region"() ({
      %run_scoped3A_16 = tpu.sem_alloc : memref<!tpu.dma_semaphore, #tpu.memory_space<semaphore_mem>>
      %dma_start3A = arith.constant 128 : i32
      %dma_start3A_17 = arith.constant 0 : i32
      %dma_start3A_18 = tpu.memref_slice %arg9[%dma_start3A, %dma_start3A_17] : memref<320x128xf32, #tpu.memory_space<vmem>> -> memref<64x128xf32, #tpu.memory_space<vmem>>
      %dma_start3A_19 = arith.constant 0 : i32
      %dma_start3A_20 = tpu.memref_slice %arg10[%run_scoped3A_8, %dma_start3A_19] : memref<5x64xi32, #tpu.memory_space<vmem>> -> memref<1x64xi32, #tpu.memory_space<vmem>>
      %dma_start3A_21 = tpu.memref_squeeze %dma_start3A_20 : memref<1x64xi32, #tpu.memory_space<vmem>> -> memref<64xi32, #tpu.memory_space<vmem>>
      %dma_start3A_22 = arith.constant 0 : i32
      %dma_start3A_23 = arith.constant 0 : i32
      %dma_start3A_24 = tpu.memref_slice %arg11[%dma_start3A_22, %dma_start3A_23] : memref<320x128xf32, #tpu.memory_space<vmem_shared>> -> memref<320x128xf32, #tpu.memory_space<vmem_shared>>
      tpu.enqueue_indirect_dma source(%dma_start3A_18 : memref<64x128xf32, #tpu.memory_space<vmem>>) target(%dma_start3A_24 : memref<320x128xf32, #tpu.memory_space<vmem_shared>>) offsets(%dma_start3A_21 : memref<64xi32, #tpu.memory_space<vmem>>) semaphore(%run_scoped3A_16 : memref<!tpu.dma_semaphore, #tpu.memory_space<semaphore_mem>>) {add = true}
      %dma_wait3A = arith.constant 128 : i32
      %dma_wait3A_25 = arith.constant 0 : i32
      %dma_wait3A_26 = tpu.memref_slice %arg9[%dma_wait3A, %dma_wait3A_25] : memref<320x128xf32, #tpu.memory_space<vmem>> -> memref<64x128xf32, #tpu.memory_space<vmem>>
      %dma_wait3A_27 = arith.constant 0 : i32
      %dma_wait3A_28 = tpu.memref_slice %arg10[%run_scoped3A_8, %dma_wait3A_27] : memref<5x64xi32, #tpu.memory_space<vmem>> -> memref<1x64xi32, #tpu.memory_space<vmem>>
      %dma_wait3A_29 = tpu.memref_squeeze %dma_wait3A_28 : memref<1x64xi32, #tpu.memory_space<vmem>> -> memref<64xi32, #tpu.memory_space<vmem>>
      %dma_wait3A_30 = arith.constant 0 : i32
      %dma_wait3A_31 = arith.constant 0 : i32
      %dma_wait3A_32 = tpu.memref_slice %arg11[%dma_wait3A_30, %dma_wait3A_31] : memref<320x128xf32, #tpu.memory_space<vmem_shared>> -> memref<320x128xf32, #tpu.memory_space<vmem_shared>>
      tpu.wait_indirect_dma semaphore(%run_scoped3A_16 : memref<!tpu.dma_semaphore, #tpu.memory_space<semaphore_mem>>) src(%dma_wait3A_26 : memref<64x128xf32, #tpu.memory_space<vmem>>) dst(%dma_wait3A_32 : memref<320x128xf32, #tpu.memory_space<vmem_shared>>)
      tpu.yield
    }) : () -> ()
    %run_scoped3A_9 = arith.constant 3 : i32
    "tpu.region"() ({
      %run_scoped3A_16 = tpu.sem_alloc : memref<!tpu.dma_semaphore, #tpu.memory_space<semaphore_mem>>
      %dma_start3A = arith.constant 192 : i32
      %dma_start3A_17 = arith.constant 0 : i32
      %dma_start3A_18 = tpu.memref_slice %arg9[%dma_start3A, %dma_start3A_17] : memref<320x128xf32, #tpu.memory_space<vmem>> -> memref<64x128xf32, #tpu.memory_space<vmem>>
      %dma_start3A_19 = arith.constant 0 : i32
      %dma_start3A_20 = tpu.memref_slice %arg10[%run_scoped3A_9, %dma_start3A_19] : memref<5x64xi32, #tpu.memory_space<vmem>> -> memref<1x64xi32, #tpu.memory_space<vmem>>
      %dma_start3A_21 = tpu.memref_squeeze %dma_start3A_20 : memref<1x64xi32, #tpu.memory_space<vmem>> -> memref<64xi32, #tpu.memory_space<vmem>>
      %dma_start3A_22 = arith.constant 0 : i32
      %dma_start3A_23 = arith.constant 0 : i32
      %dma_start3A_24 = tpu.memref_slice %arg11[%dma_start3A_22, %dma_start3A_23] : memref<320x128xf32, #tpu.memory_space<vmem_shared>> -> memref<320x128xf32, #tpu.memory_space<vmem_shared>>
      tpu.enqueue_indirect_dma source(%dma_start3A_18 : memref<64x128xf32, #tpu.memory_space<vmem>>) target(%dma_start3A_24 : memref<320x128xf32, #tpu.memory_space<vmem_shared>>) offsets(%dma_start3A_21 : memref<64xi32, #tpu.memory_space<vmem>>) semaphore(%run_scoped3A_16 : memref<!tpu.dma_semaphore, #tpu.memory_space<semaphore_mem>>) {add = true}
      %dma_wait3A = arith.constant 192 : i32
      %dma_wait3A_25 = arith.constant 0 : i32
      %dma_wait3A_26 = tpu.memref_slice %arg9[%dma_wait3A, %dma_wait3A_25] : memref<320x128xf32, #tpu.memory_space<vmem>> -> memref<64x128xf32, #tpu.memory_space<vmem>>
      %dma_wait3A_27 = arith.constant 0 : i32
      %dma_wait3A_28 = tpu.memref_slice %arg10[%run_scoped3A_9, %dma_wait3A_27] : memref<5x64xi32, #tpu.memory_space<vmem>> -> memref<1x64xi32, #tpu.memory_space<vmem>>
      %dma_wait3A_29 = tpu.memref_squeeze %dma_wait3A_28 : memref<1x64xi32, #tpu.memory_space<vmem>> -> memref<64xi32, #tpu.memory_space<vmem>>
      %dma_wait3A_30 = arith.constant 0 : i32
      %dma_wait3A_31 = arith.constant 0 : i32
      %dma_wait3A_32 = tpu.memref_slice %arg11[%dma_wait3A_30, %dma_wait3A_31] : memref<320x128xf32, #tpu.memory_space<vmem_shared>> -> memref<320x128xf32, #tpu.memory_space<vmem_shared>>
      tpu.wait_indirect_dma semaphore(%run_scoped3A_16 : memref<!tpu.dma_semaphore, #tpu.memory_space<semaphore_mem>>) src(%dma_wait3A_26 : memref<64x128xf32, #tpu.memory_space<vmem>>) dst(%dma_wait3A_32 : memref<320x128xf32, #tpu.memory_space<vmem_shared>>)
      tpu.yield
    }) : () -> ()
    %run_scoped3A_10 = arith.constant 4 : i32
    "tpu.region"() ({
      %run_scoped3A_16 = tpu.sem_alloc : memref<!tpu.dma_semaphore, #tpu.memory_space<semaphore_mem>>
      %dma_start3A = arith.constant 256 : i32
      %dma_start3A_17 = arith.constant 0 : i32
      %dma_start3A_18 = tpu.memref_slice %arg9[%dma_start3A, %dma_start3A_17] : memref<320x128xf32, #tpu.memory_space<vmem>> -> memref<64x128xf32, #tpu.memory_space<vmem>>
      %dma_start3A_19 = arith.constant 0 : i32
      %dma_start3A_20 = tpu.memref_slice %arg10[%run_scoped3A_10, %dma_start3A_19] : memref<5x64xi32, #tpu.memory_space<vmem>> -> memref<1x64xi32, #tpu.memory_space<vmem>>
      %dma_start3A_21 = tpu.memref_squeeze %dma_start3A_20 : memref<1x64xi32, #tpu.memory_space<vmem>> -> memref<64xi32, #tpu.memory_space<vmem>>
      %dma_start3A_22 = arith.constant 0 : i32
      %dma_start3A_23 = arith.constant 0 : i32
      %dma_start3A_24 = tpu.memref_slice %arg11[%dma_start3A_22, %dma_start3A_23] : memref<320x128xf32, #tpu.memory_space<vmem_shared>> -> memref<320x128xf32, #tpu.memory_space<vmem_shared>>
      tpu.enqueue_indirect_dma source(%dma_start3A_18 : memref<64x128xf32, #tpu.memory_space<vmem>>) target(%dma_start3A_24 : memref<320x128xf32, #tpu.memory_space<vmem_shared>>) offsets(%dma_start3A_21 : memref<64xi32, #tpu.memory_space<vmem>>) semaphore(%run_scoped3A_16 : memref<!tpu.dma_semaphore, #tpu.memory_space<semaphore_mem>>) {add = true}
      %dma_wait3A = arith.constant 256 : i32
      %dma_wait3A_25 = arith.constant 0 : i32
      %dma_wait3A_26 = tpu.memref_slice %arg9[%dma_wait3A, %dma_wait3A_25] : memref<320x128xf32, #tpu.memory_space<vmem>> -> memref<64x128xf32, #tpu.memory_space<vmem>>
      %dma_wait3A_27 = arith.constant 0 : i32
      %dma_wait3A_28 = tpu.memref_slice %arg10[%run_scoped3A_10, %dma_wait3A_27] : memref<5x64xi32, #tpu.memory_space<vmem>> -> memref<1x64xi32, #tpu.memory_space<vmem>>
      %dma_wait3A_29 = tpu.memref_squeeze %dma_wait3A_28 : memref<1x64xi32, #tpu.memory_space<vmem>> -> memref<64xi32, #tpu.memory_space<vmem>>
      %dma_wait3A_30 = arith.constant 0 : i32
      %dma_wait3A_31 = arith.constant 0 : i32
      %dma_wait3A_32 = tpu.memref_slice %arg11[%dma_wait3A_30, %dma_wait3A_31] : memref<320x128xf32, #tpu.memory_space<vmem_shared>> -> memref<320x128xf32, #tpu.memory_space<vmem_shared>>
      tpu.wait_indirect_dma semaphore(%run_scoped3A_16 : memref<!tpu.dma_semaphore, #tpu.memory_space<semaphore_mem>>) src(%dma_wait3A_26 : memref<64x128xf32, #tpu.memory_space<vmem>>) dst(%dma_wait3A_32 : memref<320x128xf32, #tpu.memory_space<vmem_shared>>)
      tpu.yield
    }) : () -> ()
    %barrier3A_11 = arith.constant 0 : index
    tpu.barrier barrier_id(%barrier3A_11)
    %eq3A = arith.constant 0 : i32
    %eq3A_12 = arith.cmpi eq, %arg1, %eq3A : i32
    %convert_element_type3A_13 = arith.extui %eq3A_12 : i1 to i32
    %cond3A_14 = arith.constant 0 : i32
    %cond3A_15 = arith.cmpi ne, %convert_element_type3A_13, %cond3A_14 : i32
    scf.if %cond3A_15 {
      %mul3A_16 = arith.constant 320 : i32
      %mul3A_17 = arith.muli %arg0, %mul3A_16 : i32
      "tpu.region"() ({
        %run_scoped3A_18 = tpu.sem_alloc : memref<!tpu.dma_semaphore, #tpu.memory_space<semaphore_mem>>
        %dma_start3A = arith.constant 0 : i32
        %dma_start3A_19 = tpu.memref_slice %arg6[%mul3A_17, %dma_start3A] : memref<640x128xf32, #tpu.memory_space<hbm>> -> memref<320x128xf32, #tpu.memory_space<hbm>>
        tpu.enqueue_dma source(%arg11 : memref<320x128xf32, #tpu.memory_space<vmem_shared>>) target(%dma_start3A_19 : memref<320x128xf32, #tpu.memory_space<hbm>>) target_semaphore(%run_scoped3A_18 : memref<!tpu.dma_semaphore, #tpu.memory_space<semaphore_mem>>)
        %dma_wait3A = arith.constant 0 : i32
        %dma_wait3A_20 = tpu.memref_slice %arg6[%mul3A_17, %dma_wait3A] : memref<640x128xf32, #tpu.memory_space<hbm>> -> memref<320x128xf32, #tpu.memory_space<hbm>>
        tpu.wait_dma2 semaphore(%run_scoped3A_18 : memref<!tpu.dma_semaphore, #tpu.memory_space<semaphore_mem>>) src(%arg11 : memref<320x128xf32, #tpu.memory_space<vmem_shared>>) dst(%dma_wait3A_20 : memref<320x128xf32, #tpu.memory_space<hbm>>)
        tpu.yield
      }) : () -> ()
    } else {
    }
    return
  }
}

#map = affine_map<(d0, d1) -> (0, 0)>
#map1 = affine_map<(d0, d1) -> (0, 0, 0)>
module attributes {stable_mosaic.version = 14 : i64} {
  func.func @body(%arg0: i32, %arg1: i32, %arg2: memref<104960x128xf32, #tpu.memory_space<hbm>>, %arg3: memref<32x41x80xi32, #tpu.memory_space<hbm>>, %arg4: memref<640x128xf32, #tpu.memory_space<hbm>>, %arg5: memref<20480x128xf32, #tpu.memory_space<hbm>>, %arg6: memref<41x80xi32, #tpu.memory_space<vmem>>, %arg7: memref<80x128xf32, #tpu.memory_space<vmem>>, %arg8: memref<80x128xf32, #tpu.memory_space<vmem>>, %arg9: memref<10240x128xf32, #tpu.memory_space<vmem_shared>>, %arg10: memref<!tpu.dma_semaphore, #tpu.memory_space<semaphore_mem>>, %arg11: memref<!tpu.dma_semaphore, #tpu.memory_space<semaphore_mem>>) attributes {dimension_semantics = [#tpu.dimension_semantics<core_parallel>, #tpu.dimension_semantics<subcore_parallel>], iteration_bounds = array<i64: 2, 16>, scalar_prefetch = 0 : i64, scratch_operands = 6 : i64, tpu.core_type = #tpu.core_type<sc_vector_subcore>, window_params = [{transform_indices = #map}, {transform_indices = #map1}, {transform_indices = #map}, {transform_indices = #map}]} {
    %mul3A = arith.constant 16 : i32
    %mul3A_0 = arith.muli %arg0, %mul3A : i32
    %add3A = arith.addi %mul3A_0, %arg1 : i32
    %mul3A_1 = arith.constant 640 : i32
    %mul3A_2 = arith.muli %arg1, %mul3A_1 : i32
    "tpu.region"() ({
      %run_scoped3A_19 = tpu.sem_alloc : memref<!tpu.dma_semaphore, #tpu.memory_space<semaphore_mem>>
      %dma_start3A_20 = arith.constant 0 : i32
      %dma_start3A_21 = tpu.memref_slice %arg9[%mul3A_2, %dma_start3A_20] : memref<10240x128xf32, #tpu.memory_space<vmem_shared>> -> memref<640x128xf32, #tpu.memory_space<vmem_shared>>
      tpu.enqueue_dma source(%arg4 : memref<640x128xf32, #tpu.memory_space<hbm>>) target(%dma_start3A_21 : memref<640x128xf32, #tpu.memory_space<vmem_shared>>) target_semaphore(%run_scoped3A_19 : memref<!tpu.dma_semaphore, #tpu.memory_space<semaphore_mem>>)
      %dma_wait3A_22 = arith.constant 0 : i32
      %dma_wait3A_23 = tpu.memref_slice %arg9[%mul3A_2, %dma_wait3A_22] : memref<10240x128xf32, #tpu.memory_space<vmem_shared>> -> memref<640x128xf32, #tpu.memory_space<vmem_shared>>
      tpu.wait_dma2 semaphore(%run_scoped3A_19 : memref<!tpu.dma_semaphore, #tpu.memory_space<semaphore_mem>>) src(%arg4 : memref<640x128xf32, #tpu.memory_space<hbm>>) dst(%dma_wait3A_23 : memref<640x128xf32, #tpu.memory_space<vmem_shared>>)
      tpu.yield
    }) : () -> ()
    "tpu.region"() ({
      %run_scoped3A_19 = tpu.sem_alloc : memref<!tpu.dma_semaphore, #tpu.memory_space<semaphore_mem>>
      %dma_start3A_20 = arith.constant 0 : i32
      %dma_start3A_21 = arith.constant 0 : i32
      %dma_start3A_22 = tpu.memref_slice %arg3[%add3A, %dma_start3A_20, %dma_start3A_21] : memref<32x41x80xi32, #tpu.memory_space<hbm>> -> memref<1x41x80xi32, #tpu.memory_space<hbm>>
      %dma_start3A_23 = tpu.memref_squeeze %dma_start3A_22 : memref<1x41x80xi32, #tpu.memory_space<hbm>> -> memref<41x80xi32, #tpu.memory_space<hbm>>
      %dma_start3A_24 = arith.constant 0 : i32
      %dma_start3A_25 = arith.constant 0 : i32
      %dma_start3A_26 = tpu.memref_slice %arg3[%add3A, %dma_start3A_24, %dma_start3A_25] : memref<32x41x80xi32, #tpu.memory_space<hbm>> -> memref<1x41x80xi32, #tpu.memory_space<hbm>>
      %dma_start3A_27 = tpu.memref_squeeze %dma_start3A_26 : memref<1x41x80xi32, #tpu.memory_space<hbm>> -> memref<41x80xi32, #tpu.memory_space<hbm>>
      tpu.enqueue_dma source(%dma_start3A_27 : memref<41x80xi32, #tpu.memory_space<hbm>>) target(%arg6 : memref<41x80xi32, #tpu.memory_space<vmem>>) target_semaphore(%run_scoped3A_19 : memref<!tpu.dma_semaphore, #tpu.memory_space<semaphore_mem>>)
      %dma_wait3A_28 = arith.constant 0 : i32
      %dma_wait3A_29 = arith.constant 0 : i32
      %dma_wait3A_30 = tpu.memref_slice %arg3[%add3A, %dma_wait3A_28, %dma_wait3A_29] : memref<32x41x80xi32, #tpu.memory_space<hbm>> -> memref<1x41x80xi32, #tpu.memory_space<hbm>>
      %dma_wait3A_31 = tpu.memref_squeeze %dma_wait3A_30 : memref<1x41x80xi32, #tpu.memory_space<hbm>> -> memref<41x80xi32, #tpu.memory_space<hbm>>
      %dma_wait3A_32 = arith.constant 0 : i32
      %dma_wait3A_33 = arith.constant 0 : i32
      %dma_wait3A_34 = tpu.memref_slice %arg3[%add3A, %dma_wait3A_32, %dma_wait3A_33] : memref<32x41x80xi32, #tpu.memory_space<hbm>> -> memref<1x41x80xi32, #tpu.memory_space<hbm>>
      %dma_wait3A_35 = tpu.memref_squeeze %dma_wait3A_34 : memref<1x41x80xi32, #tpu.memory_space<hbm>> -> memref<41x80xi32, #tpu.memory_space<hbm>>
      tpu.wait_dma2 semaphore(%run_scoped3A_19 : memref<!tpu.dma_semaphore, #tpu.memory_space<semaphore_mem>>) src(%dma_wait3A_35 : memref<41x80xi32, #tpu.memory_space<hbm>>) dst(%arg6 : memref<41x80xi32, #tpu.memory_space<vmem>>)
      tpu.yield
    }) : () -> ()
    %barrier3A = arith.constant 0 : index
    tpu.barrier barrier_id(%barrier3A)
    %mul3A_3 = arith.constant 41 : i32
    %mul3A_4 = arith.muli %add3A, %mul3A_3 : i32
    %mul3A_5 = arith.constant 80 : i32
    %mul3A_6 = arith.muli %mul3A_4, %mul3A_5 : i32
    %add3A_7 = arith.constant 0 : i32
    %add3A_8 = arith.addi %mul3A_6, %add3A_7 : i32
    %dma_start3A = arith.constant 0 : i32
    %dma_start3A_9 = tpu.memref_slice %arg2[%add3A_8, %dma_start3A] : memref<104960x128xf32, #tpu.memory_space<hbm>> -> memref<80x128xf32, #tpu.memory_space<hbm>>
    %dma_start3A_10 = arith.constant 0 : i32
    %dma_start3A_11 = tpu.memref_slice %arg2[%add3A_8, %dma_start3A_10] : memref<104960x128xf32, #tpu.memory_space<hbm>> -> memref<80x128xf32, #tpu.memory_space<hbm>>
    tpu.enqueue_dma source(%dma_start3A_11 : memref<80x128xf32, #tpu.memory_space<hbm>>) target(%arg7 : memref<80x128xf32, #tpu.memory_space<vmem>>) target_semaphore(%arg10 : memref<!tpu.dma_semaphore, #tpu.memory_space<semaphore_mem>>)
    %scan3A = arith.constant 0 : i32
    %scan3A_12 = arith.constant 20 : i32
    %scan3A_13 = arith.addi %scan3A, %scan3A_12 : i32
    %scan3A_14 = arith.constant 1 : i32
    scf.for %scan3A_19 = %scan3A to %scan3A_13 step %scan3A_14  : i32 {
      %mul3A_20 = arith.constant 2 : i32
      %mul3A_21 = arith.muli %scan3A_19, %mul3A_20 : i32
      %add3A_22 = arith.constant 0 : i32
      %add3A_23 = arith.addi %add3A_22, %mul3A_21 : i32
      %add3A_24 = arith.constant 1 : i32
      %add3A_25 = arith.addi %add3A_23, %add3A_24 : i32
      %mul3A_26 = arith.constant 80 : i32
      %mul3A_27 = arith.muli %add3A_25, %mul3A_26 : i32
      %add3A_28 = arith.addi %mul3A_6, %mul3A_27 : i32
      %dma_start3A_29 = arith.constant 0 : i32
      %dma_start3A_30 = tpu.memref_slice %arg2[%add3A_28, %dma_start3A_29] : memref<104960x128xf32, #tpu.memory_space<hbm>> -> memref<80x128xf32, #tpu.memory_space<hbm>>
      %dma_start3A_31 = arith.constant 0 : i32
      %dma_start3A_32 = tpu.memref_slice %arg2[%add3A_28, %dma_start3A_31] : memref<104960x128xf32, #tpu.memory_space<hbm>> -> memref<80x128xf32, #tpu.memory_space<hbm>>
      tpu.enqueue_dma source(%dma_start3A_32 : memref<80x128xf32, #tpu.memory_space<hbm>>) target(%arg8 : memref<80x128xf32, #tpu.memory_space<vmem>>) target_semaphore(%arg11 : memref<!tpu.dma_semaphore, #tpu.memory_space<semaphore_mem>>)
      %dma_wait3A_33 = arith.constant 0 : i32
      %dma_wait3A_34 = tpu.memref_slice %arg2[%mul3A_6, %dma_wait3A_33] : memref<104960x128xf32, #tpu.memory_space<hbm>> -> memref<80x128xf32, #tpu.memory_space<hbm>>
      %dma_wait3A_35 = arith.constant 0 : i32
      %dma_wait3A_36 = tpu.memref_slice %arg2[%mul3A_6, %dma_wait3A_35] : memref<104960x128xf32, #tpu.memory_space<hbm>> -> memref<80x128xf32, #tpu.memory_space<hbm>>
      tpu.wait_dma2 semaphore(%arg10 : memref<!tpu.dma_semaphore, #tpu.memory_space<semaphore_mem>>) src(%dma_wait3A_36 : memref<80x128xf32, #tpu.memory_space<hbm>>) dst(%arg7 : memref<80x128xf32, #tpu.memory_space<vmem>>)
      "tpu.region"() ({
        %run_scoped3A_47 = tpu.sem_alloc : memref<!tpu.dma_semaphore, #tpu.memory_space<semaphore_mem>>
        %dma_start3A_48 = arith.constant 0 : i32
        %dma_start3A_49 = tpu.memref_slice %arg6[%add3A_23, %dma_start3A_48] : memref<41x80xi32, #tpu.memory_space<vmem>> -> memref<1x80xi32, #tpu.memory_space<vmem>>
        %dma_start3A_50 = tpu.memref_squeeze %dma_start3A_49 : memref<1x80xi32, #tpu.memory_space<vmem>> -> memref<80xi32, #tpu.memory_space<vmem>>
        %dma_start3A_51 = arith.constant 0 : i32
        %dma_start3A_52 = arith.constant 0 : i32
        %dma_start3A_53 = tpu.memref_slice %arg9[%dma_start3A_51, %dma_start3A_52] : memref<10240x128xf32, #tpu.memory_space<vmem_shared>> -> memref<10240x128xf32, #tpu.memory_space<vmem_shared>>
        tpu.enqueue_indirect_dma source(%arg7 : memref<80x128xf32, #tpu.memory_space<vmem>>) target(%dma_start3A_53 : memref<10240x128xf32, #tpu.memory_space<vmem_shared>>) offsets(%dma_start3A_50 : memref<80xi32, #tpu.memory_space<vmem>>) semaphore(%run_scoped3A_47 : memref<!tpu.dma_semaphore, #tpu.memory_space<semaphore_mem>>) {add = true}
        %dma_wait3A_54 = arith.constant 0 : i32
        %dma_wait3A_55 = tpu.memref_slice %arg6[%add3A_23, %dma_wait3A_54] : memref<41x80xi32, #tpu.memory_space<vmem>> -> memref<1x80xi32, #tpu.memory_space<vmem>>
        %dma_wait3A_56 = tpu.memref_squeeze %dma_wait3A_55 : memref<1x80xi32, #tpu.memory_space<vmem>> -> memref<80xi32, #tpu.memory_space<vmem>>
        %dma_wait3A_57 = arith.constant 0 : i32
        %dma_wait3A_58 = arith.constant 0 : i32
        %dma_wait3A_59 = tpu.memref_slice %arg9[%dma_wait3A_57, %dma_wait3A_58] : memref<10240x128xf32, #tpu.memory_space<vmem_shared>> -> memref<10240x128xf32, #tpu.memory_space<vmem_shared>>
        tpu.wait_indirect_dma semaphore(%run_scoped3A_47 : memref<!tpu.dma_semaphore, #tpu.memory_space<semaphore_mem>>) src(%arg7 : memref<80x128xf32, #tpu.memory_space<vmem>>) dst(%dma_wait3A_59 : memref<10240x128xf32, #tpu.memory_space<vmem_shared>>)
        tpu.yield
      }) : () -> ()
      %add3A_37 = arith.constant 2 : i32
      %add3A_38 = arith.addi %add3A_23, %add3A_37 : i32
      %lt3A = arith.constant 41 : i32
      %lt3A_39 = arith.cmpi slt, %add3A_38, %lt3A : i32
      %convert_element_type3A = arith.extui %lt3A_39 : i1 to i32
      %cond3A = arith.constant 0 : i32
      %cond3A_40 = arith.cmpi ne, %convert_element_type3A, %cond3A : i32
      scf.if %cond3A_40 {
        %add3A_47 = arith.constant 2 : i32
        %add3A_48 = arith.addi %add3A_23, %add3A_47 : i32
        %mul3A_49 = arith.constant 80 : i32
        %mul3A_50 = arith.muli %add3A_48, %mul3A_49 : i32
        %add3A_51 = arith.addi %mul3A_6, %mul3A_50 : i32
        %dma_start3A_52 = arith.constant 0 : i32
        %dma_start3A_53 = tpu.memref_slice %arg2[%add3A_51, %dma_start3A_52] : memref<104960x128xf32, #tpu.memory_space<hbm>> -> memref<80x128xf32, #tpu.memory_space<hbm>>
        %dma_start3A_54 = arith.constant 0 : i32
        %dma_start3A_55 = tpu.memref_slice %arg2[%add3A_51, %dma_start3A_54] : memref<104960x128xf32, #tpu.memory_space<hbm>> -> memref<80x128xf32, #tpu.memory_space<hbm>>
        tpu.enqueue_dma source(%dma_start3A_55 : memref<80x128xf32, #tpu.memory_space<hbm>>) target(%arg7 : memref<80x128xf32, #tpu.memory_space<vmem>>) target_semaphore(%arg10 : memref<!tpu.dma_semaphore, #tpu.memory_space<semaphore_mem>>)
      } else {
      }
      %dma_wait3A_41 = arith.constant 0 : i32
      %dma_wait3A_42 = tpu.memref_slice %arg2[%mul3A_6, %dma_wait3A_41] : memref<104960x128xf32, #tpu.memory_space<hbm>> -> memref<80x128xf32, #tpu.memory_space<hbm>>
      %dma_wait3A_43 = arith.constant 0 : i32
      %dma_wait3A_44 = tpu.memref_slice %arg2[%mul3A_6, %dma_wait3A_43] : memref<104960x128xf32, #tpu.memory_space<hbm>> -> memref<80x128xf32, #tpu.memory_space<hbm>>
      tpu.wait_dma2 semaphore(%arg11 : memref<!tpu.dma_semaphore, #tpu.memory_space<semaphore_mem>>) src(%dma_wait3A_44 : memref<80x128xf32, #tpu.memory_space<hbm>>) dst(%arg8 : memref<80x128xf32, #tpu.memory_space<vmem>>)
      %add3A_45 = arith.constant 1 : i32
      %add3A_46 = arith.addi %add3A_23, %add3A_45 : i32
      "tpu.region"() ({
        %run_scoped3A_47 = tpu.sem_alloc : memref<!tpu.dma_semaphore, #tpu.memory_space<semaphore_mem>>
        %dma_start3A_48 = arith.constant 0 : i32
        %dma_start3A_49 = tpu.memref_slice %arg6[%add3A_46, %dma_start3A_48] : memref<41x80xi32, #tpu.memory_space<vmem>> -> memref<1x80xi32, #tpu.memory_space<vmem>>
        %dma_start3A_50 = tpu.memref_squeeze %dma_start3A_49 : memref<1x80xi32, #tpu.memory_space<vmem>> -> memref<80xi32, #tpu.memory_space<vmem>>
        %dma_start3A_51 = arith.constant 0 : i32
        %dma_start3A_52 = arith.constant 0 : i32
        %dma_start3A_53 = tpu.memref_slice %arg9[%dma_start3A_51, %dma_start3A_52] : memref<10240x128xf32, #tpu.memory_space<vmem_shared>> -> memref<10240x128xf32, #tpu.memory_space<vmem_shared>>
        tpu.enqueue_indirect_dma source(%arg8 : memref<80x128xf32, #tpu.memory_space<vmem>>) target(%dma_start3A_53 : memref<10240x128xf32, #tpu.memory_space<vmem_shared>>) offsets(%dma_start3A_50 : memref<80xi32, #tpu.memory_space<vmem>>) semaphore(%run_scoped3A_47 : memref<!tpu.dma_semaphore, #tpu.memory_space<semaphore_mem>>) {add = true}
        %dma_wait3A_54 = arith.constant 0 : i32
        %dma_wait3A_55 = tpu.memref_slice %arg6[%add3A_46, %dma_wait3A_54] : memref<41x80xi32, #tpu.memory_space<vmem>> -> memref<1x80xi32, #tpu.memory_space<vmem>>
        %dma_wait3A_56 = tpu.memref_squeeze %dma_wait3A_55 : memref<1x80xi32, #tpu.memory_space<vmem>> -> memref<80xi32, #tpu.memory_space<vmem>>
        %dma_wait3A_57 = arith.constant 0 : i32
        %dma_wait3A_58 = arith.constant 0 : i32
        %dma_wait3A_59 = tpu.memref_slice %arg9[%dma_wait3A_57, %dma_wait3A_58] : memref<10240x128xf32, #tpu.memory_space<vmem_shared>> -> memref<10240x128xf32, #tpu.memory_space<vmem_shared>>
        tpu.wait_indirect_dma semaphore(%run_scoped3A_47 : memref<!tpu.dma_semaphore, #tpu.memory_space<semaphore_mem>>) src(%arg8 : memref<80x128xf32, #tpu.memory_space<vmem>>) dst(%dma_wait3A_59 : memref<10240x128xf32, #tpu.memory_space<vmem_shared>>)
        tpu.yield
      }) : () -> ()
    }
    %scan3A_15 = arith.constant 20 : i32
    %dma_wait3A = arith.constant 0 : i32
    %dma_wait3A_16 = tpu.memref_slice %arg2[%mul3A_6, %dma_wait3A] : memref<104960x128xf32, #tpu.memory_space<hbm>> -> memref<80x128xf32, #tpu.memory_space<hbm>>
    %dma_wait3A_17 = arith.constant 0 : i32
    %dma_wait3A_18 = tpu.memref_slice %arg2[%mul3A_6, %dma_wait3A_17] : memref<104960x128xf32, #tpu.memory_space<hbm>> -> memref<80x128xf32, #tpu.memory_space<hbm>>
    tpu.wait_dma2 semaphore(%arg10 : memref<!tpu.dma_semaphore, #tpu.memory_space<semaphore_mem>>) src(%dma_wait3A_18 : memref<80x128xf32, #tpu.memory_space<hbm>>) dst(%arg7 : memref<80x128xf32, #tpu.memory_space<vmem>>)
    %run_scoped3A = arith.constant 40 : i32
    "tpu.region"() ({
      %run_scoped3A_19 = tpu.sem_alloc : memref<!tpu.dma_semaphore, #tpu.memory_space<semaphore_mem>>
      %dma_start3A_20 = arith.constant 0 : i32
      %dma_start3A_21 = tpu.memref_slice %arg6[%run_scoped3A, %dma_start3A_20] : memref<41x80xi32, #tpu.memory_space<vmem>> -> memref<1x80xi32, #tpu.memory_space<vmem>>
      %dma_start3A_22 = tpu.memref_squeeze %dma_start3A_21 : memref<1x80xi32, #tpu.memory_space<vmem>> -> memref<80xi32, #tpu.memory_space<vmem>>
      %dma_start3A_23 = arith.constant 0 : i32
      %dma_start3A_24 = arith.constant 0 : i32
      %dma_start3A_25 = tpu.memref_slice %arg9[%dma_start3A_23, %dma_start3A_24] : memref<10240x128xf32, #tpu.memory_space<vmem_shared>> -> memref<10240x128xf32, #tpu.memory_space<vmem_shared>>
      tpu.enqueue_indirect_dma source(%arg7 : memref<80x128xf32, #tpu.memory_space<vmem>>) target(%dma_start3A_25 : memref<10240x128xf32, #tpu.memory_space<vmem_shared>>) offsets(%dma_start3A_22 : memref<80xi32, #tpu.memory_space<vmem>>) semaphore(%run_scoped3A_19 : memref<!tpu.dma_semaphore, #tpu.memory_space<semaphore_mem>>) {add = true}
      %dma_wait3A_26 = arith.constant 0 : i32
      %dma_wait3A_27 = tpu.memref_slice %arg6[%run_scoped3A, %dma_wait3A_26] : memref<41x80xi32, #tpu.memory_space<vmem>> -> memref<1x80xi32, #tpu.memory_space<vmem>>
      %dma_wait3A_28 = tpu.memref_squeeze %dma_wait3A_27 : memref<1x80xi32, #tpu.memory_space<vmem>> -> memref<80xi32, #tpu.memory_space<vmem>>
      %dma_wait3A_29 = arith.constant 0 : i32
      %dma_wait3A_30 = arith.constant 0 : i32
      %dma_wait3A_31 = tpu.memref_slice %arg9[%dma_wait3A_29, %dma_wait3A_30] : memref<10240x128xf32, #tpu.memory_space<vmem_shared>> -> memref<10240x128xf32, #tpu.memory_space<vmem_shared>>
      tpu.wait_indirect_dma semaphore(%run_scoped3A_19 : memref<!tpu.dma_semaphore, #tpu.memory_space<semaphore_mem>>) src(%arg7 : memref<80x128xf32, #tpu.memory_space<vmem>>) dst(%dma_wait3A_31 : memref<10240x128xf32, #tpu.memory_space<vmem_shared>>)
      tpu.yield
    }) : () -> ()
    return
  }
}

#map = affine_map<(d0, d1) -> (0, 0)>
#map1 = affine_map<(d0, d1) -> (0, 0, 0)>
module attributes {stable_mosaic.version = 14 : i64} {
  func.func @body(%arg0: i32, %arg1: i32, %arg2: memref<104960x128xf32, #tpu.memory_space<hbm>>, %arg3: memref<32x41x80xi32, #tpu.memory_space<hbm>>, %arg4: memref<640x128xf32, #tpu.memory_space<hbm>>, %arg5: memref<20480x128xf32, #tpu.memory_space<hbm>>, %arg6: memref<41x80xi32, #tpu.memory_space<vmem>>, %arg7: memref<80x128xf32, #tpu.memory_space<vmem>>, %arg8: memref<80x128xf32, #tpu.memory_space<vmem>>, %arg9: memref<10240x128xf32, #tpu.memory_space<vmem_shared>>, %arg10: memref<!tpu.dma_semaphore, #tpu.memory_space<semaphore_mem>>, %arg11: memref<!tpu.dma_semaphore, #tpu.memory_space<semaphore_mem>>) attributes {dimension_semantics = [#tpu.dimension_semantics<core_parallel>, #tpu.dimension_semantics<subcore_parallel>], iteration_bounds = array<i64: 2, 16>, scalar_prefetch = 0 : i64, scratch_operands = 6 : i64, tpu.core_type = #tpu.core_type<sc_vector_subcore>, window_params = [{transform_indices = #map}, {transform_indices = #map1}, {transform_indices = #map}, {transform_indices = #map}]} {
    %mul3A = arith.constant 16 : i32
    %mul3A_0 = arith.muli %arg0, %mul3A : i32
    %add3A = arith.addi %mul3A_0, %arg1 : i32
    %mul3A_1 = arith.constant 640 : i32
    %mul3A_2 = arith.muli %arg1, %mul3A_1 : i32
    "tpu.region"() ({
      %run_scoped3A_19 = tpu.sem_alloc : memref<!tpu.dma_semaphore, #tpu.memory_space<semaphore_mem>>
      %dma_start3A_20 = arith.constant 0 : i32
      %dma_start3A_21 = tpu.memref_slice %arg9[%mul3A_2, %dma_start3A_20] : memref<10240x128xf32, #tpu.memory_space<vmem_shared>> -> memref<640x128xf32, #tpu.memory_space<vmem_shared>>
      tpu.enqueue_dma source(%arg4 : memref<640x128xf32, #tpu.memory_space<hbm>>) target(%dma_start3A_21 : memref<640x128xf32, #tpu.memory_space<vmem_shared>>) target_semaphore(%run_scoped3A_19 : memref<!tpu.dma_semaphore, #tpu.memory_space<semaphore_mem>>)
      %dma_wait3A_22 = arith.constant 0 : i32
      %dma_wait3A_23 = tpu.memref_slice %arg9[%mul3A_2, %dma_wait3A_22] : memref<10240x128xf32, #tpu.memory_space<vmem_shared>> -> memref<640x128xf32, #tpu.memory_space<vmem_shared>>
      tpu.wait_dma2 semaphore(%run_scoped3A_19 : memref<!tpu.dma_semaphore, #tpu.memory_space<semaphore_mem>>) src(%arg4 : memref<640x128xf32, #tpu.memory_space<hbm>>) dst(%dma_wait3A_23 : memref<640x128xf32, #tpu.memory_space<vmem_shared>>)
      tpu.yield
    }) : () -> ()
    "tpu.region"() ({
      %run_scoped3A_19 = tpu.sem_alloc : memref<!tpu.dma_semaphore, #tpu.memory_space<semaphore_mem>>
      %dma_start3A_20 = arith.constant 0 : i32
      %dma_start3A_21 = arith.constant 0 : i32
      %dma_start3A_22 = tpu.memref_slice %arg3[%add3A, %dma_start3A_20, %dma_start3A_21] : memref<32x41x80xi32, #tpu.memory_space<hbm>> -> memref<1x41x80xi32, #tpu.memory_space<hbm>>
      %dma_start3A_23 = tpu.memref_squeeze %dma_start3A_22 : memref<1x41x80xi32, #tpu.memory_space<hbm>> -> memref<41x80xi32, #tpu.memory_space<hbm>>
      %dma_start3A_24 = arith.constant 0 : i32
      %dma_start3A_25 = arith.constant 0 : i32
      %dma_start3A_26 = tpu.memref_slice %arg3[%add3A, %dma_start3A_24, %dma_start3A_25] : memref<32x41x80xi32, #tpu.memory_space<hbm>> -> memref<1x41x80xi32, #tpu.memory_space<hbm>>
      %dma_start3A_27 = tpu.memref_squeeze %dma_start3A_26 : memref<1x41x80xi32, #tpu.memory_space<hbm>> -> memref<41x80xi32, #tpu.memory_space<hbm>>
      tpu.enqueue_dma source(%dma_start3A_27 : memref<41x80xi32, #tpu.memory_space<hbm>>) target(%arg6 : memref<41x80xi32, #tpu.memory_space<vmem>>) target_semaphore(%run_scoped3A_19 : memref<!tpu.dma_semaphore, #tpu.memory_space<semaphore_mem>>)
      %dma_wait3A_28 = arith.constant 0 : i32
      %dma_wait3A_29 = arith.constant 0 : i32
      %dma_wait3A_30 = tpu.memref_slice %arg3[%add3A, %dma_wait3A_28, %dma_wait3A_29] : memref<32x41x80xi32, #tpu.memory_space<hbm>> -> memref<1x41x80xi32, #tpu.memory_space<hbm>>
      %dma_wait3A_31 = tpu.memref_squeeze %dma_wait3A_30 : memref<1x41x80xi32, #tpu.memory_space<hbm>> -> memref<41x80xi32, #tpu.memory_space<hbm>>
      %dma_wait3A_32 = arith.constant 0 : i32
      %dma_wait3A_33 = arith.constant 0 : i32
      %dma_wait3A_34 = tpu.memref_slice %arg3[%add3A, %dma_wait3A_32, %dma_wait3A_33] : memref<32x41x80xi32, #tpu.memory_space<hbm>> -> memref<1x41x80xi32, #tpu.memory_space<hbm>>
      %dma_wait3A_35 = tpu.memref_squeeze %dma_wait3A_34 : memref<1x41x80xi32, #tpu.memory_space<hbm>> -> memref<41x80xi32, #tpu.memory_space<hbm>>
      tpu.wait_dma2 semaphore(%run_scoped3A_19 : memref<!tpu.dma_semaphore, #tpu.memory_space<semaphore_mem>>) src(%dma_wait3A_35 : memref<41x80xi32, #tpu.memory_space<hbm>>) dst(%arg6 : memref<41x80xi32, #tpu.memory_space<vmem>>)
      tpu.yield
    }) : () -> ()
    %barrier3A = arith.constant 0 : index
    tpu.barrier barrier_id(%barrier3A)
    %mul3A_3 = arith.constant 41 : i32
    %mul3A_4 = arith.muli %add3A, %mul3A_3 : i32
    %mul3A_5 = arith.constant 80 : i32
    %mul3A_6 = arith.muli %mul3A_4, %mul3A_5 : i32
    %add3A_7 = arith.constant 0 : i32
    %add3A_8 = arith.addi %mul3A_6, %add3A_7 : i32
    %dma_start3A = arith.constant 0 : i32
    %dma_start3A_9 = tpu.memref_slice %arg2[%add3A_8, %dma_start3A] : memref<104960x128xf32, #tpu.memory_space<hbm>> -> memref<80x128xf32, #tpu.memory_space<hbm>>
    %dma_start3A_10 = arith.constant 0 : i32
    %dma_start3A_11 = tpu.memref_slice %arg2[%add3A_8, %dma_start3A_10] : memref<104960x128xf32, #tpu.memory_space<hbm>> -> memref<80x128xf32, #tpu.memory_space<hbm>>
    tpu.enqueue_dma source(%dma_start3A_11 : memref<80x128xf32, #tpu.memory_space<hbm>>) target(%arg7 : memref<80x128xf32, #tpu.memory_space<vmem>>) target_semaphore(%arg10 : memref<!tpu.dma_semaphore, #tpu.memory_space<semaphore_mem>>)
    %scan3A = arith.constant 0 : i32
    %scan3A_12 = arith.constant 20 : i32
    %scan3A_13 = arith.addi %scan3A, %scan3A_12 : i32
    %scan3A_14 = arith.constant 1 : i32
    scf.for %scan3A_19 = %scan3A to %scan3A_13 step %scan3A_14  : i32 {
      %mul3A_20 = arith.constant 2 : i32
      %mul3A_21 = arith.muli %scan3A_19, %mul3A_20 : i32
      %add3A_22 = arith.constant 0 : i32
      %add3A_23 = arith.addi %add3A_22, %mul3A_21 : i32
      %add3A_24 = arith.constant 1 : i32
      %add3A_25 = arith.addi %add3A_23, %add3A_24 : i32
      %mul3A_26 = arith.constant 80 : i32
      %mul3A_27 = arith.muli %add3A_25, %mul3A_26 : i32
      %add3A_28 = arith.addi %mul3A_6, %mul3A_27 : i32
      %dma_start3A_29 = arith.constant 0 : i32
      %dma_start3A_30 = tpu.memref_slice %arg2[%add3A_28, %dma_start3A_29] : memref<104960x128xf32, #tpu.memory_space<hbm>> -> memref<80x128xf32, #tpu.memory_space<hbm>>
      %dma_start3A_31 = arith.constant 0 : i32
      %dma_start3A_32 = tpu.memref_slice %arg2[%add3A_28, %dma_start3A_31] : memref<104960x128xf32, #tpu.memory_space<hbm>> -> memref<80x128xf32, #tpu.memory_space<hbm>>
      tpu.enqueue_dma source(%dma_start3A_32 : memref<80x128xf32, #tpu.memory_space<hbm>>) target(%arg8 : memref<80x128xf32, #tpu.memory_space<vmem>>) target_semaphore(%arg11 : memref<!tpu.dma_semaphore, #tpu.memory_space<semaphore_mem>>)
      %dma_wait3A_33 = arith.constant 0 : i32
      %dma_wait3A_34 = tpu.memref_slice %arg2[%mul3A_6, %dma_wait3A_33] : memref<104960x128xf32, #tpu.memory_space<hbm>> -> memref<80x128xf32, #tpu.memory_space<hbm>>
      %dma_wait3A_35 = arith.constant 0 : i32
      %dma_wait3A_36 = tpu.memref_slice %arg2[%mul3A_6, %dma_wait3A_35] : memref<104960x128xf32, #tpu.memory_space<hbm>> -> memref<80x128xf32, #tpu.memory_space<hbm>>
      tpu.wait_dma2 semaphore(%arg10 : memref<!tpu.dma_semaphore, #tpu.memory_space<semaphore_mem>>) src(%dma_wait3A_36 : memref<80x128xf32, #tpu.memory_space<hbm>>) dst(%arg7 : memref<80x128xf32, #tpu.memory_space<vmem>>)
      "tpu.region"() ({
        %run_scoped3A_47 = tpu.sem_alloc : memref<!tpu.dma_semaphore, #tpu.memory_space<semaphore_mem>>
        %dma_start3A_48 = arith.constant 0 : i32
        %dma_start3A_49 = tpu.memref_slice %arg6[%add3A_23, %dma_start3A_48] : memref<41x80xi32, #tpu.memory_space<vmem>> -> memref<1x80xi32, #tpu.memory_space<vmem>>
        %dma_start3A_50 = tpu.memref_squeeze %dma_start3A_49 : memref<1x80xi32, #tpu.memory_space<vmem>> -> memref<80xi32, #tpu.memory_space<vmem>>
        %dma_start3A_51 = arith.constant 0 : i32
        %dma_start3A_52 = arith.constant 0 : i32
        %dma_start3A_53 = tpu.memref_slice %arg9[%dma_start3A_51, %dma_start3A_52] : memref<10240x128xf32, #tpu.memory_space<vmem_shared>> -> memref<10240x128xf32, #tpu.memory_space<vmem_shared>>
        tpu.enqueue_indirect_dma source(%arg7 : memref<80x128xf32, #tpu.memory_space<vmem>>) target(%dma_start3A_53 : memref<10240x128xf32, #tpu.memory_space<vmem_shared>>) offsets(%dma_start3A_50 : memref<80xi32, #tpu.memory_space<vmem>>) semaphore(%run_scoped3A_47 : memref<!tpu.dma_semaphore, #tpu.memory_space<semaphore_mem>>) {add = true}
        %dma_wait3A_54 = arith.constant 0 : i32
        %dma_wait3A_55 = tpu.memref_slice %arg6[%add3A_23, %dma_wait3A_54] : memref<41x80xi32, #tpu.memory_space<vmem>> -> memref<1x80xi32, #tpu.memory_space<vmem>>
        %dma_wait3A_56 = tpu.memref_squeeze %dma_wait3A_55 : memref<1x80xi32, #tpu.memory_space<vmem>> -> memref<80xi32, #tpu.memory_space<vmem>>
        %dma_wait3A_57 = arith.constant 0 : i32
        %dma_wait3A_58 = arith.constant 0 : i32
        %dma_wait3A_59 = tpu.memref_slice %arg9[%dma_wait3A_57, %dma_wait3A_58] : memref<10240x128xf32, #tpu.memory_space<vmem_shared>> -> memref<10240x128xf32, #tpu.memory_space<vmem_shared>>
        tpu.wait_indirect_dma semaphore(%run_scoped3A_47 : memref<!tpu.dma_semaphore, #tpu.memory_space<semaphore_mem>>) src(%arg7 : memref<80x128xf32, #tpu.memory_space<vmem>>) dst(%dma_wait3A_59 : memref<10240x128xf32, #tpu.memory_space<vmem_shared>>)
        tpu.yield
      }) : () -> ()
      %add3A_37 = arith.constant 2 : i32
      %add3A_38 = arith.addi %add3A_23, %add3A_37 : i32
      %lt3A = arith.constant 41 : i32
      %lt3A_39 = arith.cmpi slt, %add3A_38, %lt3A : i32
      %convert_element_type3A = arith.extui %lt3A_39 : i1 to i32
      %cond3A = arith.constant 0 : i32
      %cond3A_40 = arith.cmpi ne, %convert_element_type3A, %cond3A : i32
      scf.if %cond3A_40 {
        %add3A_47 = arith.constant 2 : i32
        %add3A_48 = arith.addi %add3A_23, %add3A_47 : i32
        %mul3A_49 = arith.constant 80 : i32
        %mul3A_50 = arith.muli %add3A_48, %mul3A_49 : i32
        %add3A_51 = arith.addi %mul3A_6, %mul3A_50 : i32
        %dma_start3A_52 = arith.constant 0 : i32
        %dma_start3A_53 = tpu.memref_slice %arg2[%add3A_51, %dma_start3A_52] : memref<104960x128xf32, #tpu.memory_space<hbm>> -> memref<80x128xf32, #tpu.memory_space<hbm>>
        %dma_start3A_54 = arith.constant 0 : i32
        %dma_start3A_55 = tpu.memref_slice %arg2[%add3A_51, %dma_start3A_54] : memref<104960x128xf32, #tpu.memory_space<hbm>> -> memref<80x128xf32, #tpu.memory_space<hbm>>
        tpu.enqueue_dma source(%dma_start3A_55 : memref<80x128xf32, #tpu.memory_space<hbm>>) target(%arg7 : memref<80x128xf32, #tpu.memory_space<vmem>>) target_semaphore(%arg10 : memref<!tpu.dma_semaphore, #tpu.memory_space<semaphore_mem>>)
      } else {
      }
      %dma_wait3A_41 = arith.constant 0 : i32
      %dma_wait3A_42 = tpu.memref_slice %arg2[%mul3A_6, %dma_wait3A_41] : memref<104960x128xf32, #tpu.memory_space<hbm>> -> memref<80x128xf32, #tpu.memory_space<hbm>>
      %dma_wait3A_43 = arith.constant 0 : i32
      %dma_wait3A_44 = tpu.memref_slice %arg2[%mul3A_6, %dma_wait3A_43] : memref<104960x128xf32, #tpu.memory_space<hbm>> -> memref<80x128xf32, #tpu.memory_space<hbm>>
      tpu.wait_dma2 semaphore(%arg11 : memref<!tpu.dma_semaphore, #tpu.memory_space<semaphore_mem>>) src(%dma_wait3A_44 : memref<80x128xf32, #tpu.memory_space<hbm>>) dst(%arg8 : memref<80x128xf32, #tpu.memory_space<vmem>>)
      %add3A_45 = arith.constant 1 : i32
      %add3A_46 = arith.addi %add3A_23, %add3A_45 : i32
      "tpu.region"() ({
        %run_scoped3A_47 = tpu.sem_alloc : memref<!tpu.dma_semaphore, #tpu.memory_space<semaphore_mem>>
        %dma_start3A_48 = arith.constant 0 : i32
        %dma_start3A_49 = tpu.memref_slice %arg6[%add3A_46, %dma_start3A_48] : memref<41x80xi32, #tpu.memory_space<vmem>> -> memref<1x80xi32, #tpu.memory_space<vmem>>
        %dma_start3A_50 = tpu.memref_squeeze %dma_start3A_49 : memref<1x80xi32, #tpu.memory_space<vmem>> -> memref<80xi32, #tpu.memory_space<vmem>>
        %dma_start3A_51 = arith.constant 0 : i32
        %dma_start3A_52 = arith.constant 0 : i32
        %dma_start3A_53 = tpu.memref_slice %arg9[%dma_start3A_51, %dma_start3A_52] : memref<10240x128xf32, #tpu.memory_space<vmem_shared>> -> memref<10240x128xf32, #tpu.memory_space<vmem_shared>>
        tpu.enqueue_indirect_dma source(%arg8 : memref<80x128xf32, #tpu.memory_space<vmem>>) target(%dma_start3A_53 : memref<10240x128xf32, #tpu.memory_space<vmem_shared>>) offsets(%dma_start3A_50 : memref<80xi32, #tpu.memory_space<vmem>>) semaphore(%run_scoped3A_47 : memref<!tpu.dma_semaphore, #tpu.memory_space<semaphore_mem>>) {add = true}
        %dma_wait3A_54 = arith.constant 0 : i32
        %dma_wait3A_55 = tpu.memref_slice %arg6[%add3A_46, %dma_wait3A_54] : memref<41x80xi32, #tpu.memory_space<vmem>> -> memref<1x80xi32, #tpu.memory_space<vmem>>
        %dma_wait3A_56 = tpu.memref_squeeze %dma_wait3A_55 : memref<1x80xi32, #tpu.memory_space<vmem>> -> memref<80xi32, #tpu.memory_space<vmem>>
        %dma_wait3A_57 = arith.constant 0 : i32
        %dma_wait3A_58 = arith.constant 0 : i32
        %dma_wait3A_59 = tpu.memref_slice %arg9[%dma_wait3A_57, %dma_wait3A_58] : memref<10240x128xf32, #tpu.memory_space<vmem_shared>> -> memref<10240x128xf32, #tpu.memory_space<vmem_shared>>
        tpu.wait_indirect_dma semaphore(%run_scoped3A_47 : memref<!tpu.dma_semaphore, #tpu.memory_space<semaphore_mem>>) src(%arg8 : memref<80x128xf32, #tpu.memory_space<vmem>>) dst(%dma_wait3A_59 : memref<10240x128xf32, #tpu.memory_space<vmem_shared>>)
        tpu.yield
      }) : () -> ()
    }
    %scan3A_15 = arith.constant 20 : i32
    %dma_wait3A = arith.constant 0 : i32
    %dma_wait3A_16 = tpu.memref_slice %arg2[%mul3A_6, %dma_wait3A] : memref<104960x128xf32, #tpu.memory_space<hbm>> -> memref<80x128xf32, #tpu.memory_space<hbm>>
    %dma_wait3A_17 = arith.constant 0 : i32
    %dma_wait3A_18 = tpu.memref_slice %arg2[%mul3A_6, %dma_wait3A_17] : memref<104960x128xf32, #tpu.memory_space<hbm>> -> memref<80x128xf32, #tpu.memory_space<hbm>>
    tpu.wait_dma2 semaphore(%arg10 : memref<!tpu.dma_semaphore, #tpu.memory_space<semaphore_mem>>) src(%dma_wait3A_18 : memref<80x128xf32, #tpu.memory_space<hbm>>) dst(%arg7 : memref<80x128xf32, #tpu.memory_space<vmem>>)
    %run_scoped3A = arith.constant 40 : i32
    "tpu.region"() ({
      %run_scoped3A_19 = tpu.sem_alloc : memref<!tpu.dma_semaphore, #tpu.memory_space<semaphore_mem>>
      %dma_start3A_20 = arith.constant 0 : i32
      %dma_start3A_21 = tpu.memref_slice %arg6[%run_scoped3A, %dma_start3A_20] : memref<41x80xi32, #tpu.memory_space<vmem>> -> memref<1x80xi32, #tpu.memory_space<vmem>>
      %dma_start3A_22 = tpu.memref_squeeze %dma_start3A_21 : memref<1x80xi32, #tpu.memory_space<vmem>> -> memref<80xi32, #tpu.memory_space<vmem>>
      %dma_start3A_23 = arith.constant 0 : i32
      %dma_start3A_24 = arith.constant 0 : i32
      %dma_start3A_25 = tpu.memref_slice %arg9[%dma_start3A_23, %dma_start3A_24] : memref<10240x128xf32, #tpu.memory_space<vmem_shared>> -> memref<10240x128xf32, #tpu.memory_space<vmem_shared>>
      tpu.enqueue_indirect_dma source(%arg7 : memref<80x128xf32, #tpu.memory_space<vmem>>) target(%dma_start3A_25 : memref<10240x128xf32, #tpu.memory_space<vmem_shared>>) offsets(%dma_start3A_22 : memref<80xi32, #tpu.memory_space<vmem>>) semaphore(%run_scoped3A_19 : memref<!tpu.dma_semaphore, #tpu.memory_space<semaphore_mem>>) {add = true}
      %dma_wait3A_26 = arith.constant 0 : i32
      %dma_wait3A_27 = tpu.memref_slice %arg6[%run_scoped3A, %dma_wait3A_26] : memref<41x80xi32, #tpu.memory_space<vmem>> -> memref<1x80xi32, #tpu.memory_space<vmem>>
      %dma_wait3A_28 = tpu.memref_squeeze %dma_wait3A_27 : memref<1x80xi32, #tpu.memory_space<vmem>> -> memref<80xi32, #tpu.memory_space<vmem>>
      %dma_wait3A_29 = arith.constant 0 : i32
      %dma_wait3A_30 = arith.constant 0 : i32
      %dma_wait3A_31 = tpu.memref_slice %arg9[%dma_wait3A_29, %dma_wait3A_30] : memref<10240x128xf32, #tpu.memory_space<vmem_shared>> -> memref<10240x128xf32, #tpu.memory_space<vmem_shared>>
      tpu.wait_indirect_dma semaphore(%run_scoped3A_19 : memref<!tpu.dma_semaphore, #tpu.memory_space<semaphore_mem>>) src(%arg7 : memref<80x128xf32, #tpu.memory_space<vmem>>) dst(%dma_wait3A_31 : memref<10240x128xf32, #tpu.memory_space<vmem_shared>>)
      tpu.yield
    }) : () -> ()
    return
  }
}

#map = affine_map<(d0, d1) -> (0, 0)>
#map1 = affine_map<(d0, d1) -> (0, 0, 0)>
module attributes {stable_mosaic.version = 14 : i64} {
  func.func @body(%arg0: i32, %arg1: i32, %arg2: memref<110080x128xf32, #tpu.memory_space<hbm>>, %arg3: memref<32x43x80xi32, #tpu.memory_space<hbm>>, %arg4: memref<640x128xf32, #tpu.memory_space<hbm>>, %arg5: memref<20480x128xf32, #tpu.memory_space<hbm>>, %arg6: memref<43x80xi32, #tpu.memory_space<vmem>>, %arg7: memref<80x128xf32, #tpu.memory_space<vmem>>, %arg8: memref<80x128xf32, #tpu.memory_space<vmem>>, %arg9: memref<10240x128xf32, #tpu.memory_space<vmem_shared>>, %arg10: memref<!tpu.dma_semaphore, #tpu.memory_space<semaphore_mem>>, %arg11: memref<!tpu.dma_semaphore, #tpu.memory_space<semaphore_mem>>) attributes {dimension_semantics = [#tpu.dimension_semantics<core_parallel>, #tpu.dimension_semantics<subcore_parallel>], iteration_bounds = array<i64: 2, 16>, scalar_prefetch = 0 : i64, scratch_operands = 6 : i64, tpu.core_type = #tpu.core_type<sc_vector_subcore>, window_params = [{transform_indices = #map}, {transform_indices = #map1}, {transform_indices = #map}, {transform_indices = #map}]} {
    %mul3A = arith.constant 16 : i32
    %mul3A_0 = arith.muli %arg0, %mul3A : i32
    %add3A = arith.addi %mul3A_0, %arg1 : i32
    %mul3A_1 = arith.constant 640 : i32
    %mul3A_2 = arith.muli %arg1, %mul3A_1 : i32
    "tpu.region"() ({
      %run_scoped3A_19 = tpu.sem_alloc : memref<!tpu.dma_semaphore, #tpu.memory_space<semaphore_mem>>
      %dma_start3A_20 = arith.constant 0 : i32
      %dma_start3A_21 = tpu.memref_slice %arg9[%mul3A_2, %dma_start3A_20] : memref<10240x128xf32, #tpu.memory_space<vmem_shared>> -> memref<640x128xf32, #tpu.memory_space<vmem_shared>>
      tpu.enqueue_dma source(%arg4 : memref<640x128xf32, #tpu.memory_space<hbm>>) target(%dma_start3A_21 : memref<640x128xf32, #tpu.memory_space<vmem_shared>>) target_semaphore(%run_scoped3A_19 : memref<!tpu.dma_semaphore, #tpu.memory_space<semaphore_mem>>)
      %dma_wait3A_22 = arith.constant 0 : i32
      %dma_wait3A_23 = tpu.memref_slice %arg9[%mul3A_2, %dma_wait3A_22] : memref<10240x128xf32, #tpu.memory_space<vmem_shared>> -> memref<640x128xf32, #tpu.memory_space<vmem_shared>>
      tpu.wait_dma2 semaphore(%run_scoped3A_19 : memref<!tpu.dma_semaphore, #tpu.memory_space<semaphore_mem>>) src(%arg4 : memref<640x128xf32, #tpu.memory_space<hbm>>) dst(%dma_wait3A_23 : memref<640x128xf32, #tpu.memory_space<vmem_shared>>)
      tpu.yield
    }) : () -> ()
    "tpu.region"() ({
      %run_scoped3A_19 = tpu.sem_alloc : memref<!tpu.dma_semaphore, #tpu.memory_space<semaphore_mem>>
      %dma_start3A_20 = arith.constant 0 : i32
      %dma_start3A_21 = arith.constant 0 : i32
      %dma_start3A_22 = tpu.memref_slice %arg3[%add3A, %dma_start3A_20, %dma_start3A_21] : memref<32x43x80xi32, #tpu.memory_space<hbm>> -> memref<1x43x80xi32, #tpu.memory_space<hbm>>
      %dma_start3A_23 = tpu.memref_squeeze %dma_start3A_22 : memref<1x43x80xi32, #tpu.memory_space<hbm>> -> memref<43x80xi32, #tpu.memory_space<hbm>>
      %dma_start3A_24 = arith.constant 0 : i32
      %dma_start3A_25 = arith.constant 0 : i32
      %dma_start3A_26 = tpu.memref_slice %arg3[%add3A, %dma_start3A_24, %dma_start3A_25] : memref<32x43x80xi32, #tpu.memory_space<hbm>> -> memref<1x43x80xi32, #tpu.memory_space<hbm>>
      %dma_start3A_27 = tpu.memref_squeeze %dma_start3A_26 : memref<1x43x80xi32, #tpu.memory_space<hbm>> -> memref<43x80xi32, #tpu.memory_space<hbm>>
      tpu.enqueue_dma source(%dma_start3A_27 : memref<43x80xi32, #tpu.memory_space<hbm>>) target(%arg6 : memref<43x80xi32, #tpu.memory_space<vmem>>) target_semaphore(%run_scoped3A_19 : memref<!tpu.dma_semaphore, #tpu.memory_space<semaphore_mem>>)
      %dma_wait3A_28 = arith.constant 0 : i32
      %dma_wait3A_29 = arith.constant 0 : i32
      %dma_wait3A_30 = tpu.memref_slice %arg3[%add3A, %dma_wait3A_28, %dma_wait3A_29] : memref<32x43x80xi32, #tpu.memory_space<hbm>> -> memref<1x43x80xi32, #tpu.memory_space<hbm>>
      %dma_wait3A_31 = tpu.memref_squeeze %dma_wait3A_30 : memref<1x43x80xi32, #tpu.memory_space<hbm>> -> memref<43x80xi32, #tpu.memory_space<hbm>>
      %dma_wait3A_32 = arith.constant 0 : i32
      %dma_wait3A_33 = arith.constant 0 : i32
      %dma_wait3A_34 = tpu.memref_slice %arg3[%add3A, %dma_wait3A_32, %dma_wait3A_33] : memref<32x43x80xi32, #tpu.memory_space<hbm>> -> memref<1x43x80xi32, #tpu.memory_space<hbm>>
      %dma_wait3A_35 = tpu.memref_squeeze %dma_wait3A_34 : memref<1x43x80xi32, #tpu.memory_space<hbm>> -> memref<43x80xi32, #tpu.memory_space<hbm>>
      tpu.wait_dma2 semaphore(%run_scoped3A_19 : memref<!tpu.dma_semaphore, #tpu.memory_space<semaphore_mem>>) src(%dma_wait3A_35 : memref<43x80xi32, #tpu.memory_space<hbm>>) dst(%arg6 : memref<43x80xi32, #tpu.memory_space<vmem>>)
      tpu.yield
    }) : () -> ()
    %barrier3A = arith.constant 0 : index
    tpu.barrier barrier_id(%barrier3A)
    %mul3A_3 = arith.constant 43 : i32
    %mul3A_4 = arith.muli %add3A, %mul3A_3 : i32
    %mul3A_5 = arith.constant 80 : i32
    %mul3A_6 = arith.muli %mul3A_4, %mul3A_5 : i32
    %add3A_7 = arith.constant 0 : i32
    %add3A_8 = arith.addi %mul3A_6, %add3A_7 : i32
    %dma_start3A = arith.constant 0 : i32
    %dma_start3A_9 = tpu.memref_slice %arg2[%add3A_8, %dma_start3A] : memref<110080x128xf32, #tpu.memory_space<hbm>> -> memref<80x128xf32, #tpu.memory_space<hbm>>
    %dma_start3A_10 = arith.constant 0 : i32
    %dma_start3A_11 = tpu.memref_slice %arg2[%add3A_8, %dma_start3A_10] : memref<110080x128xf32, #tpu.memory_space<hbm>> -> memref<80x128xf32, #tpu.memory_space<hbm>>
    tpu.enqueue_dma source(%dma_start3A_11 : memref<80x128xf32, #tpu.memory_space<hbm>>) target(%arg7 : memref<80x128xf32, #tpu.memory_space<vmem>>) target_semaphore(%arg10 : memref<!tpu.dma_semaphore, #tpu.memory_space<semaphore_mem>>)
    %scan3A = arith.constant 0 : i32
    %scan3A_12 = arith.constant 21 : i32
    %scan3A_13 = arith.addi %scan3A, %scan3A_12 : i32
    %scan3A_14 = arith.constant 1 : i32
    scf.for %scan3A_19 = %scan3A to %scan3A_13 step %scan3A_14  : i32 {
      %mul3A_20 = arith.constant 2 : i32
      %mul3A_21 = arith.muli %scan3A_19, %mul3A_20 : i32
      %add3A_22 = arith.constant 0 : i32
      %add3A_23 = arith.addi %add3A_22, %mul3A_21 : i32
      %add3A_24 = arith.constant 1 : i32
      %add3A_25 = arith.addi %add3A_23, %add3A_24 : i32
      %mul3A_26 = arith.constant 80 : i32
      %mul3A_27 = arith.muli %add3A_25, %mul3A_26 : i32
      %add3A_28 = arith.addi %mul3A_6, %mul3A_27 : i32
      %dma_start3A_29 = arith.constant 0 : i32
      %dma_start3A_30 = tpu.memref_slice %arg2[%add3A_28, %dma_start3A_29] : memref<110080x128xf32, #tpu.memory_space<hbm>> -> memref<80x128xf32, #tpu.memory_space<hbm>>
      %dma_start3A_31 = arith.constant 0 : i32
      %dma_start3A_32 = tpu.memref_slice %arg2[%add3A_28, %dma_start3A_31] : memref<110080x128xf32, #tpu.memory_space<hbm>> -> memref<80x128xf32, #tpu.memory_space<hbm>>
      tpu.enqueue_dma source(%dma_start3A_32 : memref<80x128xf32, #tpu.memory_space<hbm>>) target(%arg8 : memref<80x128xf32, #tpu.memory_space<vmem>>) target_semaphore(%arg11 : memref<!tpu.dma_semaphore, #tpu.memory_space<semaphore_mem>>)
      %dma_wait3A_33 = arith.constant 0 : i32
      %dma_wait3A_34 = tpu.memref_slice %arg2[%mul3A_6, %dma_wait3A_33] : memref<110080x128xf32, #tpu.memory_space<hbm>> -> memref<80x128xf32, #tpu.memory_space<hbm>>
      %dma_wait3A_35 = arith.constant 0 : i32
      %dma_wait3A_36 = tpu.memref_slice %arg2[%mul3A_6, %dma_wait3A_35] : memref<110080x128xf32, #tpu.memory_space<hbm>> -> memref<80x128xf32, #tpu.memory_space<hbm>>
      tpu.wait_dma2 semaphore(%arg10 : memref<!tpu.dma_semaphore, #tpu.memory_space<semaphore_mem>>) src(%dma_wait3A_36 : memref<80x128xf32, #tpu.memory_space<hbm>>) dst(%arg7 : memref<80x128xf32, #tpu.memory_space<vmem>>)
      "tpu.region"() ({
        %run_scoped3A_47 = tpu.sem_alloc : memref<!tpu.dma_semaphore, #tpu.memory_space<semaphore_mem>>
        %dma_start3A_48 = arith.constant 0 : i32
        %dma_start3A_49 = tpu.memref_slice %arg6[%add3A_23, %dma_start3A_48] : memref<43x80xi32, #tpu.memory_space<vmem>> -> memref<1x80xi32, #tpu.memory_space<vmem>>
        %dma_start3A_50 = tpu.memref_squeeze %dma_start3A_49 : memref<1x80xi32, #tpu.memory_space<vmem>> -> memref<80xi32, #tpu.memory_space<vmem>>
        %dma_start3A_51 = arith.constant 0 : i32
        %dma_start3A_52 = arith.constant 0 : i32
        %dma_start3A_53 = tpu.memref_slice %arg9[%dma_start3A_51, %dma_start3A_52] : memref<10240x128xf32, #tpu.memory_space<vmem_shared>> -> memref<10240x128xf32, #tpu.memory_space<vmem_shared>>
        tpu.enqueue_indirect_dma source(%arg7 : memref<80x128xf32, #tpu.memory_space<vmem>>) target(%dma_start3A_53 : memref<10240x128xf32, #tpu.memory_space<vmem_shared>>) offsets(%dma_start3A_50 : memref<80xi32, #tpu.memory_space<vmem>>) semaphore(%run_scoped3A_47 : memref<!tpu.dma_semaphore, #tpu.memory_space<semaphore_mem>>) {add = true}
        %dma_wait3A_54 = arith.constant 0 : i32
        %dma_wait3A_55 = tpu.memref_slice %arg6[%add3A_23, %dma_wait3A_54] : memref<43x80xi32, #tpu.memory_space<vmem>> -> memref<1x80xi32, #tpu.memory_space<vmem>>
        %dma_wait3A_56 = tpu.memref_squeeze %dma_wait3A_55 : memref<1x80xi32, #tpu.memory_space<vmem>> -> memref<80xi32, #tpu.memory_space<vmem>>
        %dma_wait3A_57 = arith.constant 0 : i32
        %dma_wait3A_58 = arith.constant 0 : i32
        %dma_wait3A_59 = tpu.memref_slice %arg9[%dma_wait3A_57, %dma_wait3A_58] : memref<10240x128xf32, #tpu.memory_space<vmem_shared>> -> memref<10240x128xf32, #tpu.memory_space<vmem_shared>>
        tpu.wait_indirect_dma semaphore(%run_scoped3A_47 : memref<!tpu.dma_semaphore, #tpu.memory_space<semaphore_mem>>) src(%arg7 : memref<80x128xf32, #tpu.memory_space<vmem>>) dst(%dma_wait3A_59 : memref<10240x128xf32, #tpu.memory_space<vmem_shared>>)
        tpu.yield
      }) : () -> ()
      %add3A_37 = arith.constant 2 : i32
      %add3A_38 = arith.addi %add3A_23, %add3A_37 : i32
      %lt3A = arith.constant 43 : i32
      %lt3A_39 = arith.cmpi slt, %add3A_38, %lt3A : i32
      %convert_element_type3A = arith.extui %lt3A_39 : i1 to i32
      %cond3A = arith.constant 0 : i32
      %cond3A_40 = arith.cmpi ne, %convert_element_type3A, %cond3A : i32
      scf.if %cond3A_40 {
        %add3A_47 = arith.constant 2 : i32
        %add3A_48 = arith.addi %add3A_23, %add3A_47 : i32
        %mul3A_49 = arith.constant 80 : i32
        %mul3A_50 = arith.muli %add3A_48, %mul3A_49 : i32
        %add3A_51 = arith.addi %mul3A_6, %mul3A_50 : i32
        %dma_start3A_52 = arith.constant 0 : i32
        %dma_start3A_53 = tpu.memref_slice %arg2[%add3A_51, %dma_start3A_52] : memref<110080x128xf32, #tpu.memory_space<hbm>> -> memref<80x128xf32, #tpu.memory_space<hbm>>
        %dma_start3A_54 = arith.constant 0 : i32
        %dma_start3A_55 = tpu.memref_slice %arg2[%add3A_51, %dma_start3A_54] : memref<110080x128xf32, #tpu.memory_space<hbm>> -> memref<80x128xf32, #tpu.memory_space<hbm>>
        tpu.enqueue_dma source(%dma_start3A_55 : memref<80x128xf32, #tpu.memory_space<hbm>>) target(%arg7 : memref<80x128xf32, #tpu.memory_space<vmem>>) target_semaphore(%arg10 : memref<!tpu.dma_semaphore, #tpu.memory_space<semaphore_mem>>)
      } else {
      }
      %dma_wait3A_41 = arith.constant 0 : i32
      %dma_wait3A_42 = tpu.memref_slice %arg2[%mul3A_6, %dma_wait3A_41] : memref<110080x128xf32, #tpu.memory_space<hbm>> -> memref<80x128xf32, #tpu.memory_space<hbm>>
      %dma_wait3A_43 = arith.constant 0 : i32
      %dma_wait3A_44 = tpu.memref_slice %arg2[%mul3A_6, %dma_wait3A_43] : memref<110080x128xf32, #tpu.memory_space<hbm>> -> memref<80x128xf32, #tpu.memory_space<hbm>>
      tpu.wait_dma2 semaphore(%arg11 : memref<!tpu.dma_semaphore, #tpu.memory_space<semaphore_mem>>) src(%dma_wait3A_44 : memref<80x128xf32, #tpu.memory_space<hbm>>) dst(%arg8 : memref<80x128xf32, #tpu.memory_space<vmem>>)
      %add3A_45 = arith.constant 1 : i32
      %add3A_46 = arith.addi %add3A_23, %add3A_45 : i32
      "tpu.region"() ({
        %run_scoped3A_47 = tpu.sem_alloc : memref<!tpu.dma_semaphore, #tpu.memory_space<semaphore_mem>>
        %dma_start3A_48 = arith.constant 0 : i32
        %dma_start3A_49 = tpu.memref_slice %arg6[%add3A_46, %dma_start3A_48] : memref<43x80xi32, #tpu.memory_space<vmem>> -> memref<1x80xi32, #tpu.memory_space<vmem>>
        %dma_start3A_50 = tpu.memref_squeeze %dma_start3A_49 : memref<1x80xi32, #tpu.memory_space<vmem>> -> memref<80xi32, #tpu.memory_space<vmem>>
        %dma_start3A_51 = arith.constant 0 : i32
        %dma_start3A_52 = arith.constant 0 : i32
        %dma_start3A_53 = tpu.memref_slice %arg9[%dma_start3A_51, %dma_start3A_52] : memref<10240x128xf32, #tpu.memory_space<vmem_shared>> -> memref<10240x128xf32, #tpu.memory_space<vmem_shared>>
        tpu.enqueue_indirect_dma source(%arg8 : memref<80x128xf32, #tpu.memory_space<vmem>>) target(%dma_start3A_53 : memref<10240x128xf32, #tpu.memory_space<vmem_shared>>) offsets(%dma_start3A_50 : memref<80xi32, #tpu.memory_space<vmem>>) semaphore(%run_scoped3A_47 : memref<!tpu.dma_semaphore, #tpu.memory_space<semaphore_mem>>) {add = true}
        %dma_wait3A_54 = arith.constant 0 : i32
        %dma_wait3A_55 = tpu.memref_slice %arg6[%add3A_46, %dma_wait3A_54] : memref<43x80xi32, #tpu.memory_space<vmem>> -> memref<1x80xi32, #tpu.memory_space<vmem>>
        %dma_wait3A_56 = tpu.memref_squeeze %dma_wait3A_55 : memref<1x80xi32, #tpu.memory_space<vmem>> -> memref<80xi32, #tpu.memory_space<vmem>>
        %dma_wait3A_57 = arith.constant 0 : i32
        %dma_wait3A_58 = arith.constant 0 : i32
        %dma_wait3A_59 = tpu.memref_slice %arg9[%dma_wait3A_57, %dma_wait3A_58] : memref<10240x128xf32, #tpu.memory_space<vmem_shared>> -> memref<10240x128xf32, #tpu.memory_space<vmem_shared>>
        tpu.wait_indirect_dma semaphore(%run_scoped3A_47 : memref<!tpu.dma_semaphore, #tpu.memory_space<semaphore_mem>>) src(%arg8 : memref<80x128xf32, #tpu.memory_space<vmem>>) dst(%dma_wait3A_59 : memref<10240x128xf32, #tpu.memory_space<vmem_shared>>)
        tpu.yield
      }) : () -> ()
    }
    %scan3A_15 = arith.constant 21 : i32
    %dma_wait3A = arith.constant 0 : i32
    %dma_wait3A_16 = tpu.memref_slice %arg2[%mul3A_6, %dma_wait3A] : memref<110080x128xf32, #tpu.memory_space<hbm>> -> memref<80x128xf32, #tpu.memory_space<hbm>>
    %dma_wait3A_17 = arith.constant 0 : i32
    %dma_wait3A_18 = tpu.memref_slice %arg2[%mul3A_6, %dma_wait3A_17] : memref<110080x128xf32, #tpu.memory_space<hbm>> -> memref<80x128xf32, #tpu.memory_space<hbm>>
    tpu.wait_dma2 semaphore(%arg10 : memref<!tpu.dma_semaphore, #tpu.memory_space<semaphore_mem>>) src(%dma_wait3A_18 : memref<80x128xf32, #tpu.memory_space<hbm>>) dst(%arg7 : memref<80x128xf32, #tpu.memory_space<vmem>>)
    %run_scoped3A = arith.constant 42 : i32
    "tpu.region"() ({
      %run_scoped3A_19 = tpu.sem_alloc : memref<!tpu.dma_semaphore, #tpu.memory_space<semaphore_mem>>
      %dma_start3A_20 = arith.constant 0 : i32
      %dma_start3A_21 = tpu.memref_slice %arg6[%run_scoped3A, %dma_start3A_20] : memref<43x80xi32, #tpu.memory_space<vmem>> -> memref<1x80xi32, #tpu.memory_space<vmem>>
      %dma_start3A_22 = tpu.memref_squeeze %dma_start3A_21 : memref<1x80xi32, #tpu.memory_space<vmem>> -> memref<80xi32, #tpu.memory_space<vmem>>
      %dma_start3A_23 = arith.constant 0 : i32
      %dma_start3A_24 = arith.constant 0 : i32
      %dma_start3A_25 = tpu.memref_slice %arg9[%dma_start3A_23, %dma_start3A_24] : memref<10240x128xf32, #tpu.memory_space<vmem_shared>> -> memref<10240x128xf32, #tpu.memory_space<vmem_shared>>
      tpu.enqueue_indirect_dma source(%arg7 : memref<80x128xf32, #tpu.memory_space<vmem>>) target(%dma_start3A_25 : memref<10240x128xf32, #tpu.memory_space<vmem_shared>>) offsets(%dma_start3A_22 : memref<80xi32, #tpu.memory_space<vmem>>) semaphore(%run_scoped3A_19 : memref<!tpu.dma_semaphore, #tpu.memory_space<semaphore_mem>>) {add = true}
      %dma_wait3A_26 = arith.constant 0 : i32
      %dma_wait3A_27 = tpu.memref_slice %arg6[%run_scoped3A, %dma_wait3A_26] : memref<43x80xi32, #tpu.memory_space<vmem>> -> memref<1x80xi32, #tpu.memory_space<vmem>>
      %dma_wait3A_28 = tpu.memref_squeeze %dma_wait3A_27 : memref<1x80xi32, #tpu.memory_space<vmem>> -> memref<80xi32, #tpu.memory_space<vmem>>
      %dma_wait3A_29 = arith.constant 0 : i32
      %dma_wait3A_30 = arith.constant 0 : i32
      %dma_wait3A_31 = tpu.memref_slice %arg9[%dma_wait3A_29, %dma_wait3A_30] : memref<10240x128xf32, #tpu.memory_space<vmem_shared>> -> memref<10240x128xf32, #tpu.memory_space<vmem_shared>>
      tpu.wait_indirect_dma semaphore(%run_scoped3A_19 : memref<!tpu.dma_semaphore, #tpu.memory_space<semaphore_mem>>) src(%arg7 : memref<80x128xf32, #tpu.memory_space<vmem>>) dst(%dma_wait3A_31 : memref<10240x128xf32, #tpu.memory_space<vmem_shared>>)
      tpu.yield
    }) : () -> ()
    return
  }
}

module attributes {stable_mosaic.version = 14 : i64} {
  func.func @_edge_tc(%arg0: i32, %arg1: memref<640x128xf32, #tpu.memory_space<vmem>>, %arg2: memref<640x128xf32, #tpu.memory_space<vmem>>, %arg3: memref<640x4xf32, #tpu.memory_space<vmem>>, %arg4: memref<640x1xf32, #tpu.memory_space<vmem>>, %arg5: memref<1x128xf32, #tpu.memory_space<vmem>>, %arg6: memref<128x128xf32, #tpu.memory_space<vmem>>, %arg7: memref<128x256xf32, #tpu.memory_space<vmem>>, %arg8: memref<128x512xbf16, #tpu.memory_space<vmem>>, %arg9: memref<512x128xbf16, #tpu.memory_space<vmem>>, %arg10: memref<640x128xf32, #tpu.memory_space<vmem>>, %arg11: memref<640x4xf32, #tpu.memory_space<vmem>>) attributes {dimension_semantics = [#tpu.dimension_semantics<arbitrary>], iteration_bounds = array<i64: 164>, scalar_prefetch = 0 : i64, scratch_operands = 0 : i64, tpu.core_type = #tpu.core_type<tc>, window_params = [{transform_indices = @transform_0, window_bounds = array<i64: 640, 128>}, {transform_indices = @transform_1, window_bounds = array<i64: 640, 128>}, {transform_indices = @transform_2, window_bounds = array<i64: 640, 4>}, {transform_indices = @transform_3, window_bounds = array<i64: 640, 1>}, {pipeline_mode = #tpu.pipeline_mode<synchronous>, transform_indices = @transform_4, window_bounds = array<i64: 1, 128>}, {pipeline_mode = #tpu.pipeline_mode<synchronous>, transform_indices = @transform_5, window_bounds = array<i64: 128, 128>}, {pipeline_mode = #tpu.pipeline_mode<synchronous>, transform_indices = @transform_6, window_bounds = array<i64: 128, 256>}, {pipeline_mode = #tpu.pipeline_mode<synchronous>, transform_indices = @transform_7, window_bounds = array<i64: 128, 512>}, {pipeline_mode = #tpu.pipeline_mode<synchronous>, transform_indices = @transform_8, window_bounds = array<i64: 512, 128>}, {transform_indices = @transform_9, window_bounds = array<i64: 640, 128>}, {transform_indices = @transform_10, window_bounds = array<i64: 640, 4>}]} {
    %get3A = arith.constant 0 : index
    %get3A_0 = arith.constant 0 : index
    %get3A_1 = vector.load %arg3[%get3A, %get3A_0] : memref<640x4xf32, #tpu.memory_space<vmem>>, vector<640x4xf32>
    %slice3A = vector.extract_strided_slice %get3A_1 {offsets = [0, 0], sizes = [640, 1], strides = [1, 1]} : vector<640x4xf32> to vector<640x1xf32>
    %get3A_2 = arith.constant 0 : index
    %get3A_3 = arith.constant 0 : index
    %get3A_4 = vector.load %arg1[%get3A_2, %get3A_3] : memref<640x128xf32, #tpu.memory_space<vmem>>, vector<640x128xf32>
    %get3A_5 = arith.constant 0 : index
    %get3A_6 = arith.constant 0 : index
    %get3A_7 = vector.load %arg2[%get3A_5, %get3A_6] : memref<640x128xf32, #tpu.memory_space<vmem>>, vector<640x128xf32>
    %convert_element_type3A = arith.truncf %get3A_7 : vector<640x128xf32> to vector<640x128xbf16>
    %get3A_8 = arith.constant 0 : index
    %get3A_9 = arith.constant 0 : index
    %get3A_10 = vector.load %arg4[%get3A_8, %get3A_9] : memref<640x1xf32, #tpu.memory_space<vmem>>, vector<640x1xf32>
    %get3A_11 = arith.constant 0 : index
    %get3A_12 = arith.constant 0 : index
    %get3A_13 = vector.load %arg5[%get3A_11, %get3A_12] : memref<1x128xf32, #tpu.memory_space<vmem>>, vector<1x128xf32>
    %mul3A = vector.broadcast %slice3A : vector<640x1xf32> to vector<640x128xf32>
    %mul3A_14 = vector.broadcast %get3A_13 : vector<1x128xf32> to vector<640x128xf32>
    %mul3A_15 = arith.mulf %mul3A, %mul3A_14 : vector<640x128xf32>
    %logistic3A = arith.negf %mul3A_15 : vector<640x128xf32>
    %logistic3A_16 = math.exp %logistic3A : vector<640x128xf32>
    %logistic3A_17 = arith.constant 1.000000e+00 : f32
    %logistic3A_18 = vector.broadcast %logistic3A_17 : f32 to vector<640x128xf32>
    %logistic3A_19 = arith.addf %logistic3A_18, %logistic3A_16 : vector<640x128xf32>
    %logistic3A_20 = arith.divf %logistic3A_18, %logistic3A_19 : vector<640x128xf32>
    %mul3A_21 = arith.mulf %mul3A_15, %logistic3A_20 : vector<640x128xf32>
    %get3A_22 = arith.constant 0 : index
    %get3A_23 = arith.constant 0 : index
    %get3A_24 = vector.load %arg6[%get3A_22, %get3A_23] : memref<128x128xf32, #tpu.memory_space<vmem>>, vector<128x128xf32>
    %dot_general3A = arith.constant dense<0.000000e+00> : vector<640x128xf32>
    %dot_general3A_25 = tpu.matmul %mul3A_21, %get3A_24, %dot_general3A {dimension_numbers = #tpu.dot_dimension_numbers<[1], [0], [0], [1], [0, 0, 1, 1], [], []>, transpose_lhs_hint = false} : vector<640x128xf32>, vector<128x128xf32>, vector<640x128xf32> -> vector<640x128xf32>
    %mul3A_26 = arith.constant 1.250000e-01 : f32
    %mul3A_27 = vector.broadcast %mul3A_26 : f32 to vector<640x128xf32>
    %mul3A_28 = arith.mulf %dot_general3A_25, %mul3A_27 : vector<640x128xf32>
    %logistic3A_29 = arith.negf %mul3A_28 : vector<640x128xf32>
    %logistic3A_30 = math.exp %logistic3A_29 : vector<640x128xf32>
    %logistic3A_31 = arith.constant 1.000000e+00 : f32
    %logistic3A_32 = vector.broadcast %logistic3A_31 : f32 to vector<640x128xf32>
    %logistic3A_33 = arith.addf %logistic3A_32, %logistic3A_30 : vector<640x128xf32>
    %logistic3A_34 = arith.divf %logistic3A_32, %logistic3A_33 : vector<640x128xf32>
    %mul3A_35 = arith.mulf %mul3A_28, %logistic3A_34 : vector<640x128xf32>
    %get3A_36 = arith.constant 0 : index
    %get3A_37 = arith.constant 0 : index
    %get3A_38 = vector.load %arg7[%get3A_36, %get3A_37] : memref<128x256xf32, #tpu.memory_space<vmem>>, vector<128x256xf32>
    %dot_general3A_39 = arith.constant dense<0.000000e+00> : vector<640x256xf32>
    %dot_general3A_40 = tpu.matmul %mul3A_35, %get3A_38, %dot_general3A_39 {dimension_numbers = #tpu.dot_dimension_numbers<[1], [0], [0], [1], [0, 0, 1, 1], [], []>, transpose_lhs_hint = false} : vector<640x128xf32>, vector<128x256xf32>, vector<640x256xf32> -> vector<640x256xf32>
    %mul3A_41 = arith.constant 1.250000e-01 : f32
    %mul3A_42 = vector.broadcast %mul3A_41 : f32 to vector<640x256xf32>
    %mul3A_43 = arith.mulf %dot_general3A_40, %mul3A_42 : vector<640x256xf32>
    %slice3A_44 = vector.extract_strided_slice %mul3A_43 {offsets = [0, 0], sizes = [640, 128], strides = [1, 1]} : vector<640x256xf32> to vector<640x128xf32>
    %slice3A_45 = vector.extract_strided_slice %mul3A_43 {offsets = [0, 128], sizes = [640, 128], strides = [1, 1]} : vector<640x256xf32> to vector<640x128xf32>
    %mul3A_46 = arith.mulf %get3A_4, %slice3A_44 : vector<640x128xf32>
    %convert_element_type3A_47 = arith.truncf %mul3A_46 : vector<640x128xf32> to vector<640x128xbf16>
    %get3A_48 = arith.constant 0 : index
    %get3A_49 = arith.constant 0 : index
    %get3A_50 = vector.load %arg8[%get3A_48, %get3A_49] : memref<128x512xbf16, #tpu.memory_space<vmem>>, vector<128x512xbf16>
    %dot_general3A_51 = arith.constant dense<0.000000e+00> : vector<640x512xf32>
    %dot_general3A_52 = tpu.matmul %convert_element_type3A_47, %get3A_50, %dot_general3A_51 {dimension_numbers = #tpu.dot_dimension_numbers<[1], [0], [0], [1], [0, 0, 1, 1], [], []>, transpose_lhs_hint = false} : vector<640x128xbf16>, vector<128x512xbf16>, vector<640x512xf32> -> vector<640x512xf32>
    %convert_element_type3A_53 = arith.truncf %dot_general3A_52 : vector<640x512xf32> to vector<640x512xbf16>
    %slice3A_54 = vector.extract_strided_slice %convert_element_type3A_53 {offsets = [0, 0], sizes = [640, 128], strides = [1, 1]} : vector<640x512xbf16> to vector<640x128xbf16>
    %mul3A_55 = arith.mulf %convert_element_type3A, %slice3A_54 : vector<640x128xbf16>
    %slice3A_56 = vector.extract_strided_slice %convert_element_type3A_53 {offsets = [0, 128], sizes = [640, 128], strides = [1, 1]} : vector<640x512xbf16> to vector<640x128xbf16>
    %mul3A_57 = arith.mulf %convert_element_type3A, %slice3A_56 : vector<640x128xbf16>
    %slice3A_58 = vector.extract_strided_slice %convert_element_type3A_53 {offsets = [0, 256], sizes = [640, 128], strides = [1, 1]} : vector<640x512xbf16> to vector<640x128xbf16>
    %mul3A_59 = arith.mulf %convert_element_type3A, %slice3A_58 : vector<640x128xbf16>
    %slice3A_60 = vector.extract_strided_slice %convert_element_type3A_53 {offsets = [0, 384], sizes = [640, 128], strides = [1, 1]} : vector<640x512xbf16> to vector<640x128xbf16>
    %mul3A_61 = arith.mulf %convert_element_type3A, %slice3A_60 : vector<640x128xbf16>
    %concatenate3A = tpu.concatenate %mul3A_55, %mul3A_57, %mul3A_59, %mul3A_61 in 1 : vector<640x128xbf16>, vector<640x128xbf16>, vector<640x128xbf16>, vector<640x128xbf16> -> vector<640x512xbf16>
    %get3A_62 = arith.constant 0 : index
    %get3A_63 = arith.constant 0 : index
    %get3A_64 = vector.load %arg9[%get3A_62, %get3A_63] : memref<512x128xbf16, #tpu.memory_space<vmem>>, vector<512x128xbf16>
    %dot_general3A_65 = arith.constant dense<0.000000e+00> : vector<640x128xf32>
    %dot_general3A_66 = tpu.matmul %concatenate3A, %get3A_64, %dot_general3A_65 {dimension_numbers = #tpu.dot_dimension_numbers<[1], [0], [0], [1], [0, 0, 1, 1], [], []>, transpose_lhs_hint = false} : vector<640x512xbf16>, vector<512x128xbf16>, vector<640x128xf32> -> vector<640x128xf32>
    %mul3A_67 = arith.constant 7.812500e-03 : f32
    %mul3A_68 = vector.broadcast %mul3A_67 : f32 to vector<640x128xf32>
    %mul3A_69 = arith.mulf %dot_general3A_66, %mul3A_68 : vector<640x128xf32>
    %exp3A = math.exp %mul3A_69 : vector<640x128xf32>
    %mul3A_70 = vector.broadcast %get3A_10 : vector<640x1xf32> to vector<640x128xf32>
    %mul3A_71 = arith.mulf %mul3A_70, %exp3A : vector<640x128xf32>
    %mul3A_72 = arith.mulf %get3A_4, %slice3A_45 : vector<640x128xf32>
    %sqrt3A = math.sqrt %mul3A_71 : vector<640x128xf32>
    %mul3A_73 = arith.mulf %mul3A_72, %sqrt3A : vector<640x128xf32>
    %swap3A = arith.constant 0 : index
    %swap3A_74 = arith.constant 0 : index
    %swap3A_75 = vector.load %arg10[%swap3A, %swap3A_74] : memref<640x128xf32, #tpu.memory_space<vmem>>, vector<640x128xf32>
    tpu.vector_store %arg10[%swap3A, %swap3A_74], %mul3A_73 {strides = array<i32>} : memref<640x128xf32, #tpu.memory_space<vmem>>, vector<640x128xf32>,
    %slice3A_76 = vector.extract_strided_slice %mul3A_71 {offsets = [0, 0], sizes = [640, 1], strides = [1, 1]} : vector<640x128xf32> to vector<640x1xf32>
    %slice3A_77 = vector.extract_strided_slice %mul3A_71 {offsets = [0, 32], sizes = [640, 1], strides = [1, 1]} : vector<640x128xf32> to vector<640x1xf32>
    %slice3A_78 = vector.extract_strided_slice %mul3A_71 {offsets = [0, 64], sizes = [640, 1], strides = [1, 1]} : vector<640x128xf32> to vector<640x1xf32>
    %slice3A_79 = vector.extract_strided_slice %mul3A_71 {offsets = [0, 96], sizes = [640, 1], strides = [1, 1]} : vector<640x128xf32> to vector<640x1xf32>
    %concatenate3A_80 = tpu.concatenate %slice3A_76, %slice3A_77, %slice3A_78, %slice3A_79 in 1 : vector<640x1xf32>, vector<640x1xf32>, vector<640x1xf32>, vector<640x1xf32> -> vector<640x4xf32>
    %swap3A_81 = arith.constant 0 : index
    %swap3A_82 = arith.constant 0 : index
    %swap3A_83 = vector.load %arg11[%swap3A_81, %swap3A_82] : memref<640x4xf32, #tpu.memory_space<vmem>>, vector<640x4xf32>
    tpu.vector_store %arg11[%swap3A_81, %swap3A_82], %concatenate3A_80 {strides = array<i32>} : memref<640x4xf32, #tpu.memory_space<vmem>>, vector<640x4xf32>,
    return
  }
  func.func @transform_0(%arg0: i32) -> (i32, i32) {
    %c0_i32 = arith.constant 0 : i32
    %c0_i32_0 = arith.constant 0 : i32
    return %arg0, %c0_i32 : i32, i32
  }
  func.func @transform_1(%arg0: i32) -> (i32, i32) {
    %c0_i32 = arith.constant 0 : i32
    %c0_i32_0 = arith.constant 0 : i32
    return %arg0, %c0_i32 : i32, i32
  }
  func.func @transform_2(%arg0: i32) -> (i32, i32) {
    %c0_i32 = arith.constant 0 : i32
    %c0_i32_0 = arith.constant 0 : i32
    return %arg0, %c0_i32 : i32, i32
  }
  func.func @transform_3(%arg0: i32) -> (i32, i32) {
    %c0_i32 = arith.constant 0 : i32
    %c0_i32_0 = arith.constant 0 : i32
    return %arg0, %c0_i32 : i32, i32
  }
  func.func @transform_4(%arg0: i32) -> (i32, i32) {
    %c0_i32 = arith.constant 0 : i32
    %c0_i32_0 = arith.constant 0 : i32
    %c0_i32_1 = arith.constant 0 : i32
    return %c0_i32, %c0_i32_0 : i32, i32
  }
  func.func @transform_5(%arg0: i32) -> (i32, i32) {
    %c0_i32 = arith.constant 0 : i32
    %c0_i32_0 = arith.constant 0 : i32
    %c0_i32_1 = arith.constant 0 : i32
    return %c0_i32, %c0_i32_0 : i32, i32
  }
  func.func @transform_6(%arg0: i32) -> (i32, i32) {
    %c0_i32 = arith.constant 0 : i32
    %c0_i32_0 = arith.constant 0 : i32
    %c0_i32_1 = arith.constant 0 : i32
    return %c0_i32, %c0_i32_0 : i32, i32
  }
  func.func @transform_7(%arg0: i32) -> (i32, i32) {
    %c0_i32 = arith.constant 0 : i32
    %c0_i32_0 = arith.constant 0 : i32
    %c0_i32_1 = arith.constant 0 : i32
    return %c0_i32, %c0_i32_0 : i32, i32
  }
  func.func @transform_8(%arg0: i32) -> (i32, i32) {
    %c0_i32 = arith.constant 0 : i32
    %c0_i32_0 = arith.constant 0 : i32
    %c0_i32_1 = arith.constant 0 : i32
    return %c0_i32, %c0_i32_0 : i32, i32
  }
  func.func @transform_9(%arg0: i32) -> (i32, i32) {
    %c0_i32 = arith.constant 0 : i32
    %c0_i32_0 = arith.constant 0 : i32
    return %arg0, %c0_i32 : i32, i32
  }
  func.func @transform_10(%arg0: i32) -> (i32, i32) {
    %c0_i32 = arith.constant 0 : i32
    %c0_i32_0 = arith.constant 0 : i32
    return %arg0, %c0_i32 : i32, i32
  }
}

module attributes {stable_mosaic.version = 14 : i64} {
  func.func @_edge_tc(%arg0: i32, %arg1: memref<640x128xf32, #tpu.memory_space<vmem>>, %arg2: memref<640x128xf32, #tpu.memory_space<vmem>>, %arg3: memref<640x4xf32, #tpu.memory_space<vmem>>, %arg4: memref<640x1xf32, #tpu.memory_space<vmem>>, %arg5: memref<1x128xf32, #tpu.memory_space<vmem>>, %arg6: memref<128x128xf32, #tpu.memory_space<vmem>>, %arg7: memref<128x256xf32, #tpu.memory_space<vmem>>, %arg8: memref<128x512xbf16, #tpu.memory_space<vmem>>, %arg9: memref<512x128xbf16, #tpu.memory_space<vmem>>, %arg10: memref<640x128xf32, #tpu.memory_space<vmem>>, %arg11: memref<640x4xf32, #tpu.memory_space<vmem>>) attributes {dimension_semantics = [#tpu.dimension_semantics<arbitrary>], iteration_bounds = array<i64: 172>, scalar_prefetch = 0 : i64, scratch_operands = 0 : i64, tpu.core_type = #tpu.core_type<tc>, window_params = [{transform_indices = @transform_0, window_bounds = array<i64: 640, 128>}, {transform_indices = @transform_1, window_bounds = array<i64: 640, 128>}, {transform_indices = @transform_2, window_bounds = array<i64: 640, 4>}, {transform_indices = @transform_3, window_bounds = array<i64: 640, 1>}, {pipeline_mode = #tpu.pipeline_mode<synchronous>, transform_indices = @transform_4, window_bounds = array<i64: 1, 128>}, {pipeline_mode = #tpu.pipeline_mode<synchronous>, transform_indices = @transform_5, window_bounds = array<i64: 128, 128>}, {pipeline_mode = #tpu.pipeline_mode<synchronous>, transform_indices = @transform_6, window_bounds = array<i64: 128, 256>}, {pipeline_mode = #tpu.pipeline_mode<synchronous>, transform_indices = @transform_7, window_bounds = array<i64: 128, 512>}, {pipeline_mode = #tpu.pipeline_mode<synchronous>, transform_indices = @transform_8, window_bounds = array<i64: 512, 128>}, {transform_indices = @transform_9, window_bounds = array<i64: 640, 128>}, {transform_indices = @transform_10, window_bounds = array<i64: 640, 4>}]} {
    %get3A = arith.constant 0 : index
    %get3A_0 = arith.constant 0 : index
    %get3A_1 = vector.load %arg3[%get3A, %get3A_0] : memref<640x4xf32, #tpu.memory_space<vmem>>, vector<640x4xf32>
    %slice3A = vector.extract_strided_slice %get3A_1 {offsets = [0, 0], sizes = [640, 1], strides = [1, 1]} : vector<640x4xf32> to vector<640x1xf32>
    %get3A_2 = arith.constant 0 : index
    %get3A_3 = arith.constant 0 : index
    %get3A_4 = vector.load %arg1[%get3A_2, %get3A_3] : memref<640x128xf32, #tpu.memory_space<vmem>>, vector<640x128xf32>
    %get3A_5 = arith.constant 0 : index
    %get3A_6 = arith.constant 0 : index
    %get3A_7 = vector.load %arg2[%get3A_5, %get3A_6] : memref<640x128xf32, #tpu.memory_space<vmem>>, vector<640x128xf32>
    %convert_element_type3A = arith.truncf %get3A_7 : vector<640x128xf32> to vector<640x128xbf16>
    %get3A_8 = arith.constant 0 : index
    %get3A_9 = arith.constant 0 : index
    %get3A_10 = vector.load %arg4[%get3A_8, %get3A_9] : memref<640x1xf32, #tpu.memory_space<vmem>>, vector<640x1xf32>
    %get3A_11 = arith.constant 0 : index
    %get3A_12 = arith.constant 0 : index
    %get3A_13 = vector.load %arg5[%get3A_11, %get3A_12] : memref<1x128xf32, #tpu.memory_space<vmem>>, vector<1x128xf32>
    %mul3A = vector.broadcast %slice3A : vector<640x1xf32> to vector<640x128xf32>
    %mul3A_14 = vector.broadcast %get3A_13 : vector<1x128xf32> to vector<640x128xf32>
    %mul3A_15 = arith.mulf %mul3A, %mul3A_14 : vector<640x128xf32>
    %logistic3A = arith.negf %mul3A_15 : vector<640x128xf32>
    %logistic3A_16 = math.exp %logistic3A : vector<640x128xf32>
    %logistic3A_17 = arith.constant 1.000000e+00 : f32
    %logistic3A_18 = vector.broadcast %logistic3A_17 : f32 to vector<640x128xf32>
    %logistic3A_19 = arith.addf %logistic3A_18, %logistic3A_16 : vector<640x128xf32>
    %logistic3A_20 = arith.divf %logistic3A_18, %logistic3A_19 : vector<640x128xf32>
    %mul3A_21 = arith.mulf %mul3A_15, %logistic3A_20 : vector<640x128xf32>
    %get3A_22 = arith.constant 0 : index
    %get3A_23 = arith.constant 0 : index
    %get3A_24 = vector.load %arg6[%get3A_22, %get3A_23] : memref<128x128xf32, #tpu.memory_space<vmem>>, vector<128x128xf32>
    %dot_general3A = arith.constant dense<0.000000e+00> : vector<640x128xf32>
    %dot_general3A_25 = tpu.matmul %mul3A_21, %get3A_24, %dot_general3A {dimension_numbers = #tpu.dot_dimension_numbers<[1], [0], [0], [1], [0, 0, 1, 1], [], []>, transpose_lhs_hint = false} : vector<640x128xf32>, vector<128x128xf32>, vector<640x128xf32> -> vector<640x128xf32>
    %mul3A_26 = arith.constant 1.250000e-01 : f32
    %mul3A_27 = vector.broadcast %mul3A_26 : f32 to vector<640x128xf32>
    %mul3A_28 = arith.mulf %dot_general3A_25, %mul3A_27 : vector<640x128xf32>
    %logistic3A_29 = arith.negf %mul3A_28 : vector<640x128xf32>
    %logistic3A_30 = math.exp %logistic3A_29 : vector<640x128xf32>
    %logistic3A_31 = arith.constant 1.000000e+00 : f32
    %logistic3A_32 = vector.broadcast %logistic3A_31 : f32 to vector<640x128xf32>
    %logistic3A_33 = arith.addf %logistic3A_32, %logistic3A_30 : vector<640x128xf32>
    %logistic3A_34 = arith.divf %logistic3A_32, %logistic3A_33 : vector<640x128xf32>
    %mul3A_35 = arith.mulf %mul3A_28, %logistic3A_34 : vector<640x128xf32>
    %get3A_36 = arith.constant 0 : index
    %get3A_37 = arith.constant 0 : index
    %get3A_38 = vector.load %arg7[%get3A_36, %get3A_37] : memref<128x256xf32, #tpu.memory_space<vmem>>, vector<128x256xf32>
    %dot_general3A_39 = arith.constant dense<0.000000e+00> : vector<640x256xf32>
    %dot_general3A_40 = tpu.matmul %mul3A_35, %get3A_38, %dot_general3A_39 {dimension_numbers = #tpu.dot_dimension_numbers<[1], [0], [0], [1], [0, 0, 1, 1], [], []>, transpose_lhs_hint = false} : vector<640x128xf32>, vector<128x256xf32>, vector<640x256xf32> -> vector<640x256xf32>
    %mul3A_41 = arith.constant 1.250000e-01 : f32
    %mul3A_42 = vector.broadcast %mul3A_41 : f32 to vector<640x256xf32>
    %mul3A_43 = arith.mulf %dot_general3A_40, %mul3A_42 : vector<640x256xf32>
    %slice3A_44 = vector.extract_strided_slice %mul3A_43 {offsets = [0, 0], sizes = [640, 128], strides = [1, 1]} : vector<640x256xf32> to vector<640x128xf32>
    %slice3A_45 = vector.extract_strided_slice %mul3A_43 {offsets = [0, 128], sizes = [640, 128], strides = [1, 1]} : vector<640x256xf32> to vector<640x128xf32>
    %mul3A_46 = arith.mulf %get3A_4, %slice3A_44 : vector<640x128xf32>
    %convert_element_type3A_47 = arith.truncf %mul3A_46 : vector<640x128xf32> to vector<640x128xbf16>
    %get3A_48 = arith.constant 0 : index
    %get3A_49 = arith.constant 0 : index
    %get3A_50 = vector.load %arg8[%get3A_48, %get3A_49] : memref<128x512xbf16, #tpu.memory_space<vmem>>, vector<128x512xbf16>
    %dot_general3A_51 = arith.constant dense<0.000000e+00> : vector<640x512xf32>
    %dot_general3A_52 = tpu.matmul %convert_element_type3A_47, %get3A_50, %dot_general3A_51 {dimension_numbers = #tpu.dot_dimension_numbers<[1], [0], [0], [1], [0, 0, 1, 1], [], []>, transpose_lhs_hint = false} : vector<640x128xbf16>, vector<128x512xbf16>, vector<640x512xf32> -> vector<640x512xf32>
    %convert_element_type3A_53 = arith.truncf %dot_general3A_52 : vector<640x512xf32> to vector<640x512xbf16>
    %slice3A_54 = vector.extract_strided_slice %convert_element_type3A_53 {offsets = [0, 0], sizes = [640, 128], strides = [1, 1]} : vector<640x512xbf16> to vector<640x128xbf16>
    %mul3A_55 = arith.mulf %convert_element_type3A, %slice3A_54 : vector<640x128xbf16>
    %slice3A_56 = vector.extract_strided_slice %convert_element_type3A_53 {offsets = [0, 128], sizes = [640, 128], strides = [1, 1]} : vector<640x512xbf16> to vector<640x128xbf16>
    %mul3A_57 = arith.mulf %convert_element_type3A, %slice3A_56 : vector<640x128xbf16>
    %slice3A_58 = vector.extract_strided_slice %convert_element_type3A_53 {offsets = [0, 256], sizes = [640, 128], strides = [1, 1]} : vector<640x512xbf16> to vector<640x128xbf16>
    %mul3A_59 = arith.mulf %convert_element_type3A, %slice3A_58 : vector<640x128xbf16>
    %slice3A_60 = vector.extract_strided_slice %convert_element_type3A_53 {offsets = [0, 384], sizes = [640, 128], strides = [1, 1]} : vector<640x512xbf16> to vector<640x128xbf16>
    %mul3A_61 = arith.mulf %convert_element_type3A, %slice3A_60 : vector<640x128xbf16>
    %concatenate3A = tpu.concatenate %mul3A_55, %mul3A_57, %mul3A_59, %mul3A_61 in 1 : vector<640x128xbf16>, vector<640x128xbf16>, vector<640x128xbf16>, vector<640x128xbf16> -> vector<640x512xbf16>
    %get3A_62 = arith.constant 0 : index
    %get3A_63 = arith.constant 0 : index
    %get3A_64 = vector.load %arg9[%get3A_62, %get3A_63] : memref<512x128xbf16, #tpu.memory_space<vmem>>, vector<512x128xbf16>
    %dot_general3A_65 = arith.constant dense<0.000000e+00> : vector<640x128xf32>
    %dot_general3A_66 = tpu.matmul %concatenate3A, %get3A_64, %dot_general3A_65 {dimension_numbers = #tpu.dot_dimension_numbers<[1], [0], [0], [1], [0, 0, 1, 1], [], []>, transpose_lhs_hint = false} : vector<640x512xbf16>, vector<512x128xbf16>, vector<640x128xf32> -> vector<640x128xf32>
    %mul3A_67 = arith.constant 7.812500e-03 : f32
    %mul3A_68 = vector.broadcast %mul3A_67 : f32 to vector<640x128xf32>
    %mul3A_69 = arith.mulf %dot_general3A_66, %mul3A_68 : vector<640x128xf32>
    %exp3A = math.exp %mul3A_69 : vector<640x128xf32>
    %mul3A_70 = vector.broadcast %get3A_10 : vector<640x1xf32> to vector<640x128xf32>
    %mul3A_71 = arith.mulf %mul3A_70, %exp3A : vector<640x128xf32>
    %mul3A_72 = arith.mulf %get3A_4, %slice3A_45 : vector<640x128xf32>
    %sqrt3A = math.sqrt %mul3A_71 : vector<640x128xf32>
    %mul3A_73 = arith.mulf %mul3A_72, %sqrt3A : vector<640x128xf32>
    %swap3A = arith.constant 0 : index
    %swap3A_74 = arith.constant 0 : index
    %swap3A_75 = vector.load %arg10[%swap3A, %swap3A_74] : memref<640x128xf32, #tpu.memory_space<vmem>>, vector<640x128xf32>
    tpu.vector_store %arg10[%swap3A, %swap3A_74], %mul3A_73 {strides = array<i32>} : memref<640x128xf32, #tpu.memory_space<vmem>>, vector<640x128xf32>,
    %slice3A_76 = vector.extract_strided_slice %mul3A_71 {offsets = [0, 0], sizes = [640, 1], strides = [1, 1]} : vector<640x128xf32> to vector<640x1xf32>
    %slice3A_77 = vector.extract_strided_slice %mul3A_71 {offsets = [0, 32], sizes = [640, 1], strides = [1, 1]} : vector<640x128xf32> to vector<640x1xf32>
    %slice3A_78 = vector.extract_strided_slice %mul3A_71 {offsets = [0, 64], sizes = [640, 1], strides = [1, 1]} : vector<640x128xf32> to vector<640x1xf32>
    %slice3A_79 = vector.extract_strided_slice %mul3A_71 {offsets = [0, 96], sizes = [640, 1], strides = [1, 1]} : vector<640x128xf32> to vector<640x1xf32>
    %concatenate3A_80 = tpu.concatenate %slice3A_76, %slice3A_77, %slice3A_78, %slice3A_79 in 1 : vector<640x1xf32>, vector<640x1xf32>, vector<640x1xf32>, vector<640x1xf32> -> vector<640x4xf32>
    %swap3A_81 = arith.constant 0 : index
    %swap3A_82 = arith.constant 0 : index
    %swap3A_83 = vector.load %arg11[%swap3A_81, %swap3A_82] : memref<640x4xf32, #tpu.memory_space<vmem>>, vector<640x4xf32>
    tpu.vector_store %arg11[%swap3A_81, %swap3A_82], %concatenate3A_80 {strides = array<i32>} : memref<640x4xf32, #tpu.memory_space<vmem>>, vector<640x4xf32>,
    return
  }
  func.func @transform_0(%arg0: i32) -> (i32, i32) {
    %c0_i32 = arith.constant 0 : i32
    %c0_i32_0 = arith.constant 0 : i32
    return %arg0, %c0_i32 : i32, i32
  }
  func.func @transform_1(%arg0: i32) -> (i32, i32) {
    %c0_i32 = arith.constant 0 : i32
    %c0_i32_0 = arith.constant 0 : i32
    return %arg0, %c0_i32 : i32, i32
  }
  func.func @transform_2(%arg0: i32) -> (i32, i32) {
    %c0_i32 = arith.constant 0 : i32
    %c0_i32_0 = arith.constant 0 : i32
    return %arg0, %c0_i32 : i32, i32
  }
  func.func @transform_3(%arg0: i32) -> (i32, i32) {
    %c0_i32 = arith.constant 0 : i32
    %c0_i32_0 = arith.constant 0 : i32
    return %arg0, %c0_i32 : i32, i32
  }
  func.func @transform_4(%arg0: i32) -> (i32, i32) {
    %c0_i32 = arith.constant 0 : i32
    %c0_i32_0 = arith.constant 0 : i32
    %c0_i32_1 = arith.constant 0 : i32
    return %c0_i32, %c0_i32_0 : i32, i32
  }
  func.func @transform_5(%arg0: i32) -> (i32, i32) {
    %c0_i32 = arith.constant 0 : i32
    %c0_i32_0 = arith.constant 0 : i32
    %c0_i32_1 = arith.constant 0 : i32
    return %c0_i32, %c0_i32_0 : i32, i32
  }
  func.func @transform_6(%arg0: i32) -> (i32, i32) {
    %c0_i32 = arith.constant 0 : i32
    %c0_i32_0 = arith.constant 0 : i32
    %c0_i32_1 = arith.constant 0 : i32
    return %c0_i32, %c0_i32_0 : i32, i32
  }
  func.func @transform_7(%arg0: i32) -> (i32, i32) {
    %c0_i32 = arith.constant 0 : i32
    %c0_i32_0 = arith.constant 0 : i32
    %c0_i32_1 = arith.constant 0 : i32
    return %c0_i32, %c0_i32_0 : i32, i32
  }
  func.func @transform_8(%arg0: i32) -> (i32, i32) {
    %c0_i32 = arith.constant 0 : i32
    %c0_i32_0 = arith.constant 0 : i32
    %c0_i32_1 = arith.constant 0 : i32
    return %c0_i32, %c0_i32_0 : i32, i32
  }
  func.func @transform_9(%arg0: i32) -> (i32, i32) {
    %c0_i32 = arith.constant 0 : i32
    %c0_i32_0 = arith.constant 0 : i32
    return %arg0, %c0_i32 : i32, i32
  }
  func.func @transform_10(%arg0: i32) -> (i32, i32) {
    %c0_i32 = arith.constant 0 : i32
    %c0_i32_0 = arith.constant 0 : i32
    return %arg0, %c0_i32 : i32, i32
  }
}

module attributes {stable_mosaic.version = 14 : i64} {
  func.func @_final_tc(%arg0: i32, %arg1: memref<6x1280x128xf32, #tpu.memory_space<vmem>>, %arg2: memref<6x1280x4xf32, #tpu.memory_space<vmem>>, %arg3: memref<128x128xf32, #tpu.memory_space<vmem>>, %arg4: memref<1280x128xf32, #tpu.memory_space<vmem>>) attributes {dimension_semantics = [#tpu.dimension_semantics<arbitrary>], iteration_bounds = array<i64: 8>, scalar_prefetch = 0 : i64, scratch_operands = 0 : i64, tpu.core_type = #tpu.core_type<tc>, window_params = [{transform_indices = @transform_0, window_bounds = array<i64: 6, 1280, 128>}, {transform_indices = @transform_1, window_bounds = array<i64: 6, 1280, 4>}, {pipeline_mode = #tpu.pipeline_mode<synchronous>, transform_indices = @transform_2, window_bounds = array<i64: 128, 128>}, {transform_indices = @transform_3, window_bounds = array<i64: 1280, 128>}]} {
    %get3A = arith.constant 0 : index
    %get3A_0 = arith.constant 0 : index
    %get3A_1 = arith.constant 0 : index
    %get3A_2 = vector.load %arg1[%get3A, %get3A_0, %get3A_1] : memref<6x1280x128xf32, #tpu.memory_space<vmem>>, vector<6x1280x128xf32>
    %reduce_sum3A = arith.constant dense<0.000000e+00> : vector<1280x128xf32>
    %reduce_sum3A_3 = vector.multi_reduction <add>, %get3A_2, %reduce_sum3A [0] : vector<6x1280x128xf32> to vector<1280x128xf32>
    %get3A_4 = arith.constant 0 : index
    %get3A_5 = arith.constant 0 : index
    %get3A_6 = arith.constant 0 : index
    %get3A_7 = vector.load %arg2[%get3A_4, %get3A_5, %get3A_6] : memref<6x1280x4xf32, #tpu.memory_space<vmem>>, vector<6x1280x4xf32>
    %reduce_sum3A_8 = arith.constant dense<0.000000e+00> : vector<1280x4xf32>
    %reduce_sum3A_9 = vector.multi_reduction <add>, %get3A_7, %reduce_sum3A_8 [0] : vector<6x1280x4xf32> to vector<1280x4xf32>
    %gt3A = arith.constant 0.000000e+00 : f32
    %gt3A_10 = vector.broadcast %gt3A : f32 to vector<1280x4xf32>
    %gt3A_11 = arith.cmpf ogt, %reduce_sum3A_9, %gt3A_10 : vector<1280x4xf32>
    %rsqrt3A = math.rsqrt %reduce_sum3A_9 : vector<1280x4xf32>
    %jit3A = arith.constant 1.000000e+00 : f32
    %broadcast_in_dim3A = vector.broadcast %jit3A : f32 to vector<1280x4xf32>
    %select_n3A = arith.select %gt3A_11, %rsqrt3A, %broadcast_in_dim3A : vector<1280x4xi1>, vector<1280x4xf32>
    %slice3A = vector.extract_strided_slice %select_n3A {offsets = [0, 0], sizes = [1280, 1], strides = [1, 1]} : vector<1280x4xf32> to vector<1280x1xf32>
    %broadcast_in_dim3A_12 = vector.shape_cast %slice3A : vector<1280x1xf32> to vector<1280x1xf32>
    %broadcast_in_dim3A_13 = vector.broadcast %broadcast_in_dim3A_12 : vector<1280x1xf32> to vector<1280x32xf32>
    %slice3A_14 = vector.extract_strided_slice %select_n3A {offsets = [0, 1], sizes = [1280, 1], strides = [1, 1]} : vector<1280x4xf32> to vector<1280x1xf32>
    %broadcast_in_dim3A_15 = vector.shape_cast %slice3A_14 : vector<1280x1xf32> to vector<1280x1xf32>
    %broadcast_in_dim3A_16 = vector.broadcast %broadcast_in_dim3A_15 : vector<1280x1xf32> to vector<1280x32xf32>
    %slice3A_17 = vector.extract_strided_slice %select_n3A {offsets = [0, 2], sizes = [1280, 1], strides = [1, 1]} : vector<1280x4xf32> to vector<1280x1xf32>
    %broadcast_in_dim3A_18 = vector.shape_cast %slice3A_17 : vector<1280x1xf32> to vector<1280x1xf32>
    %broadcast_in_dim3A_19 = vector.broadcast %broadcast_in_dim3A_18 : vector<1280x1xf32> to vector<1280x32xf32>
    %slice3A_20 = vector.extract_strided_slice %select_n3A {offsets = [0, 3], sizes = [1280, 1], strides = [1, 1]} : vector<1280x4xf32> to vector<1280x1xf32>
    %broadcast_in_dim3A_21 = vector.shape_cast %slice3A_20 : vector<1280x1xf32> to vector<1280x1xf32>
    %broadcast_in_dim3A_22 = vector.broadcast %broadcast_in_dim3A_21 : vector<1280x1xf32> to vector<1280x32xf32>
    %concatenate3A = tpu.concatenate %broadcast_in_dim3A_13, %broadcast_in_dim3A_16, %broadcast_in_dim3A_19, %broadcast_in_dim3A_22 in 1 : vector<1280x32xf32>, vector<1280x32xf32>, vector<1280x32xf32>, vector<1280x32xf32> -> vector<1280x128xf32>
    %mul3A = arith.mulf %reduce_sum3A_3, %concatenate3A : vector<1280x128xf32>
    %get3A_23 = arith.constant 0 : index
    %get3A_24 = arith.constant 0 : index
    %get3A_25 = vector.load %arg3[%get3A_23, %get3A_24] : memref<128x128xf32, #tpu.memory_space<vmem>>, vector<128x128xf32>
    %dot_general3A = arith.constant dense<0.000000e+00> : vector<1280x128xf32>
    %dot_general3A_26 = tpu.matmul %mul3A, %get3A_25, %dot_general3A {dimension_numbers = #tpu.dot_dimension_numbers<[1], [0], [0], [1], [0, 0, 1, 1], [], []>, transpose_lhs_hint = false} : vector<1280x128xf32>, vector<128x128xf32>, vector<1280x128xf32> -> vector<1280x128xf32>
    %mul3A_27 = arith.constant 0.0883883461 : f32
    %mul3A_28 = vector.broadcast %mul3A_27 : f32 to vector<1280x128xf32>
    %mul3A_29 = arith.mulf %dot_general3A_26, %mul3A_28 : vector<1280x128xf32>
    %swap3A = arith.constant 0 : index
    %swap3A_30 = arith.constant 0 : index
    %swap3A_31 = vector.load %arg4[%swap3A, %swap3A_30] : memref<1280x128xf32, #tpu.memory_space<vmem>>, vector<1280x128xf32>
    tpu.vector_store %arg4[%swap3A, %swap3A_30], %mul3A_29 {strides = array<i32>} : memref<1280x128xf32, #tpu.memory_space<vmem>>, vector<1280x128xf32>,
    return
  }
  func.func @transform_0(%arg0: i32) -> (i32, i32, i32) {
    %c0_i32 = arith.constant 0 : i32
    %c0_i32_0 = arith.constant 0 : i32
    %c0_i32_1 = arith.constant 0 : i32
    return %c0_i32, %arg0, %c0_i32_0 : i32, i32, i32
  }
  func.func @transform_1(%arg0: i32) -> (i32, i32, i32) {
    %c0_i32 = arith.constant 0 : i32
    %c0_i32_0 = arith.constant 0 : i32
    %c0_i32_1 = arith.constant 0 : i32
    return %c0_i32, %arg0, %c0_i32_0 : i32, i32, i32
  }
  func.func @transform_2(%arg0: i32) -> (i32, i32) {
    %c0_i32 = arith.constant 0 : i32
    %c0_i32_0 = arith.constant 0 : i32
    %c0_i32_1 = arith.constant 0 : i32
    return %c0_i32, %c0_i32_0 : i32, i32
  }
  func.func @transform_3(%arg0: i32) -> (i32, i32) {
    %c0_i32 = arith.constant 0 : i32
    %c0_i32_0 = arith.constant 0 : i32
    return %arg0, %c0_i32 : i32, i32
  }
}

</mosaic_0001>

<sc_bundles>
// kernel: kernel.15.cloned.1.call-start
scs
__scs_entry_jumppad:
0x0: {  	(pc) =	sbr.rel $0x88, $3  }
0x1: {  	(tag) =	ssettag $0x0;
	lr =	simm.s32 $0x1  }
0x2: {  	[smem:$0x3F94] =	sst lr;
	_ =	strace $0xD0000000  }
0x3: {  	_ = 	snop  }
0x4: {  	_ = 	snop  }
0x5: {  	_ = 	snop  }
0x6: {  	_ = 	snop  }
0x7: {  	_ = 	snop  }
__scs_overlays_trampoline_lowered:
0x8: {  	[smem:$0x3FA3] =	sst s0  }
0x9: {  	[smem:$0x3FA4] =	sst s1  }
0xa: {  	[smem:$0x3FA5] =	sst s2  }
0xb: {  	[smem:$0x3FA6] =	sst s3  }
0xc: {  	[smem:$0x3FA7] =	sst s4  }
0xd: {  	[smem:$0x3FA8] =	sst s5  }
0xe: {  	[smem:$0x3FA9] =	sst s6  }
0xf: {  	[smem:$0x3FAA] =	sst s7  }
0x10: {  	[smem:$0x3FAB] =	sst s8  }
0x11: {  	[smem:$0x3FAC] =	sst s9;
	s0 =	simm.s32 @!p0 $0x0  }
0x12: {  	s1 =	sld [smem:$0x3F92];
	s0 =	simm.s32 @p0 $0x1  }
0x13: {  	[smem:$0x3FAD] =	sst s0;
	s0 =	simm.s32 @!p1 $0x0  }
0x14: {  	s2 =	sld [smem:$0x3F91];
	s0 =	simm.s32 @p1 $0x1  }
0x15: {  	[smem:$0x3FAE] =	sst s0;
	s0 =	simm.s32 @!p2 $0x0  }
0x16: {  	s3 =	sld [smem:$0x3FDB];
	s0 =	simm.s32 @p2 $0x1  }
0x17: {  	s4 =	simm.s32 $0x1BF5;
	[smem:$0x3FB0] =	sst s0  }
0x18: {  	s0 =	sld [smem:$0x3F93];
	_ =	swait.ge [sflag:s4], $0x0  }
0x19: {  	s7 =	sld [smem:$0x3F94]  }
0x1a: {  	s8 =	sadd.s32 $0xFFFFE003, lr  }
0x1b: {  	s9 =	sadd.s32 $0xFFFFFEF7, lr;
	s5 =	simm.s32 $0xFFFFFFFF;
	p2 =	slt.u32 s8, $0xFFFFF086  }
0x1c: {  	p1 =	slt.u32 s9, $0xF7A;
	s5 =	simm.s32 @!p2 $0x0  }
0x1d: {  	s5 =	simm.s32 @p1 $0x1;
	p0 =	seq.s32 s7, s2  }
0x1e: {  	s7 =	smul.u32 @!p0 $0xF7A, s2;
	p2 =	seq.s32 @!p0 s5, $0x0  }
0x1f: {  	s9 =	smul.u32 $0xF7A, s1;
	s8 =	simm.s32 @!p0 $0x1BF5;
	p2 =	por !p2, p0  }
0x20: {  	[sflag:s8] =	ssyncset.s32 @!p0 $0xFFFFF086;
	s6 =	sadd.s32 @!p0 s3, s7;
	s7 =	simm.s32 @!p0 $0x108  }
0x21: {  	s3 =	sadd.s32 s3, s9;
	s6 =	sadd.s32 @!p0 $0x88, s6;
	s7 =	simm.s32 @p2 $0x1082  }
0x22: {  	[simem:s7], [sflag:s8] =	dma.local @!p0 [hbm:s6], $0xF7A  }
0x23: {  	s9 =	sor.u32 $0xD0000000, s2;
	s6 =	simm.s32 $0x108;
	_ =	swait.ge @!p0 [sflag:s8], $0x0  }
0x24: {  	s3 =	sadd.s32 $0x88, s3;
	s6 =	simm.s32 @!p1 $0x1082;
	[sflag:s4] =	ssyncset.s32 $0xFFFFF086  }
0x25: {  	[simem:s6], [sflag:s4] =	dma.local [hbm:s3], $0xF7A  }
0x26: {  	[smem:$0x3F94] =	sst s1;
	(tag) =	ssettag s2;
	_ =	strace s9  }
0x27: {  	s1 =	sld [smem:$0x3FA4]  }
0x28: {  	s2 =	sld [smem:$0x3FA5]  }
0x29: {  	s4 =	sld [smem:$0x3FA7]  }
0x2a: {  	p0 =	seq.s32 s5, $0x0;
	s5 =	sld [smem:$0x3FA8]  }
0x2b: {  	s6 =	sld [smem:$0x3FA9]  }
0x2c: {  	s7 =	sld [smem:$0x3FAA]  }
0x2d: {  	s3 =	simm.s32 $0x108;
	s8 =	sld [smem:$0x3FAB]  }
0x2e: {  	s3 =	simm.s32 @!p0 $0x1082;
	s9 =	sld [smem:$0x3FAC]  }
0x2f: {  	lr =	sadd.s32 s0, s3;
	s0 =	sld [smem:$0x3FA3]  }
0x30: {  	s3 =	sld [smem:$0x3FA6]  }
0x31: {  	[smem:$0x3FAF] =	sst s10  }
0x32: {  	s10 =	sld [smem:$0x3FAD];
	_ =	sdelay $0x3  }
0x33: {  	p0 =	seq.s32 s10, $0x1;
	s10 =	sld [smem:$0x3FAF];
	_ =	sdelay $0x3  }
0x34: {  	[smem:$0x3FAF] =	sst s10  }
0x35: {  	s10 =	sld [smem:$0x3FAE];
	_ =	sdelay $0x3  }
0x36: {  	p1 =	seq.s32 s10, $0x1;
	s10 =	sld [smem:$0x3FAF];
	_ =	sdelay $0x3  }
0x37: {  	[smem:$0x3FAF] =	sst s10  }
0x38: {  	s10 =	sld [smem:$0x3FB0]  }
0x39: {  	_ = 	snop;
	(pc) =	sbr.ind lr, $3  }
0x3a: {  	_ = 	snop  }
0x3b: {  	_ = 	snop  }
0x3c: {  	p2 =	seq.s32 s10, $0x1;
	s10 =	sld [smem:$0x3FAF]  }
0x3d: {  	_ =	shalt  }
0x3e: {  	_ =	shalt  }
0x3f: {  	_ =	shalt  }
0x40: {  	_ =	shalt  }
0x41: {  	_ =	shalt  }
0x42: {  	_ =	shalt  }
0x43: {  	_ =	shalt  }
0x44: {  	_ =	shalt  }
0x45: {  	_ =	shalt  }
0x46: {  	_ =	shalt  }
0x47: {  	_ =	shalt  }
0x48: {  	_ =	shalt  }
0x49: {  	_ =	shalt  }
0x4a: {  	_ =	shalt  }
0x4b: {  	_ =	shalt  }
0x4c: {  	_ =	shalt  }
0x4d: {  	_ =	shalt  }
0x4e: {  	_ =	shalt  }
0x4f: {  	_ =	shalt  }
0x50: {  	_ =	shalt  }
0x51: {  	_ =	shalt  }
0x52: {  	_ =	shalt  }
0x53: {  	_ =	shalt  }
0x54: {  	_ =	shalt  }
0x55: {  	_ =	shalt  }
0x56: {  	_ =	shalt  }
0x57: {  	_ =	shalt  }
0x58: {  	_ =	shalt  }
0x59: {  	_ =	shalt  }
0x5a: {  	_ =	shalt  }
0x5b: {  	_ =	shalt  }
0x5c: {  	_ =	shalt  }
0x5d: {  	_ =	shalt  }
0x5e: {  	_ =	shalt  }
0x5f: {  	_ =	shalt  }
0x60: {  	_ =	shalt  }
0x61: {  	_ =	shalt  }
0x62: {  	_ =	shalt  }
0x63: {  	_ =	shalt  }
0x64: {  	_ =	shalt  }
0x65: {  	_ =	shalt  }
0x66: {  	_ =	shalt  }
0x67: {  	_ =	shalt  }
0x68: {  	_ =	shalt  }
0x69: {  	_ =	shalt  }
0x6a: {  	_ =	shalt  }
0x6b: {  	_ =	shalt  }
0x6c: {  	_ =	shalt  }
0x6d: {  	_ =	shalt  }
0x6e: {  	_ =	shalt  }
0x6f: {  	_ =	shalt  }
0x70: {  	_ =	shalt  }
0x71: {  	_ =	shalt  }
0x72: {  	_ =	shalt  }
0x73: {  	_ =	shalt  }
0x74: {  	_ =	shalt  }
0x75: {  	_ =	shalt  }
0x76: {  	_ =	shalt  }
0x77: {  	_ =	shalt  }
0x78: {  	_ =	shalt  }
0x79: {  	_ =	shalt  }
0x7a: {  	_ =	shalt  }
0x7b: {  	_ =	shalt  }
0x7c: {  	_ =	shalt  }
0x7d: {  	_ =	shalt  }
0x7e: {  	_ =	shalt  }
0x7f: {  	_ =	shalt  }
0x80: {  	_ =	shalt  }
0x81: {  	_ =	shalt  }
0x82: {  	_ =	shalt  }
0x83: {  	_ =	shalt  }
0x84: {  	_ =	shalt  }
0x85: {  	_ =	shalt  }
0x86: {  	_ =	shalt  }
0x87: {  	_ =	shalt  }
.Lfunc_end0:
.L_simem_size_0:
called_computation_lowered:
.L_overlay_start_0:
0x88: {  	s2 =	sld [smem:$0x3FD9]  }
0x89: {  	s3 =	sld [smem:$0x3FFE];
	_ =	sdelay $0x1  }
0x8a: {  	s1 =	srdreg.scid  }
0x8b: {  	s0 =	sand.u32 $0x1, s1  }
0x8c: {  	s17 =	sshll.u32 s0, $0xA;
	s2 =	sadd.s32 s3, s2  }
0x8d: {  	s2 =	sadd.s32 s2, s17  }
0x8e: {  	[smem:$0x3FBB] =	sst s2  }
0x8f: {  	_ = 	snop  }
0x90: {  	s2 =	sld [smem:$0x3FC5];
	(tm) =	ssettm $0x1  }
0x91: {  	s18 =	sld [smem:$0x3FFB];
	_ =	sdelay $0x3  }
0x92: {  	_ =	strace s18  }
0x93: {  	s3 =	sld [smem:$0x3FFC];
	_ =	sdelay $0x3  }
0x94: {  	_ =	strace s3  }
0x95: {  	s3 =	sld [smem:$0x3FFD];
	_ =	sdelay $0x3  }
0x96: {  	_ =	strace s3  }
0x97: {  	_ =	strace $0x8FFFFFFF  }
0x98: {  	s19 =	sld [smem:$0x3FDB];
	_ =	sdelay $0x1  }
0x99: {  	s4 =	simm.s32 $_scs_section_size  }
0x9a: {  	s5 =	simm.s32 $_size__tile_overlayer_lowered;
	s6 =	simm.s32 $_tile_overlayer_lowered  }
0x9b: {  	s22 =	simm.s32 $0x1BFF;
	s21 =	sshll.u32 s6, $0x1;
	s3 =	sadd.s32 s4, s19  }
0x9c: {  	s7 =	simm.s32 $0x0;
	s20 =	sshll.u32 s5, $0x1;
	s5 =	sadd.s32 s21, s3  }
0x9d: {  	[timem:s7], [sflag:s22] =	dma.local [hbm:s5], s20  }
0x9e: {  	_ =	swait.ge [sflag:s22], s20  }
0x9f: {  	s4 =	ssub.s32 $0x0, s20;
	[sflag:s22] =	ssyncset.done $0x0  }
0xa0: {  	[sflag:s22] =	ssyncadd.s32 s4;
	_ =	sdelay $0x1  }
0xa1: {  	s23 =	simm.s32 $0x1B8B  }
0xa2: {  	_ =	swait.ge [sflag:s23], $0x1  }
0xa3: {  	[sflag:s23] =	ssyncset.done $0x0  }
0xa4: {  	s25 =	simm.s32 $0x1B8E;
	s24 =	sld [smem:$0x3FFE];
	[sflag:s23] =	ssyncadd.s32 $0xFFFFFFFF  }
0xa5: {  	s26 =	simm.s32 $execute0_lowered;
	[smem:$0x3FD2] =	sst s25  }
0xa6: {  	s5 =	sshll.u32 s26, $0x1;
	_ =	strace $0x80000046;
	[dreg:$0x1] =	wrdreg $0xFFFFFFFF  }
0xa7: {  	s28 =	simm.s32 $_size_execute0_lowered;
	s3 =	sadd.s32 s3, s5;
	[dreg:$0x0] =	wrdreg $0x0  }
0xa8: {  	s5 =	sshll.u32 s28, $0x1;
	[dreg:$0x2] =	wrdreg s3  }
0xa9: {  	[dreg:$0x3] =	wrdreg s5  }
0xaa: {  	[dreg:$0x4] =	wrdreg $0xC0  }
0xab: {  	_ =	task [dreg:s7], $0x5FFFF  }
0xac: {  	[dreg:$0x1] =	wrdreg $0xFFFFFFFF  }
0xad: {  	[dreg:$0x0] =	wrdreg $0x60  }
0xae: {  	[dreg:$0x2] =	wrdreg s2  }
0xaf: {  	[dreg:$0x3] =	wrdreg s24  }
0xb0: {  	[dreg:$0x4] =	wrdreg $0x9  }
0xb1: {  	_ =	task.clear_ibuf [dreg:s7], $0x5FFFF;
	_ =	strace $0x90000046  }
0xb2: {  	s29 =	simm.s32 $0x9;
	_ =	strace $0x80000048  }
0xb3: {  	_ =	swait.ge [sflag:s29], $0x1  }
0xb4: {  	[sflag:s29] =	ssyncadd.s32 $0xFFFFFFFF  }
0xb5: {  	_ =	strace $0x90000048  }
0xb6: {  	_ =	sfence  }
0xb7: {  	s30 =	sld [smem:$0x0];
	_ =	sdelay $0x2  }
0xb8: {  	s31 =	sshll.u32 s1, $0xD;
	s1 =	sshrl.u32 s1, $0x2  }
0xb9: {  	s3 =	sand.u32 $0x4000, s31;
	s1 =	sadd.s32 s1, s30  }
0xba: {  	s0 =	sor.u32 s3, s0;
	s1 =	sshll.u32 s1, $0x11  }
0xbb: {  	s0 =	sor.u32 s1, s0  }
0xbc: {  	s0 =	sadd.s32 $0x8F2B, s0  }
0xbd: {  	[sflag:s0] =	ssyncadd.remote.s32 $0x1  }
0xbe: {  	_ =	sfence.sel $0xFFFF  }
0xbf: {  	[dreg:$0x0] =	wrdreg $0xFFFFFFFF;
	(pc) =	sbr.abs _section_cstart, $3  }
0xc0: {  	[dreg:$0x1] =	wrdreg $0xFFFFFFFF  }
0xc1: {  	_ =	task.clear_ibuf [dreg:s7], $0x2FFFF;
	_ =	strace $0x9FFFFFFF  }
0xc2: {  	(tm) =	ssettm $0x7FFFFFFF  }
0xc3: {  	_ =	shalt  }
tec
execute0_lowered:
.L_overlay_start_1:
0x0: {  	(tag) =	ssettag $0x1  }
0x1: {  	s0 =	srdreg.scid;
	s2 =	rddreg [dreg:$0x0]  }
0x2: {  	s4 =	rddreg [dreg:$0x1];
	s1 =	stileid.u32;
	s3 =	simm.s32 $0x0  }
0x3: {  	s14 =	simm.s32 $0x3000;
	s15 =	simm.s32 $0x8000;
	s16 =	simm.s32 $0x5800  }
0x4: {  	s17 =	simm.s32 $0xA800;
	s18 =	simm.s32 $0x1;
	s19 =	simm.s32 $0x3  }
0x5: {  	s20 =	simm.s32 $0x2;
	s21 =	simm.s32 $0x4;
	s5 =	sand.u32 $0x1, s0  }
0x6: {  	s22 =	simm.s32 $0x0;
	s0 =	rddreg [dreg:$0x2];
	s6 =	sshll.u32 s5, $0x4  }
0x7: {  	[smem:$0x7FF] =	sst s3;
	s12 =	smul.u32 $0xCD000, s5;
	s6 =	sor.u32 s1, s6  }
0x8: {  	s9 =	sadd.s32 $0x12800, s4;
	s8 =	ssub.s32 $0x2, s5;
	s7 =	smul.u32 $0x300, s6  }
0x9: {  	s11 =	sadd.s32 $0x1AC800, s4;
	s10 =	sshrl.u32 s8, $0x1;
	s6 =	smul.u32 $0x66800, s6  }
0xa: {  	s13 =	smul.u32 $0xCD00, s1;
	_ =	strace $0x80000047;
	s8 =	ssub.s32 s8, s10  }
0xb: {  	s31 =	sadd.s32 s12, s11;
	s8 =	smax.u32 s8, $0x1;
	s6 =	sshrl.u32 s6, $0x3  }
0xc: {  	s10 =	sadd.s32 s13, s31;
	s7 =	sadd.s32 s7, s4;
	s30 =	sadd.s32 $0xC800, s6  }
0xd: {  	s4 =	sadd.s32 $0xC800, s7;
	s5 =	sadd.s32 $0x6800, s7;
	s6 =	sadd.s32 s9, s30  }
0xe: {  	s7 =	sadd.s32 s11, s30;
	s9 =	sadd.s32 s12, s9;
	s11 =	simm.s32 $0x5  }
0xf: {  	s12 =	simm.s32 $0x1800;
	s9 =	sadd.s32 s13, s9;
	s13 =	simm.s32 $0x50  }
.LBB2_1:
0x10: {  	[tilespmem:s3], [sflag:$0x5] =	stream.linear.gather [hbm4b:s4+s3], $0x1480, $0x38;
	[tilespmem:$0xD000] =	vst v63  }
0x11: {  	_ =	swait.ge [sflag:s11], $0x1480  }
0x12: {  	[sflag:s11] =	ssyncset.done $0x0  }
0x13: {  	[sflag:s11] =	ssyncadd.s32 $0xFFFFEB80  }
0x14: {  	[tilespmem:s12], [sflag:$0x5] =	stream.linear.gather [hbm4b:s5+s3], $0x1480, $0x38;
	[tilespmem:$0xD000] =	vst v63  }
0x15: {  	_ =	swait.ge [sflag:s11], $0x1480  }
0x16: {  	[sflag:s11] =	ssyncset.done $0x0  }
0x17: {  	[sflag:s11] =	ssyncadd.s32 $0xFFFFEB80  }
0x18: {  	[tilespmem:s14], [sflag:$0x1] =	stream.indirect.gather [hbm4b:s2+s13], $0x80, s3, s13, $0xb8;
	[tilespmem:$0xD000] =	vst v63  }
0x19: {  	_ = 	snop  }
0x1a: {  	[tilespmem:s15], [sflag:$0x3] =	stream.indirect.gather [hbm4b:s2+s13], $0x80, s12, s13, $0xb8;
	[tilespmem:$0xD000] =	vst v63  }
0x1b: {  	s23 =	simm.s32 $0x80  }
0x1c: {  	[tilespmem:s16], [sflag:$0x2] =	stream.indirect.gather [hbm4b:s2+s13], $0x80, s23, s13, $0xb8;
	[tilespmem:$0xD000] =	vst v63  }
0x1d: {  	s24 =	simm.s32 $0x1880  }
0x1e: {  	[tilespmem:s17], [sflag:$0x4] =	stream.indirect.gather [hbm4b:s2+s13], $0x80, s24, s13, $0xb8;
	[tilespmem:$0xD000] =	vst v63  }
0x1f: {  	_ =	swait.ge [sflag:s18], $0x2800  }
0x20: {  	[sflag:s18] =	ssyncset.done $0x0  }
0x21: {  	s25 =	sadd.s32 $0x0, s9;
	[sflag:s18] =	ssyncadd.s32 $0xFFFFD800  }
0x22: {  	[hbm4b:s25+s3] =	stream.linear.scatter [tilespmem:s14], [sflag:$0x5], $0x2800, $0x38;
	[tilespmem:$0xD000] =	vst v63  }
0x23: {  	_ =	swait.ge [sflag:s11], $0x2800  }
0x24: {  	[sflag:s11] =	ssyncset.done $0x0  }
0x25: {  	[sflag:s11] =	ssyncadd.s32 $0xFFFFD800  }
0x26: {  	_ =	swait.ge [sflag:s19], $0x2800  }
0x27: {  	[sflag:s19] =	ssyncset.done $0x0  }
0x28: {  	s26 =	sadd.s32 $0x0, s10;
	[sflag:s19] =	ssyncadd.s32 $0xFFFFD800  }
0x29: {  	[hbm4b:s26+s3] =	stream.linear.scatter [tilespmem:s15], [sflag:$0x5], $0x2800, $0x38;
	[tilespmem:$0xD000] =	vst v63  }
0x2a: {  	_ =	swait.ge [sflag:s11], $0x2800  }
0x2b: {  	[sflag:s11] =	ssyncset.done $0x0  }
0x2c: {  	s28 =	simm.s32 $0x100;
	[sflag:s11] =	ssyncadd.s32 $0xFFFFD800  }
0x2d: {  	[tilespmem:s14], [sflag:$0x1] =	stream.indirect.gather [hbm4b:s2+s13], $0x80, s28, s13, $0xb8;
	[tilespmem:$0xD000] =	vst v63  }
0x2e: {  	s30 =	simm.s32 $0x1900  }
0x2f: {  	[tilespmem:s15], [sflag:$0x3] =	stream.indirect.gather [hbm4b:s2+s13], $0x80, s30, s13, $0xb8;
	[tilespmem:$0xD000] =	vst v63  }
0x30: {  	_ =	swait.ge [sflag:s20], $0x2800  }
0x31: {  	[sflag:s20] =	ssyncset.done $0x0  }
0x32: {  	s25 =	sadd.s32 $0x500, s25;
	[sflag:s20] =	ssyncadd.s32 $0xFFFFD800  }
0x33: {  	[hbm4b:s25+s3] =	stream.linear.scatter [tilespmem:s16], [sflag:$0x5], $0x2800, $0x38;
	[tilespmem:$0xD000] =	vst v63  }
0x34: {  	_ =	swait.ge [sflag:s11], $0x2800  }
0x35: {  	[sflag:s11] =	ssyncset.done $0x0  }
0x36: {  	[sflag:s11] =	ssyncadd.s32 $0xFFFFD800  }
0x37: {  	_ =	swait.ge [sflag:s21], $0x2800  }
0x38: {  	[sflag:s21] =	ssyncset.done $0x0  }
0x39: {  	s31 =	sadd.s32 $0x500, s26;
	[sflag:s21] =	ssyncadd.s32 $0xFFFFD800  }
0x3a: {  	[hbm4b:s31+s3] =	stream.linear.scatter [tilespmem:s17], [sflag:$0x5], $0x2800, $0x38;
	[tilespmem:$0xD000] =	vst v63  }
0x3b: {  	_ =	swait.ge [sflag:s11], $0x2800  }
0x3c: {  	s25 =	simm.s32 $0xA00;
	[sflag:s11] =	ssyncset.done $0x0  }
.LBB2_2:
0x3d: {  	[sflag:s11] =	ssyncadd.s32 $0xFFFFD800;
	s24 =	sadd.s32 $0x100, s24;
	s23 =	sadd.s32 $0x100, s23  }
0x3e: {  	[tilespmem:s16], [sflag:$0x2] =	stream.indirect.gather [hbm4b:s2+s13], $0x80, s23, s13, $0xb8;
	[tilespmem:$0xD000] =	vst v63  }
0x3f: {  	p0 =	sne.s32 s25, $0xBE00;
	s26 =	smov.u32 s25;
	s25 =	sadd.s32 $0xA00, s25  }
0x40: {  	[tilespmem:s17], [sflag:$0x4] =	stream.indirect.gather [hbm4b:s2+s13], $0x80, s24, s13, $0xb8;
	[tilespmem:$0xD000] =	vst v63  }
0x41: {  	_ =	swait.ge [sflag:s18], $0x2800  }
0x42: {  	[sflag:s18] =	ssyncset.done $0x0  }
0x43: {  	s28 =	sadd.s32 s26, s9;
	[sflag:s18] =	ssyncadd.s32 $0xFFFFD800  }
0x44: {  	[hbm4b:s28+s3] =	stream.linear.scatter [tilespmem:s14], [sflag:$0x5], $0x2800, $0x38;
	[tilespmem:$0xD000] =	vst v63  }
0x45: {  	_ =	swait.ge [sflag:s11], $0x2800  }
0x46: {  	[sflag:s11] =	ssyncset.done $0x0  }
0x47: {  	[sflag:s11] =	ssyncadd.s32 $0xFFFFD800  }
0x48: {  	_ =	swait.ge [sflag:s19], $0x2800  }
0x49: {  	[sflag:s19] =	ssyncset.done $0x0  }
0x4a: {  	s26 =	sadd.s32 s26, s10;
	[sflag:s19] =	ssyncadd.s32 $0xFFFFD800  }
0x4b: {  	[hbm4b:s26+s3] =	stream.linear.scatter [tilespmem:s15], [sflag:$0x5], $0x2800, $0x38;
	[tilespmem:$0xD000] =	vst v63  }
0x4c: {  	_ =	swait.ge [sflag:s11], $0x2800  }
0x4d: {  	[sflag:s11] =	ssyncset.done $0x0  }
0x4e: {  	s29 =	sadd.s32 $0x80, s23;
	[sflag:s11] =	ssyncadd.s32 $0xFFFFD800  }
0x4f: {  	[tilespmem:s14], [sflag:$0x1] =	stream.indirect.gather [hbm4b:s2+s13], $0x80, s29, s13, $0xb8;
	[tilespmem:$0xD000] =	vst v63  }
0x50: {  	s29 =	sadd.s32 $0x80, s24  }
0x51: {  	[tilespmem:s15], [sflag:$0x3] =	stream.indirect.gather [hbm4b:s2+s13], $0x80, s29, s13, $0xb8;
	[tilespmem:$0xD000] =	vst v63  }
0x52: {  	_ =	swait.ge [sflag:s20], $0x2800  }
0x53: {  	[sflag:s20] =	ssyncset.done $0x0  }
0x54: {  	s28 =	sadd.s32 $0x500, s28;
	[sflag:s20] =	ssyncadd.s32 $0xFFFFD800  }
0x55: {  	[hbm4b:s28+s3] =	stream.linear.scatter [tilespmem:s16], [sflag:$0x5], $0x2800, $0x38;
	[tilespmem:$0xD000] =	vst v63  }
0x56: {  	_ =	swait.ge [sflag:s11], $0x2800  }
0x57: {  	[sflag:s11] =	ssyncset.done $0x0  }
0x58: {  	[sflag:s11] =	ssyncadd.s32 $0xFFFFD800  }
0x59: {  	_ =	swait.ge [sflag:s21], $0x2800  }
.Ltmp0:
0x5a: {  	[sflag:s21] =	ssyncset.done $0x0;
	(pc) =	sbr.rel @p0 .LBB2_2-.Ltmp0, $4  }
0x5b: {  	s26 =	sadd.s32 $0x500, s26;
	[sflag:s21] =	ssyncadd.s32 $0xFFFFD800  }
0x5c: {  	[hbm4b:s26+s3] =	stream.linear.scatter [tilespmem:s17], [sflag:$0x5], $0x2800, $0x38;
	[tilespmem:$0xD000] =	vst v63  }
0x5d: {  	_ =	swait.ge [sflag:s11], $0x2800  }
0x5e: {  	[sflag:s11] =	ssyncset.done $0x0  }
0x5f: {  	[sflag:s11] =	ssyncadd.s32 $0xFFFFD800  }
0x60: {  	_ =	swait.ge [sflag:s18], $0x2800  }
0x61: {  	[sflag:s18] =	ssyncset.done $0x0  }
0x62: {  	[sflag:s18] =	ssyncadd.s32 $0xFFFFD800  }
0x63: {  	[hbm4b:s6+s3] =	stream.linear.scatter [tilespmem:s14], [sflag:$0x5], $0x2800, $0x38;
	[tilespmem:$0xD000] =	vst v63  }
0x64: {  	_ =	swait.ge [sflag:s11], $0x2800  }
0x65: {  	[sflag:s11] =	ssyncset.done $0x0  }
0x66: {  	[sflag:s11] =	ssyncadd.s32 $0xFFFFD800  }
0x67: {  	s22 =	sadd.s32 $0x1, s22;
	_ =	swait.ge [sflag:s19], $0x2800  }
0x68: {  	p0 =	sne.s32 s22, s8;
	[sflag:s19] =	ssyncset.done $0x0  }
.Ltmp1:
0x69: {  	[sflag:s19] =	ssyncadd.s32 $0xFFFFD800;
	(pc) =	sbr.rel @p0 .LBB2_1-.Ltmp1, $4  }
0x6a: {  	[hbm4b:s7+s3] =	stream.linear.scatter [tilespmem:s15], [sflag:$0x5], $0x2800, $0x38;
	[tilespmem:$0xD000] =	vst v63  }
0x6b: {  	_ =	swait.ge [sflag:s11], $0x2800  }
0x6c: {  	[sflag:s11] =	ssyncset.done $0x0  }
0x6d: {  	[sflag:s11] =	ssyncadd.s32 $0xFFFFD800  }
0x6e: {  	_ =	sfence.sel $0x180000  }
0x6f: {  	[bflag:$0x0] =	sbarrier.arrive $0xFFFF  }
0x70: {  	p0 =	sne.s32 s1, $0x0;
	_ =	strace $0x90000047  }
0x71: {  	s0 =	sadd.s32 @!p0 $0x100000, s0;
	[bflag:$0x2] =	sbarrier.arrive $0xFFFF  }
0x72: {  	[sflag:s0] =	ssyncadd.tile.s32 @!p0 $0x1;
	_ =	shalt  }
.Lfunc_end2:
_tile_overlayer_lowered:
.L_overlay_start_2:
0x73: {  	(tag) =	ssettag $0x2  }
0x74: {  	s0 =	rddreg [dreg:$0x0];
	s2 =	stileid.u32  }
0x75: {  	s1 =	rddreg [dreg:$0x1];
	p0 =	sne.s32 s2, $0x0  }
0x76: {  	s3 =	rddreg [dreg:$0x2];
	[bflag:$0x3] =	sbarrier.arrive $0xFFFF;
	s2 =	simm.s32 @!p0 $0x1C05  }
0x77: {  	[timem:s3], [sflag:s2] =	dma.local @!p0 [hbm:s0], s1  }
0x78: {  	s0 =	simm.s32 @!p0 $0x5  }
0x79: {  	_ =	swait.ge @!p0 [sflag:s0], s1  }
0x7a: {  	s1 =	ssub.s32 @!p0 $0x0, s1;
	[sflag:s0] =	ssyncset.done @!p0 $0x0  }
0x7b: {  	[sflag:s0] =	ssyncadd.s32 @!p0 s1  }
0x7c: {  	[bflag:$0x3] =	sbarrier.arrive $0xFFFF  }
0x7d: {  	_ =	shalt  }

// kernel: kernel.18.cloned.1.call-start
scs
__scs_entry_jumppad:
0x0: {  	(pc) =	sbr.rel $0x88, $3  }
0x1: {  	(tag) =	ssettag $0x0;
	lr =	simm.s32 $0x1  }
0x2: {  	[smem:$0x3F94] =	sst lr;
	_ =	strace $0xD0000000  }
0x3: {  	_ = 	snop  }
0x4: {  	_ = 	snop  }
0x5: {  	_ = 	snop  }
0x6: {  	_ = 	snop  }
0x7: {  	_ = 	snop  }
__scs_overlays_trampoline_lowered:
0x8: {  	[smem:$0x3FA3] =	sst s0  }
0x9: {  	[smem:$0x3FA4] =	sst s1  }
0xa: {  	[smem:$0x3FA5] =	sst s2  }
0xb: {  	[smem:$0x3FA6] =	sst s3  }
0xc: {  	[smem:$0x3FA7] =	sst s4  }
0xd: {  	[smem:$0x3FA8] =	sst s5  }
0xe: {  	[smem:$0x3FA9] =	sst s6  }
0xf: {  	[smem:$0x3FAA] =	sst s7  }
0x10: {  	[smem:$0x3FAB] =	sst s8  }
0x11: {  	[smem:$0x3FAC] =	sst s9;
	s0 =	simm.s32 @!p0 $0x0  }
0x12: {  	s1 =	sld [smem:$0x3F92];
	s0 =	simm.s32 @p0 $0x1  }
0x13: {  	[smem:$0x3FAD] =	sst s0;
	s0 =	simm.s32 @!p1 $0x0  }
0x14: {  	s2 =	sld [smem:$0x3F91];
	s0 =	simm.s32 @p1 $0x1  }
0x15: {  	[smem:$0x3FAE] =	sst s0;
	s0 =	simm.s32 @!p2 $0x0  }
0x16: {  	s3 =	sld [smem:$0x3FDB];
	s0 =	simm.s32 @p2 $0x1  }
0x17: {  	s4 =	simm.s32 $0x1BF5;
	[smem:$0x3FB0] =	sst s0  }
0x18: {  	s0 =	sld [smem:$0x3F93];
	_ =	swait.ge [sflag:s4], $0x0  }
0x19: {  	s7 =	sld [smem:$0x3F94]  }
0x1a: {  	s8 =	sadd.s32 $0xFFFFE003, lr  }
0x1b: {  	s9 =	sadd.s32 $0xFFFFFEF7, lr;
	s5 =	simm.s32 $0xFFFFFFFF;
	p2 =	slt.u32 s8, $0xFFFFF086  }
0x1c: {  	p1 =	slt.u32 s9, $0xF7A;
	s5 =	simm.s32 @!p2 $0x0  }
0x1d: {  	s5 =	simm.s32 @p1 $0x1;
	p0 =	seq.s32 s7, s2  }
0x1e: {  	s7 =	smul.u32 @!p0 $0xF7A, s2;
	p2 =	seq.s32 @!p0 s5, $0x0  }
0x1f: {  	s9 =	smul.u32 $0xF7A, s1;
	s8 =	simm.s32 @!p0 $0x1BF5;
	p2 =	por !p2, p0  }
0x20: {  	[sflag:s8] =	ssyncset.s32 @!p0 $0xFFFFF086;
	s6 =	sadd.s32 @!p0 s3, s7;
	s7 =	simm.s32 @!p0 $0x108  }
0x21: {  	s3 =	sadd.s32 s3, s9;
	s6 =	sadd.s32 @!p0 $0x88, s6;
	s7 =	simm.s32 @p2 $0x1082  }
0x22: {  	[simem:s7], [sflag:s8] =	dma.local @!p0 [hbm:s6], $0xF7A  }
0x23: {  	s9 =	sor.u32 $0xD0000000, s2;
	s6 =	simm.s32 $0x108;
	_ =	swait.ge @!p0 [sflag:s8], $0x0  }
0x24: {  	s3 =	sadd.s32 $0x88, s3;
	s6 =	simm.s32 @!p1 $0x1082;
	[sflag:s4] =	ssyncset.s32 $0xFFFFF086  }
0x25: {  	[simem:s6], [sflag:s4] =	dma.local [hbm:s3], $0xF7A  }
0x26: {  	[smem:$0x3F94] =	sst s1;
	(tag) =	ssettag s2;
	_ =	strace s9  }
0x27: {  	s1 =	sld [smem:$0x3FA4]  }
0x28: {  	s2 =	sld [smem:$0x3FA5]  }
0x29: {  	s4 =	sld [smem:$0x3FA7]  }
0x2a: {  	p0 =	seq.s32 s5, $0x0;
	s5 =	sld [smem:$0x3FA8]  }
0x2b: {  	s6 =	sld [smem:$0x3FA9]  }
0x2c: {  	s7 =	sld [smem:$0x3FAA]  }
0x2d: {  	s3 =	simm.s32 $0x108;
	s8 =	sld [smem:$0x3FAB]  }
0x2e: {  	s3 =	simm.s32 @!p0 $0x1082;
	s9 =	sld [smem:$0x3FAC]  }
0x2f: {  	lr =	sadd.s32 s0, s3;
	s0 =	sld [smem:$0x3FA3]  }
0x30: {  	s3 =	sld [smem:$0x3FA6]  }
0x31: {  	[smem:$0x3FAF] =	sst s10  }
0x32: {  	s10 =	sld [smem:$0x3FAD];
	_ =	sdelay $0x3  }
0x33: {  	p0 =	seq.s32 s10, $0x1;
	s10 =	sld [smem:$0x3FAF];
	_ =	sdelay $0x3  }
0x34: {  	[smem:$0x3FAF] =	sst s10  }
0x35: {  	s10 =	sld [smem:$0x3FAE];
	_ =	sdelay $0x3  }
0x36: {  	p1 =	seq.s32 s10, $0x1;
	s10 =	sld [smem:$0x3FAF];
	_ =	sdelay $0x3  }
0x37: {  	[smem:$0x3FAF] =	sst s10  }
0x38: {  	s10 =	sld [smem:$0x3FB0]  }
0x39: {  	_ = 	snop;
	(pc) =	sbr.ind lr, $3  }
0x3a: {  	_ = 	snop  }
0x3b: {  	_ = 	snop  }
0x3c: {  	p2 =	seq.s32 s10, $0x1;
	s10 =	sld [smem:$0x3FAF]  }
0x3d: {  	_ =	shalt  }
0x3e: {  	_ =	shalt  }
0x3f: {  	_ =	shalt  }
0x40: {  	_ =	shalt  }
0x41: {  	_ =	shalt  }
0x42: {  	_ =	shalt  }
0x43: {  	_ =	shalt  }
0x44: {  	_ =	shalt  }
0x45: {  	_ =	shalt  }
0x46: {  	_ =	shalt  }
0x47: {  	_ =	shalt  }
0x48: {  	_ =	shalt  }
0x49: {  	_ =	shalt  }
0x4a: {  	_ =	shalt  }
0x4b: {  	_ =	shalt  }
0x4c: {  	_ =	shalt  }
0x4d: {  	_ =	shalt  }
0x4e: {  	_ =	shalt  }
0x4f: {  	_ =	shalt  }
0x50: {  	_ =	shalt  }
0x51: {  	_ =	shalt  }
0x52: {  	_ =	shalt  }
0x53: {  	_ =	shalt  }
0x54: {  	_ =	shalt  }
0x55: {  	_ =	shalt  }
0x56: {  	_ =	shalt  }
0x57: {  	_ =	shalt  }
0x58: {  	_ =	shalt  }
0x59: {  	_ =	shalt  }
0x5a: {  	_ =	shalt  }
0x5b: {  	_ =	shalt  }
0x5c: {  	_ =	shalt  }
0x5d: {  	_ =	shalt  }
0x5e: {  	_ =	shalt  }
0x5f: {  	_ =	shalt  }
0x60: {  	_ =	shalt  }
0x61: {  	_ =	shalt  }
0x62: {  	_ =	shalt  }
0x63: {  	_ =	shalt  }
0x64: {  	_ =	shalt  }
0x65: {  	_ =	shalt  }
0x66: {  	_ =	shalt  }
0x67: {  	_ =	shalt  }
0x68: {  	_ =	shalt  }
0x69: {  	_ =	shalt  }
0x6a: {  	_ =	shalt  }
0x6b: {  	_ =	shalt  }
0x6c: {  	_ =	shalt  }
0x6d: {  	_ =	shalt  }
0x6e: {  	_ =	shalt  }
0x6f: {  	_ =	shalt  }
0x70: {  	_ =	shalt  }
0x71: {  	_ =	shalt  }
0x72: {  	_ =	shalt  }
0x73: {  	_ =	shalt  }
0x74: {  	_ =	shalt  }
0x75: {  	_ =	shalt  }
0x76: {  	_ =	shalt  }
0x77: {  	_ =	shalt  }
0x78: {  	_ =	shalt  }
0x79: {  	_ =	shalt  }
0x7a: {  	_ =	shalt  }
0x7b: {  	_ =	shalt  }
0x7c: {  	_ =	shalt  }
0x7d: {  	_ =	shalt  }
0x7e: {  	_ =	shalt  }
0x7f: {  	_ =	shalt  }
0x80: {  	_ =	shalt  }
0x81: {  	_ =	shalt  }
0x82: {  	_ =	shalt  }
0x83: {  	_ =	shalt  }
0x84: {  	_ =	shalt  }
0x85: {  	_ =	shalt  }
0x86: {  	_ =	shalt  }
0x87: {  	_ =	shalt  }
.Lfunc_end0:
.L_simem_size_0:
called_computation.1_lowered:
.L_overlay_start_0:
0x88: {  	s2 =	sld [smem:$0x3FD9]  }
0x89: {  	s3 =	sld [smem:$0x3FFE];
	_ =	sdelay $0x1  }
0x8a: {  	s1 =	srdreg.scid  }
0x8b: {  	s0 =	sand.u32 $0x1, s1  }
0x8c: {  	s17 =	sshll.u32 s0, $0xA;
	s2 =	sadd.s32 s3, s2  }
0x8d: {  	s2 =	sadd.s32 s2, s17  }
0x8e: {  	[smem:$0x3FBB] =	sst s2  }
0x8f: {  	_ = 	snop  }
0x90: {  	(tm) =	ssettm $0x1  }
0x91: {  	s18 =	sld [smem:$0x3FFB];
	_ =	sdelay $0x3  }
0x92: {  	_ =	strace s18  }
0x93: {  	s2 =	sld [smem:$0x3FFC];
	_ =	sdelay $0x3  }
0x94: {  	_ =	strace s2  }
0x95: {  	s2 =	sld [smem:$0x3FFD];
	_ =	sdelay $0x3  }
0x96: {  	_ =	strace s2  }
0x97: {  	_ =	strace $0x8FFFFFFF  }
0x98: {  	s19 =	sld [smem:$0x3FDB];
	_ =	sdelay $0x1  }
0x99: {  	s20 =	simm.s32 $_scs_section_size  }
0x9a: {  	s4 =	simm.s32 $_size__tile_overlayer_lowered;
	s5 =	simm.s32 $_tile_overlayer_lowered  }
0x9b: {  	s6 =	simm.s32 $0x1BFF;
	s21 =	sshll.u32 s5, $0x1;
	s3 =	sadd.s32 s20, s19  }
0x9c: {  	s22 =	simm.s32 $0x0;
	s4 =	sshll.u32 s4, $0x1;
	s5 =	sadd.s32 s21, s3  }
0x9d: {  	[timem:s22], [sflag:s6] =	dma.local [hbm:s5], s4  }
0x9e: {  	_ =	swait.ge [sflag:s6], s4  }
0x9f: {  	s4 =	ssub.s32 $0x0, s4;
	[sflag:s6] =	ssyncset.done $0x0  }
0xa0: {  	[sflag:s6] =	ssyncadd.s32 s4;
	_ =	sdelay $0x1  }
0xa1: {  	s23 =	simm.s32 $0x1B8B  }
0xa2: {  	_ =	swait.ge [sflag:s23], $0x1  }
0xa3: {  	[sflag:s23] =	ssyncset.done $0x0  }
0xa4: {  	[sflag:s23] =	ssyncadd.s32 $0xFFFFFFFF  }
0xa5: {  	s4 =	sld [smem:$0x0]  }
0xa6: {  	s5 =	sand.u32 $0xFFFFFFFE, s1  }
0xa7: {  	p0 =	sne.s32 s1, s5  }
0xa8: {  	s5 =	sshll.u32 @p0 s5, $0xE  }
0xa9: {  	s5 =	sadd.s32 @p0 $0x11B8D, s5;
	s6 =	sshll.u32 @p0 s4, $0x11  }
0xaa: {  	s5 =	sor.u32 @p0 s6, s5  }
0xab: {  	[sflag:s5] =	ssyncadd.remote.s32 @p0 $0x1;
	_ =	sdelay $0x1  }
0xac: {  	s5 =	simm.s32 @p0 $0x1B8D  }
0xad: {  	_ =	swait.eq @p0 [sflag:s5], $0x1  }
0xae: {  	[sflag:s5] =	ssyncadd.s32 @p0 $0xFFFFFFFF  }
0xaf: {  	s6 =	sshll.u32 @!p0 s1, $0xE  }
0xb0: {  	s6 =	sor.u32 @!p0 $0x4000, s6;
	s5 =	simm.s32 @!p0 $0x1B8D  }
0xb1: {  	s4 =	sshll.u32 @!p0 s4, $0x11;
	s6 =	sadd.s32 @!p0 $0x11B8D, s6;
	_ =	swait.eq @!p0 [sflag:s5], $0x1  }
0xb2: {  	s4 =	sor.u32 @!p0 s4, s6;
	[sflag:s5] =	ssyncadd.s32 @!p0 $0xFFFFFFFF  }
0xb3: {  	s25 =	simm.s32 $0x1B8E;
	s24 =	sld [smem:$0x3FFE];
	[sflag:s4] =	ssyncadd.remote.s32 @!p0 $0x1  }
0xb4: {  	s26 =	simm.s32 $execute0_lowered;
	[smem:$0x3FD2] =	sst s25  }
0xb5: {  	s5 =	sshll.u32 s26, $0x1;
	_ =	strace $0x80000058;
	[dreg:$0x1] =	wrdreg $0xFFFFFFFF  }
0xb6: {  	s28 =	simm.s32 $_size_execute0_lowered;
	s3 =	sadd.s32 s3, s5;
	[dreg:$0x0] =	wrdreg $0x0  }
0xb7: {  	s5 =	sshll.u32 s28, $0x1;
	[dreg:$0x2] =	wrdreg s3  }
0xb8: {  	[dreg:$0x3] =	wrdreg s5  }
0xb9: {  	[dreg:$0x4] =	wrdreg $0xC0  }
0xba: {  	_ =	task [dreg:s22], $0x5FFFF  }
0xbb: {  	[dreg:$0x1] =	wrdreg $0xFFFFFFFF  }
0xbc: {  	[dreg:$0x0] =	wrdreg $0x60  }
0xbd: {  	[dreg:$0x2] =	wrdreg s24  }
0xbe: {  	[dreg:$0x3] =	wrdreg $0x68000  }
0xbf: {  	[dreg:$0x4] =	wrdreg $0xB  }
0xc0: {  	_ =	task.clear_ibuf [dreg:s22], $0x5FFFF;
	_ =	strace $0x90000058  }
0xc1: {  	s29 =	simm.s32 $0xB;
	_ =	strace $0x8000005A  }
0xc2: {  	_ =	swait.ge [sflag:s29], $0x1  }
0xc3: {  	[sflag:s29] =	ssyncadd.s32 $0xFFFFFFFF  }
0xc4: {  	_ =	strace $0x9000005A  }
0xc5: {  	_ =	sfence  }
0xc6: {  	s30 =	sld [smem:$0x0];
	_ =	sdelay $0x2  }
0xc7: {  	s31 =	sshll.u32 s1, $0xD;
	s1 =	sshrl.u32 s1, $0x2  }
0xc8: {  	s4 =	sand.u32 $0x4000, s31;
	s1 =	sadd.s32 s1, s30  }
0xc9: {  	s0 =	sor.u32 s4, s0;
	s1 =	sshll.u32 s1, $0x11  }
0xca: {  	s0 =	sor.u32 s1, s0  }
0xcb: {  	s0 =	sadd.s32 $0x8F2B, s0  }
0xcc: {  	[sflag:s0] =	ssyncadd.remote.s32 $0x1  }
0xcd: {  	_ =	sfence.sel $0xFFFF  }
0xce: {  	[dreg:$0x0] =	wrdreg $0xFFFFFFFF;
	(pc) =	sbr.abs _section_cstart, $3  }
0xcf: {  	[dreg:$0x1] =	wrdreg $0xFFFFFFFF  }
0xd0: {  	_ =	task.clear_ibuf [dreg:s22], $0x2FFFF;
	_ =	strace $0x9FFFFFFF  }
0xd1: {  	(tm) =	ssettm $0x7FFFFFFF  }
tec
execute0_lowered:
.L_overlay_start_1:
0x0: {  	(tag) =	ssettag $0x1  }
0x1: {  	s4 =	rddreg [dreg:$0x0]  }
0x2: {  	s1 =	rddreg [dreg:$0x1]  }
0x3: {  	s2 =	srdreg.scid;
	s0 =	rddreg [dreg:$0x2];
	s3 =	simm.s32 $0x0  }
0x4: {  	s15 =	simm.s32 $0x50;
	s16 =	simm.s32 $0x2;
	s17 =	simm.s32 $0x1400  }
0x5: {  	s18 =	simm.s32 $0x0;
	s5 =	sand.u32 $0x1, s2;
	s2 =	stileid.u32  }
0x6: {  	[smem:$0x7FF] =	sst s3;
	s8 =	sadd.s32 $0xEB6A00, s4;
	s9 =	smul.u32 $0x50000, s2  }
0x7: {  	s6 =	sshll.u32 s5, $0x4;
	s10 =	ssub.s32 $0x2, s5;
	s5 =	smul.u32 $0xCD000, s5  }
0x8: {  	_ =	strace $0x80000059;
	s31 =	smul.u32 $0xCD00, s2;
	s6 =	sor.u32 s2, s6  }
0x9: {  	s12 =	sshll.u32 s2, $0x6;
	s11 =	sshrl.u32 s10, $0x1;
	s7 =	smul.u32 $0x300, s6  }
0xa: {  	s9 =	sshrl.u32 s9, $0x2;
	s10 =	ssub.s32 s10, s11;
	s13 =	smul.u32 $0xCD00, s6  }
0xb: {  	s14 =	sadd.s32 s5, s8;
	s5 =	sor.u32 $0x1C03, s12;
	s11 =	simm.s32 $0x3  }
0xc: {  	s12 =	simm.s32 $0x1800;
	s30 =	sadd.s32 s9, s1;
	s9 =	sadd.s32 s31, s14  }
0xd: {  	s14 =	simm.s32 $0x1;
	s7 =	sadd.s32 s7, s4;
	s4 =	sadd.s32 $0x9E8800, s4  }
0xe: {  	s9 =	sadd.s32 $0x500, s9;
	s6 =	sadd.s32 $0x6800, s7;
	s7 =	sadd.s32 s8, s13  }
0xf: {  	s8 =	smax.u32 s10, $0x1;
	s10 =	sshrl.u32 s30, $0x3;
	s13 =	simm.s32 $0x4000  }
.LBB2_1:
0x10: {  	[spmem:s10], [sflag:s5] =	dma.local [hbm:s4], $0x2800  }
0x11: {  	_ =	swait.ge [sflag:s11], $0x2800  }
0x12: {  	[sflag:s11] =	ssyncset.done $0x0  }
0x13: {  	[sflag:s11] =	ssyncadd.s32 $0xFFFFD800  }
0x14: {  	[tilespmem:s3], [sflag:$0x3] =	stream.linear.gather [hbm4b:s6+s3], $0x1480, $0x38;
	[tilespmem:$0x1A800] =	vst v63  }
0x15: {  	_ =	swait.ge [sflag:s11], $0x1480  }
0x16: {  	[sflag:s11] =	ssyncset.done $0x0  }
0x17: {  	[sflag:s11] =	ssyncadd.s32 $0xFFFFEB80  }
0x18: {  	[bflag:$0x0] =	sbarrier.arrive $0xFFFF  }
0x19: {  	[tilespmem:s12], [sflag:$0x1] =	stream.linear.gather [hbm4b:s7+s3], $0x2800, $0x38;
	[tilespmem:$0x1A800] =	vst v63  }
0x1a: {  	_ = 	snop  }
0x1b: {  	[tilespmem:s13], [sflag:$0x2] =	stream.linear.gather [hbm4b:s9+s3], $0x2800, $0x38;
	[tilespmem:$0x1A800] =	vst v63  }
0x1c: {  	_ =	swait.ge [sflag:s14], $0x2800  }
0x1d: {  	[sflag:s14] =	ssyncset.done $0x0  }
0x1e: {  	s19 =	simm.s32 $0x0;
	[sflag:s14] =	ssyncadd.s32 $0xFFFFD800  }
0x1f: {  	[spmem:s1] =	stream.indirect.scatter.add.f32 [tilespmem:s12], [sflag:$0x3], $0x80, s19, s15, $0xb8;
	[tilespmem:$0x1A800] =	vst v63  }
0x20: {  	_ =	swait.ge [sflag:s11], $0x2800  }
0x21: {  	[sflag:s11] =	ssyncset.done $0x0  }
0x22: {  	s30 =	sadd.s32 $0x500, s9;
	[sflag:s11] =	ssyncadd.s32 $0xFFFFD800  }
0x23: {  	[tilespmem:s12], [sflag:$0x1] =	stream.linear.gather [hbm4b:s30+s3], $0x2800, $0x38;
	[tilespmem:$0x1A800] =	vst v63  }
0x24: {  	_ =	swait.ge [sflag:s16], $0x2800  }
0x25: {  	[sflag:s16] =	ssyncset.done $0x0  }
0x26: {  	s31 =	simm.s32 $0x80;
	[sflag:s16] =	ssyncadd.s32 $0xFFFFD800  }
0x27: {  	[spmem:s1] =	stream.indirect.scatter.add.f32 [tilespmem:s13], [sflag:$0x3], $0x80, s31, s15, $0xb8;
	[tilespmem:$0x1A800] =	vst v63  }
0x28: {  	_ =	swait.ge [sflag:s11], $0x2800  }
0x29: {  	s20 =	smov.u32 s9;
	s19 =	simm.s32 $0x400;
	[sflag:s11] =	ssyncset.done $0x0  }
.LBB2_2:
0x2a: {  	p0 =	sne.s32 s19, $0x4C00;
	[sflag:s11] =	ssyncadd.s32 $0xFFFFD800;
	s20 =	sadd.s32 $0xA00, s20  }
0x2b: {  	[tilespmem:s13], [sflag:$0x2] =	stream.linear.gather [hbm4b:s20+s3], $0x2800, $0x38;
	[tilespmem:$0x1A800] =	vst v63  }
0x2c: {  	s21 =	smov.u32 s19;
	s19 =	sadd.s32 $0x400, s19;
	_ =	swait.ge [sflag:s14], $0x2800  }
0x2d: {  	[sflag:s14] =	ssyncset.done $0x0  }
0x2e: {  	s21 =	sshra.s32 s21, $0x2;
	[sflag:s14] =	ssyncadd.s32 $0xFFFFD800  }
0x2f: {  	[spmem:s1] =	stream.indirect.scatter.add.f32 [tilespmem:s12], [sflag:$0x3], $0x80, s21, s15, $0xb8;
	[tilespmem:$0x1A800] =	vst v63  }
0x30: {  	_ =	swait.ge [sflag:s11], $0x2800  }
0x31: {  	[sflag:s11] =	ssyncset.done $0x0  }
0x32: {  	s22 =	sadd.s32 $0x500, s20;
	[sflag:s11] =	ssyncadd.s32 $0xFFFFD800  }
0x33: {  	[tilespmem:s12], [sflag:$0x1] =	stream.linear.gather [hbm4b:s22+s3], $0x2800, $0x38;
	[tilespmem:$0x1A800] =	vst v63  }
0x34: {  	_ =	swait.ge [sflag:s16], $0x2800  }
.Ltmp0:
0x35: {  	[sflag:s16] =	ssyncset.done $0x0;
	(pc) =	sbr.rel @p0 .LBB2_2-.Ltmp0, $4  }
0x36: {  	s21 =	sadd.s32 $0x80, s21;
	[sflag:s16] =	ssyncadd.s32 $0xFFFFD800  }
0x37: {  	[spmem:s1] =	stream.indirect.scatter.add.f32 [tilespmem:s13], [sflag:$0x3], $0x80, s21, s15, $0xb8;
	[tilespmem:$0x1A800] =	vst v63  }
0x38: {  	_ =	swait.ge [sflag:s11], $0x2800  }
0x39: {  	[sflag:s11] =	ssyncset.done $0x0  }
0x3a: {  	[sflag:s11] =	ssyncadd.s32 $0xFFFFD800  }
0x3b: {  	s18 =	sadd.s32 $0x1, s18;
	_ =	swait.ge [sflag:s14], $0x2800  }
0x3c: {  	p0 =	sne.s32 s18, s8;
	[sflag:s14] =	ssyncset.done $0x0  }
.Ltmp1:
0x3d: {  	[sflag:s14] =	ssyncadd.s32 $0xFFFFD800;
	(pc) =	sbr.rel @p0 .LBB2_1-.Ltmp1, $4  }
0x3e: {  	[spmem:s1] =	stream.indirect.scatter.add.f32 [tilespmem:s12], [sflag:$0x3], $0x80, s17, s15, $0xb8;
	[tilespmem:$0x1A800] =	vst v63  }
0x3f: {  	_ =	swait.ge [sflag:s11], $0x2800  }
0x40: {  	[sflag:s11] =	ssyncset.done $0x0  }
0x41: {  	[sflag:s11] =	ssyncadd.s32 $0xFFFFD800  }
0x42: {  	_ =	sfence.sel $0x180000  }
0x43: {  	[bflag:$0x0] =	sbarrier.arrive $0xFFFF  }
0x44: {  	p0 =	sne.s32 s2, $0x0;
	_ =	strace $0x90000059  }
0x45: {  	s0 =	sadd.s32 @!p0 $0x100000, s0;
	[bflag:$0x2] =	sbarrier.arrive $0xFFFF  }
0x46: {  	[sflag:s0] =	ssyncadd.tile.s32 @!p0 $0x1;
	_ =	shalt  }
.Lfunc_end2:
_tile_overlayer_lowered:
.L_overlay_start_2:
0x47: {  	(tag) =	ssettag $0x2  }
0x48: {  	s0 =	rddreg [dreg:$0x0];
	s2 =	stileid.u32  }
0x49: {  	s1 =	rddreg [dreg:$0x1];
	p0 =	sne.s32 s2, $0x0  }
0x4a: {  	s3 =	rddreg [dreg:$0x2];
	[bflag:$0x3] =	sbarrier.arrive $0xFFFF;
	s2 =	simm.s32 @!p0 $0x1C03  }
0x4b: {  	[timem:s3], [sflag:s2] =	dma.local @!p0 [hbm:s0], s1  }
0x4c: {  	s0 =	simm.s32 @!p0 $0x3  }
0x4d: {  	_ =	swait.ge @!p0 [sflag:s0], s1  }
0x4e: {  	s1 =	ssub.s32 @!p0 $0x0, s1;
	[sflag:s0] =	ssyncset.done @!p0 $0x0  }
0x4f: {  	[sflag:s0] =	ssyncadd.s32 @!p0 s1  }
0x50: {  	[bflag:$0x3] =	sbarrier.arrive $0xFFFF  }
0x51: {  	_ =	shalt  }

// kernel: kernel.21.cloned.1.call-start
scs
__scs_entry_jumppad:
0x0: {  	(pc) =	sbr.rel $0x88, $3  }
0x1: {  	(tag) =	ssettag $0x0;
	lr =	simm.s32 $0x1  }
0x2: {  	[smem:$0x3F94] =	sst lr;
	_ =	strace $0xD0000000  }
0x3: {  	_ = 	snop  }
0x4: {  	_ = 	snop  }
0x5: {  	_ = 	snop  }
0x6: {  	_ = 	snop  }
0x7: {  	_ = 	snop  }
__scs_overlays_trampoline_lowered:
0x8: {  	[smem:$0x3FA3] =	sst s0  }
0x9: {  	[smem:$0x3FA4] =	sst s1  }
0xa: {  	[smem:$0x3FA5] =	sst s2  }
0xb: {  	[smem:$0x3FA6] =	sst s3  }
0xc: {  	[smem:$0x3FA7] =	sst s4  }
0xd: {  	[smem:$0x3FA8] =	sst s5  }
0xe: {  	[smem:$0x3FA9] =	sst s6  }
0xf: {  	[smem:$0x3FAA] =	sst s7  }
0x10: {  	[smem:$0x3FAB] =	sst s8  }
0x11: {  	[smem:$0x3FAC] =	sst s9;
	s0 =	simm.s32 @!p0 $0x0  }
0x12: {  	s1 =	sld [smem:$0x3F92];
	s0 =	simm.s32 @p0 $0x1  }
0x13: {  	[smem:$0x3FAD] =	sst s0;
	s0 =	simm.s32 @!p1 $0x0  }
0x14: {  	s2 =	sld [smem:$0x3F91];
	s0 =	simm.s32 @p1 $0x1  }
0x15: {  	[smem:$0x3FAE] =	sst s0;
	s0 =	simm.s32 @!p2 $0x0  }
0x16: {  	s3 =	sld [smem:$0x3FDB];
	s0 =	simm.s32 @p2 $0x1  }
0x17: {  	s4 =	simm.s32 $0x1BF5;
	[smem:$0x3FB0] =	sst s0  }
0x18: {  	s0 =	sld [smem:$0x3F93];
	_ =	swait.ge [sflag:s4], $0x0  }
0x19: {  	s7 =	sld [smem:$0x3F94]  }
0x1a: {  	s8 =	sadd.s32 $0xFFFFE003, lr  }
0x1b: {  	s9 =	sadd.s32 $0xFFFFFEF7, lr;
	s5 =	simm.s32 $0xFFFFFFFF;
	p2 =	slt.u32 s8, $0xFFFFF086  }
0x1c: {  	p1 =	slt.u32 s9, $0xF7A;
	s5 =	simm.s32 @!p2 $0x0  }
0x1d: {  	s5 =	simm.s32 @p1 $0x1;
	p0 =	seq.s32 s7, s2  }
0x1e: {  	s7 =	smul.u32 @!p0 $0xF7A, s2;
	p2 =	seq.s32 @!p0 s5, $0x0  }
0x1f: {  	s9 =	smul.u32 $0xF7A, s1;
	s8 =	simm.s32 @!p0 $0x1BF5;
	p2 =	por !p2, p0  }
0x20: {  	[sflag:s8] =	ssyncset.s32 @!p0 $0xFFFFF086;
	s6 =	sadd.s32 @!p0 s3, s7;
	s7 =	simm.s32 @!p0 $0x108  }
0x21: {  	s3 =	sadd.s32 s3, s9;
	s6 =	sadd.s32 @!p0 $0x88, s6;
	s7 =	simm.s32 @p2 $0x1082  }
0x22: {  	[simem:s7], [sflag:s8] =	dma.local @!p0 [hbm:s6], $0xF7A  }
0x23: {  	s9 =	sor.u32 $0xD0000000, s2;
	s6 =	simm.s32 $0x108;
	_ =	swait.ge @!p0 [sflag:s8], $0x0  }
0x24: {  	s3 =	sadd.s32 $0x88, s3;
	s6 =	simm.s32 @!p1 $0x1082;
	[sflag:s4] =	ssyncset.s32 $0xFFFFF086  }
0x25: {  	[simem:s6], [sflag:s4] =	dma.local [hbm:s3], $0xF7A  }
0x26: {  	[smem:$0x3F94] =	sst s1;
	(tag) =	ssettag s2;
	_ =	strace s9  }
0x27: {  	s1 =	sld [smem:$0x3FA4]  }
0x28: {  	s2 =	sld [smem:$0x3FA5]  }
0x29: {  	s4 =	sld [smem:$0x3FA7]  }
0x2a: {  	p0 =	seq.s32 s5, $0x0;
	s5 =	sld [smem:$0x3FA8]  }
0x2b: {  	s6 =	sld [smem:$0x3FA9]  }
0x2c: {  	s7 =	sld [smem:$0x3FAA]  }
0x2d: {  	s3 =	simm.s32 $0x108;
	s8 =	sld [smem:$0x3FAB]  }
0x2e: {  	s3 =	simm.s32 @!p0 $0x1082;
	s9 =	sld [smem:$0x3FAC]  }
0x2f: {  	lr =	sadd.s32 s0, s3;
	s0 =	sld [smem:$0x3FA3]  }
0x30: {  	s3 =	sld [smem:$0x3FA6]  }
0x31: {  	[smem:$0x3FAF] =	sst s10  }
0x32: {  	s10 =	sld [smem:$0x3FAD];
	_ =	sdelay $0x3  }
0x33: {  	p0 =	seq.s32 s10, $0x1;
	s10 =	sld [smem:$0x3FAF];
	_ =	sdelay $0x3  }
0x34: {  	[smem:$0x3FAF] =	sst s10  }
0x35: {  	s10 =	sld [smem:$0x3FAE];
	_ =	sdelay $0x3  }
0x36: {  	p1 =	seq.s32 s10, $0x1;
	s10 =	sld [smem:$0x3FAF];
	_ =	sdelay $0x3  }
0x37: {  	[smem:$0x3FAF] =	sst s10  }
0x38: {  	s10 =	sld [smem:$0x3FB0]  }
0x39: {  	_ = 	snop;
	(pc) =	sbr.ind lr, $3  }
0x3a: {  	_ = 	snop  }
0x3b: {  	_ = 	snop  }
0x3c: {  	p2 =	seq.s32 s10, $0x1;
	s10 =	sld [smem:$0x3FAF]  }
0x3d: {  	_ =	shalt  }
0x3e: {  	_ =	shalt  }
0x3f: {  	_ =	shalt  }
0x40: {  	_ =	shalt  }
0x41: {  	_ =	shalt  }
0x42: {  	_ =	shalt  }
0x43: {  	_ =	shalt  }
0x44: {  	_ =	shalt  }
0x45: {  	_ =	shalt  }
0x46: {  	_ =	shalt  }
0x47: {  	_ =	shalt  }
0x48: {  	_ =	shalt  }
0x49: {  	_ =	shalt  }
0x4a: {  	_ =	shalt  }
0x4b: {  	_ =	shalt  }
0x4c: {  	_ =	shalt  }
0x4d: {  	_ =	shalt  }
0x4e: {  	_ =	shalt  }
0x4f: {  	_ =	shalt  }
0x50: {  	_ =	shalt  }
0x51: {  	_ =	shalt  }
0x52: {  	_ =	shalt  }
0x53: {  	_ =	shalt  }
0x54: {  	_ =	shalt  }
0x55: {  	_ =	shalt  }
0x56: {  	_ =	shalt  }
0x57: {  	_ =	shalt  }
0x58: {  	_ =	shalt  }
0x59: {  	_ =	shalt  }
0x5a: {  	_ =	shalt  }
0x5b: {  	_ =	shalt  }
0x5c: {  	_ =	shalt  }
0x5d: {  	_ =	shalt  }
0x5e: {  	_ =	shalt  }
0x5f: {  	_ =	shalt  }
0x60: {  	_ =	shalt  }
0x61: {  	_ =	shalt  }
0x62: {  	_ =	shalt  }
0x63: {  	_ =	shalt  }
0x64: {  	_ =	shalt  }
0x65: {  	_ =	shalt  }
0x66: {  	_ =	shalt  }
0x67: {  	_ =	shalt  }
0x68: {  	_ =	shalt  }
0x69: {  	_ =	shalt  }
0x6a: {  	_ =	shalt  }
0x6b: {  	_ =	shalt  }
0x6c: {  	_ =	shalt  }
0x6d: {  	_ =	shalt  }
0x6e: {  	_ =	shalt  }
0x6f: {  	_ =	shalt  }
0x70: {  	_ =	shalt  }
0x71: {  	_ =	shalt  }
0x72: {  	_ =	shalt  }
0x73: {  	_ =	shalt  }
0x74: {  	_ =	shalt  }
0x75: {  	_ =	shalt  }
0x76: {  	_ =	shalt  }
0x77: {  	_ =	shalt  }
0x78: {  	_ =	shalt  }
0x79: {  	_ =	shalt  }
0x7a: {  	_ =	shalt  }
0x7b: {  	_ =	shalt  }
0x7c: {  	_ =	shalt  }
0x7d: {  	_ =	shalt  }
0x7e: {  	_ =	shalt  }
0x7f: {  	_ =	shalt  }
0x80: {  	_ =	shalt  }
0x81: {  	_ =	shalt  }
0x82: {  	_ =	shalt  }
0x83: {  	_ =	shalt  }
0x84: {  	_ =	shalt  }
0x85: {  	_ =	shalt  }
0x86: {  	_ =	shalt  }
0x87: {  	_ =	shalt  }
.Lfunc_end0:
.L_simem_size_0:
called_computation.2_lowered:
.L_overlay_start_0:
0x88: {  	s2 =	sld [smem:$0x3FD9]  }
0x89: {  	s3 =	sld [smem:$0x3FFE];
	_ =	sdelay $0x1  }
0x8a: {  	s1 =	srdreg.scid  }
0x8b: {  	s0 =	sand.u32 $0x1, s1  }
0x8c: {  	s17 =	sshll.u32 s0, $0xA;
	s2 =	sadd.s32 s3, s2  }
0x8d: {  	s2 =	sadd.s32 s2, s17  }
0x8e: {  	[smem:$0x3FBB] =	sst s2  }
0x8f: {  	_ = 	snop  }
0x90: {  	(tm) =	ssettm $0x1  }
0x91: {  	s18 =	sld [smem:$0x3FFB];
	_ =	sdelay $0x3  }
0x92: {  	_ =	strace s18  }
0x93: {  	s2 =	sld [smem:$0x3FFC];
	_ =	sdelay $0x3  }
0x94: {  	_ =	strace s2  }
0x95: {  	s2 =	sld [smem:$0x3FFD];
	_ =	sdelay $0x3  }
0x96: {  	_ =	strace s2  }
0x97: {  	_ =	strace $0x8FFFFFFF  }
0x98: {  	s19 =	sld [smem:$0x3FDB];
	_ =	sdelay $0x1  }
0x99: {  	s20 =	simm.s32 $_scs_section_size  }
0x9a: {  	s4 =	simm.s32 $_size__tile_overlayer_lowered;
	s5 =	simm.s32 $_tile_overlayer_lowered  }
0x9b: {  	s6 =	simm.s32 $0x1BFF;
	s21 =	sshll.u32 s5, $0x1;
	s3 =	sadd.s32 s20, s19  }
0x9c: {  	s22 =	simm.s32 $0x0;
	s4 =	sshll.u32 s4, $0x1;
	s5 =	sadd.s32 s21, s3  }
0x9d: {  	[timem:s22], [sflag:s6] =	dma.local [hbm:s5], s4  }
0x9e: {  	_ =	swait.ge [sflag:s6], s4  }
0x9f: {  	s4 =	ssub.s32 $0x0, s4;
	[sflag:s6] =	ssyncset.done $0x0  }
0xa0: {  	[sflag:s6] =	ssyncadd.s32 s4;
	_ =	sdelay $0x1  }
0xa1: {  	s23 =	simm.s32 $0x1B8B  }
0xa2: {  	_ =	swait.ge [sflag:s23], $0x1  }
0xa3: {  	[sflag:s23] =	ssyncset.done $0x0  }
0xa4: {  	[sflag:s23] =	ssyncadd.s32 $0xFFFFFFFF  }
0xa5: {  	s4 =	sld [smem:$0x0]  }
0xa6: {  	s5 =	sand.u32 $0xFFFFFFFE, s1  }
0xa7: {  	p0 =	sne.s32 s1, s5  }
0xa8: {  	s5 =	sshll.u32 @p0 s5, $0xE  }
0xa9: {  	s5 =	sadd.s32 @p0 $0x11B8D, s5;
	s6 =	sshll.u32 @p0 s4, $0x11  }
0xaa: {  	s5 =	sor.u32 @p0 s6, s5  }
0xab: {  	[sflag:s5] =	ssyncadd.remote.s32 @p0 $0x1;
	_ =	sdelay $0x1  }
0xac: {  	s5 =	simm.s32 @p0 $0x1B8D  }
0xad: {  	_ =	swait.eq @p0 [sflag:s5], $0x1  }
0xae: {  	[sflag:s5] =	ssyncadd.s32 @p0 $0xFFFFFFFF  }
0xaf: {  	s6 =	sshll.u32 @!p0 s1, $0xE  }
0xb0: {  	s6 =	sor.u32 @!p0 $0x4000, s6;
	s5 =	simm.s32 @!p0 $0x1B8D  }
0xb1: {  	s4 =	sshll.u32 @!p0 s4, $0x11;
	s6 =	sadd.s32 @!p0 $0x11B8D, s6;
	_ =	swait.eq @!p0 [sflag:s5], $0x1  }
0xb2: {  	s4 =	sor.u32 @!p0 s4, s6;
	[sflag:s5] =	ssyncadd.s32 @!p0 $0xFFFFFFFF  }
0xb3: {  	s25 =	simm.s32 $0x1B8E;
	s24 =	sld [smem:$0x3FFE];
	[sflag:s4] =	ssyncadd.remote.s32 @!p0 $0x1  }
0xb4: {  	s26 =	simm.s32 $execute0_lowered;
	[smem:$0x3FD2] =	sst s25  }
0xb5: {  	s5 =	sshll.u32 s26, $0x1;
	_ =	strace $0x8000004F;
	[dreg:$0x1] =	wrdreg $0xFFFFFFFF  }
0xb6: {  	s28 =	simm.s32 $_size_execute0_lowered;
	s3 =	sadd.s32 s3, s5;
	[dreg:$0x0] =	wrdreg $0x0  }
0xb7: {  	s5 =	sshll.u32 s28, $0x1;
	[dreg:$0x2] =	wrdreg s3  }
0xb8: {  	[dreg:$0x3] =	wrdreg s5  }
0xb9: {  	[dreg:$0x4] =	wrdreg $0xC0  }
0xba: {  	_ =	task [dreg:s22], $0x5FFFF  }
0xbb: {  	[dreg:$0x1] =	wrdreg $0xFFFFFFFF  }
0xbc: {  	[dreg:$0x0] =	wrdreg $0x60  }
0xbd: {  	[dreg:$0x2] =	wrdreg s24  }
0xbe: {  	[dreg:$0x3] =	wrdreg $0xE4000  }
0xbf: {  	[dreg:$0x4] =	wrdreg $0x9  }
0xc0: {  	_ =	task.clear_ibuf [dreg:s22], $0x5FFFF;
	_ =	strace $0x9000004F  }
0xc1: {  	s29 =	simm.s32 $0x9;
	_ =	strace $0x80000051  }
0xc2: {  	_ =	swait.ge [sflag:s29], $0x1  }
0xc3: {  	[sflag:s29] =	ssyncadd.s32 $0xFFFFFFFF  }
0xc4: {  	_ =	strace $0x90000051  }
0xc5: {  	_ =	sfence  }
0xc6: {  	s30 =	sld [smem:$0x0];
	_ =	sdelay $0x2  }
0xc7: {  	s31 =	sshll.u32 s1, $0xD;
	s1 =	sshrl.u32 s1, $0x2  }
0xc8: {  	s4 =	sand.u32 $0x4000, s31;
	s1 =	sadd.s32 s1, s30  }
0xc9: {  	s0 =	sor.u32 s4, s0;
	s1 =	sshll.u32 s1, $0x11  }
0xca: {  	s0 =	sor.u32 s1, s0  }
0xcb: {  	s0 =	sadd.s32 $0x8F2B, s0  }
0xcc: {  	[sflag:s0] =	ssyncadd.remote.s32 $0x1  }
0xcd: {  	_ =	sfence.sel $0xFFFF  }
0xce: {  	[dreg:$0x0] =	wrdreg $0xFFFFFFFF;
	(pc) =	sbr.abs _section_cstart, $3  }
0xcf: {  	[dreg:$0x1] =	wrdreg $0xFFFFFFFF  }
0xd0: {  	_ =	task.clear_ibuf [dreg:s22], $0x2FFFF;
	_ =	strace $0x9FFFFFFF  }
0xd1: {  	(tm) =	ssettm $0x7FFFFFFF  }
tec
execute0_lowered:
.L_overlay_start_1:
0x0: {  	(tag) =	ssettag $0x1  }
0x1: {  	s5 =	rddreg [dreg:$0x0];
	s0 =	srdreg.scid  }
0x2: {  	s1 =	rddreg [dreg:$0x1];
	s15 =	stileid.u32;
	s2 =	simm.s32 $0x0  }
0x3: {  	s13 =	simm.s32 $0xE000;
	s14 =	simm.s32 $0x1800;
	s16 =	simm.s32 $0xE080  }
0x4: {  	s17 =	simm.s32 $0x6000;
	s18 =	simm.s32 $0xE100;
	s19 =	simm.s32 $0x8000  }
0x5: {  	s20 =	simm.s32 $0xE180;
	s21 =	simm.s32 $0xA000;
	s22 =	simm.s32 $0xE200  }
0x6: {  	s23 =	simm.s32 $0xC000;
	s6 =	sand.u32 $0x1, s0;
	s0 =	rddreg [dreg:$0x2]  }
0x7: {  	s25 =	simm.s32 $0x0;
	[smem:$0x7FF] =	sst s2;
	s10 =	sshll.u32 s15, $0xD  }
0x8: {  	v0 =	vlaneseq.u32;
	s11 =	smul.u32 $0xCD00, s15;
	p0 =	sgt.u32 s15, $0x4;
	p1 =	sne.s32 s15, $0x0  }
0x9: {  	v0 =	vmul.u32 $0x80, v0;
	s3 =	sshll.u32 s6, $0x4;
	s4 =	smul.u32 $0xCD000, s6;
	_ =	strace $0x80000050  }
0xa: {  	s7 =	smul.u32 $0x1400, s6;
	s31 =	ssub.s32 $0x2, s6;
	s10 =	sadd.s32 s10, s1  }
0xb: {  	s24 =	sshrl.u32 @!p1 s1, $0x3;
	s3 =	sor.u32 s15, s3;
	s6 =	sshrl.u32 s31, $0x1;
	v1 =	vor.u32 $0x1, v0  }
0xc: {  	s10 =	sshrl.u32 @!p0 s10, $0x3;
	v2 =	vor.u32 $0x2, v0;
	v3 =	vor.u32 $0x3, v0;
	v4 =	vor.u32 $0x800, v0;
	s3 =	smul.u32 $0x300, s3;
	s8 =	sadd.s32 s4, s5  }
0xd: {  	v5 =	vor.u32 $0x801, v0;
	v6 =	vor.u32 $0x802, v0;
	v7 =	vor.u32 $0x803, v0;
	s4 =	sadd.s32 $0xD1C800, s5;
	s7 =	sadd.s32 s7, s5;
	s12 =	ssub.s32 s31, s6  }
0xe: {  	v8 =	vor.u32 $0x1000, v0;
	v9 =	vor.u32 $0x1001, v0;
	v10 =	vor.u32 $0x1002, v0;
	s6 =	sadd.s32 $0x9EB000, s7;
	s8 =	sadd.s32 s11, s8;
	s7 =	smax.u32 s12, $0x1  }
0xf: {  	v11 =	vor.u32 $0x1003, v0;
	v12 =	vor.u32 $0x1800, v0;
	v13 =	vor.u32 $0x1801, v0;
	s11 =	simm.s32 $0x1;
	s12 =	simm.s32 $0x4000;
	s9 =	sadd.s32 s3, s5  }
0x10: {  	v14 =	vor.u32 $0x1802, v0;
	v15 =	vor.u32 $0x1803, v0;
	v16 =	vor.u32 $0x2000, v0;
	s3 =	sadd.s32 $0x9E8800, s5;
	s5 =	sadd.s32 $0x6800, s9;
	s9 =	sshll.u32 @!p0 s15, $0x6  }
0x11: {  	v17 =	vor.u32 $0x2001, v0;
	v18 =	vor.u32 $0x2002, v0;
	v19 =	vor.u32 $0x2003, v0;
	s8 =	sadd.s32 $0xD1CA00, s8;
	s15 =	simm.s32 $0x40;
	s9 =	sor.u32 @!p0 $0x1C01, s9  }
.LBB2_1:
0x12: {  	[spmem:s10], [sflag:s9] =	dma.local @!p0 [hbm:s3], $0x400  }
0x13: {  	s26 =	simm.s32 @!p0 $0x1  }
0x14: {  	_ =	swait.ge @!p0 [sflag:s26], $0x400  }
0x15: {  	[sflag:s26] =	ssyncset.done @!p0 $0x0  }
0x16: {  	[sflag:s26] =	ssyncadd.s32 @!p0 $0xFFFFFC00  }
0x17: {  	[tilespmem:s2], [sflag:$0x1] =	stream.linear.gather [hbm4b:s5+s2], $0x1480, $0x38;
	[tilespmem:$0xEE00] =	vst v63  }
0x18: {  	_ =	swait.ge [sflag:s11], $0x1480  }
0x19: {  	[sflag:s11] =	ssyncset.done $0x0  }
0x1a: {  	[sflag:s11] =	ssyncadd.s32 $0xFFFFEB80  }
0x1b: {  	[tilespmem:s12], [sflag:$0x1] =	stream.linear.gather [hbm4b:s3+s2], $0xA000, $0x38;
	[tilespmem:$0xEE00] =	vst v63  }
0x1c: {  	_ =	swait.ge [sflag:s11], $0xA000  }
0x1d: {  	[sflag:s11] =	ssyncset.done $0x0  }
0x1e: {  	[sflag:s11] =	ssyncadd.s32 $0xFFFF6000  }
0x1f: {  	[tilespmem:s13], [sflag:$0x1] =	stream.linear.gather [hbm4b:s4+s2], $0x280, $0x38;
	[tilespmem:$0xEE00] =	vst v63  }
0x20: {  	_ =	swait.ge [sflag:s11], $0x280  }
0x21: {  	[sflag:s11] =	ssyncset.done $0x0  }
0x22: {  	[sflag:s11] =	ssyncadd.s32 $0xFFFFFD80  }
0x23: {  	s28 =	simm.s32 $0x0;
	s26 =	simm.s32 $0x20;
	[bflag:$0x0] =	sbarrier.arrive $0xFFFF  }
.LBB2_2:
0x24: {  	s29 =	sadd.s32 s28, s8  }
0x25: {  	[tilespmem:s14], [sflag:$0x1] =	stream.linear.gather [hbm4b:s29+s2], $0x2800, $0x38;
	[tilespmem:$0xEE00] =	vst v63  }
0x26: {  	_ =	swait.ge [sflag:s11], $0x2800  }
0x27: {  	[sflag:s11] =	ssyncset.done $0x0  }
0x28: {  	[sflag:s11] =	ssyncadd.s32 $0xFFFFD800  }
0x29: {  	v20 =	vld [tilespmem:s26+$0xFFFFFFE0];
	_ =	sdelay $0x4  }
0x2a: {  	v21 =	vld.idx.msk [tilespmem:v0+s14+$0x0], $0xffff;
	v20 =	vshll.u32 v20, $0x2;
	_ =	sdelay $0x4  }
0x2b: {  	[tilespmem:v20+s12+$0x0] =	vst.idx.add.f32.msk $0xffff, v21  }
0x2c: {  	v22 =	vor.u32 $0x1, v20;
	v21 =	vld.idx.msk [tilespmem:v1+s14+$0x0], $0xffff;
	_ =	sdelay $0x4  }
0x2d: {  	[tilespmem:v22+s12+$0x0] =	vst.idx.add.f32.msk $0xffff, v21  }
0x2e: {  	v55 =	vor.u32 $0x2, v20;
	v21 =	vld.idx.msk [tilespmem:v2+s14+$0x0], $0xffff;
	_ =	sdelay $0x4  }
0x2f: {  	[tilespmem:v55+s12+$0x0] =	vst.idx.add.f32.msk $0xffff, v21  }
0x30: {  	v20 =	vor.u32 $0x3, v20;
	v21 =	vld.idx.msk [tilespmem:v3+s14+$0x0], $0xffff;
	_ =	sdelay $0x4  }
0x31: {  	[tilespmem:v20+s12+$0x0] =	vst.idx.add.f32.msk $0xffff, v21  }
0x32: {  	v20 =	vld [tilespmem:s26+$0xFFFFFFF0];
	_ =	sdelay $0x4  }
0x33: {  	v21 =	vld.idx.msk [tilespmem:v4+s14+$0x0], $0xffff;
	v20 =	vshll.u32 v20, $0x2;
	_ =	sdelay $0x4  }
0x34: {  	[tilespmem:v20+s12+$0x0] =	vst.idx.add.f32.msk $0xffff, v21  }
0x35: {  	v56 =	vor.u32 $0x1, v20;
	v21 =	vld.idx.msk [tilespmem:v5+s14+$0x0], $0xffff;
	_ =	sdelay $0x4  }
0x36: {  	[tilespmem:v56+s12+$0x0] =	vst.idx.add.f32.msk $0xffff, v21  }
0x37: {  	v57 =	vor.u32 $0x2, v20;
	v21 =	vld.idx.msk [tilespmem:v6+s14+$0x0], $0xffff;
	_ =	sdelay $0x4  }
0x38: {  	[tilespmem:v57+s12+$0x0] =	vst.idx.add.f32.msk $0xffff, v21  }
0x39: {  	v20 =	vor.u32 $0x3, v20;
	v21 =	vld.idx.msk [tilespmem:v7+s14+$0x0], $0xffff;
	_ =	sdelay $0x4  }
0x3a: {  	[tilespmem:v20+s12+$0x0] =	vst.idx.add.f32.msk $0xffff, v21  }
0x3b: {  	v20 =	vld [tilespmem:s26+$0x0];
	_ =	sdelay $0x4  }
0x3c: {  	v21 =	vld.idx.msk [tilespmem:v8+s14+$0x0], $0xffff;
	v20 =	vshll.u32 v20, $0x2;
	_ =	sdelay $0x4  }
0x3d: {  	[tilespmem:v20+s12+$0x0] =	vst.idx.add.f32.msk $0xffff, v21  }
0x3e: {  	v58 =	vor.u32 $0x1, v20;
	v21 =	vld.idx.msk [tilespmem:v9+s14+$0x0], $0xffff;
	_ =	sdelay $0x4  }
0x3f: {  	[tilespmem:v58+s12+$0x0] =	vst.idx.add.f32.msk $0xffff, v21  }
0x40: {  	v59 =	vor.u32 $0x2, v20;
	v21 =	vld.idx.msk [tilespmem:v10+s14+$0x0], $0xffff;
	_ =	sdelay $0x4  }
0x41: {  	[tilespmem:v59+s12+$0x0] =	vst.idx.add.f32.msk $0xffff, v21  }
0x42: {  	v20 =	vor.u32 $0x3, v20;
	v21 =	vld.idx.msk [tilespmem:v11+s14+$0x0], $0xffff;
	_ =	sdelay $0x4  }
0x43: {  	[tilespmem:v20+s12+$0x0] =	vst.idx.add.f32.msk $0xffff, v21  }
0x44: {  	v20 =	vld [tilespmem:s26+$0x10];
	_ =	sdelay $0x4  }
0x45: {  	v21 =	vld.idx.msk [tilespmem:v12+s14+$0x0], $0xffff;
	v20 =	vshll.u32 v20, $0x2;
	_ =	sdelay $0x4  }
0x46: {  	[tilespmem:v20+s12+$0x0] =	vst.idx.add.f32.msk $0xffff, v21  }
0x47: {  	v60 =	vor.u32 $0x1, v20;
	v21 =	vld.idx.msk [tilespmem:v13+s14+$0x0], $0xffff;
	_ =	sdelay $0x4  }
0x48: {  	[tilespmem:v60+s12+$0x0] =	vst.idx.add.f32.msk $0xffff, v21  }
0x49: {  	v61 =	vor.u32 $0x2, v20;
	v21 =	vld.idx.msk [tilespmem:v14+s14+$0x0], $0xffff;
	_ =	sdelay $0x4  }
0x4a: {  	[tilespmem:v61+s12+$0x0] =	vst.idx.add.f32.msk $0xffff, v21  }
0x4b: {  	v20 =	vor.u32 $0x3, v20;
	v21 =	vld.idx.msk [tilespmem:v15+s14+$0x0], $0xffff;
	_ =	sdelay $0x4  }
0x4c: {  	[tilespmem:v20+s12+$0x0] =	vst.idx.add.f32.msk $0xffff, v21  }
0x4d: {  	v20 =	vld [tilespmem:s26+$0x20];
	_ =	sdelay $0x4  }
0x4e: {  	v21 =	vld.idx.msk [tilespmem:v16+s14+$0x0], $0xffff;
	v20 =	vshll.u32 v20, $0x2;
	_ =	sdelay $0x4  }
0x4f: {  	[tilespmem:v20+s12+$0x0] =	vst.idx.add.f32.msk $0xffff, v21  }
0x50: {  	v62 =	vor.u32 $0x1, v20;
	v21 =	vld.idx.msk [tilespmem:v17+s14+$0x0], $0xffff;
	_ =	sdelay $0x4  }
0x51: {  	[tilespmem:v62+s12+$0x0] =	vst.idx.add.f32.msk $0xffff, v21  }
0x52: {  	v63 =	vor.u32 $0x2, v20;
	v21 =	vld.idx.msk [tilespmem:v18+s14+$0x0], $0xffff;
	_ =	sdelay $0x4  }
0x53: {  	[tilespmem:v63+s12+$0x0] =	vst.idx.add.f32.msk $0xffff, v21  }
0x54: {  	p2 =	sne.s32 s28, $0xC800;
	v20 =	vor.u32 $0x3, v20;
	v21 =	vld.idx.msk [tilespmem:v19+s14+$0x0], $0xffff  }
.Ltmp0:
0x55: {  	_ = 	snop;
	(pc) =	sbr.rel @p2 .LBB2_2-.Ltmp0, $2  }
0x56: {  	_ =	sdelay $0x2  }
0x57: {  	s28 =	sadd.s32 $0x500, s28;
	s26 =	sadd.s32 $0x80, s26;
	[tilespmem:v20+s12+$0x0] =	vst.idx.add.f32.msk $0xffff, v21  }
0x58: {  	[spmem:s1] =	stream.indirect.scatter.add.f32 [tilespmem:s12], [sflag:$0x1], $0x80, s13, s15, $0xb8;
	[tilespmem:$0xEE00] =	vst v63  }
0x59: {  	_ =	swait.ge [sflag:s11], $0x2000  }
0x5a: {  	[sflag:s11] =	ssyncset.done $0x0  }
0x5b: {  	[sflag:s11] =	ssyncadd.s32 $0xFFFFE000  }
0x5c: {  	[spmem:s1] =	stream.indirect.scatter.add.f32 [tilespmem:s17], [sflag:$0x1], $0x80, s16, s15, $0xb8;
	[tilespmem:$0xEE00] =	vst v63  }
0x5d: {  	_ =	swait.ge [sflag:s11], $0x2000  }
0x5e: {  	[sflag:s11] =	ssyncset.done $0x0  }
0x5f: {  	[sflag:s11] =	ssyncadd.s32 $0xFFFFE000  }
0x60: {  	[spmem:s1] =	stream.indirect.scatter.add.f32 [tilespmem:s19], [sflag:$0x1], $0x80, s18, s15, $0xb8;
	[tilespmem:$0xEE00] =	vst v63  }
0x61: {  	_ =	swait.ge [sflag:s11], $0x2000  }
0x62: {  	[sflag:s11] =	ssyncset.done $0x0  }
0x63: {  	[sflag:s11] =	ssyncadd.s32 $0xFFFFE000  }
0x64: {  	[spmem:s1] =	stream.indirect.scatter.add.f32 [tilespmem:s21], [sflag:$0x1], $0x80, s20, s15, $0xb8;
	[tilespmem:$0xEE00] =	vst v63  }
0x65: {  	_ =	swait.ge [sflag:s11], $0x2000  }
0x66: {  	[sflag:s11] =	ssyncset.done $0x0  }
0x67: {  	[sflag:s11] =	ssyncadd.s32 $0xFFFFE000  }
0x68: {  	[spmem:s1] =	stream.indirect.scatter.add.f32 [tilespmem:s23], [sflag:$0x1], $0x80, s22, s15, $0xb8;
	[tilespmem:$0xEE00] =	vst v63  }
0x69: {  	_ =	swait.ge [sflag:s11], $0x2000  }
0x6a: {  	[sflag:s11] =	ssyncset.done $0x0  }
0x6b: {  	s25 =	sadd.s32 $0x1, s25;
	[sflag:s11] =	ssyncadd.s32 $0xFFFFE000  }
0x6c: {  	s26 =	simm.s32 @!p1 $0x1C01;
	p2 =	sne.s32 s25, s7;
	[bflag:$0x0] =	sbarrier.arrive $0xFFFF  }
0x6d: {  	[hbm:s6], [sflag:s26] =	dma.local @!p1 [spmem:s24], $0x1400  }
.Ltmp1:
0x6e: {  	_ = 	snop;
	(pc) =	sbr.rel @p2 .LBB2_1-.Ltmp1, $4  }
0x6f: {  	s26 =	simm.s32 @!p1 $0x1  }
0x70: {  	_ =	swait.ge @!p1 [sflag:s26], $0x1400  }
0x71: {  	[sflag:s26] =	ssyncset.done @!p1 $0x0  }
0x72: {  	[sflag:s26] =	ssyncadd.s32 @!p1 $0xFFFFEC00  }
0x73: {  	_ =	sfence.sel $0x180000  }
0x74: {  	[bflag:$0x0] =	sbarrier.arrive $0xFFFF  }
0x75: {  	_ =	strace $0x90000050  }
0x76: {  	s0 =	sadd.s32 @!p1 $0x100000, s0;
	[bflag:$0x2] =	sbarrier.arrive $0xFFFF  }
0x77: {  	[sflag:s0] =	ssyncadd.tile.s32 @!p1 $0x1;
	_ =	shalt  }
.Lfunc_end2:
_tile_overlayer_lowered:
.L_overlay_start_2:
0x78: {  	(tag) =	ssettag $0x2  }
0x79: {  	s0 =	rddreg [dreg:$0x0];
	s2 =	stileid.u32  }
0x7a: {  	s1 =	rddreg [dreg:$0x1];
	p0 =	sne.s32 s2, $0x0  }
0x7b: {  	s3 =	rddreg [dreg:$0x2];
	[bflag:$0x3] =	sbarrier.arrive $0xFFFF;
	s2 =	simm.s32 @!p0 $0x1C01  }
0x7c: {  	[timem:s3], [sflag:s2] =	dma.local @!p0 [hbm:s0], s1  }
0x7d: {  	s0 =	simm.s32 @!p0 $0x1  }
0x7e: {  	_ =	swait.ge @!p0 [sflag:s0], s1  }
0x7f: {  	s1 =	ssub.s32 @!p0 $0x0, s1;
	[sflag:s0] =	ssyncset.done @!p0 $0x0  }
0x80: {  	[sflag:s0] =	ssyncadd.s32 @!p0 s1  }
0x81: {  	[bflag:$0x3] =	sbarrier.arrive $0xFFFF  }
0x82: {  	_ =	shalt  }

// kernel: kernel.24.cloned.1.call-start
scs
__scs_entry_jumppad:
0x0: {  	(pc) =	sbr.rel $0x88, $3  }
0x1: {  	(tag) =	ssettag $0x0;
	lr =	simm.s32 $0x1  }
0x2: {  	[smem:$0x3F94] =	sst lr;
	_ =	strace $0xD0000000  }
0x3: {  	_ = 	snop  }
0x4: {  	_ = 	snop  }
0x5: {  	_ = 	snop  }
0x6: {  	_ = 	snop  }
0x7: {  	_ = 	snop  }
__scs_overlays_trampoline_lowered:
0x8: {  	[smem:$0x3FA3] =	sst s0  }
0x9: {  	[smem:$0x3FA4] =	sst s1  }
0xa: {  	[smem:$0x3FA5] =	sst s2  }
0xb: {  	[smem:$0x3FA6] =	sst s3  }
0xc: {  	[smem:$0x3FA7] =	sst s4  }
0xd: {  	[smem:$0x3FA8] =	sst s5  }
0xe: {  	[smem:$0x3FA9] =	sst s6  }
0xf: {  	[smem:$0x3FAA] =	sst s7  }
0x10: {  	[smem:$0x3FAB] =	sst s8  }
0x11: {  	[smem:$0x3FAC] =	sst s9;
	s0 =	simm.s32 @!p0 $0x0  }
0x12: {  	s1 =	sld [smem:$0x3F92];
	s0 =	simm.s32 @p0 $0x1  }
0x13: {  	[smem:$0x3FAD] =	sst s0;
	s0 =	simm.s32 @!p1 $0x0  }
0x14: {  	s2 =	sld [smem:$0x3F91];
	s0 =	simm.s32 @p1 $0x1  }
0x15: {  	[smem:$0x3FAE] =	sst s0;
	s0 =	simm.s32 @!p2 $0x0  }
0x16: {  	s3 =	sld [smem:$0x3FDB];
	s0 =	simm.s32 @p2 $0x1  }
0x17: {  	s4 =	simm.s32 $0x1BF5;
	[smem:$0x3FB0] =	sst s0  }
0x18: {  	s0 =	sld [smem:$0x3F93];
	_ =	swait.ge [sflag:s4], $0x0  }
0x19: {  	s7 =	sld [smem:$0x3F94]  }
0x1a: {  	s8 =	sadd.s32 $0xFFFFE003, lr  }
0x1b: {  	s9 =	sadd.s32 $0xFFFFFEF7, lr;
	s5 =	simm.s32 $0xFFFFFFFF;
	p2 =	slt.u32 s8, $0xFFFFF086  }
0x1c: {  	p1 =	slt.u32 s9, $0xF7A;
	s5 =	simm.s32 @!p2 $0x0  }
0x1d: {  	s5 =	simm.s32 @p1 $0x1;
	p0 =	seq.s32 s7, s2  }
0x1e: {  	s7 =	smul.u32 @!p0 $0xF7A, s2;
	p2 =	seq.s32 @!p0 s5, $0x0  }
0x1f: {  	s9 =	smul.u32 $0xF7A, s1;
	s8 =	simm.s32 @!p0 $0x1BF5;
	p2 =	por !p2, p0  }
0x20: {  	[sflag:s8] =	ssyncset.s32 @!p0 $0xFFFFF086;
	s6 =	sadd.s32 @!p0 s3, s7;
	s7 =	simm.s32 @!p0 $0x108  }
0x21: {  	s3 =	sadd.s32 s3, s9;
	s6 =	sadd.s32 @!p0 $0x88, s6;
	s7 =	simm.s32 @p2 $0x1082  }
0x22: {  	[simem:s7], [sflag:s8] =	dma.local @!p0 [hbm:s6], $0xF7A  }
0x23: {  	s9 =	sor.u32 $0xD0000000, s2;
	s6 =	simm.s32 $0x108;
	_ =	swait.ge @!p0 [sflag:s8], $0x0  }
0x24: {  	s3 =	sadd.s32 $0x88, s3;
	s6 =	simm.s32 @!p1 $0x1082;
	[sflag:s4] =	ssyncset.s32 $0xFFFFF086  }
0x25: {  	[simem:s6], [sflag:s4] =	dma.local [hbm:s3], $0xF7A  }
0x26: {  	[smem:$0x3F94] =	sst s1;
	(tag) =	ssettag s2;
	_ =	strace s9  }
0x27: {  	s1 =	sld [smem:$0x3FA4]  }
0x28: {  	s2 =	sld [smem:$0x3FA5]  }
0x29: {  	s4 =	sld [smem:$0x3FA7]  }
0x2a: {  	p0 =	seq.s32 s5, $0x0;
	s5 =	sld [smem:$0x3FA8]  }
0x2b: {  	s6 =	sld [smem:$0x3FA9]  }
0x2c: {  	s7 =	sld [smem:$0x3FAA]  }
0x2d: {  	s3 =	simm.s32 $0x108;
	s8 =	sld [smem:$0x3FAB]  }
0x2e: {  	s3 =	simm.s32 @!p0 $0x1082;
	s9 =	sld [smem:$0x3FAC]  }
0x2f: {  	lr =	sadd.s32 s0, s3;
	s0 =	sld [smem:$0x3FA3]  }
0x30: {  	s3 =	sld [smem:$0x3FA6]  }
0x31: {  	[smem:$0x3FAF] =	sst s10  }
0x32: {  	s10 =	sld [smem:$0x3FAD];
	_ =	sdelay $0x3  }
0x33: {  	p0 =	seq.s32 s10, $0x1;
	s10 =	sld [smem:$0x3FAF];
	_ =	sdelay $0x3  }
0x34: {  	[smem:$0x3FAF] =	sst s10  }
0x35: {  	s10 =	sld [smem:$0x3FAE];
	_ =	sdelay $0x3  }
0x36: {  	p1 =	seq.s32 s10, $0x1;
	s10 =	sld [smem:$0x3FAF];
	_ =	sdelay $0x3  }
0x37: {  	[smem:$0x3FAF] =	sst s10  }
0x38: {  	s10 =	sld [smem:$0x3FB0]  }
0x39: {  	_ = 	snop;
	(pc) =	sbr.ind lr, $3  }
0x3a: {  	_ = 	snop  }
0x3b: {  	_ = 	snop  }
0x3c: {  	p2 =	seq.s32 s10, $0x1;
	s10 =	sld [smem:$0x3FAF]  }
0x3d: {  	_ =	shalt  }
0x3e: {  	_ =	shalt  }
0x3f: {  	_ =	shalt  }
0x40: {  	_ =	shalt  }
0x41: {  	_ =	shalt  }
0x42: {  	_ =	shalt  }
0x43: {  	_ =	shalt  }
0x44: {  	_ =	shalt  }
0x45: {  	_ =	shalt  }
0x46: {  	_ =	shalt  }
0x47: {  	_ =	shalt  }
0x48: {  	_ =	shalt  }
0x49: {  	_ =	shalt  }
0x4a: {  	_ =	shalt  }
0x4b: {  	_ =	shalt  }
0x4c: {  	_ =	shalt  }
0x4d: {  	_ =	shalt  }
0x4e: {  	_ =	shalt  }
0x4f: {  	_ =	shalt  }
0x50: {  	_ =	shalt  }
0x51: {  	_ =	shalt  }
0x52: {  	_ =	shalt  }
0x53: {  	_ =	shalt  }
0x54: {  	_ =	shalt  }
0x55: {  	_ =	shalt  }
0x56: {  	_ =	shalt  }
0x57: {  	_ =	shalt  }
0x58: {  	_ =	shalt  }
0x59: {  	_ =	shalt  }
0x5a: {  	_ =	shalt  }
0x5b: {  	_ =	shalt  }
0x5c: {  	_ =	shalt  }
0x5d: {  	_ =	shalt  }
0x5e: {  	_ =	shalt  }
0x5f: {  	_ =	shalt  }
0x60: {  	_ =	shalt  }
0x61: {  	_ =	shalt  }
0x62: {  	_ =	shalt  }
0x63: {  	_ =	shalt  }
0x64: {  	_ =	shalt  }
0x65: {  	_ =	shalt  }
0x66: {  	_ =	shalt  }
0x67: {  	_ =	shalt  }
0x68: {  	_ =	shalt  }
0x69: {  	_ =	shalt  }
0x6a: {  	_ =	shalt  }
0x6b: {  	_ =	shalt  }
0x6c: {  	_ =	shalt  }
0x6d: {  	_ =	shalt  }
0x6e: {  	_ =	shalt  }
0x6f: {  	_ =	shalt  }
0x70: {  	_ =	shalt  }
0x71: {  	_ =	shalt  }
0x72: {  	_ =	shalt  }
0x73: {  	_ =	shalt  }
0x74: {  	_ =	shalt  }
0x75: {  	_ =	shalt  }
0x76: {  	_ =	shalt  }
0x77: {  	_ =	shalt  }
0x78: {  	_ =	shalt  }
0x79: {  	_ =	shalt  }
0x7a: {  	_ =	shalt  }
0x7b: {  	_ =	shalt  }
0x7c: {  	_ =	shalt  }
0x7d: {  	_ =	shalt  }
0x7e: {  	_ =	shalt  }
0x7f: {  	_ =	shalt  }
0x80: {  	_ =	shalt  }
0x81: {  	_ =	shalt  }
0x82: {  	_ =	shalt  }
0x83: {  	_ =	shalt  }
0x84: {  	_ =	shalt  }
0x85: {  	_ =	shalt  }
0x86: {  	_ =	shalt  }
0x87: {  	_ =	shalt  }
.Lfunc_end0:
.L_simem_size_0:
called_computation.3_lowered:
.L_overlay_start_0:
0x88: {  	s2 =	sld [smem:$0x3FD9]  }
0x89: {  	s3 =	sld [smem:$0x3FFE];
	_ =	sdelay $0x1  }
0x8a: {  	s1 =	srdreg.scid  }
0x8b: {  	s0 =	sand.u32 $0x1, s1  }
0x8c: {  	s17 =	sshll.u32 s0, $0xA;
	s2 =	sadd.s32 s3, s2  }
0x8d: {  	s2 =	sadd.s32 s2, s17  }
0x8e: {  	[smem:$0x3FBB] =	sst s2  }
0x8f: {  	_ = 	snop  }
0x90: {  	s18 =	sld [smem:$0x3FC5];
	(tm) =	ssettm $0x1  }
0x91: {  	s19 =	sld [smem:$0x3FFB];
	_ =	sdelay $0x3  }
0x92: {  	_ =	strace s19  }
0x93: {  	s2 =	sld [smem:$0x3FFC];
	_ =	sdelay $0x3  }
0x94: {  	_ =	strace s2  }
0x95: {  	s2 =	sld [smem:$0x3FFD];
	_ =	sdelay $0x3  }
0x96: {  	_ =	strace s2  }
0x97: {  	_ =	strace $0x8FFFFFFF  }
0x98: {  	s20 =	sld [smem:$0x3FDB];
	_ =	sdelay $0x1  }
0x99: {  	s4 =	simm.s32 $_scs_section_size  }
0x9a: {  	s5 =	simm.s32 $_size__tile_overlayer_lowered;
	s6 =	simm.s32 $_tile_overlayer_lowered  }
0x9b: {  	s7 =	simm.s32 $0x1BFF;
	s21 =	sshll.u32 s6, $0x1;
	s4 =	sadd.s32 s4, s20  }
0x9c: {  	s22 =	simm.s32 $0x0;
	s5 =	sshll.u32 s5, $0x1;
	s6 =	sadd.s32 s21, s4  }
0x9d: {  	[timem:s22], [sflag:s7] =	dma.local [hbm:s6], s5  }
0x9e: {  	_ =	swait.ge [sflag:s7], s5  }
0x9f: {  	s5 =	ssub.s32 $0x0, s5;
	[sflag:s7] =	ssyncset.done $0x0  }
0xa0: {  	[sflag:s7] =	ssyncadd.s32 s5;
	_ =	sdelay $0x1  }
0xa1: {  	s23 =	simm.s32 $0x1B8B  }
0xa2: {  	_ =	swait.ge [sflag:s23], $0x1  }
0xa3: {  	[sflag:s23] =	ssyncset.done $0x0  }
0xa4: {  	[sflag:s23] =	ssyncadd.s32 $0xFFFFFFFF  }
0xa5: {  	s5 =	sld [smem:$0x0]  }
0xa6: {  	s6 =	sand.u32 $0xFFFFFFFE, s1  }
0xa7: {  	p0 =	sne.s32 s1, s6  }
0xa8: {  	s6 =	sshll.u32 @p0 s6, $0xE  }
0xa9: {  	s6 =	sadd.s32 @p0 $0x11B8D, s6;
	s7 =	sshll.u32 @p0 s5, $0x11  }
0xaa: {  	s6 =	sor.u32 @p0 s7, s6  }
0xab: {  	[sflag:s6] =	ssyncadd.remote.s32 @p0 $0x1;
	_ =	sdelay $0x1  }
0xac: {  	s6 =	simm.s32 @p0 $0x1B8D  }
0xad: {  	_ =	swait.eq @p0 [sflag:s6], $0x1  }
0xae: {  	[sflag:s6] =	ssyncadd.s32 @p0 $0xFFFFFFFF  }
0xaf: {  	s7 =	sshll.u32 @!p0 s1, $0xE  }
0xb0: {  	s7 =	sor.u32 @!p0 $0x4000, s7;
	s6 =	simm.s32 @!p0 $0x1B8D  }
0xb1: {  	s5 =	sshll.u32 @!p0 s5, $0x11;
	s7 =	sadd.s32 @!p0 $0x11B8D, s7;
	_ =	swait.eq @!p0 [sflag:s6], $0x1  }
0xb2: {  	s5 =	sor.u32 @!p0 s5, s7;
	[sflag:s6] =	ssyncadd.s32 @!p0 $0xFFFFFFFF  }
0xb3: {  	s25 =	simm.s32 $0x1B8E;
	s24 =	sld [smem:$0x3FFE];
	[sflag:s5] =	ssyncadd.remote.s32 @!p0 $0x1  }
0xb4: {  	s26 =	simm.s32 $execute0_lowered;
	[smem:$0x3FD2] =	sst s25  }
0xb5: {  	s6 =	sshll.u32 s26, $0x1;
	_ =	strace $0x80000049;
	[dreg:$0x1] =	wrdreg $0xFFFFFFFF  }
0xb6: {  	s28 =	simm.s32 $_size_execute0_lowered;
	s4 =	sadd.s32 s4, s6;
	[dreg:$0x0] =	wrdreg $0x0  }
0xb7: {  	s6 =	sshll.u32 s28, $0x1;
	[dreg:$0x2] =	wrdreg s4  }
0xb8: {  	[dreg:$0x3] =	wrdreg s6  }
0xb9: {  	[dreg:$0x4] =	wrdreg $0xC0  }
0xba: {  	_ =	task [dreg:s22], $0x5FFFF  }
0xbb: {  	[dreg:$0x1] =	wrdreg $0xFFFFFFFF  }
0xbc: {  	[dreg:$0x0] =	wrdreg $0x60  }
0xbd: {  	[dreg:$0x2] =	wrdreg s18  }
0xbe: {  	[dreg:$0x3] =	wrdreg s24  }
0xbf: {  	[dreg:$0x4] =	wrdreg $0xA  }
0xc0: {  	_ =	task.clear_ibuf [dreg:s22], $0x5FFFF;
	_ =	strace $0x90000049  }
0xc1: {  	s29 =	simm.s32 $0xA;
	_ =	strace $0x8000004B  }
0xc2: {  	_ =	swait.ge [sflag:s29], $0x1  }
0xc3: {  	[sflag:s29] =	ssyncadd.s32 $0xFFFFFFFF  }
0xc4: {  	_ =	strace $0x9000004B  }
0xc5: {  	_ =	sfence  }
0xc6: {  	s30 =	sld [smem:$0x0];
	_ =	sdelay $0x2  }
0xc7: {  	s31 =	sshll.u32 s1, $0xD;
	s1 =	sshrl.u32 s1, $0x2  }
0xc8: {  	s4 =	sand.u32 $0x4000, s31;
	s1 =	sadd.s32 s1, s30  }
0xc9: {  	s0 =	sor.u32 s4, s0;
	s1 =	sshll.u32 s1, $0x11  }
0xca: {  	s0 =	sor.u32 s1, s0  }
0xcb: {  	s0 =	sadd.s32 $0x8F2B, s0  }
0xcc: {  	[sflag:s0] =	ssyncadd.remote.s32 $0x1  }
0xcd: {  	_ =	sfence.sel $0xFFFF  }
0xce: {  	[dreg:$0x0] =	wrdreg $0xFFFFFFFF;
	(pc) =	sbr.abs _section_cstart, $3  }
0xcf: {  	[dreg:$0x1] =	wrdreg $0xFFFFFFFF  }
0xd0: {  	_ =	task.clear_ibuf [dreg:s22], $0x2FFFF;
	_ =	strace $0x9FFFFFFF  }
0xd1: {  	(tm) =	ssettm $0x7FFFFFFF  }
tec
execute0_lowered:
.L_overlay_start_1:
0x0: {  	(tag) =	ssettag $0x1  }
0x1: {  	s0 =	srdreg.scid;
	s2 =	rddreg [dreg:$0x0]  }
0x2: {  	s4 =	rddreg [dreg:$0x1];
	s1 =	stileid.u32;
	s3 =	simm.s32 $0x0  }
0x3: {  	s14 =	simm.s32 $0x3000;
	s15 =	simm.s32 $0x8000;
	s16 =	simm.s32 $0x5800  }
0x4: {  	s17 =	simm.s32 $0xA800;
	s18 =	simm.s32 $0x1;
	s19 =	simm.s32 $0x3  }
0x5: {  	s20 =	simm.s32 $0x2;
	s21 =	simm.s32 $0x4;
	s5 =	sand.u32 $0x1, s0  }
0x6: {  	s22 =	simm.s32 $0x0;
	s0 =	rddreg [dreg:$0x2];
	s6 =	sshll.u32 s5, $0x4  }
0x7: {  	[smem:$0x7FF] =	sst s3;
	s12 =	smul.u32 $0xCD000, s5;
	s6 =	sor.u32 s1, s6  }
0x8: {  	s9 =	sadd.s32 $0x352800, s4;
	s8 =	ssub.s32 $0x2, s5;
	s7 =	smul.u32 $0x300, s6  }
0x9: {  	s11 =	sadd.s32 $0x4EC800, s4;
	s10 =	sshrl.u32 s8, $0x1;
	s6 =	smul.u32 $0x66800, s6  }
0xa: {  	s13 =	smul.u32 $0xCD00, s1;
	_ =	strace $0x8000004A;
	s8 =	ssub.s32 s8, s10  }
0xb: {  	s31 =	sadd.s32 s12, s11;
	s8 =	smax.u32 s8, $0x1;
	s6 =	sshrl.u32 s6, $0x3  }
0xc: {  	s10 =	sadd.s32 s13, s31;
	s7 =	sadd.s32 s7, s4;
	s30 =	sadd.s32 $0xC800, s6  }
0xd: {  	s4 =	sadd.s32 $0x34C800, s7;
	s5 =	sadd.s32 $0x346800, s7;
	s6 =	sadd.s32 s9, s30  }
0xe: {  	s7 =	sadd.s32 s11, s30;
	s9 =	sadd.s32 s12, s9;
	s11 =	simm.s32 $0x5  }
0xf: {  	s12 =	simm.s32 $0x1800;
	s9 =	sadd.s32 s13, s9;
	s13 =	simm.s32 $0x50  }
.LBB2_1:
0x10: {  	[tilespmem:s3], [sflag:$0x5] =	stream.linear.gather [hbm4b:s4+s3], $0x1480, $0x38;
	[tilespmem:$0xD000] =	vst v63  }
0x11: {  	_ =	swait.ge [sflag:s11], $0x1480  }
0x12: {  	[sflag:s11] =	ssyncset.done $0x0  }
0x13: {  	[sflag:s11] =	ssyncadd.s32 $0xFFFFEB80  }
0x14: {  	[tilespmem:s12], [sflag:$0x5] =	stream.linear.gather [hbm4b:s5+s3], $0x1480, $0x38;
	[tilespmem:$0xD000] =	vst v63  }
0x15: {  	_ =	swait.ge [sflag:s11], $0x1480  }
0x16: {  	[sflag:s11] =	ssyncset.done $0x0  }
0x17: {  	[sflag:s11] =	ssyncadd.s32 $0xFFFFEB80  }
0x18: {  	[tilespmem:s14], [sflag:$0x1] =	stream.indirect.gather [hbm4b:s2+s13], $0x80, s3, s13, $0xb8;
	[tilespmem:$0xD000] =	vst v63  }
0x19: {  	_ = 	snop  }
0x1a: {  	[tilespmem:s15], [sflag:$0x3] =	stream.indirect.gather [hbm4b:s2+s13], $0x80, s12, s13, $0xb8;
	[tilespmem:$0xD000] =	vst v63  }
0x1b: {  	s23 =	simm.s32 $0x80  }
0x1c: {  	[tilespmem:s16], [sflag:$0x2] =	stream.indirect.gather [hbm4b:s2+s13], $0x80, s23, s13, $0xb8;
	[tilespmem:$0xD000] =	vst v63  }
0x1d: {  	s24 =	simm.s32 $0x1880  }
0x1e: {  	[tilespmem:s17], [sflag:$0x4] =	stream.indirect.gather [hbm4b:s2+s13], $0x80, s24, s13, $0xb8;
	[tilespmem:$0xD000] =	vst v63  }
0x1f: {  	_ =	swait.ge [sflag:s18], $0x2800  }
0x20: {  	[sflag:s18] =	ssyncset.done $0x0  }
0x21: {  	s25 =	sadd.s32 $0x0, s9;
	[sflag:s18] =	ssyncadd.s32 $0xFFFFD800  }
0x22: {  	[hbm4b:s25+s3] =	stream.linear.scatter [tilespmem:s14], [sflag:$0x5], $0x2800, $0x38;
	[tilespmem:$0xD000] =	vst v63  }
0x23: {  	_ =	swait.ge [sflag:s11], $0x2800  }
0x24: {  	[sflag:s11] =	ssyncset.done $0x0  }
0x25: {  	[sflag:s11] =	ssyncadd.s32 $0xFFFFD800  }
0x26: {  	_ =	swait.ge [sflag:s19], $0x2800  }
0x27: {  	[sflag:s19] =	ssyncset.done $0x0  }
0x28: {  	s26 =	sadd.s32 $0x0, s10;
	[sflag:s19] =	ssyncadd.s32 $0xFFFFD800  }
0x29: {  	[hbm4b:s26+s3] =	stream.linear.scatter [tilespmem:s15], [sflag:$0x5], $0x2800, $0x38;
	[tilespmem:$0xD000] =	vst v63  }
0x2a: {  	_ =	swait.ge [sflag:s11], $0x2800  }
0x2b: {  	[sflag:s11] =	ssyncset.done $0x0  }
0x2c: {  	s28 =	simm.s32 $0x100;
	[sflag:s11] =	ssyncadd.s32 $0xFFFFD800  }
0x2d: {  	[tilespmem:s14], [sflag:$0x1] =	stream.indirect.gather [hbm4b:s2+s13], $0x80, s28, s13, $0xb8;
	[tilespmem:$0xD000] =	vst v63  }
0x2e: {  	s30 =	simm.s32 $0x1900  }
0x2f: {  	[tilespmem:s15], [sflag:$0x3] =	stream.indirect.gather [hbm4b:s2+s13], $0x80, s30, s13, $0xb8;
	[tilespmem:$0xD000] =	vst v63  }
0x30: {  	_ =	swait.ge [sflag:s20], $0x2800  }
0x31: {  	[sflag:s20] =	ssyncset.done $0x0  }
0x32: {  	s25 =	sadd.s32 $0x500, s25;
	[sflag:s20] =	ssyncadd.s32 $0xFFFFD800  }
0x33: {  	[hbm4b:s25+s3] =	stream.linear.scatter [tilespmem:s16], [sflag:$0x5], $0x2800, $0x38;
	[tilespmem:$0xD000] =	vst v63  }
0x34: {  	_ =	swait.ge [sflag:s11], $0x2800  }
0x35: {  	[sflag:s11] =	ssyncset.done $0x0  }
0x36: {  	[sflag:s11] =	ssyncadd.s32 $0xFFFFD800  }
0x37: {  	_ =	swait.ge [sflag:s21], $0x2800  }
0x38: {  	[sflag:s21] =	ssyncset.done $0x0  }
0x39: {  	s31 =	sadd.s32 $0x500, s26;
	[sflag:s21] =	ssyncadd.s32 $0xFFFFD800  }
0x3a: {  	[hbm4b:s31+s3] =	stream.linear.scatter [tilespmem:s17], [sflag:$0x5], $0x2800, $0x38;
	[tilespmem:$0xD000] =	vst v63  }
0x3b: {  	_ =	swait.ge [sflag:s11], $0x2800  }
0x3c: {  	s25 =	simm.s32 $0xA00;
	[sflag:s11] =	ssyncset.done $0x0  }
.LBB2_2:
0x3d: {  	[sflag:s11] =	ssyncadd.s32 $0xFFFFD800;
	s24 =	sadd.s32 $0x100, s24;
	s23 =	sadd.s32 $0x100, s23  }
0x3e: {  	[tilespmem:s16], [sflag:$0x2] =	stream.indirect.gather [hbm4b:s2+s13], $0x80, s23, s13, $0xb8;
	[tilespmem:$0xD000] =	vst v63  }
0x3f: {  	p0 =	sne.s32 s25, $0xBE00;
	s26 =	smov.u32 s25;
	s25 =	sadd.s32 $0xA00, s25  }
0x40: {  	[tilespmem:s17], [sflag:$0x4] =	stream.indirect.gather [hbm4b:s2+s13], $0x80, s24, s13, $0xb8;
	[tilespmem:$0xD000] =	vst v63  }
0x41: {  	_ =	swait.ge [sflag:s18], $0x2800  }
0x42: {  	[sflag:s18] =	ssyncset.done $0x0  }
0x43: {  	s28 =	sadd.s32 s26, s9;
	[sflag:s18] =	ssyncadd.s32 $0xFFFFD800  }
0x44: {  	[hbm4b:s28+s3] =	stream.linear.scatter [tilespmem:s14], [sflag:$0x5], $0x2800, $0x38;
	[tilespmem:$0xD000] =	vst v63  }
0x45: {  	_ =	swait.ge [sflag:s11], $0x2800  }
0x46: {  	[sflag:s11] =	ssyncset.done $0x0  }
0x47: {  	[sflag:s11] =	ssyncadd.s32 $0xFFFFD800  }
0x48: {  	_ =	swait.ge [sflag:s19], $0x2800  }
0x49: {  	[sflag:s19] =	ssyncset.done $0x0  }
0x4a: {  	s26 =	sadd.s32 s26, s10;
	[sflag:s19] =	ssyncadd.s32 $0xFFFFD800  }
0x4b: {  	[hbm4b:s26+s3] =	stream.linear.scatter [tilespmem:s15], [sflag:$0x5], $0x2800, $0x38;
	[tilespmem:$0xD000] =	vst v63  }
0x4c: {  	_ =	swait.ge [sflag:s11], $0x2800  }
0x4d: {  	[sflag:s11] =	ssyncset.done $0x0  }
0x4e: {  	s29 =	sadd.s32 $0x80, s23;
	[sflag:s11] =	ssyncadd.s32 $0xFFFFD800  }
0x4f: {  	[tilespmem:s14], [sflag:$0x1] =	stream.indirect.gather [hbm4b:s2+s13], $0x80, s29, s13, $0xb8;
	[tilespmem:$0xD000] =	vst v63  }
0x50: {  	s29 =	sadd.s32 $0x80, s24  }
0x51: {  	[tilespmem:s15], [sflag:$0x3] =	stream.indirect.gather [hbm4b:s2+s13], $0x80, s29, s13, $0xb8;
	[tilespmem:$0xD000] =	vst v63  }
0x52: {  	_ =	swait.ge [sflag:s20], $0x2800  }
0x53: {  	[sflag:s20] =	ssyncset.done $0x0  }
0x54: {  	s28 =	sadd.s32 $0x500, s28;
	[sflag:s20] =	ssyncadd.s32 $0xFFFFD800  }
0x55: {  	[hbm4b:s28+s3] =	stream.linear.scatter [tilespmem:s16], [sflag:$0x5], $0x2800, $0x38;
	[tilespmem:$0xD000] =	vst v63  }
0x56: {  	_ =	swait.ge [sflag:s11], $0x2800  }
0x57: {  	[sflag:s11] =	ssyncset.done $0x0  }
0x58: {  	[sflag:s11] =	ssyncadd.s32 $0xFFFFD800  }
0x59: {  	_ =	swait.ge [sflag:s21], $0x2800  }
.Ltmp0:
0x5a: {  	[sflag:s21] =	ssyncset.done $0x0;
	(pc) =	sbr.rel @p0 .LBB2_2-.Ltmp0, $4  }
0x5b: {  	s26 =	sadd.s32 $0x500, s26;
	[sflag:s21] =	ssyncadd.s32 $0xFFFFD800  }
0x5c: {  	[hbm4b:s26+s3] =	stream.linear.scatter [tilespmem:s17], [sflag:$0x5], $0x2800, $0x38;
	[tilespmem:$0xD000] =	vst v63  }
0x5d: {  	_ =	swait.ge [sflag:s11], $0x2800  }
0x5e: {  	[sflag:s11] =	ssyncset.done $0x0  }
0x5f: {  	[sflag:s11] =	ssyncadd.s32 $0xFFFFD800  }
0x60: {  	_ =	swait.ge [sflag:s18], $0x2800  }
0x61: {  	[sflag:s18] =	ssyncset.done $0x0  }
0x62: {  	[sflag:s18] =	ssyncadd.s32 $0xFFFFD800  }
0x63: {  	[hbm4b:s6+s3] =	stream.linear.scatter [tilespmem:s14], [sflag:$0x5], $0x2800, $0x38;
	[tilespmem:$0xD000] =	vst v63  }
0x64: {  	_ =	swait.ge [sflag:s11], $0x2800  }
0x65: {  	[sflag:s11] =	ssyncset.done $0x0  }
0x66: {  	[sflag:s11] =	ssyncadd.s32 $0xFFFFD800  }
0x67: {  	s22 =	sadd.s32 $0x1, s22;
	_ =	swait.ge [sflag:s19], $0x2800  }
0x68: {  	p0 =	sne.s32 s22, s8;
	[sflag:s19] =	ssyncset.done $0x0  }
.Ltmp1:
0x69: {  	[sflag:s19] =	ssyncadd.s32 $0xFFFFD800;
	(pc) =	sbr.rel @p0 .LBB2_1-.Ltmp1, $4  }
0x6a: {  	[hbm4b:s7+s3] =	stream.linear.scatter [tilespmem:s15], [sflag:$0x5], $0x2800, $0x38;
	[tilespmem:$0xD000] =	vst v63  }
0x6b: {  	_ =	swait.ge [sflag:s11], $0x2800  }
0x6c: {  	[sflag:s11] =	ssyncset.done $0x0  }
0x6d: {  	[sflag:s11] =	ssyncadd.s32 $0xFFFFD800  }
0x6e: {  	_ =	sfence.sel $0x180000  }
0x6f: {  	[bflag:$0x0] =	sbarrier.arrive $0xFFFF  }
0x70: {  	p0 =	sne.s32 s1, $0x0;
	_ =	strace $0x9000004A  }
0x71: {  	s0 =	sadd.s32 @!p0 $0x100000, s0;
	[bflag:$0x2] =	sbarrier.arrive $0xFFFF  }
0x72: {  	[sflag:s0] =	ssyncadd.tile.s32 @!p0 $0x1;
	_ =	shalt  }
.Lfunc_end2:
_tile_overlayer_lowered:
.L_overlay_start_2:
0x73: {  	(tag) =	ssettag $0x2  }
0x74: {  	s0 =	rddreg [dreg:$0x0];
	s2 =	stileid.u32  }
0x75: {  	s1 =	rddreg [dreg:$0x1];
	p0 =	sne.s32 s2, $0x0  }
0x76: {  	s3 =	rddreg [dreg:$0x2];
	[bflag:$0x3] =	sbarrier.arrive $0xFFFF;
	s2 =	simm.s32 @!p0 $0x1C05  }
0x77: {  	[timem:s3], [sflag:s2] =	dma.local @!p0 [hbm:s0], s1  }
0x78: {  	s0 =	simm.s32 @!p0 $0x5  }
0x79: {  	_ =	swait.ge @!p0 [sflag:s0], s1  }
0x7a: {  	s1 =	ssub.s32 @!p0 $0x0, s1;
	[sflag:s0] =	ssyncset.done @!p0 $0x0  }
0x7b: {  	[sflag:s0] =	ssyncadd.s32 @!p0 s1  }
0x7c: {  	[bflag:$0x3] =	sbarrier.arrive $0xFFFF  }
0x7d: {  	_ =	shalt  }

// kernel: kernel.27.cloned.1.call-start
scs
__scs_entry_jumppad:
0x0: {  	(pc) =	sbr.rel $0x88, $3  }
0x1: {  	(tag) =	ssettag $0x0;
	lr =	simm.s32 $0x1  }
0x2: {  	[smem:$0x3F94] =	sst lr;
	_ =	strace $0xD0000000  }
0x3: {  	_ = 	snop  }
0x4: {  	_ = 	snop  }
0x5: {  	_ = 	snop  }
0x6: {  	_ = 	snop  }
0x7: {  	_ = 	snop  }
__scs_overlays_trampoline_lowered:
0x8: {  	[smem:$0x3FA3] =	sst s0  }
0x9: {  	[smem:$0x3FA4] =	sst s1  }
0xa: {  	[smem:$0x3FA5] =	sst s2  }
0xb: {  	[smem:$0x3FA6] =	sst s3  }
0xc: {  	[smem:$0x3FA7] =	sst s4  }
0xd: {  	[smem:$0x3FA8] =	sst s5  }
0xe: {  	[smem:$0x3FA9] =	sst s6  }
0xf: {  	[smem:$0x3FAA] =	sst s7  }
0x10: {  	[smem:$0x3FAB] =	sst s8  }
0x11: {  	[smem:$0x3FAC] =	sst s9;
	s0 =	simm.s32 @!p0 $0x0  }
0x12: {  	s1 =	sld [smem:$0x3F92];
	s0 =	simm.s32 @p0 $0x1  }
0x13: {  	[smem:$0x3FAD] =	sst s0;
	s0 =	simm.s32 @!p1 $0x0  }
0x14: {  	s2 =	sld [smem:$0x3F91];
	s0 =	simm.s32 @p1 $0x1  }
0x15: {  	[smem:$0x3FAE] =	sst s0;
	s0 =	simm.s32 @!p2 $0x0  }
0x16: {  	s3 =	sld [smem:$0x3FDB];
	s0 =	simm.s32 @p2 $0x1  }
0x17: {  	s4 =	simm.s32 $0x1BF5;
	[smem:$0x3FB0] =	sst s0  }
0x18: {  	s0 =	sld [smem:$0x3F93];
	_ =	swait.ge [sflag:s4], $0x0  }
0x19: {  	s7 =	sld [smem:$0x3F94]  }
0x1a: {  	s8 =	sadd.s32 $0xFFFFE003, lr  }
0x1b: {  	s9 =	sadd.s32 $0xFFFFFEF7, lr;
	s5 =	simm.s32 $0xFFFFFFFF;
	p2 =	slt.u32 s8, $0xFFFFF086  }
0x1c: {  	p1 =	slt.u32 s9, $0xF7A;
	s5 =	simm.s32 @!p2 $0x0  }
0x1d: {  	s5 =	simm.s32 @p1 $0x1;
	p0 =	seq.s32 s7, s2  }
0x1e: {  	s7 =	smul.u32 @!p0 $0xF7A, s2;
	p2 =	seq.s32 @!p0 s5, $0x0  }
0x1f: {  	s9 =	smul.u32 $0xF7A, s1;
	s8 =	simm.s32 @!p0 $0x1BF5;
	p2 =	por !p2, p0  }
0x20: {  	[sflag:s8] =	ssyncset.s32 @!p0 $0xFFFFF086;
	s6 =	sadd.s32 @!p0 s3, s7;
	s7 =	simm.s32 @!p0 $0x108  }
0x21: {  	s3 =	sadd.s32 s3, s9;
	s6 =	sadd.s32 @!p0 $0x88, s6;
	s7 =	simm.s32 @p2 $0x1082  }
0x22: {  	[simem:s7], [sflag:s8] =	dma.local @!p0 [hbm:s6], $0xF7A  }
0x23: {  	s9 =	sor.u32 $0xD0000000, s2;
	s6 =	simm.s32 $0x108;
	_ =	swait.ge @!p0 [sflag:s8], $0x0  }
0x24: {  	s3 =	sadd.s32 $0x88, s3;
	s6 =	simm.s32 @!p1 $0x1082;
	[sflag:s4] =	ssyncset.s32 $0xFFFFF086  }
0x25: {  	[simem:s6], [sflag:s4] =	dma.local [hbm:s3], $0xF7A  }
0x26: {  	[smem:$0x3F94] =	sst s1;
	(tag) =	ssettag s2;
	_ =	strace s9  }
0x27: {  	s1 =	sld [smem:$0x3FA4]  }
0x28: {  	s2 =	sld [smem:$0x3FA5]  }
0x29: {  	s4 =	sld [smem:$0x3FA7]  }
0x2a: {  	p0 =	seq.s32 s5, $0x0;
	s5 =	sld [smem:$0x3FA8]  }
0x2b: {  	s6 =	sld [smem:$0x3FA9]  }
0x2c: {  	s7 =	sld [smem:$0x3FAA]  }
0x2d: {  	s3 =	simm.s32 $0x108;
	s8 =	sld [smem:$0x3FAB]  }
0x2e: {  	s3 =	simm.s32 @!p0 $0x1082;
	s9 =	sld [smem:$0x3FAC]  }
0x2f: {  	lr =	sadd.s32 s0, s3;
	s0 =	sld [smem:$0x3FA3]  }
0x30: {  	s3 =	sld [smem:$0x3FA6]  }
0x31: {  	[smem:$0x3FAF] =	sst s10  }
0x32: {  	s10 =	sld [smem:$0x3FAD];
	_ =	sdelay $0x3  }
0x33: {  	p0 =	seq.s32 s10, $0x1;
	s10 =	sld [smem:$0x3FAF];
	_ =	sdelay $0x3  }
0x34: {  	[smem:$0x3FAF] =	sst s10  }
0x35: {  	s10 =	sld [smem:$0x3FAE];
	_ =	sdelay $0x3  }
0x36: {  	p1 =	seq.s32 s10, $0x1;
	s10 =	sld [smem:$0x3FAF];
	_ =	sdelay $0x3  }
0x37: {  	[smem:$0x3FAF] =	sst s10  }
0x38: {  	s10 =	sld [smem:$0x3FB0]  }
0x39: {  	_ = 	snop;
	(pc) =	sbr.ind lr, $3  }
0x3a: {  	_ = 	snop  }
0x3b: {  	_ = 	snop  }
0x3c: {  	p2 =	seq.s32 s10, $0x1;
	s10 =	sld [smem:$0x3FAF]  }
0x3d: {  	_ =	shalt  }
0x3e: {  	_ =	shalt  }
0x3f: {  	_ =	shalt  }
0x40: {  	_ =	shalt  }
0x41: {  	_ =	shalt  }
0x42: {  	_ =	shalt  }
0x43: {  	_ =	shalt  }
0x44: {  	_ =	shalt  }
0x45: {  	_ =	shalt  }
0x46: {  	_ =	shalt  }
0x47: {  	_ =	shalt  }
0x48: {  	_ =	shalt  }
0x49: {  	_ =	shalt  }
0x4a: {  	_ =	shalt  }
0x4b: {  	_ =	shalt  }
0x4c: {  	_ =	shalt  }
0x4d: {  	_ =	shalt  }
0x4e: {  	_ =	shalt  }
0x4f: {  	_ =	shalt  }
0x50: {  	_ =	shalt  }
0x51: {  	_ =	shalt  }
0x52: {  	_ =	shalt  }
0x53: {  	_ =	shalt  }
0x54: {  	_ =	shalt  }
0x55: {  	_ =	shalt  }
0x56: {  	_ =	shalt  }
0x57: {  	_ =	shalt  }
0x58: {  	_ =	shalt  }
0x59: {  	_ =	shalt  }
0x5a: {  	_ =	shalt  }
0x5b: {  	_ =	shalt  }
0x5c: {  	_ =	shalt  }
0x5d: {  	_ =	shalt  }
0x5e: {  	_ =	shalt  }
0x5f: {  	_ =	shalt  }
0x60: {  	_ =	shalt  }
0x61: {  	_ =	shalt  }
0x62: {  	_ =	shalt  }
0x63: {  	_ =	shalt  }
0x64: {  	_ =	shalt  }
0x65: {  	_ =	shalt  }
0x66: {  	_ =	shalt  }
0x67: {  	_ =	shalt  }
0x68: {  	_ =	shalt  }
0x69: {  	_ =	shalt  }
0x6a: {  	_ =	shalt  }
0x6b: {  	_ =	shalt  }
0x6c: {  	_ =	shalt  }
0x6d: {  	_ =	shalt  }
0x6e: {  	_ =	shalt  }
0x6f: {  	_ =	shalt  }
0x70: {  	_ =	shalt  }
0x71: {  	_ =	shalt  }
0x72: {  	_ =	shalt  }
0x73: {  	_ =	shalt  }
0x74: {  	_ =	shalt  }
0x75: {  	_ =	shalt  }
0x76: {  	_ =	shalt  }
0x77: {  	_ =	shalt  }
0x78: {  	_ =	shalt  }
0x79: {  	_ =	shalt  }
0x7a: {  	_ =	shalt  }
0x7b: {  	_ =	shalt  }
0x7c: {  	_ =	shalt  }
0x7d: {  	_ =	shalt  }
0x7e: {  	_ =	shalt  }
0x7f: {  	_ =	shalt  }
0x80: {  	_ =	shalt  }
0x81: {  	_ =	shalt  }
0x82: {  	_ =	shalt  }
0x83: {  	_ =	shalt  }
0x84: {  	_ =	shalt  }
0x85: {  	_ =	shalt  }
0x86: {  	_ =	shalt  }
0x87: {  	_ =	shalt  }
.Lfunc_end0:
.L_simem_size_0:
called_computation.4_lowered:
.L_overlay_start_0:
0x88: {  	s2 =	sld [smem:$0x3FD9]  }
0x89: {  	s3 =	sld [smem:$0x3FFE];
	_ =	sdelay $0x1  }
0x8a: {  	s1 =	srdreg.scid  }
0x8b: {  	s0 =	sand.u32 $0x1, s1  }
0x8c: {  	s17 =	sshll.u32 s0, $0xA;
	s2 =	sadd.s32 s3, s2  }
0x8d: {  	s2 =	sadd.s32 s2, s17  }
0x8e: {  	[smem:$0x3FBB] =	sst s2  }
0x8f: {  	_ = 	snop  }
0x90: {  	(tm) =	ssettm $0x1  }
0x91: {  	s18 =	sld [smem:$0x3FFB];
	_ =	sdelay $0x3  }
0x92: {  	_ =	strace s18  }
0x93: {  	s2 =	sld [smem:$0x3FFC];
	_ =	sdelay $0x3  }
0x94: {  	_ =	strace s2  }
0x95: {  	s2 =	sld [smem:$0x3FFD];
	_ =	sdelay $0x3  }
0x96: {  	_ =	strace s2  }
0x97: {  	_ =	strace $0x8FFFFFFF  }
0x98: {  	s19 =	sld [smem:$0x3FDB];
	_ =	sdelay $0x1  }
0x99: {  	s20 =	simm.s32 $_scs_section_size  }
0x9a: {  	s4 =	simm.s32 $_size__tile_overlayer_lowered;
	s5 =	simm.s32 $_tile_overlayer_lowered  }
0x9b: {  	s6 =	simm.s32 $0x1BFF;
	s21 =	sshll.u32 s5, $0x1;
	s3 =	sadd.s32 s20, s19  }
0x9c: {  	s22 =	simm.s32 $0x0;
	s4 =	sshll.u32 s4, $0x1;
	s5 =	sadd.s32 s21, s3  }
0x9d: {  	[timem:s22], [sflag:s6] =	dma.local [hbm:s5], s4  }
0x9e: {  	_ =	swait.ge [sflag:s6], s4  }
0x9f: {  	s4 =	ssub.s32 $0x0, s4;
	[sflag:s6] =	ssyncset.done $0x0  }
0xa0: {  	[sflag:s6] =	ssyncadd.s32 s4;
	_ =	sdelay $0x1  }
0xa1: {  	s23 =	simm.s32 $0x1B8B  }
0xa2: {  	_ =	swait.ge [sflag:s23], $0x1  }
0xa3: {  	[sflag:s23] =	ssyncset.done $0x0  }
0xa4: {  	[sflag:s23] =	ssyncadd.s32 $0xFFFFFFFF  }
0xa5: {  	s4 =	sld [smem:$0x0]  }
0xa6: {  	s5 =	sand.u32 $0xFFFFFFFE, s1  }
0xa7: {  	p0 =	sne.s32 s1, s5  }
0xa8: {  	s5 =	sshll.u32 @p0 s5, $0xE  }
0xa9: {  	s5 =	sadd.s32 @p0 $0x11B8D, s5;
	s6 =	sshll.u32 @p0 s4, $0x11  }
0xaa: {  	s5 =	sor.u32 @p0 s6, s5  }
0xab: {  	[sflag:s5] =	ssyncadd.remote.s32 @p0 $0x1;
	_ =	sdelay $0x1  }
0xac: {  	s5 =	simm.s32 @p0 $0x1B8D  }
0xad: {  	_ =	swait.eq @p0 [sflag:s5], $0x1  }
0xae: {  	[sflag:s5] =	ssyncadd.s32 @p0 $0xFFFFFFFF  }
0xaf: {  	s6 =	sshll.u32 @!p0 s1, $0xE  }
0xb0: {  	s6 =	sor.u32 @!p0 $0x4000, s6;
	s5 =	simm.s32 @!p0 $0x1B8D  }
0xb1: {  	s4 =	sshll.u32 @!p0 s4, $0x11;
	s6 =	sadd.s32 @!p0 $0x11B8D, s6;
	_ =	swait.eq @!p0 [sflag:s5], $0x1  }
0xb2: {  	s4 =	sor.u32 @!p0 s4, s6;
	[sflag:s5] =	ssyncadd.s32 @!p0 $0xFFFFFFFF  }
0xb3: {  	s25 =	simm.s32 $0x1B8E;
	s24 =	sld [smem:$0x3FFE];
	[sflag:s4] =	ssyncadd.remote.s32 @!p0 $0x1  }
0xb4: {  	s26 =	simm.s32 $execute0_lowered;
	[smem:$0x3FD2] =	sst s25  }
0xb5: {  	s5 =	sshll.u32 s26, $0x1;
	_ =	strace $0x8000005B;
	[dreg:$0x1] =	wrdreg $0xFFFFFFFF  }
0xb6: {  	s28 =	simm.s32 $_size_execute0_lowered;
	s3 =	sadd.s32 s3, s5;
	[dreg:$0x0] =	wrdreg $0x0  }
0xb7: {  	s5 =	sshll.u32 s28, $0x1;
	[dreg:$0x2] =	wrdreg s3  }
0xb8: {  	[dreg:$0x3] =	wrdreg s5  }
0xb9: {  	[dreg:$0x4] =	wrdreg $0xC0  }
0xba: {  	_ =	task [dreg:s22], $0x5FFFF  }
0xbb: {  	[dreg:$0x1] =	wrdreg $0xFFFFFFFF  }
0xbc: {  	[dreg:$0x0] =	wrdreg $0x60  }
0xbd: {  	[dreg:$0x2] =	wrdreg s24  }
0xbe: {  	[dreg:$0x3] =	wrdreg $0x68000  }
0xbf: {  	[dreg:$0x4] =	wrdreg $0xC  }
0xc0: {  	_ =	task.clear_ibuf [dreg:s22], $0x5FFFF;
	_ =	strace $0x9000005B  }
0xc1: {  	s29 =	simm.s32 $0xC;
	_ =	strace $0x8000005D  }
0xc2: {  	_ =	swait.ge [sflag:s29], $0x1  }
0xc3: {  	[sflag:s29] =	ssyncadd.s32 $0xFFFFFFFF  }
0xc4: {  	_ =	strace $0x9000005D  }
0xc5: {  	_ =	sfence  }
0xc6: {  	s30 =	sld [smem:$0x0];
	_ =	sdelay $0x2  }
0xc7: {  	s31 =	sshll.u32 s1, $0xD;
	s1 =	sshrl.u32 s1, $0x2  }
0xc8: {  	s4 =	sand.u32 $0x4000, s31;
	s1 =	sadd.s32 s1, s30  }
0xc9: {  	s0 =	sor.u32 s4, s0;
	s1 =	sshll.u32 s1, $0x11  }
0xca: {  	s0 =	sor.u32 s1, s0  }
0xcb: {  	s0 =	sadd.s32 $0x8F2B, s0  }
0xcc: {  	[sflag:s0] =	ssyncadd.remote.s32 $0x1  }
0xcd: {  	_ =	sfence.sel $0xFFFF  }
0xce: {  	[dreg:$0x0] =	wrdreg $0xFFFFFFFF;
	(pc) =	sbr.abs _section_cstart, $3  }
0xcf: {  	[dreg:$0x1] =	wrdreg $0xFFFFFFFF  }
0xd0: {  	_ =	task.clear_ibuf [dreg:s22], $0x2FFFF;
	_ =	strace $0x9FFFFFFF  }
0xd1: {  	(tm) =	ssettm $0x7FFFFFFF  }
tec
execute0_lowered:
.L_overlay_start_1:
0x0: {  	(tag) =	ssettag $0x1  }
0x1: {  	s4 =	rddreg [dreg:$0x0]  }
0x2: {  	s1 =	rddreg [dreg:$0x1]  }
0x3: {  	s2 =	srdreg.scid;
	s0 =	rddreg [dreg:$0x2];
	s3 =	simm.s32 $0x0  }
0x4: {  	s15 =	simm.s32 $0x50;
	s16 =	simm.s32 $0x2;
	s17 =	simm.s32 $0x1400  }
0x5: {  	s18 =	simm.s32 $0x0;
	s5 =	sand.u32 $0x1, s2;
	s2 =	stileid.u32  }
0x6: {  	[smem:$0x7FF] =	sst s3;
	s8 =	sadd.s32 $0x1050A00, s4;
	s9 =	smul.u32 $0x50000, s2  }
0x7: {  	s6 =	sshll.u32 s5, $0x4;
	s10 =	ssub.s32 $0x2, s5;
	s5 =	smul.u32 $0xCD000, s5  }
0x8: {  	_ =	strace $0x8000005C;
	s31 =	smul.u32 $0xCD00, s2;
	s6 =	sor.u32 s2, s6  }
0x9: {  	s12 =	sshll.u32 s2, $0x6;
	s11 =	sshrl.u32 s10, $0x1;
	s7 =	smul.u32 $0x300, s6  }
0xa: {  	s9 =	sshrl.u32 s9, $0x2;
	s10 =	ssub.s32 s10, s11;
	s13 =	smul.u32 $0xCD00, s6  }
0xb: {  	s14 =	sadd.s32 s5, s8;
	s5 =	sor.u32 $0x1C03, s12;
	s11 =	simm.s32 $0x3  }
0xc: {  	s12 =	simm.s32 $0x1800;
	s30 =	sadd.s32 s9, s1;
	s9 =	sadd.s32 s31, s14  }
0xd: {  	s14 =	simm.s32 $0x1;
	s7 =	sadd.s32 s7, s4;
	s4 =	sadd.s32 $0x9E8800, s4  }
0xe: {  	s9 =	sadd.s32 $0x500, s9;
	s6 =	sadd.s32 $0x346800, s7;
	s7 =	sadd.s32 s8, s13  }
0xf: {  	s8 =	smax.u32 s10, $0x1;
	s10 =	sshrl.u32 s30, $0x3;
	s13 =	simm.s32 $0x4000  }
.LBB2_1:
0x10: {  	[spmem:s10], [sflag:s5] =	dma.local [hbm:s4], $0x2800  }
0x11: {  	_ =	swait.ge [sflag:s11], $0x2800  }
0x12: {  	[sflag:s11] =	ssyncset.done $0x0  }
0x13: {  	[sflag:s11] =	ssyncadd.s32 $0xFFFFD800  }
0x14: {  	[tilespmem:s3], [sflag:$0x3] =	stream.linear.gather [hbm4b:s6+s3], $0x1480, $0x38;
	[tilespmem:$0x1A800] =	vst v63  }
0x15: {  	_ =	swait.ge [sflag:s11], $0x1480  }
0x16: {  	[sflag:s11] =	ssyncset.done $0x0  }
0x17: {  	[sflag:s11] =	ssyncadd.s32 $0xFFFFEB80  }
0x18: {  	[bflag:$0x0] =	sbarrier.arrive $0xFFFF  }
0x19: {  	[tilespmem:s12], [sflag:$0x1] =	stream.linear.gather [hbm4b:s7+s3], $0x2800, $0x38;
	[tilespmem:$0x1A800] =	vst v63  }
0x1a: {  	_ = 	snop  }
0x1b: {  	[tilespmem:s13], [sflag:$0x2] =	stream.linear.gather [hbm4b:s9+s3], $0x2800, $0x38;
	[tilespmem:$0x1A800] =	vst v63  }
0x1c: {  	_ =	swait.ge [sflag:s14], $0x2800  }
0x1d: {  	[sflag:s14] =	ssyncset.done $0x0  }
0x1e: {  	s19 =	simm.s32 $0x0;
	[sflag:s14] =	ssyncadd.s32 $0xFFFFD800  }
0x1f: {  	[spmem:s1] =	stream.indirect.scatter.add.f32 [tilespmem:s12], [sflag:$0x3], $0x80, s19, s15, $0xb8;
	[tilespmem:$0x1A800] =	vst v63  }
0x20: {  	_ =	swait.ge [sflag:s11], $0x2800  }
0x21: {  	[sflag:s11] =	ssyncset.done $0x0  }
0x22: {  	s30 =	sadd.s32 $0x500, s9;
	[sflag:s11] =	ssyncadd.s32 $0xFFFFD800  }
0x23: {  	[tilespmem:s12], [sflag:$0x1] =	stream.linear.gather [hbm4b:s30+s3], $0x2800, $0x38;
	[tilespmem:$0x1A800] =	vst v63  }
0x24: {  	_ =	swait.ge [sflag:s16], $0x2800  }
0x25: {  	[sflag:s16] =	ssyncset.done $0x0  }
0x26: {  	s31 =	simm.s32 $0x80;
	[sflag:s16] =	ssyncadd.s32 $0xFFFFD800  }
0x27: {  	[spmem:s1] =	stream.indirect.scatter.add.f32 [tilespmem:s13], [sflag:$0x3], $0x80, s31, s15, $0xb8;
	[tilespmem:$0x1A800] =	vst v63  }
0x28: {  	_ =	swait.ge [sflag:s11], $0x2800  }
0x29: {  	s20 =	smov.u32 s9;
	s19 =	simm.s32 $0x400;
	[sflag:s11] =	ssyncset.done $0x0  }
.LBB2_2:
0x2a: {  	p0 =	sne.s32 s19, $0x4C00;
	[sflag:s11] =	ssyncadd.s32 $0xFFFFD800;
	s20 =	sadd.s32 $0xA00, s20  }
0x2b: {  	[tilespmem:s13], [sflag:$0x2] =	stream.linear.gather [hbm4b:s20+s3], $0x2800, $0x38;
	[tilespmem:$0x1A800] =	vst v63  }
0x2c: {  	s21 =	smov.u32 s19;
	s19 =	sadd.s32 $0x400, s19;
	_ =	swait.ge [sflag:s14], $0x2800  }
0x2d: {  	[sflag:s14] =	ssyncset.done $0x0  }
0x2e: {  	s21 =	sshra.s32 s21, $0x2;
	[sflag:s14] =	ssyncadd.s32 $0xFFFFD800  }
0x2f: {  	[spmem:s1] =	stream.indirect.scatter.add.f32 [tilespmem:s12], [sflag:$0x3], $0x80, s21, s15, $0xb8;
	[tilespmem:$0x1A800] =	vst v63  }
0x30: {  	_ =	swait.ge [sflag:s11], $0x2800  }
0x31: {  	[sflag:s11] =	ssyncset.done $0x0  }
0x32: {  	s22 =	sadd.s32 $0x500, s20;
	[sflag:s11] =	ssyncadd.s32 $0xFFFFD800  }
0x33: {  	[tilespmem:s12], [sflag:$0x1] =	stream.linear.gather [hbm4b:s22+s3], $0x2800, $0x38;
	[tilespmem:$0x1A800] =	vst v63  }
0x34: {  	_ =	swait.ge [sflag:s16], $0x2800  }
.Ltmp0:
0x35: {  	[sflag:s16] =	ssyncset.done $0x0;
	(pc) =	sbr.rel @p0 .LBB2_2-.Ltmp0, $4  }
0x36: {  	s21 =	sadd.s32 $0x80, s21;
	[sflag:s16] =	ssyncadd.s32 $0xFFFFD800  }
0x37: {  	[spmem:s1] =	stream.indirect.scatter.add.f32 [tilespmem:s13], [sflag:$0x3], $0x80, s21, s15, $0xb8;
	[tilespmem:$0x1A800] =	vst v63  }
0x38: {  	_ =	swait.ge [sflag:s11], $0x2800  }
0x39: {  	[sflag:s11] =	ssyncset.done $0x0  }
0x3a: {  	[sflag:s11] =	ssyncadd.s32 $0xFFFFD800  }
0x3b: {  	s18 =	sadd.s32 $0x1, s18;
	_ =	swait.ge [sflag:s14], $0x2800  }
0x3c: {  	p0 =	sne.s32 s18, s8;
	[sflag:s14] =	ssyncset.done $0x0  }
.Ltmp1:
0x3d: {  	[sflag:s14] =	ssyncadd.s32 $0xFFFFD800;
	(pc) =	sbr.rel @p0 .LBB2_1-.Ltmp1, $4  }
0x3e: {  	[spmem:s1] =	stream.indirect.scatter.add.f32 [tilespmem:s12], [sflag:$0x3], $0x80, s17, s15, $0xb8;
	[tilespmem:$0x1A800] =	vst v63  }
0x3f: {  	_ =	swait.ge [sflag:s11], $0x2800  }
0x40: {  	[sflag:s11] =	ssyncset.done $0x0  }
0x41: {  	[sflag:s11] =	ssyncadd.s32 $0xFFFFD800  }
0x42: {  	_ =	sfence.sel $0x180000  }
0x43: {  	[bflag:$0x0] =	sbarrier.arrive $0xFFFF  }
0x44: {  	p0 =	sne.s32 s2, $0x0;
	_ =	strace $0x9000005C  }
0x45: {  	s0 =	sadd.s32 @!p0 $0x100000, s0;
	[bflag:$0x2] =	sbarrier.arrive $0xFFFF  }
0x46: {  	[sflag:s0] =	ssyncadd.tile.s32 @!p0 $0x1;
	_ =	shalt  }
.Lfunc_end2:
_tile_overlayer_lowered:
.L_overlay_start_2:
0x47: {  	(tag) =	ssettag $0x2  }
0x48: {  	s0 =	rddreg [dreg:$0x0];
	s2 =	stileid.u32  }
0x49: {  	s1 =	rddreg [dreg:$0x1];
	p0 =	sne.s32 s2, $0x0  }
0x4a: {  	s3 =	rddreg [dreg:$0x2];
	[bflag:$0x3] =	sbarrier.arrive $0xFFFF;
	s2 =	simm.s32 @!p0 $0x1C03  }
0x4b: {  	[timem:s3], [sflag:s2] =	dma.local @!p0 [hbm:s0], s1  }
0x4c: {  	s0 =	simm.s32 @!p0 $0x3  }
0x4d: {  	_ =	swait.ge @!p0 [sflag:s0], s1  }
0x4e: {  	s1 =	ssub.s32 @!p0 $0x0, s1;
	[sflag:s0] =	ssyncset.done @!p0 $0x0  }
0x4f: {  	[sflag:s0] =	ssyncadd.s32 @!p0 s1  }
0x50: {  	[bflag:$0x3] =	sbarrier.arrive $0xFFFF  }
0x51: {  	_ =	shalt  }

// kernel: kernel.30.cloned.1.call-start
scs
__scs_entry_jumppad:
0x0: {  	(pc) =	sbr.rel $0x88, $3  }
0x1: {  	(tag) =	ssettag $0x0;
	lr =	simm.s32 $0x1  }
0x2: {  	[smem:$0x3F94] =	sst lr;
	_ =	strace $0xD0000000  }
0x3: {  	_ = 	snop  }
0x4: {  	_ = 	snop  }
0x5: {  	_ = 	snop  }
0x6: {  	_ = 	snop  }
0x7: {  	_ = 	snop  }
__scs_overlays_trampoline_lowered:
0x8: {  	[smem:$0x3FA3] =	sst s0  }
0x9: {  	[smem:$0x3FA4] =	sst s1  }
0xa: {  	[smem:$0x3FA5] =	sst s2  }
0xb: {  	[smem:$0x3FA6] =	sst s3  }
0xc: {  	[smem:$0x3FA7] =	sst s4  }
0xd: {  	[smem:$0x3FA8] =	sst s5  }
0xe: {  	[smem:$0x3FA9] =	sst s6  }
0xf: {  	[smem:$0x3FAA] =	sst s7  }
0x10: {  	[smem:$0x3FAB] =	sst s8  }
0x11: {  	[smem:$0x3FAC] =	sst s9;
	s0 =	simm.s32 @!p0 $0x0  }
0x12: {  	s1 =	sld [smem:$0x3F92];
	s0 =	simm.s32 @p0 $0x1  }
0x13: {  	[smem:$0x3FAD] =	sst s0;
	s0 =	simm.s32 @!p1 $0x0  }
0x14: {  	s2 =	sld [smem:$0x3F91];
	s0 =	simm.s32 @p1 $0x1  }
0x15: {  	[smem:$0x3FAE] =	sst s0;
	s0 =	simm.s32 @!p2 $0x0  }
0x16: {  	s3 =	sld [smem:$0x3FDB];
	s0 =	simm.s32 @p2 $0x1  }
0x17: {  	s4 =	simm.s32 $0x1BF5;
	[smem:$0x3FB0] =	sst s0  }
0x18: {  	s0 =	sld [smem:$0x3F93];
	_ =	swait.ge [sflag:s4], $0x0  }
0x19: {  	s7 =	sld [smem:$0x3F94]  }
0x1a: {  	s8 =	sadd.s32 $0xFFFFE003, lr  }
0x1b: {  	s9 =	sadd.s32 $0xFFFFFEF7, lr;
	s5 =	simm.s32 $0xFFFFFFFF;
	p2 =	slt.u32 s8, $0xFFFFF086  }
0x1c: {  	p1 =	slt.u32 s9, $0xF7A;
	s5 =	simm.s32 @!p2 $0x0  }
0x1d: {  	s5 =	simm.s32 @p1 $0x1;
	p0 =	seq.s32 s7, s2  }
0x1e: {  	s7 =	smul.u32 @!p0 $0xF7A, s2;
	p2 =	seq.s32 @!p0 s5, $0x0  }
0x1f: {  	s9 =	smul.u32 $0xF7A, s1;
	s8 =	simm.s32 @!p0 $0x1BF5;
	p2 =	por !p2, p0  }
0x20: {  	[sflag:s8] =	ssyncset.s32 @!p0 $0xFFFFF086;
	s6 =	sadd.s32 @!p0 s3, s7;
	s7 =	simm.s32 @!p0 $0x108  }
0x21: {  	s3 =	sadd.s32 s3, s9;
	s6 =	sadd.s32 @!p0 $0x88, s6;
	s7 =	simm.s32 @p2 $0x1082  }
0x22: {  	[simem:s7], [sflag:s8] =	dma.local @!p0 [hbm:s6], $0xF7A  }
0x23: {  	s9 =	sor.u32 $0xD0000000, s2;
	s6 =	simm.s32 $0x108;
	_ =	swait.ge @!p0 [sflag:s8], $0x0  }
0x24: {  	s3 =	sadd.s32 $0x88, s3;
	s6 =	simm.s32 @!p1 $0x1082;
	[sflag:s4] =	ssyncset.s32 $0xFFFFF086  }
0x25: {  	[simem:s6], [sflag:s4] =	dma.local [hbm:s3], $0xF7A  }
0x26: {  	[smem:$0x3F94] =	sst s1;
	(tag) =	ssettag s2;
	_ =	strace s9  }
0x27: {  	s1 =	sld [smem:$0x3FA4]  }
0x28: {  	s2 =	sld [smem:$0x3FA5]  }
0x29: {  	s4 =	sld [smem:$0x3FA7]  }
0x2a: {  	p0 =	seq.s32 s5, $0x0;
	s5 =	sld [smem:$0x3FA8]  }
0x2b: {  	s6 =	sld [smem:$0x3FA9]  }
0x2c: {  	s7 =	sld [smem:$0x3FAA]  }
0x2d: {  	s3 =	simm.s32 $0x108;
	s8 =	sld [smem:$0x3FAB]  }
0x2e: {  	s3 =	simm.s32 @!p0 $0x1082;
	s9 =	sld [smem:$0x3FAC]  }
0x2f: {  	lr =	sadd.s32 s0, s3;
	s0 =	sld [smem:$0x3FA3]  }
0x30: {  	s3 =	sld [smem:$0x3FA6]  }
0x31: {  	[smem:$0x3FAF] =	sst s10  }
0x32: {  	s10 =	sld [smem:$0x3FAD];
	_ =	sdelay $0x3  }
0x33: {  	p0 =	seq.s32 s10, $0x1;
	s10 =	sld [smem:$0x3FAF];
	_ =	sdelay $0x3  }
0x34: {  	[smem:$0x3FAF] =	sst s10  }
0x35: {  	s10 =	sld [smem:$0x3FAE];
	_ =	sdelay $0x3  }
0x36: {  	p1 =	seq.s32 s10, $0x1;
	s10 =	sld [smem:$0x3FAF];
	_ =	sdelay $0x3  }
0x37: {  	[smem:$0x3FAF] =	sst s10  }
0x38: {  	s10 =	sld [smem:$0x3FB0]  }
0x39: {  	_ = 	snop;
	(pc) =	sbr.ind lr, $3  }
0x3a: {  	_ = 	snop  }
0x3b: {  	_ = 	snop  }
0x3c: {  	p2 =	seq.s32 s10, $0x1;
	s10 =	sld [smem:$0x3FAF]  }
0x3d: {  	_ =	shalt  }
0x3e: {  	_ =	shalt  }
0x3f: {  	_ =	shalt  }
0x40: {  	_ =	shalt  }
0x41: {  	_ =	shalt  }
0x42: {  	_ =	shalt  }
0x43: {  	_ =	shalt  }
0x44: {  	_ =	shalt  }
0x45: {  	_ =	shalt  }
0x46: {  	_ =	shalt  }
0x47: {  	_ =	shalt  }
0x48: {  	_ =	shalt  }
0x49: {  	_ =	shalt  }
0x4a: {  	_ =	shalt  }
0x4b: {  	_ =	shalt  }
0x4c: {  	_ =	shalt  }
0x4d: {  	_ =	shalt  }
0x4e: {  	_ =	shalt  }
0x4f: {  	_ =	shalt  }
0x50: {  	_ =	shalt  }
0x51: {  	_ =	shalt  }
0x52: {  	_ =	shalt  }
0x53: {  	_ =	shalt  }
0x54: {  	_ =	shalt  }
0x55: {  	_ =	shalt  }
0x56: {  	_ =	shalt  }
0x57: {  	_ =	shalt  }
0x58: {  	_ =	shalt  }
0x59: {  	_ =	shalt  }
0x5a: {  	_ =	shalt  }
0x5b: {  	_ =	shalt  }
0x5c: {  	_ =	shalt  }
0x5d: {  	_ =	shalt  }
0x5e: {  	_ =	shalt  }
0x5f: {  	_ =	shalt  }
0x60: {  	_ =	shalt  }
0x61: {  	_ =	shalt  }
0x62: {  	_ =	shalt  }
0x63: {  	_ =	shalt  }
0x64: {  	_ =	shalt  }
0x65: {  	_ =	shalt  }
0x66: {  	_ =	shalt  }
0x67: {  	_ =	shalt  }
0x68: {  	_ =	shalt  }
0x69: {  	_ =	shalt  }
0x6a: {  	_ =	shalt  }
0x6b: {  	_ =	shalt  }
0x6c: {  	_ =	shalt  }
0x6d: {  	_ =	shalt  }
0x6e: {  	_ =	shalt  }
0x6f: {  	_ =	shalt  }
0x70: {  	_ =	shalt  }
0x71: {  	_ =	shalt  }
0x72: {  	_ =	shalt  }
0x73: {  	_ =	shalt  }
0x74: {  	_ =	shalt  }
0x75: {  	_ =	shalt  }
0x76: {  	_ =	shalt  }
0x77: {  	_ =	shalt  }
0x78: {  	_ =	shalt  }
0x79: {  	_ =	shalt  }
0x7a: {  	_ =	shalt  }
0x7b: {  	_ =	shalt  }
0x7c: {  	_ =	shalt  }
0x7d: {  	_ =	shalt  }
0x7e: {  	_ =	shalt  }
0x7f: {  	_ =	shalt  }
0x80: {  	_ =	shalt  }
0x81: {  	_ =	shalt  }
0x82: {  	_ =	shalt  }
0x83: {  	_ =	shalt  }
0x84: {  	_ =	shalt  }
0x85: {  	_ =	shalt  }
0x86: {  	_ =	shalt  }
0x87: {  	_ =	shalt  }
.Lfunc_end0:
.L_simem_size_0:
called_computation.5_lowered:
.L_overlay_start_0:
0x88: {  	s2 =	sld [smem:$0x3FD9]  }
0x89: {  	s3 =	sld [smem:$0x3FFE];
	_ =	sdelay $0x1  }
0x8a: {  	s1 =	srdreg.scid  }
0x8b: {  	s0 =	sand.u32 $0x1, s1  }
0x8c: {  	s17 =	sshll.u32 s0, $0xA;
	s2 =	sadd.s32 s3, s2  }
0x8d: {  	s2 =	sadd.s32 s2, s17  }
0x8e: {  	[smem:$0x3FBB] =	sst s2  }
0x8f: {  	_ = 	snop  }
0x90: {  	(tm) =	ssettm $0x1  }
0x91: {  	s18 =	sld [smem:$0x3FFB];
	_ =	sdelay $0x3  }
0x92: {  	_ =	strace s18  }
0x93: {  	s2 =	sld [smem:$0x3FFC];
	_ =	sdelay $0x3  }
0x94: {  	_ =	strace s2  }
0x95: {  	s2 =	sld [smem:$0x3FFD];
	_ =	sdelay $0x3  }
0x96: {  	_ =	strace s2  }
0x97: {  	_ =	strace $0x8FFFFFFF  }
0x98: {  	s19 =	sld [smem:$0x3FDB];
	_ =	sdelay $0x1  }
0x99: {  	s20 =	simm.s32 $_scs_section_size  }
0x9a: {  	s4 =	simm.s32 $_size__tile_overlayer_lowered;
	s5 =	simm.s32 $_tile_overlayer_lowered  }
0x9b: {  	s6 =	simm.s32 $0x1BFF;
	s21 =	sshll.u32 s5, $0x1;
	s3 =	sadd.s32 s20, s19  }
0x9c: {  	s22 =	simm.s32 $0x0;
	s4 =	sshll.u32 s4, $0x1;
	s5 =	sadd.s32 s21, s3  }
0x9d: {  	[timem:s22], [sflag:s6] =	dma.local [hbm:s5], s4  }
0x9e: {  	_ =	swait.ge [sflag:s6], s4  }
0x9f: {  	s4 =	ssub.s32 $0x0, s4;
	[sflag:s6] =	ssyncset.done $0x0  }
0xa0: {  	[sflag:s6] =	ssyncadd.s32 s4;
	_ =	sdelay $0x1  }
0xa1: {  	s23 =	simm.s32 $0x1B8B  }
0xa2: {  	_ =	swait.ge [sflag:s23], $0x1  }
0xa3: {  	[sflag:s23] =	ssyncset.done $0x0  }
0xa4: {  	[sflag:s23] =	ssyncadd.s32 $0xFFFFFFFF  }
0xa5: {  	s4 =	sld [smem:$0x0]  }
0xa6: {  	s5 =	sand.u32 $0xFFFFFFFE, s1  }
0xa7: {  	p0 =	sne.s32 s1, s5  }
0xa8: {  	s5 =	sshll.u32 @p0 s5, $0xE  }
0xa9: {  	s5 =	sadd.s32 @p0 $0x11B8D, s5;
	s6 =	sshll.u32 @p0 s4, $0x11  }
0xaa: {  	s5 =	sor.u32 @p0 s6, s5  }
0xab: {  	[sflag:s5] =	ssyncadd.remote.s32 @p0 $0x1;
	_ =	sdelay $0x1  }
0xac: {  	s5 =	simm.s32 @p0 $0x1B8D  }
0xad: {  	_ =	swait.eq @p0 [sflag:s5], $0x1  }
0xae: {  	[sflag:s5] =	ssyncadd.s32 @p0 $0xFFFFFFFF  }
0xaf: {  	s6 =	sshll.u32 @!p0 s1, $0xE  }
0xb0: {  	s6 =	sor.u32 @!p0 $0x4000, s6;
	s5 =	simm.s32 @!p0 $0x1B8D  }
0xb1: {  	s4 =	sshll.u32 @!p0 s4, $0x11;
	s6 =	sadd.s32 @!p0 $0x11B8D, s6;
	_ =	swait.eq @!p0 [sflag:s5], $0x1  }
0xb2: {  	s4 =	sor.u32 @!p0 s4, s6;
	[sflag:s5] =	ssyncadd.s32 @!p0 $0xFFFFFFFF  }
0xb3: {  	s25 =	simm.s32 $0x1B8E;
	s24 =	sld [smem:$0x3FFE];
	[sflag:s4] =	ssyncadd.remote.s32 @!p0 $0x1  }
0xb4: {  	s26 =	simm.s32 $execute0_lowered;
	[smem:$0x3FD2] =	sst s25  }
0xb5: {  	s5 =	sshll.u32 s26, $0x1;
	_ =	strace $0x80000052;
	[dreg:$0x1] =	wrdreg $0xFFFFFFFF  }
0xb6: {  	s28 =	simm.s32 $_size_execute0_lowered;
	s3 =	sadd.s32 s3, s5;
	[dreg:$0x0] =	wrdreg $0x0  }
0xb7: {  	s5 =	sshll.u32 s28, $0x1;
	[dreg:$0x2] =	wrdreg s3  }
0xb8: {  	[dreg:$0x3] =	wrdreg s5  }
0xb9: {  	[dreg:$0x4] =	wrdreg $0xC0  }
0xba: {  	_ =	task [dreg:s22], $0x5FFFF  }
0xbb: {  	[dreg:$0x1] =	wrdreg $0xFFFFFFFF  }
0xbc: {  	[dreg:$0x0] =	wrdreg $0x60  }
0xbd: {  	[dreg:$0x2] =	wrdreg s24  }
0xbe: {  	[dreg:$0x3] =	wrdreg $0xE4000  }
0xbf: {  	[dreg:$0x4] =	wrdreg $0xA  }
0xc0: {  	_ =	task.clear_ibuf [dreg:s22], $0x5FFFF;
	_ =	strace $0x90000052  }
0xc1: {  	s29 =	simm.s32 $0xA;
	_ =	strace $0x80000054  }
0xc2: {  	_ =	swait.ge [sflag:s29], $0x1  }
0xc3: {  	[sflag:s29] =	ssyncadd.s32 $0xFFFFFFFF  }
0xc4: {  	_ =	strace $0x90000054  }
0xc5: {  	_ =	sfence  }
0xc6: {  	s30 =	sld [smem:$0x0];
	_ =	sdelay $0x2  }
0xc7: {  	s31 =	sshll.u32 s1, $0xD;
	s1 =	sshrl.u32 s1, $0x2  }
0xc8: {  	s4 =	sand.u32 $0x4000, s31;
	s1 =	sadd.s32 s1, s30  }
0xc9: {  	s0 =	sor.u32 s4, s0;
	s1 =	sshll.u32 s1, $0x11  }
0xca: {  	s0 =	sor.u32 s1, s0  }
0xcb: {  	s0 =	sadd.s32 $0x8F2B, s0  }
0xcc: {  	[sflag:s0] =	ssyncadd.remote.s32 $0x1  }
0xcd: {  	_ =	sfence.sel $0xFFFF  }
0xce: {  	[dreg:$0x0] =	wrdreg $0xFFFFFFFF;
	(pc) =	sbr.abs _section_cstart, $3  }
0xcf: {  	[dreg:$0x1] =	wrdreg $0xFFFFFFFF  }
0xd0: {  	_ =	task.clear_ibuf [dreg:s22], $0x2FFFF;
	_ =	strace $0x9FFFFFFF  }
0xd1: {  	(tm) =	ssettm $0x7FFFFFFF  }
tec
execute0_lowered:
.L_overlay_start_1:
0x0: {  	(tag) =	ssettag $0x1  }
0x1: {  	s5 =	rddreg [dreg:$0x0];
	s0 =	srdreg.scid  }
0x2: {  	s1 =	rddreg [dreg:$0x1];
	s15 =	stileid.u32;
	s2 =	simm.s32 $0x0  }
0x3: {  	s13 =	simm.s32 $0xE000;
	s14 =	simm.s32 $0x1800;
	s16 =	simm.s32 $0xE080  }
0x4: {  	s17 =	simm.s32 $0x6000;
	s18 =	simm.s32 $0xE100;
	s19 =	simm.s32 $0x8000  }
0x5: {  	s20 =	simm.s32 $0xE180;
	s21 =	simm.s32 $0xA000;
	s22 =	simm.s32 $0xE200  }
0x6: {  	s23 =	simm.s32 $0xC000;
	s6 =	sand.u32 $0x1, s0;
	s0 =	rddreg [dreg:$0x2]  }
0x7: {  	s25 =	simm.s32 $0x0;
	[smem:$0x7FF] =	sst s2;
	s10 =	sshll.u32 s15, $0xD  }
0x8: {  	v0 =	vlaneseq.u32;
	s11 =	smul.u32 $0xCD00, s15;
	p0 =	sgt.u32 s15, $0x4;
	p1 =	sne.s32 s15, $0x0  }
0x9: {  	v0 =	vmul.u32 $0x80, v0;
	s3 =	sshll.u32 s6, $0x4;
	s4 =	smul.u32 $0xCD000, s6;
	_ =	strace $0x80000053  }
0xa: {  	s7 =	smul.u32 $0x1400, s6;
	s31 =	ssub.s32 $0x2, s6;
	s10 =	sadd.s32 s10, s1  }
0xb: {  	s24 =	sshrl.u32 @!p1 s1, $0x3;
	s3 =	sor.u32 s15, s3;
	s6 =	sshrl.u32 s31, $0x1;
	v1 =	vor.u32 $0x1, v0  }
0xc: {  	s10 =	sshrl.u32 @!p0 s10, $0x3;
	v2 =	vor.u32 $0x2, v0;
	v4 =	vor.u32 $0x800, v0;
	v5 =	vor.u32 $0x801, v0;
	s3 =	smul.u32 $0x300, s3;
	s8 =	sadd.s32 s4, s5  }
0xd: {  	v6 =	vor.u32 $0x802, v0;
	v7 =	vor.u32 $0x803, v0;
	v8 =	vor.u32 $0x1000, v0;
	s4 =	sadd.s32 $0xD1C800, s5;
	s7 =	sadd.s32 s7, s5;
	s12 =	ssub.s32 s31, s6  }
0xe: {  	v9 =	vor.u32 $0x1001, v0;
	v10 =	vor.u32 $0x1002, v0;
	v11 =	vor.u32 $0x1003, v0;
	s6 =	sadd.s32 $0x340800, s7;
	s8 =	sadd.s32 s11, s8;
	s7 =	smax.u32 s12, $0x1  }
0xf: {  	v12 =	vor.u32 $0x1800, v0;
	v13 =	vor.u32 $0x1801, v0;
	v14 =	vor.u32 $0x1802, v0;
	s11 =	simm.s32 $0x1;
	s12 =	simm.s32 $0x4000;
	s9 =	sadd.s32 s3, s5  }
0x10: {  	v3 =	vor.u32 $0x3, v0;
	v15 =	vor.u32 $0x1803, v0;
	v16 =	vor.u32 $0x2000, v0;
	s3 =	sadd.s32 $0x9E8800, s5;
	s5 =	sadd.s32 $0x346800, s9;
	s9 =	sshll.u32 @!p0 s15, $0x6  }
0x11: {  	v17 =	vor.u32 $0x2001, v0;
	v18 =	vor.u32 $0x2002, v0;
	v19 =	vor.u32 $0x2003, v0;
	s8 =	sadd.s32 $0x1A6800, s8;
	s15 =	simm.s32 $0x40;
	s9 =	sor.u32 @!p0 $0x1C01, s9  }
.LBB2_1:
0x12: {  	[spmem:s10], [sflag:s9] =	dma.local @!p0 [hbm:s3], $0x400  }
0x13: {  	s26 =	simm.s32 @!p0 $0x1  }
0x14: {  	_ =	swait.ge @!p0 [sflag:s26], $0x400  }
0x15: {  	[sflag:s26] =	ssyncset.done @!p0 $0x0  }
0x16: {  	[sflag:s26] =	ssyncadd.s32 @!p0 $0xFFFFFC00  }
0x17: {  	[tilespmem:s2], [sflag:$0x1] =	stream.linear.gather [hbm4b:s5+s2], $0x1480, $0x38;
	[tilespmem:$0xEE00] =	vst v63  }
0x18: {  	_ =	swait.ge [sflag:s11], $0x1480  }
0x19: {  	[sflag:s11] =	ssyncset.done $0x0  }
0x1a: {  	[sflag:s11] =	ssyncadd.s32 $0xFFFFEB80  }
0x1b: {  	[tilespmem:s12], [sflag:$0x1] =	stream.linear.gather [hbm4b:s3+s2], $0xA000, $0x38;
	[tilespmem:$0xEE00] =	vst v63  }
0x1c: {  	_ =	swait.ge [sflag:s11], $0xA000  }
0x1d: {  	[sflag:s11] =	ssyncset.done $0x0  }
0x1e: {  	[sflag:s11] =	ssyncadd.s32 $0xFFFF6000  }
0x1f: {  	[tilespmem:s13], [sflag:$0x1] =	stream.linear.gather [hbm4b:s4+s2], $0x280, $0x38;
	[tilespmem:$0xEE00] =	vst v63  }
0x20: {  	_ =	swait.ge [sflag:s11], $0x280  }
0x21: {  	[sflag:s11] =	ssyncset.done $0x0  }
0x22: {  	[sflag:s11] =	ssyncadd.s32 $0xFFFFFD80  }
0x23: {  	s28 =	simm.s32 $0x0;
	s26 =	simm.s32 $0x20;
	[bflag:$0x0] =	sbarrier.arrive $0xFFFF  }
.LBB2_2:
0x24: {  	s29 =	sadd.s32 s28, s8  }
0x25: {  	[tilespmem:s14], [sflag:$0x1] =	stream.linear.gather [hbm4b:s29+s2], $0x2800, $0x38;
	[tilespmem:$0xEE00] =	vst v63  }
0x26: {  	_ =	swait.ge [sflag:s11], $0x2800  }
0x27: {  	[sflag:s11] =	ssyncset.done $0x0  }
0x28: {  	[sflag:s11] =	ssyncadd.s32 $0xFFFFD800  }
0x29: {  	v20 =	vld [tilespmem:s26+$0xFFFFFFE0];
	_ =	sdelay $0x4  }
0x2a: {  	v21 =	vld.idx.msk [tilespmem:v0+s14+$0x0], $0xffff;
	v20 =	vshll.u32 v20, $0x2;
	_ =	sdelay $0x4  }
0x2b: {  	[tilespmem:v20+s12+$0x0] =	vst.idx.add.f32.msk $0xffff, v21  }
0x2c: {  	v22 =	vor.u32 $0x1, v20;
	v21 =	vld.idx.msk [tilespmem:v1+s14+$0x0], $0xffff;
	_ =	sdelay $0x4  }
0x2d: {  	[tilespmem:v22+s12+$0x0] =	vst.idx.add.f32.msk $0xffff, v21  }
0x2e: {  	v55 =	vor.u32 $0x2, v20;
	v21 =	vld.idx.msk [tilespmem:v2+s14+$0x0], $0xffff;
	_ =	sdelay $0x4  }
0x2f: {  	[tilespmem:v55+s12+$0x0] =	vst.idx.add.f32.msk $0xffff, v21  }
0x30: {  	v20 =	vor.u32 $0x3, v20;
	v21 =	vld.idx.msk [tilespmem:v3+s14+$0x0], $0xffff;
	_ =	sdelay $0x4  }
0x31: {  	[tilespmem:v20+s12+$0x0] =	vst.idx.add.f32.msk $0xffff, v21  }
0x32: {  	v20 =	vld [tilespmem:s26+$0xFFFFFFF0];
	_ =	sdelay $0x4  }
0x33: {  	v21 =	vld.idx.msk [tilespmem:v4+s14+$0x0], $0xffff;
	v20 =	vshll.u32 v20, $0x2;
	_ =	sdelay $0x4  }
0x34: {  	[tilespmem:v20+s12+$0x0] =	vst.idx.add.f32.msk $0xffff, v21  }
0x35: {  	v56 =	vor.u32 $0x1, v20;
	v21 =	vld.idx.msk [tilespmem:v5+s14+$0x0], $0xffff;
	_ =	sdelay $0x4  }
0x36: {  	[tilespmem:v56+s12+$0x0] =	vst.idx.add.f32.msk $0xffff, v21  }
0x37: {  	v57 =	vor.u32 $0x2, v20;
	v21 =	vld.idx.msk [tilespmem:v6+s14+$0x0], $0xffff;
	_ =	sdelay $0x4  }
0x38: {  	[tilespmem:v57+s12+$0x0] =	vst.idx.add.f32.msk $0xffff, v21  }
0x39: {  	v20 =	vor.u32 $0x3, v20;
	v21 =	vld.idx.msk [tilespmem:v7+s14+$0x0], $0xffff;
	_ =	sdelay $0x4  }
0x3a: {  	[tilespmem:v20+s12+$0x0] =	vst.idx.add.f32.msk $0xffff, v21  }
0x3b: {  	v20 =	vld [tilespmem:s26+$0x0];
	_ =	sdelay $0x4  }
0x3c: {  	v21 =	vld.idx.msk [tilespmem:v8+s14+$0x0], $0xffff;
	v20 =	vshll.u32 v20, $0x2;
	_ =	sdelay $0x4  }
0x3d: {  	[tilespmem:v20+s12+$0x0] =	vst.idx.add.f32.msk $0xffff, v21  }
0x3e: {  	v58 =	vor.u32 $0x1, v20;
	v21 =	vld.idx.msk [tilespmem:v9+s14+$0x0], $0xffff;
	_ =	sdelay $0x4  }
0x3f: {  	[tilespmem:v58+s12+$0x0] =	vst.idx.add.f32.msk $0xffff, v21  }
0x40: {  	v59 =	vor.u32 $0x2, v20;
	v21 =	vld.idx.msk [tilespmem:v10+s14+$0x0], $0xffff;
	_ =	sdelay $0x4  }
0x41: {  	[tilespmem:v59+s12+$0x0] =	vst.idx.add.f32.msk $0xffff, v21  }
0x42: {  	v20 =	vor.u32 $0x3, v20;
	v21 =	vld.idx.msk [tilespmem:v11+s14+$0x0], $0xffff;
	_ =	sdelay $0x4  }
0x43: {  	[tilespmem:v20+s12+$0x0] =	vst.idx.add.f32.msk $0xffff, v21  }
0x44: {  	v20 =	vld [tilespmem:s26+$0x10];
	_ =	sdelay $0x4  }
0x45: {  	v21 =	vld.idx.msk [tilespmem:v12+s14+$0x0], $0xffff;
	v20 =	vshll.u32 v20, $0x2;
	_ =	sdelay $0x4  }
0x46: {  	[tilespmem:v20+s12+$0x0] =	vst.idx.add.f32.msk $0xffff, v21  }
0x47: {  	v60 =	vor.u32 $0x1, v20;
	v21 =	vld.idx.msk [tilespmem:v13+s14+$0x0], $0xffff;
	_ =	sdelay $0x4  }
0x48: {  	[tilespmem:v60+s12+$0x0] =	vst.idx.add.f32.msk $0xffff, v21  }
0x49: {  	v61 =	vor.u32 $0x2, v20;
	v21 =	vld.idx.msk [tilespmem:v14+s14+$0x0], $0xffff;
	_ =	sdelay $0x4  }
0x4a: {  	[tilespmem:v61+s12+$0x0] =	vst.idx.add.f32.msk $0xffff, v21  }
0x4b: {  	v20 =	vor.u32 $0x3, v20;
	v21 =	vld.idx.msk [tilespmem:v15+s14+$0x0], $0xffff;
	_ =	sdelay $0x4  }
0x4c: {  	[tilespmem:v20+s12+$0x0] =	vst.idx.add.f32.msk $0xffff, v21  }
0x4d: {  	v20 =	vld [tilespmem:s26+$0x20];
	_ =	sdelay $0x4  }
0x4e: {  	v21 =	vld.idx.msk [tilespmem:v16+s14+$0x0], $0xffff;
	v20 =	vshll.u32 v20, $0x2;
	_ =	sdelay $0x4  }
0x4f: {  	[tilespmem:v20+s12+$0x0] =	vst.idx.add.f32.msk $0xffff, v21  }
0x50: {  	v62 =	vor.u32 $0x1, v20;
	v21 =	vld.idx.msk [tilespmem:v17+s14+$0x0], $0xffff;
	_ =	sdelay $0x4  }
0x51: {  	[tilespmem:v62+s12+$0x0] =	vst.idx.add.f32.msk $0xffff, v21  }
0x52: {  	v63 =	vor.u32 $0x2, v20;
	v21 =	vld.idx.msk [tilespmem:v18+s14+$0x0], $0xffff;
	_ =	sdelay $0x4  }
0x53: {  	[tilespmem:v63+s12+$0x0] =	vst.idx.add.f32.msk $0xffff, v21  }
0x54: {  	p2 =	sne.s32 s28, $0xC800;
	v20 =	vor.u32 $0x3, v20;
	v21 =	vld.idx.msk [tilespmem:v19+s14+$0x0], $0xffff  }
.Ltmp0:
0x55: {  	_ = 	snop;
	(pc) =	sbr.rel @p2 .LBB2_2-.Ltmp0, $2  }
0x56: {  	_ =	sdelay $0x2  }
0x57: {  	s28 =	sadd.s32 $0x500, s28;
	s26 =	sadd.s32 $0x80, s26;
	[tilespmem:v20+s12+$0x0] =	vst.idx.add.f32.msk $0xffff, v21  }
0x58: {  	[spmem:s1] =	stream.indirect.scatter.add.f32 [tilespmem:s12], [sflag:$0x1], $0x80, s13, s15, $0xb8;
	[tilespmem:$0xEE00] =	vst v63  }
0x59: {  	_ =	swait.ge [sflag:s11], $0x2000  }
0x5a: {  	[sflag:s11] =	ssyncset.done $0x0  }
0x5b: {  	[sflag:s11] =	ssyncadd.s32 $0xFFFFE000  }
0x5c: {  	[spmem:s1] =	stream.indirect.scatter.add.f32 [tilespmem:s17], [sflag:$0x1], $0x80, s16, s15, $0xb8;
	[tilespmem:$0xEE00] =	vst v63  }
0x5d: {  	_ =	swait.ge [sflag:s11], $0x2000  }
0x5e: {  	[sflag:s11] =	ssyncset.done $0x0  }
0x5f: {  	[sflag:s11] =	ssyncadd.s32 $0xFFFFE000  }
0x60: {  	[spmem:s1] =	stream.indirect.scatter.add.f32 [tilespmem:s19], [sflag:$0x1], $0x80, s18, s15, $0xb8;
	[tilespmem:$0xEE00] =	vst v63  }
0x61: {  	_ =	swait.ge [sflag:s11], $0x2000  }
0x62: {  	[sflag:s11] =	ssyncset.done $0x0  }
0x63: {  	[sflag:s11] =	ssyncadd.s32 $0xFFFFE000  }
0x64: {  	[spmem:s1] =	stream.indirect.scatter.add.f32 [tilespmem:s21], [sflag:$0x1], $0x80, s20, s15, $0xb8;
	[tilespmem:$0xEE00] =	vst v63  }
0x65: {  	_ =	swait.ge [sflag:s11], $0x2000  }
0x66: {  	[sflag:s11] =	ssyncset.done $0x0  }
0x67: {  	[sflag:s11] =	ssyncadd.s32 $0xFFFFE000  }
0x68: {  	[spmem:s1] =	stream.indirect.scatter.add.f32 [tilespmem:s23], [sflag:$0x1], $0x80, s22, s15, $0xb8;
	[tilespmem:$0xEE00] =	vst v63  }
0x69: {  	_ =	swait.ge [sflag:s11], $0x2000  }
0x6a: {  	[sflag:s11] =	ssyncset.done $0x0  }
0x6b: {  	s25 =	sadd.s32 $0x1, s25;
	[sflag:s11] =	ssyncadd.s32 $0xFFFFE000  }
0x6c: {  	s26 =	simm.s32 @!p1 $0x1C01;
	p2 =	sne.s32 s25, s7;
	[bflag:$0x0] =	sbarrier.arrive $0xFFFF  }
0x6d: {  	[hbm:s6], [sflag:s26] =	dma.local @!p1 [spmem:s24], $0x1400  }
.Ltmp1:
0x6e: {  	_ = 	snop;
	(pc) =	sbr.rel @p2 .LBB2_1-.Ltmp1, $4  }
0x6f: {  	s26 =	simm.s32 @!p1 $0x1  }
0x70: {  	_ =	swait.ge @!p1 [sflag:s26], $0x1400  }
0x71: {  	[sflag:s26] =	ssyncset.done @!p1 $0x0  }
0x72: {  	[sflag:s26] =	ssyncadd.s32 @!p1 $0xFFFFEC00  }
0x73: {  	_ =	sfence.sel $0x180000  }
0x74: {  	[bflag:$0x0] =	sbarrier.arrive $0xFFFF  }
0x75: {  	_ =	strace $0x90000053  }
0x76: {  	s0 =	sadd.s32 @!p1 $0x100000, s0;
	[bflag:$0x2] =	sbarrier.arrive $0xFFFF  }
0x77: {  	[sflag:s0] =	ssyncadd.tile.s32 @!p1 $0x1;
	_ =	shalt  }
.Lfunc_end2:
_tile_overlayer_lowered:
.L_overlay_start_2:
0x78: {  	(tag) =	ssettag $0x2  }
0x79: {  	s0 =	rddreg [dreg:$0x0];
	s2 =	stileid.u32  }
0x7a: {  	s1 =	rddreg [dreg:$0x1];
	p0 =	sne.s32 s2, $0x0  }
0x7b: {  	s3 =	rddreg [dreg:$0x2];
	[bflag:$0x3] =	sbarrier.arrive $0xFFFF;
	s2 =	simm.s32 @!p0 $0x1C01  }
0x7c: {  	[timem:s3], [sflag:s2] =	dma.local @!p0 [hbm:s0], s1  }
0x7d: {  	s0 =	simm.s32 @!p0 $0x1  }
0x7e: {  	_ =	swait.ge @!p0 [sflag:s0], s1  }
0x7f: {  	s1 =	ssub.s32 @!p0 $0x0, s1;
	[sflag:s0] =	ssyncset.done @!p0 $0x0  }
0x80: {  	[sflag:s0] =	ssyncadd.s32 @!p0 s1  }
0x81: {  	[bflag:$0x3] =	sbarrier.arrive $0xFFFF  }
0x82: {  	_ =	shalt  }

// kernel: kernel.33.cloned.1.call-start
scs
__scs_entry_jumppad:
0x0: {  	(pc) =	sbr.rel $0x88, $3  }
0x1: {  	(tag) =	ssettag $0x0;
	lr =	simm.s32 $0x1  }
0x2: {  	[smem:$0x3F94] =	sst lr;
	_ =	strace $0xD0000000  }
0x3: {  	_ = 	snop  }
0x4: {  	_ = 	snop  }
0x5: {  	_ = 	snop  }
0x6: {  	_ = 	snop  }
0x7: {  	_ = 	snop  }
__scs_overlays_trampoline_lowered:
0x8: {  	[smem:$0x3FA3] =	sst s0  }
0x9: {  	[smem:$0x3FA4] =	sst s1  }
0xa: {  	[smem:$0x3FA5] =	sst s2  }
0xb: {  	[smem:$0x3FA6] =	sst s3  }
0xc: {  	[smem:$0x3FA7] =	sst s4  }
0xd: {  	[smem:$0x3FA8] =	sst s5  }
0xe: {  	[smem:$0x3FA9] =	sst s6  }
0xf: {  	[smem:$0x3FAA] =	sst s7  }
0x10: {  	[smem:$0x3FAB] =	sst s8  }
0x11: {  	[smem:$0x3FAC] =	sst s9;
	s0 =	simm.s32 @!p0 $0x0  }
0x12: {  	s1 =	sld [smem:$0x3F92];
	s0 =	simm.s32 @p0 $0x1  }
0x13: {  	[smem:$0x3FAD] =	sst s0;
	s0 =	simm.s32 @!p1 $0x0  }
0x14: {  	s2 =	sld [smem:$0x3F91];
	s0 =	simm.s32 @p1 $0x1  }
0x15: {  	[smem:$0x3FAE] =	sst s0;
	s0 =	simm.s32 @!p2 $0x0  }
0x16: {  	s3 =	sld [smem:$0x3FDB];
	s0 =	simm.s32 @p2 $0x1  }
0x17: {  	s4 =	simm.s32 $0x1BF5;
	[smem:$0x3FB0] =	sst s0  }
0x18: {  	s0 =	sld [smem:$0x3F93];
	_ =	swait.ge [sflag:s4], $0x0  }
0x19: {  	s7 =	sld [smem:$0x3F94]  }
0x1a: {  	s8 =	sadd.s32 $0xFFFFE003, lr  }
0x1b: {  	s9 =	sadd.s32 $0xFFFFFEF7, lr;
	s5 =	simm.s32 $0xFFFFFFFF;
	p2 =	slt.u32 s8, $0xFFFFF086  }
0x1c: {  	p1 =	slt.u32 s9, $0xF7A;
	s5 =	simm.s32 @!p2 $0x0  }
0x1d: {  	s5 =	simm.s32 @p1 $0x1;
	p0 =	seq.s32 s7, s2  }
0x1e: {  	s7 =	smul.u32 @!p0 $0xF7A, s2;
	p2 =	seq.s32 @!p0 s5, $0x0  }
0x1f: {  	s9 =	smul.u32 $0xF7A, s1;
	s8 =	simm.s32 @!p0 $0x1BF5;
	p2 =	por !p2, p0  }
0x20: {  	[sflag:s8] =	ssyncset.s32 @!p0 $0xFFFFF086;
	s6 =	sadd.s32 @!p0 s3, s7;
	s7 =	simm.s32 @!p0 $0x108  }
0x21: {  	s3 =	sadd.s32 s3, s9;
	s6 =	sadd.s32 @!p0 $0x88, s6;
	s7 =	simm.s32 @p2 $0x1082  }
0x22: {  	[simem:s7], [sflag:s8] =	dma.local @!p0 [hbm:s6], $0xF7A  }
0x23: {  	s9 =	sor.u32 $0xD0000000, s2;
	s6 =	simm.s32 $0x108;
	_ =	swait.ge @!p0 [sflag:s8], $0x0  }
0x24: {  	s3 =	sadd.s32 $0x88, s3;
	s6 =	simm.s32 @!p1 $0x1082;
	[sflag:s4] =	ssyncset.s32 $0xFFFFF086  }
0x25: {  	[simem:s6], [sflag:s4] =	dma.local [hbm:s3], $0xF7A  }
0x26: {  	[smem:$0x3F94] =	sst s1;
	(tag) =	ssettag s2;
	_ =	strace s9  }
0x27: {  	s1 =	sld [smem:$0x3FA4]  }
0x28: {  	s2 =	sld [smem:$0x3FA5]  }
0x29: {  	s4 =	sld [smem:$0x3FA7]  }
0x2a: {  	p0 =	seq.s32 s5, $0x0;
	s5 =	sld [smem:$0x3FA8]  }
0x2b: {  	s6 =	sld [smem:$0x3FA9]  }
0x2c: {  	s7 =	sld [smem:$0x3FAA]  }
0x2d: {  	s3 =	simm.s32 $0x108;
	s8 =	sld [smem:$0x3FAB]  }
0x2e: {  	s3 =	simm.s32 @!p0 $0x1082;
	s9 =	sld [smem:$0x3FAC]  }
0x2f: {  	lr =	sadd.s32 s0, s3;
	s0 =	sld [smem:$0x3FA3]  }
0x30: {  	s3 =	sld [smem:$0x3FA6]  }
0x31: {  	[smem:$0x3FAF] =	sst s10  }
0x32: {  	s10 =	sld [smem:$0x3FAD];
	_ =	sdelay $0x3  }
0x33: {  	p0 =	seq.s32 s10, $0x1;
	s10 =	sld [smem:$0x3FAF];
	_ =	sdelay $0x3  }
0x34: {  	[smem:$0x3FAF] =	sst s10  }
0x35: {  	s10 =	sld [smem:$0x3FAE];
	_ =	sdelay $0x3  }
0x36: {  	p1 =	seq.s32 s10, $0x1;
	s10 =	sld [smem:$0x3FAF];
	_ =	sdelay $0x3  }
0x37: {  	[smem:$0x3FAF] =	sst s10  }
0x38: {  	s10 =	sld [smem:$0x3FB0]  }
0x39: {  	_ = 	snop;
	(pc) =	sbr.ind lr, $3  }
0x3a: {  	_ = 	snop  }
0x3b: {  	_ = 	snop  }
0x3c: {  	p2 =	seq.s32 s10, $0x1;
	s10 =	sld [smem:$0x3FAF]  }
0x3d: {  	_ =	shalt  }
0x3e: {  	_ =	shalt  }
0x3f: {  	_ =	shalt  }
0x40: {  	_ =	shalt  }
0x41: {  	_ =	shalt  }
0x42: {  	_ =	shalt  }
0x43: {  	_ =	shalt  }
0x44: {  	_ =	shalt  }
0x45: {  	_ =	shalt  }
0x46: {  	_ =	shalt  }
0x47: {  	_ =	shalt  }
0x48: {  	_ =	shalt  }
0x49: {  	_ =	shalt  }
0x4a: {  	_ =	shalt  }
0x4b: {  	_ =	shalt  }
0x4c: {  	_ =	shalt  }
0x4d: {  	_ =	shalt  }
0x4e: {  	_ =	shalt  }
0x4f: {  	_ =	shalt  }
0x50: {  	_ =	shalt  }
0x51: {  	_ =	shalt  }
0x52: {  	_ =	shalt  }
0x53: {  	_ =	shalt  }
0x54: {  	_ =	shalt  }
0x55: {  	_ =	shalt  }
0x56: {  	_ =	shalt  }
0x57: {  	_ =	shalt  }
0x58: {  	_ =	shalt  }
0x59: {  	_ =	shalt  }
0x5a: {  	_ =	shalt  }
0x5b: {  	_ =	shalt  }
0x5c: {  	_ =	shalt  }
0x5d: {  	_ =	shalt  }
0x5e: {  	_ =	shalt  }
0x5f: {  	_ =	shalt  }
0x60: {  	_ =	shalt  }
0x61: {  	_ =	shalt  }
0x62: {  	_ =	shalt  }
0x63: {  	_ =	shalt  }
0x64: {  	_ =	shalt  }
0x65: {  	_ =	shalt  }
0x66: {  	_ =	shalt  }
0x67: {  	_ =	shalt  }
0x68: {  	_ =	shalt  }
0x69: {  	_ =	shalt  }
0x6a: {  	_ =	shalt  }
0x6b: {  	_ =	shalt  }
0x6c: {  	_ =	shalt  }
0x6d: {  	_ =	shalt  }
0x6e: {  	_ =	shalt  }
0x6f: {  	_ =	shalt  }
0x70: {  	_ =	shalt  }
0x71: {  	_ =	shalt  }
0x72: {  	_ =	shalt  }
0x73: {  	_ =	shalt  }
0x74: {  	_ =	shalt  }
0x75: {  	_ =	shalt  }
0x76: {  	_ =	shalt  }
0x77: {  	_ =	shalt  }
0x78: {  	_ =	shalt  }
0x79: {  	_ =	shalt  }
0x7a: {  	_ =	shalt  }
0x7b: {  	_ =	shalt  }
0x7c: {  	_ =	shalt  }
0x7d: {  	_ =	shalt  }
0x7e: {  	_ =	shalt  }
0x7f: {  	_ =	shalt  }
0x80: {  	_ =	shalt  }
0x81: {  	_ =	shalt  }
0x82: {  	_ =	shalt  }
0x83: {  	_ =	shalt  }
0x84: {  	_ =	shalt  }
0x85: {  	_ =	shalt  }
0x86: {  	_ =	shalt  }
0x87: {  	_ =	shalt  }
.Lfunc_end0:
.L_simem_size_0:
called_computation.6_lowered:
.L_overlay_start_0:
0x88: {  	s2 =	sld [smem:$0x3FD9]  }
0x89: {  	s3 =	sld [smem:$0x3FFE];
	_ =	sdelay $0x1  }
0x8a: {  	s1 =	srdreg.scid  }
0x8b: {  	s0 =	sand.u32 $0x1, s1  }
0x8c: {  	s17 =	sshll.u32 s0, $0xA;
	s2 =	sadd.s32 s3, s2  }
0x8d: {  	s2 =	sadd.s32 s2, s17  }
0x8e: {  	[smem:$0x3FBB] =	sst s2  }
0x8f: {  	_ = 	snop  }
0x90: {  	s18 =	sld [smem:$0x3FC5]  }
0x91: {  	s4 =	sld [smem:$0x3FD0];
	(tm) =	ssettm $0x1  }
0x92: {  	s19 =	sld [smem:$0x3FFB];
	_ =	sdelay $0x3  }
0x93: {  	_ =	strace s19  }
0x94: {  	s2 =	sld [smem:$0x3FFC];
	_ =	sdelay $0x3  }
0x95: {  	_ =	strace s2  }
0x96: {  	s2 =	sld [smem:$0x3FFD];
	_ =	sdelay $0x3  }
0x97: {  	_ =	strace s2  }
0x98: {  	_ =	strace $0x8FFFFFFF  }
0x99: {  	s20 =	sld [smem:$0x3FDB];
	_ =	sdelay $0x1  }
0x9a: {  	s5 =	simm.s32 $_scs_section_size  }
0x9b: {  	s6 =	simm.s32 $_size__tile_overlayer_lowered;
	s7 =	simm.s32 $_tile_overlayer_lowered  }
0x9c: {  	s8 =	simm.s32 $0x1BFF;
	s21 =	sshll.u32 s7, $0x1;
	s5 =	sadd.s32 s5, s20  }
0x9d: {  	s22 =	simm.s32 $0x0;
	s6 =	sshll.u32 s6, $0x1;
	s7 =	sadd.s32 s21, s5  }
0x9e: {  	[timem:s22], [sflag:s8] =	dma.local [hbm:s7], s6  }
0x9f: {  	_ =	swait.ge [sflag:s8], s6  }
0xa0: {  	s6 =	ssub.s32 $0x0, s6;
	[sflag:s8] =	ssyncset.done $0x0  }
0xa1: {  	[sflag:s8] =	ssyncadd.s32 s6;
	_ =	sdelay $0x1  }
0xa2: {  	s23 =	simm.s32 $0x1B8B  }
0xa3: {  	_ =	swait.ge [sflag:s23], $0x1  }
0xa4: {  	[sflag:s23] =	ssyncset.done $0x0  }
0xa5: {  	[sflag:s23] =	ssyncadd.s32 $0xFFFFFFFF  }
0xa6: {  	s6 =	sld [smem:$0x0]  }
0xa7: {  	s7 =	sand.u32 $0xFFFFFFFE, s1  }
0xa8: {  	p0 =	sne.s32 s1, s7  }
0xa9: {  	s7 =	sshll.u32 @p0 s7, $0xE  }
0xaa: {  	s7 =	sadd.s32 @p0 $0x11B8D, s7;
	s8 =	sshll.u32 @p0 s6, $0x11  }
0xab: {  	s7 =	sor.u32 @p0 s8, s7  }
0xac: {  	[sflag:s7] =	ssyncadd.remote.s32 @p0 $0x1;
	_ =	sdelay $0x1  }
0xad: {  	s7 =	simm.s32 @p0 $0x1B8D  }
0xae: {  	_ =	swait.eq @p0 [sflag:s7], $0x1  }
0xaf: {  	[sflag:s7] =	ssyncadd.s32 @p0 $0xFFFFFFFF  }
0xb0: {  	s8 =	sshll.u32 @!p0 s1, $0xE  }
0xb1: {  	s8 =	sor.u32 @!p0 $0x4000, s8;
	s7 =	simm.s32 @!p0 $0x1B8D  }
0xb2: {  	s6 =	sshll.u32 @!p0 s6, $0x11;
	s8 =	sadd.s32 @!p0 $0x11B8D, s8;
	_ =	swait.eq @!p0 [sflag:s7], $0x1  }
0xb3: {  	s6 =	sor.u32 @!p0 s6, s8;
	[sflag:s7] =	ssyncadd.s32 @!p0 $0xFFFFFFFF  }
0xb4: {  	s25 =	simm.s32 $0x1B8E;
	s24 =	sld [smem:$0x3FFE];
	[sflag:s6] =	ssyncadd.remote.s32 @!p0 $0x1  }
0xb5: {  	s26 =	simm.s32 $execute0_lowered;
	[smem:$0x3FD2] =	sst s25  }
0xb6: {  	s7 =	sshll.u32 s26, $0x1;
	_ =	strace $0x8000004C;
	[dreg:$0x1] =	wrdreg $0xFFFFFFFF  }
0xb7: {  	s28 =	simm.s32 $_size_execute0_lowered;
	s5 =	sadd.s32 s5, s7;
	[dreg:$0x0] =	wrdreg $0x0  }
0xb8: {  	s7 =	sshll.u32 s28, $0x1;
	[dreg:$0x2] =	wrdreg s5  }
0xb9: {  	[dreg:$0x3] =	wrdreg s7  }
0xba: {  	[dreg:$0x4] =	wrdreg $0xC0  }
0xbb: {  	_ =	task [dreg:s22], $0x5FFFF  }
0xbc: {  	[dreg:$0x1] =	wrdreg $0xFFFFFFFF  }
0xbd: {  	[dreg:$0x0] =	wrdreg $0x60  }
0xbe: {  	[dreg:$0x2] =	wrdreg s18  }
0xbf: {  	[dreg:$0x3] =	wrdreg s4  }
0xc0: {  	[dreg:$0x4] =	wrdreg s24  }
0xc1: {  	[dreg:$0x5] =	wrdreg $0xB  }
0xc2: {  	_ =	task.clear_ibuf [dreg:s22], $0x6FFFF;
	_ =	strace $0x9000004C  }
0xc3: {  	s29 =	simm.s32 $0xB;
	_ =	strace $0x8000004E  }
0xc4: {  	_ =	swait.ge [sflag:s29], $0x1  }
0xc5: {  	[sflag:s29] =	ssyncadd.s32 $0xFFFFFFFF  }
0xc6: {  	_ =	strace $0x9000004E  }
0xc7: {  	_ =	sfence  }
0xc8: {  	s30 =	sld [smem:$0x0];
	_ =	sdelay $0x2  }
0xc9: {  	s31 =	sshll.u32 s1, $0xD;
	s1 =	sshrl.u32 s1, $0x2  }
0xca: {  	s4 =	sand.u32 $0x4000, s31;
	s1 =	sadd.s32 s1, s30  }
0xcb: {  	s0 =	sor.u32 s4, s0;
	s1 =	sshll.u32 s1, $0x11  }
0xcc: {  	s0 =	sor.u32 s1, s0  }
0xcd: {  	s0 =	sadd.s32 $0x8F2B, s0  }
0xce: {  	[sflag:s0] =	ssyncadd.remote.s32 $0x1  }
0xcf: {  	_ =	sfence.sel $0xFFFF  }
0xd0: {  	[dreg:$0x0] =	wrdreg $0xFFFFFFFF;
	(pc) =	sbr.abs _section_cstart, $3  }
0xd1: {  	[dreg:$0x1] =	wrdreg $0xFFFFFFFF  }
0xd2: {  	_ =	task.clear_ibuf [dreg:s22], $0x2FFFF;
	_ =	strace $0x9FFFFFFF  }
0xd3: {  	(tm) =	ssettm $0x7FFFFFFF  }
tec
execute0_lowered:
.L_overlay_start_1:
0x0: {  	(tag) =	ssettag $0x1  }
0x1: {  	s0 =	rddreg [dreg:$0x0]  }
0x2: {  	s1 =	srdreg.scid;
	s4 =	rddreg [dreg:$0x1]  }
0x3: {  	s6 =	rddreg [dreg:$0x2];
	s2 =	stileid.u32;
	s3 =	simm.s32 $0x0  }
0x4: {  	s14 =	simm.s32 $0x3000;
	s15 =	simm.s32 $0x8000;
	s16 =	simm.s32 $0x5800  }
0x5: {  	s17 =	simm.s32 $0xA800;
	s18 =	simm.s32 $0x1;
	s19 =	simm.s32 $0x3  }
0x6: {  	s20 =	simm.s32 $0x2;
	s5 =	sand.u32 $0x1, s1;
	s1 =	rddreg [dreg:$0x3]  }
0x7: {  	s21 =	simm.s32 $0x4;
	s22 =	simm.s32 $0x0;
	[smem:$0x7FF] =	sst s3  }
0x8: {  	s11 =	sadd.s32 $0x68C800, s6;
	s30 =	smul.u32 $0xD700, s2;
	s7 =	sshll.u32 s5, $0x4  }
0x9: {  	s9 =	ssub.s32 $0x2, s5;
	s29 =	smul.u32 $0xD7000, s5;
	s7 =	sor.u32 s2, s7  }
0xa: {  	s13 =	sadd.s32 $0x83A800, s6;
	s12 =	sshrl.u32 s9, $0x1;
	s8 =	smul.u32 $0x300, s7  }
0xb: {  	_ =	strace $0x8000004D;
	s7 =	smul.u32 $0x6B800, s7;
	s9 =	ssub.s32 s9, s12  }
0xc: {  	s31 =	sadd.s32 s29, s13;
	s12 =	simm.s32 $0x1800;
	s10 =	sadd.s32 s8, s6  }
0xd: {  	s28 =	sshrl.u32 s7, $0x3;
	s4 =	sadd.s32 s4, s8;
	s8 =	smax.u32 s9, $0x1  }
0xe: {  	s7 =	sadd.s32 $0xD200, s28;
	s5 =	sadd.s32 $0x686800, s10;
	s10 =	sadd.s32 s30, s31  }
0xf: {  	s6 =	sadd.s32 s11, s7;
	s7 =	sadd.s32 s13, s7;
	s11 =	sadd.s32 s29, s11  }
0x10: {  	s13 =	simm.s32 $0x50;
	s9 =	sadd.s32 s30, s11;
	s11 =	simm.s32 $0x5  }
.LBB2_1:
0x11: {  	[tilespmem:s3], [sflag:$0x5] =	stream.linear.gather [hbm4b:s4+s3], $0x1580, $0x38;
	[tilespmem:$0xD000] =	vst v63  }
0x12: {  	_ =	swait.ge [sflag:s11], $0x1580  }
0x13: {  	[sflag:s11] =	ssyncset.done $0x0  }
0x14: {  	[sflag:s11] =	ssyncadd.s32 $0xFFFFEA80  }
0x15: {  	[tilespmem:s12], [sflag:$0x5] =	stream.linear.gather [hbm4b:s5+s3], $0x1580, $0x38;
	[tilespmem:$0xD000] =	vst v63  }
0x16: {  	_ =	swait.ge [sflag:s11], $0x1580  }
0x17: {  	[sflag:s11] =	ssyncset.done $0x0  }
0x18: {  	[sflag:s11] =	ssyncadd.s32 $0xFFFFEA80  }
0x19: {  	[tilespmem:s14], [sflag:$0x1] =	stream.indirect.gather [hbm4b:s0+s13], $0x80, s3, s13, $0xb8;
	[tilespmem:$0xD000] =	vst v63  }
0x1a: {  	_ = 	snop  }
0x1b: {  	[tilespmem:s15], [sflag:$0x3] =	stream.indirect.gather [hbm4b:s0+s13], $0x80, s12, s13, $0xb8;
	[tilespmem:$0xD000] =	vst v63  }
0x1c: {  	s23 =	simm.s32 $0x80  }
0x1d: {  	[tilespmem:s16], [sflag:$0x2] =	stream.indirect.gather [hbm4b:s0+s13], $0x80, s23, s13, $0xb8;
	[tilespmem:$0xD000] =	vst v63  }
0x1e: {  	s24 =	simm.s32 $0x1880  }
0x1f: {  	[tilespmem:s17], [sflag:$0x4] =	stream.indirect.gather [hbm4b:s0+s13], $0x80, s24, s13, $0xb8;
	[tilespmem:$0xD000] =	vst v63  }
0x20: {  	_ =	swait.ge [sflag:s18], $0x2800  }
0x21: {  	[sflag:s18] =	ssyncset.done $0x0  }
0x22: {  	s25 =	sadd.s32 $0x0, s9;
	[sflag:s18] =	ssyncadd.s32 $0xFFFFD800  }
0x23: {  	[hbm4b:s25+s3] =	stream.linear.scatter [tilespmem:s14], [sflag:$0x5], $0x2800, $0x38;
	[tilespmem:$0xD000] =	vst v63  }
0x24: {  	_ =	swait.ge [sflag:s11], $0x2800  }
0x25: {  	[sflag:s11] =	ssyncset.done $0x0  }
0x26: {  	[sflag:s11] =	ssyncadd.s32 $0xFFFFD800  }
0x27: {  	_ =	swait.ge [sflag:s19], $0x2800  }
0x28: {  	[sflag:s19] =	ssyncset.done $0x0  }
0x29: {  	s26 =	sadd.s32 $0x0, s10;
	[sflag:s19] =	ssyncadd.s32 $0xFFFFD800  }
0x2a: {  	[hbm4b:s26+s3] =	stream.linear.scatter [tilespmem:s15], [sflag:$0x5], $0x2800, $0x38;
	[tilespmem:$0xD000] =	vst v63  }
0x2b: {  	_ =	swait.ge [sflag:s11], $0x2800  }
0x2c: {  	[sflag:s11] =	ssyncset.done $0x0  }
0x2d: {  	s28 =	simm.s32 $0x100;
	[sflag:s11] =	ssyncadd.s32 $0xFFFFD800  }
0x2e: {  	[tilespmem:s14], [sflag:$0x1] =	stream.indirect.gather [hbm4b:s0+s13], $0x80, s28, s13, $0xb8;
	[tilespmem:$0xD000] =	vst v63  }
0x2f: {  	s30 =	simm.s32 $0x1900  }
0x30: {  	[tilespmem:s15], [sflag:$0x3] =	stream.indirect.gather [hbm4b:s0+s13], $0x80, s30, s13, $0xb8;
	[tilespmem:$0xD000] =	vst v63  }
0x31: {  	_ =	swait.ge [sflag:s20], $0x2800  }
0x32: {  	[sflag:s20] =	ssyncset.done $0x0  }
0x33: {  	s25 =	sadd.s32 $0x500, s25;
	[sflag:s20] =	ssyncadd.s32 $0xFFFFD800  }
0x34: {  	[hbm4b:s25+s3] =	stream.linear.scatter [tilespmem:s16], [sflag:$0x5], $0x2800, $0x38;
	[tilespmem:$0xD000] =	vst v63  }
0x35: {  	_ =	swait.ge [sflag:s11], $0x2800  }
0x36: {  	[sflag:s11] =	ssyncset.done $0x0  }
0x37: {  	[sflag:s11] =	ssyncadd.s32 $0xFFFFD800  }
0x38: {  	_ =	swait.ge [sflag:s21], $0x2800  }
0x39: {  	[sflag:s21] =	ssyncset.done $0x0  }
0x3a: {  	s31 =	sadd.s32 $0x500, s26;
	[sflag:s21] =	ssyncadd.s32 $0xFFFFD800  }
0x3b: {  	[hbm4b:s31+s3] =	stream.linear.scatter [tilespmem:s17], [sflag:$0x5], $0x2800, $0x38;
	[tilespmem:$0xD000] =	vst v63  }
0x3c: {  	_ =	swait.ge [sflag:s11], $0x2800  }
0x3d: {  	s25 =	simm.s32 $0xA00;
	[sflag:s11] =	ssyncset.done $0x0  }
.LBB2_2:
0x3e: {  	[sflag:s11] =	ssyncadd.s32 $0xFFFFD800;
	s24 =	sadd.s32 $0x100, s24;
	s23 =	sadd.s32 $0x100, s23  }
0x3f: {  	[tilespmem:s16], [sflag:$0x2] =	stream.indirect.gather [hbm4b:s0+s13], $0x80, s23, s13, $0xb8;
	[tilespmem:$0xD000] =	vst v63  }
0x40: {  	p0 =	sne.s32 s25, $0xC800;
	s26 =	smov.u32 s25;
	s25 =	sadd.s32 $0xA00, s25  }
0x41: {  	[tilespmem:s17], [sflag:$0x4] =	stream.indirect.gather [hbm4b:s0+s13], $0x80, s24, s13, $0xb8;
	[tilespmem:$0xD000] =	vst v63  }
0x42: {  	_ =	swait.ge [sflag:s18], $0x2800  }
0x43: {  	[sflag:s18] =	ssyncset.done $0x0  }
0x44: {  	s28 =	sadd.s32 s26, s9;
	[sflag:s18] =	ssyncadd.s32 $0xFFFFD800  }
0x45: {  	[hbm4b:s28+s3] =	stream.linear.scatter [tilespmem:s14], [sflag:$0x5], $0x2800, $0x38;
	[tilespmem:$0xD000] =	vst v63  }
0x46: {  	_ =	swait.ge [sflag:s11], $0x2800  }
0x47: {  	[sflag:s11] =	ssyncset.done $0x0  }
0x48: {  	[sflag:s11] =	ssyncadd.s32 $0xFFFFD800  }
0x49: {  	_ =	swait.ge [sflag:s19], $0x2800  }
0x4a: {  	[sflag:s19] =	ssyncset.done $0x0  }
0x4b: {  	s26 =	sadd.s32 s26, s10;
	[sflag:s19] =	ssyncadd.s32 $0xFFFFD800  }
0x4c: {  	[hbm4b:s26+s3] =	stream.linear.scatter [tilespmem:s15], [sflag:$0x5], $0x2800, $0x38;
	[tilespmem:$0xD000] =	vst v63  }
0x4d: {  	_ =	swait.ge [sflag:s11], $0x2800  }
0x4e: {  	[sflag:s11] =	ssyncset.done $0x0  }
0x4f: {  	s29 =	sadd.s32 $0x80, s23;
	[sflag:s11] =	ssyncadd.s32 $0xFFFFD800  }
0x50: {  	[tilespmem:s14], [sflag:$0x1] =	stream.indirect.gather [hbm4b:s0+s13], $0x80, s29, s13, $0xb8;
	[tilespmem:$0xD000] =	vst v63  }
0x51: {  	s29 =	sadd.s32 $0x80, s24  }
0x52: {  	[tilespmem:s15], [sflag:$0x3] =	stream.indirect.gather [hbm4b:s0+s13], $0x80, s29, s13, $0xb8;
	[tilespmem:$0xD000] =	vst v63  }
0x53: {  	_ =	swait.ge [sflag:s20], $0x2800  }
0x54: {  	[sflag:s20] =	ssyncset.done $0x0  }
0x55: {  	s28 =	sadd.s32 $0x500, s28;
	[sflag:s20] =	ssyncadd.s32 $0xFFFFD800  }
0x56: {  	[hbm4b:s28+s3] =	stream.linear.scatter [tilespmem:s16], [sflag:$0x5], $0x2800, $0x38;
	[tilespmem:$0xD000] =	vst v63  }
0x57: {  	_ =	swait.ge [sflag:s11], $0x2800  }
0x58: {  	[sflag:s11] =	ssyncset.done $0x0  }
0x59: {  	[sflag:s11] =	ssyncadd.s32 $0xFFFFD800  }
0x5a: {  	_ =	swait.ge [sflag:s21], $0x2800  }
.Ltmp0:
0x5b: {  	[sflag:s21] =	ssyncset.done $0x0;
	(pc) =	sbr.rel @p0 .LBB2_2-.Ltmp0, $4  }
0x5c: {  	s26 =	sadd.s32 $0x500, s26;
	[sflag:s21] =	ssyncadd.s32 $0xFFFFD800  }
0x5d: {  	[hbm4b:s26+s3] =	stream.linear.scatter [tilespmem:s17], [sflag:$0x5], $0x2800, $0x38;
	[tilespmem:$0xD000] =	vst v63  }
0x5e: {  	_ =	swait.ge [sflag:s11], $0x2800  }
0x5f: {  	[sflag:s11] =	ssyncset.done $0x0  }
0x60: {  	[sflag:s11] =	ssyncadd.s32 $0xFFFFD800  }
0x61: {  	_ =	swait.ge [sflag:s18], $0x2800  }
0x62: {  	[sflag:s18] =	ssyncset.done $0x0  }
0x63: {  	[sflag:s18] =	ssyncadd.s32 $0xFFFFD800  }
0x64: {  	[hbm4b:s6+s3] =	stream.linear.scatter [tilespmem:s14], [sflag:$0x5], $0x2800, $0x38;
	[tilespmem:$0xD000] =	vst v63  }
0x65: {  	_ =	swait.ge [sflag:s11], $0x2800  }
0x66: {  	[sflag:s11] =	ssyncset.done $0x0  }
0x67: {  	[sflag:s11] =	ssyncadd.s32 $0xFFFFD800  }
0x68: {  	s22 =	sadd.s32 $0x1, s22;
	_ =	swait.ge [sflag:s19], $0x2800  }
0x69: {  	p0 =	sne.s32 s22, s8;
	[sflag:s19] =	ssyncset.done $0x0  }
.Ltmp1:
0x6a: {  	[sflag:s19] =	ssyncadd.s32 $0xFFFFD800;
	(pc) =	sbr.rel @p0 .LBB2_1-.Ltmp1, $4  }
0x6b: {  	[hbm4b:s7+s3] =	stream.linear.scatter [tilespmem:s15], [sflag:$0x5], $0x2800, $0x38;
	[tilespmem:$0xD000] =	vst v63  }
0x6c: {  	_ =	swait.ge [sflag:s11], $0x2800  }
0x6d: {  	[sflag:s11] =	ssyncset.done $0x0  }
0x6e: {  	[sflag:s11] =	ssyncadd.s32 $0xFFFFD800  }
0x6f: {  	_ =	sfence.sel $0x180000  }
0x70: {  	[bflag:$0x0] =	sbarrier.arrive $0xFFFF  }
0x71: {  	p0 =	sne.s32 s2, $0x0;
	_ =	strace $0x9000004D  }
0x72: {  	s0 =	sadd.s32 @!p0 $0x100000, s1;
	[bflag:$0x2] =	sbarrier.arrive $0xFFFF  }
0x73: {  	[sflag:s0] =	ssyncadd.tile.s32 @!p0 $0x1;
	_ =	shalt  }
.Lfunc_end2:
_tile_overlayer_lowered:
.L_overlay_start_2:
0x74: {  	(tag) =	ssettag $0x2  }
0x75: {  	s0 =	rddreg [dreg:$0x0];
	s2 =	stileid.u32  }
0x76: {  	s1 =	rddreg [dreg:$0x1];
	p0 =	sne.s32 s2, $0x0  }
0x77: {  	s3 =	rddreg [dreg:$0x2];
	[bflag:$0x3] =	sbarrier.arrive $0xFFFF;
	s2 =	simm.s32 @!p0 $0x1C05  }
0x78: {  	[timem:s3], [sflag:s2] =	dma.local @!p0 [hbm:s0], s1  }
0x79: {  	s0 =	simm.s32 @!p0 $0x5  }
0x7a: {  	_ =	swait.ge @!p0 [sflag:s0], s1  }
0x7b: {  	s1 =	ssub.s32 @!p0 $0x0, s1;
	[sflag:s0] =	ssyncset.done @!p0 $0x0  }
0x7c: {  	[sflag:s0] =	ssyncadd.s32 @!p0 s1  }
0x7d: {  	[bflag:$0x3] =	sbarrier.arrive $0xFFFF  }
0x7e: {  	_ =	shalt  }

// kernel: kernel.36.cloned.1.call-start
scs
__scs_entry_jumppad:
0x0: {  	(pc) =	sbr.rel $0x88, $3  }
0x1: {  	(tag) =	ssettag $0x0;
	lr =	simm.s32 $0x1  }
0x2: {  	[smem:$0x3F94] =	sst lr;
	_ =	strace $0xD0000000  }
0x3: {  	_ = 	snop  }
0x4: {  	_ = 	snop  }
0x5: {  	_ = 	snop  }
0x6: {  	_ = 	snop  }
0x7: {  	_ = 	snop  }
__scs_overlays_trampoline_lowered:
0x8: {  	[smem:$0x3FA3] =	sst s0  }
0x9: {  	[smem:$0x3FA4] =	sst s1  }
0xa: {  	[smem:$0x3FA5] =	sst s2  }
0xb: {  	[smem:$0x3FA6] =	sst s3  }
0xc: {  	[smem:$0x3FA7] =	sst s4  }
0xd: {  	[smem:$0x3FA8] =	sst s5  }
0xe: {  	[smem:$0x3FA9] =	sst s6  }
0xf: {  	[smem:$0x3FAA] =	sst s7  }
0x10: {  	[smem:$0x3FAB] =	sst s8  }
0x11: {  	[smem:$0x3FAC] =	sst s9;
	s0 =	simm.s32 @!p0 $0x0  }
0x12: {  	s1 =	sld [smem:$0x3F92];
	s0 =	simm.s32 @p0 $0x1  }
0x13: {  	[smem:$0x3FAD] =	sst s0;
	s0 =	simm.s32 @!p1 $0x0  }
0x14: {  	s2 =	sld [smem:$0x3F91];
	s0 =	simm.s32 @p1 $0x1  }
0x15: {  	[smem:$0x3FAE] =	sst s0;
	s0 =	simm.s32 @!p2 $0x0  }
0x16: {  	s3 =	sld [smem:$0x3FDB];
	s0 =	simm.s32 @p2 $0x1  }
0x17: {  	s4 =	simm.s32 $0x1BF5;
	[smem:$0x3FB0] =	sst s0  }
0x18: {  	s0 =	sld [smem:$0x3F93];
	_ =	swait.ge [sflag:s4], $0x0  }
0x19: {  	s7 =	sld [smem:$0x3F94]  }
0x1a: {  	s8 =	sadd.s32 $0xFFFFE003, lr  }
0x1b: {  	s9 =	sadd.s32 $0xFFFFFEF7, lr;
	s5 =	simm.s32 $0xFFFFFFFF;
	p2 =	slt.u32 s8, $0xFFFFF086  }
0x1c: {  	p1 =	slt.u32 s9, $0xF7A;
	s5 =	simm.s32 @!p2 $0x0  }
0x1d: {  	s5 =	simm.s32 @p1 $0x1;
	p0 =	seq.s32 s7, s2  }
0x1e: {  	s7 =	smul.u32 @!p0 $0xF7A, s2;
	p2 =	seq.s32 @!p0 s5, $0x0  }
0x1f: {  	s9 =	smul.u32 $0xF7A, s1;
	s8 =	simm.s32 @!p0 $0x1BF5;
	p2 =	por !p2, p0  }
0x20: {  	[sflag:s8] =	ssyncset.s32 @!p0 $0xFFFFF086;
	s6 =	sadd.s32 @!p0 s3, s7;
	s7 =	simm.s32 @!p0 $0x108  }
0x21: {  	s3 =	sadd.s32 s3, s9;
	s6 =	sadd.s32 @!p0 $0x88, s6;
	s7 =	simm.s32 @p2 $0x1082  }
0x22: {  	[simem:s7], [sflag:s8] =	dma.local @!p0 [hbm:s6], $0xF7A  }
0x23: {  	s9 =	sor.u32 $0xD0000000, s2;
	s6 =	simm.s32 $0x108;
	_ =	swait.ge @!p0 [sflag:s8], $0x0  }
0x24: {  	s3 =	sadd.s32 $0x88, s3;
	s6 =	simm.s32 @!p1 $0x1082;
	[sflag:s4] =	ssyncset.s32 $0xFFFFF086  }
0x25: {  	[simem:s6], [sflag:s4] =	dma.local [hbm:s3], $0xF7A  }
0x26: {  	[smem:$0x3F94] =	sst s1;
	(tag) =	ssettag s2;
	_ =	strace s9  }
0x27: {  	s1 =	sld [smem:$0x3FA4]  }
0x28: {  	s2 =	sld [smem:$0x3FA5]  }
0x29: {  	s4 =	sld [smem:$0x3FA7]  }
0x2a: {  	p0 =	seq.s32 s5, $0x0;
	s5 =	sld [smem:$0x3FA8]  }
0x2b: {  	s6 =	sld [smem:$0x3FA9]  }
0x2c: {  	s7 =	sld [smem:$0x3FAA]  }
0x2d: {  	s3 =	simm.s32 $0x108;
	s8 =	sld [smem:$0x3FAB]  }
0x2e: {  	s3 =	simm.s32 @!p0 $0x1082;
	s9 =	sld [smem:$0x3FAC]  }
0x2f: {  	lr =	sadd.s32 s0, s3;
	s0 =	sld [smem:$0x3FA3]  }
0x30: {  	s3 =	sld [smem:$0x3FA6]  }
0x31: {  	[smem:$0x3FAF] =	sst s10  }
0x32: {  	s10 =	sld [smem:$0x3FAD];
	_ =	sdelay $0x3  }
0x33: {  	p0 =	seq.s32 s10, $0x1;
	s10 =	sld [smem:$0x3FAF];
	_ =	sdelay $0x3  }
0x34: {  	[smem:$0x3FAF] =	sst s10  }
0x35: {  	s10 =	sld [smem:$0x3FAE];
	_ =	sdelay $0x3  }
0x36: {  	p1 =	seq.s32 s10, $0x1;
	s10 =	sld [smem:$0x3FAF];
	_ =	sdelay $0x3  }
0x37: {  	[smem:$0x3FAF] =	sst s10  }
0x38: {  	s10 =	sld [smem:$0x3FB0]  }
0x39: {  	_ = 	snop;
	(pc) =	sbr.ind lr, $3  }
0x3a: {  	_ = 	snop  }
0x3b: {  	_ = 	snop  }
0x3c: {  	p2 =	seq.s32 s10, $0x1;
	s10 =	sld [smem:$0x3FAF]  }
0x3d: {  	_ =	shalt  }
0x3e: {  	_ =	shalt  }
0x3f: {  	_ =	shalt  }
0x40: {  	_ =	shalt  }
0x41: {  	_ =	shalt  }
0x42: {  	_ =	shalt  }
0x43: {  	_ =	shalt  }
0x44: {  	_ =	shalt  }
0x45: {  	_ =	shalt  }
0x46: {  	_ =	shalt  }
0x47: {  	_ =	shalt  }
0x48: {  	_ =	shalt  }
0x49: {  	_ =	shalt  }
0x4a: {  	_ =	shalt  }
0x4b: {  	_ =	shalt  }
0x4c: {  	_ =	shalt  }
0x4d: {  	_ =	shalt  }
0x4e: {  	_ =	shalt  }
0x4f: {  	_ =	shalt  }
0x50: {  	_ =	shalt  }
0x51: {  	_ =	shalt  }
0x52: {  	_ =	shalt  }
0x53: {  	_ =	shalt  }
0x54: {  	_ =	shalt  }
0x55: {  	_ =	shalt  }
0x56: {  	_ =	shalt  }
0x57: {  	_ =	shalt  }
0x58: {  	_ =	shalt  }
0x59: {  	_ =	shalt  }
0x5a: {  	_ =	shalt  }
0x5b: {  	_ =	shalt  }
0x5c: {  	_ =	shalt  }
0x5d: {  	_ =	shalt  }
0x5e: {  	_ =	shalt  }
0x5f: {  	_ =	shalt  }
0x60: {  	_ =	shalt  }
0x61: {  	_ =	shalt  }
0x62: {  	_ =	shalt  }
0x63: {  	_ =	shalt  }
0x64: {  	_ =	shalt  }
0x65: {  	_ =	shalt  }
0x66: {  	_ =	shalt  }
0x67: {  	_ =	shalt  }
0x68: {  	_ =	shalt  }
0x69: {  	_ =	shalt  }
0x6a: {  	_ =	shalt  }
0x6b: {  	_ =	shalt  }
0x6c: {  	_ =	shalt  }
0x6d: {  	_ =	shalt  }
0x6e: {  	_ =	shalt  }
0x6f: {  	_ =	shalt  }
0x70: {  	_ =	shalt  }
0x71: {  	_ =	shalt  }
0x72: {  	_ =	shalt  }
0x73: {  	_ =	shalt  }
0x74: {  	_ =	shalt  }
0x75: {  	_ =	shalt  }
0x76: {  	_ =	shalt  }
0x77: {  	_ =	shalt  }
0x78: {  	_ =	shalt  }
0x79: {  	_ =	shalt  }
0x7a: {  	_ =	shalt  }
0x7b: {  	_ =	shalt  }
0x7c: {  	_ =	shalt  }
0x7d: {  	_ =	shalt  }
0x7e: {  	_ =	shalt  }
0x7f: {  	_ =	shalt  }
0x80: {  	_ =	shalt  }
0x81: {  	_ =	shalt  }
0x82: {  	_ =	shalt  }
0x83: {  	_ =	shalt  }
0x84: {  	_ =	shalt  }
0x85: {  	_ =	shalt  }
0x86: {  	_ =	shalt  }
0x87: {  	_ =	shalt  }
.Lfunc_end0:
.L_simem_size_0:
called_computation.7_lowered:
.L_overlay_start_0:
0x88: {  	s2 =	sld [smem:$0x3FD9]  }
0x89: {  	s3 =	sld [smem:$0x3FFE];
	_ =	sdelay $0x1  }
0x8a: {  	s1 =	srdreg.scid  }
0x8b: {  	s0 =	sand.u32 $0x1, s1  }
0x8c: {  	s17 =	sshll.u32 s0, $0xA;
	s2 =	sadd.s32 s3, s2  }
0x8d: {  	s2 =	sadd.s32 s2, s17  }
0x8e: {  	[smem:$0x3FBB] =	sst s2  }
0x8f: {  	_ = 	snop  }
0x90: {  	(tm) =	ssettm $0x1  }
0x91: {  	s18 =	sld [smem:$0x3FFB];
	_ =	sdelay $0x3  }
0x92: {  	_ =	strace s18  }
0x93: {  	s2 =	sld [smem:$0x3FFC];
	_ =	sdelay $0x3  }
0x94: {  	_ =	strace s2  }
0x95: {  	s2 =	sld [smem:$0x3FFD];
	_ =	sdelay $0x3  }
0x96: {  	_ =	strace s2  }
0x97: {  	_ =	strace $0x8FFFFFFF  }
0x98: {  	s19 =	sld [smem:$0x3FDB];
	_ =	sdelay $0x1  }
0x99: {  	s20 =	simm.s32 $_scs_section_size  }
0x9a: {  	s4 =	simm.s32 $_size__tile_overlayer_lowered;
	s5 =	simm.s32 $_tile_overlayer_lowered  }
0x9b: {  	s6 =	simm.s32 $0x1BFF;
	s21 =	sshll.u32 s5, $0x1;
	s3 =	sadd.s32 s20, s19  }
0x9c: {  	s22 =	simm.s32 $0x0;
	s4 =	sshll.u32 s4, $0x1;
	s5 =	sadd.s32 s21, s3  }
0x9d: {  	[timem:s22], [sflag:s6] =	dma.local [hbm:s5], s4  }
0x9e: {  	_ =	swait.ge [sflag:s6], s4  }
0x9f: {  	s4 =	ssub.s32 $0x0, s4;
	[sflag:s6] =	ssyncset.done $0x0  }
0xa0: {  	[sflag:s6] =	ssyncadd.s32 s4;
	_ =	sdelay $0x1  }
0xa1: {  	s23 =	simm.s32 $0x1B8B  }
0xa2: {  	_ =	swait.ge [sflag:s23], $0x1  }
0xa3: {  	[sflag:s23] =	ssyncset.done $0x0  }
0xa4: {  	[sflag:s23] =	ssyncadd.s32 $0xFFFFFFFF  }
0xa5: {  	s4 =	sld [smem:$0x0]  }
0xa6: {  	s5 =	sand.u32 $0xFFFFFFFE, s1  }
0xa7: {  	p0 =	sne.s32 s1, s5  }
0xa8: {  	s5 =	sshll.u32 @p0 s5, $0xE  }
0xa9: {  	s5 =	sadd.s32 @p0 $0x11B8D, s5;
	s6 =	sshll.u32 @p0 s4, $0x11  }
0xaa: {  	s5 =	sor.u32 @p0 s6, s5  }
0xab: {  	[sflag:s5] =	ssyncadd.remote.s32 @p0 $0x1;
	_ =	sdelay $0x1  }
0xac: {  	s5 =	simm.s32 @p0 $0x1B8D  }
0xad: {  	_ =	swait.eq @p0 [sflag:s5], $0x1  }
0xae: {  	[sflag:s5] =	ssyncadd.s32 @p0 $0xFFFFFFFF  }
0xaf: {  	s6 =	sshll.u32 @!p0 s1, $0xE  }
0xb0: {  	s6 =	sor.u32 @!p0 $0x4000, s6;
	s5 =	simm.s32 @!p0 $0x1B8D  }
0xb1: {  	s4 =	sshll.u32 @!p0 s4, $0x11;
	s6 =	sadd.s32 @!p0 $0x11B8D, s6;
	_ =	swait.eq @!p0 [sflag:s5], $0x1  }
0xb2: {  	s4 =	sor.u32 @!p0 s4, s6;
	[sflag:s5] =	ssyncadd.s32 @!p0 $0xFFFFFFFF  }
0xb3: {  	s25 =	simm.s32 $0x1B8E;
	s24 =	sld [smem:$0x3FFE];
	[sflag:s4] =	ssyncadd.remote.s32 @!p0 $0x1  }
0xb4: {  	s26 =	simm.s32 $execute0_lowered;
	[smem:$0x3FD2] =	sst s25  }
0xb5: {  	s5 =	sshll.u32 s26, $0x1;
	_ =	strace $0x8000005E;
	[dreg:$0x1] =	wrdreg $0xFFFFFFFF  }
0xb6: {  	s28 =	simm.s32 $_size_execute0_lowered;
	s3 =	sadd.s32 s3, s5;
	[dreg:$0x0] =	wrdreg $0x0  }
0xb7: {  	s5 =	sshll.u32 s28, $0x1;
	[dreg:$0x2] =	wrdreg s3  }
0xb8: {  	[dreg:$0x3] =	wrdreg s5  }
0xb9: {  	[dreg:$0x4] =	wrdreg $0xC0  }
0xba: {  	_ =	task [dreg:s22], $0x5FFFF  }
0xbb: {  	[dreg:$0x1] =	wrdreg $0xFFFFFFFF  }
0xbc: {  	[dreg:$0x0] =	wrdreg $0x60  }
0xbd: {  	[dreg:$0x2] =	wrdreg s24  }
0xbe: {  	[dreg:$0x3] =	wrdreg $0x68000  }
0xbf: {  	[dreg:$0x4] =	wrdreg $0xD  }
0xc0: {  	_ =	task.clear_ibuf [dreg:s22], $0x5FFFF;
	_ =	strace $0x9000005E  }
0xc1: {  	s29 =	simm.s32 $0xD;
	_ =	strace $0x80000060  }
0xc2: {  	_ =	swait.ge [sflag:s29], $0x1  }
0xc3: {  	[sflag:s29] =	ssyncadd.s32 $0xFFFFFFFF  }
0xc4: {  	_ =	strace $0x90000060  }
0xc5: {  	_ =	sfence  }
0xc6: {  	s30 =	sld [smem:$0x0];
	_ =	sdelay $0x2  }
0xc7: {  	s31 =	sshll.u32 s1, $0xD;
	s1 =	sshrl.u32 s1, $0x2  }
0xc8: {  	s4 =	sand.u32 $0x4000, s31;
	s1 =	sadd.s32 s1, s30  }
0xc9: {  	s0 =	sor.u32 s4, s0;
	s1 =	sshll.u32 s1, $0x11  }
0xca: {  	s0 =	sor.u32 s1, s0  }
0xcb: {  	s0 =	sadd.s32 $0x8F2B, s0  }
0xcc: {  	[sflag:s0] =	ssyncadd.remote.s32 $0x1  }
0xcd: {  	_ =	sfence.sel $0xFFFF  }
0xce: {  	[dreg:$0x0] =	wrdreg $0xFFFFFFFF;
	(pc) =	sbr.abs _section_cstart, $3  }
0xcf: {  	[dreg:$0x1] =	wrdreg $0xFFFFFFFF  }
0xd0: {  	_ =	task.clear_ibuf [dreg:s22], $0x2FFFF;
	_ =	strace $0x9FFFFFFF  }
0xd1: {  	(tm) =	ssettm $0x7FFFFFFF  }
tec
execute0_lowered:
.L_overlay_start_1:
0x0: {  	(tag) =	ssettag $0x1  }
0x1: {  	s4 =	rddreg [dreg:$0x0]  }
0x2: {  	s1 =	rddreg [dreg:$0x1]  }
0x3: {  	s2 =	srdreg.scid;
	s0 =	rddreg [dreg:$0x2];
	s3 =	simm.s32 $0x0  }
0x4: {  	s15 =	simm.s32 $0x50;
	s16 =	simm.s32 $0x2;
	s17 =	simm.s32 $0x1500  }
0x5: {  	s18 =	simm.s32 $0x0;
	s5 =	sand.u32 $0x1, s2;
	s2 =	stileid.u32  }
0x6: {  	[smem:$0x7FF] =	sst s3;
	s8 =	sadd.s32 $0x1398A00, s4;
	s9 =	smul.u32 $0x50000, s2  }
0x7: {  	s6 =	sshll.u32 s5, $0x4;
	s10 =	ssub.s32 $0x2, s5;
	s5 =	smul.u32 $0xD7000, s5  }
0x8: {  	_ =	strace $0x8000005F;
	s31 =	smul.u32 $0xD700, s2;
	s6 =	sor.u32 s2, s6  }
0x9: {  	s12 =	sshll.u32 s2, $0x6;
	s11 =	sshrl.u32 s10, $0x1;
	s7 =	smul.u32 $0x300, s6  }
0xa: {  	s9 =	sshrl.u32 s9, $0x2;
	s10 =	ssub.s32 s10, s11;
	s13 =	smul.u32 $0xD700, s6  }
0xb: {  	s14 =	sadd.s32 s5, s8;
	s5 =	sor.u32 $0x1C03, s12;
	s11 =	simm.s32 $0x3  }
0xc: {  	s12 =	simm.s32 $0x1800;
	s30 =	sadd.s32 s9, s1;
	s9 =	sadd.s32 s31, s14  }
0xd: {  	s14 =	simm.s32 $0x1;
	s7 =	sadd.s32 s7, s4;
	s4 =	sadd.s32 $0x9E8800, s4  }
0xe: {  	s9 =	sadd.s32 $0x500, s9;
	s6 =	sadd.s32 $0x686800, s7;
	s7 =	sadd.s32 s8, s13  }
0xf: {  	s8 =	smax.u32 s10, $0x1;
	s10 =	sshrl.u32 s30, $0x3;
	s13 =	simm.s32 $0x4000  }
.LBB2_1:
0x10: {  	[spmem:s10], [sflag:s5] =	dma.local [hbm:s4], $0x2800  }
0x11: {  	_ =	swait.ge [sflag:s11], $0x2800  }
0x12: {  	[sflag:s11] =	ssyncset.done $0x0  }
0x13: {  	[sflag:s11] =	ssyncadd.s32 $0xFFFFD800  }
0x14: {  	[tilespmem:s3], [sflag:$0x3] =	stream.linear.gather [hbm4b:s6+s3], $0x1580, $0x38;
	[tilespmem:$0x1A800] =	vst v63  }
0x15: {  	_ =	swait.ge [sflag:s11], $0x1580  }
0x16: {  	[sflag:s11] =	ssyncset.done $0x0  }
0x17: {  	[sflag:s11] =	ssyncadd.s32 $0xFFFFEA80  }
0x18: {  	[bflag:$0x0] =	sbarrier.arrive $0xFFFF  }
0x19: {  	[tilespmem:s12], [sflag:$0x1] =	stream.linear.gather [hbm4b:s7+s3], $0x2800, $0x38;
	[tilespmem:$0x1A800] =	vst v63  }
0x1a: {  	_ = 	snop  }
0x1b: {  	[tilespmem:s13], [sflag:$0x2] =	stream.linear.gather [hbm4b:s9+s3], $0x2800, $0x38;
	[tilespmem:$0x1A800] =	vst v63  }
0x1c: {  	_ =	swait.ge [sflag:s14], $0x2800  }
0x1d: {  	[sflag:s14] =	ssyncset.done $0x0  }
0x1e: {  	s19 =	simm.s32 $0x0;
	[sflag:s14] =	ssyncadd.s32 $0xFFFFD800  }
0x1f: {  	[spmem:s1] =	stream.indirect.scatter.add.f32 [tilespmem:s12], [sflag:$0x3], $0x80, s19, s15, $0xb8;
	[tilespmem:$0x1A800] =	vst v63  }
0x20: {  	_ =	swait.ge [sflag:s11], $0x2800  }
0x21: {  	[sflag:s11] =	ssyncset.done $0x0  }
0x22: {  	s30 =	sadd.s32 $0x500, s9;
	[sflag:s11] =	ssyncadd.s32 $0xFFFFD800  }
0x23: {  	[tilespmem:s12], [sflag:$0x1] =	stream.linear.gather [hbm4b:s30+s3], $0x2800, $0x38;
	[tilespmem:$0x1A800] =	vst v63  }
0x24: {  	_ =	swait.ge [sflag:s16], $0x2800  }
0x25: {  	[sflag:s16] =	ssyncset.done $0x0  }
0x26: {  	s31 =	simm.s32 $0x80;
	[sflag:s16] =	ssyncadd.s32 $0xFFFFD800  }
0x27: {  	[spmem:s1] =	stream.indirect.scatter.add.f32 [tilespmem:s13], [sflag:$0x3], $0x80, s31, s15, $0xb8;
	[tilespmem:$0x1A800] =	vst v63  }
0x28: {  	_ =	swait.ge [sflag:s11], $0x2800  }
0x29: {  	s20 =	smov.u32 s9;
	s19 =	simm.s32 $0x400;
	[sflag:s11] =	ssyncset.done $0x0  }
.LBB2_2:
0x2a: {  	p0 =	sne.s32 s19, $0x5000;
	[sflag:s11] =	ssyncadd.s32 $0xFFFFD800;
	s20 =	sadd.s32 $0xA00, s20  }
0x2b: {  	[tilespmem:s13], [sflag:$0x2] =	stream.linear.gather [hbm4b:s20+s3], $0x2800, $0x38;
	[tilespmem:$0x1A800] =	vst v63  }
0x2c: {  	s21 =	smov.u32 s19;
	s19 =	sadd.s32 $0x400, s19;
	_ =	swait.ge [sflag:s14], $0x2800  }
0x2d: {  	[sflag:s14] =	ssyncset.done $0x0  }
0x2e: {  	s21 =	sshra.s32 s21, $0x2;
	[sflag:s14] =	ssyncadd.s32 $0xFFFFD800  }
0x2f: {  	[spmem:s1] =	stream.indirect.scatter.add.f32 [tilespmem:s12], [sflag:$0x3], $0x80, s21, s15, $0xb8;
	[tilespmem:$0x1A800] =	vst v63  }
0x30: {  	_ =	swait.ge [sflag:s11], $0x2800  }
0x31: {  	[sflag:s11] =	ssyncset.done $0x0  }
0x32: {  	s22 =	sadd.s32 $0x500, s20;
	[sflag:s11] =	ssyncadd.s32 $0xFFFFD800  }
0x33: {  	[tilespmem:s12], [sflag:$0x1] =	stream.linear.gather [hbm4b:s22+s3], $0x2800, $0x38;
	[tilespmem:$0x1A800] =	vst v63  }
0x34: {  	_ =	swait.ge [sflag:s16], $0x2800  }
.Ltmp0:
0x35: {  	[sflag:s16] =	ssyncset.done $0x0;
	(pc) =	sbr.rel @p0 .LBB2_2-.Ltmp0, $4  }
0x36: {  	s21 =	sadd.s32 $0x80, s21;
	[sflag:s16] =	ssyncadd.s32 $0xFFFFD800  }
0x37: {  	[spmem:s1] =	stream.indirect.scatter.add.f32 [tilespmem:s13], [sflag:$0x3], $0x80, s21, s15, $0xb8;
	[tilespmem:$0x1A800] =	vst v63  }
0x38: {  	_ =	swait.ge [sflag:s11], $0x2800  }
0x39: {  	[sflag:s11] =	ssyncset.done $0x0  }
0x3a: {  	[sflag:s11] =	ssyncadd.s32 $0xFFFFD800  }
0x3b: {  	s18 =	sadd.s32 $0x1, s18;
	_ =	swait.ge [sflag:s14], $0x2800  }
0x3c: {  	p0 =	sne.s32 s18, s8;
	[sflag:s14] =	ssyncset.done $0x0  }
.Ltmp1:
0x3d: {  	[sflag:s14] =	ssyncadd.s32 $0xFFFFD800;
	(pc) =	sbr.rel @p0 .LBB2_1-.Ltmp1, $4  }
0x3e: {  	[spmem:s1] =	stream.indirect.scatter.add.f32 [tilespmem:s12], [sflag:$0x3], $0x80, s17, s15, $0xb8;
	[tilespmem:$0x1A800] =	vst v63  }
0x3f: {  	_ =	swait.ge [sflag:s11], $0x2800  }
0x40: {  	[sflag:s11] =	ssyncset.done $0x0  }
0x41: {  	[sflag:s11] =	ssyncadd.s32 $0xFFFFD800  }
0x42: {  	_ =	sfence.sel $0x180000  }
0x43: {  	[bflag:$0x0] =	sbarrier.arrive $0xFFFF  }
0x44: {  	p0 =	sne.s32 s2, $0x0;
	_ =	strace $0x9000005F  }
0x45: {  	s0 =	sadd.s32 @!p0 $0x100000, s0;
	[bflag:$0x2] =	sbarrier.arrive $0xFFFF  }
0x46: {  	[sflag:s0] =	ssyncadd.tile.s32 @!p0 $0x1;
	_ =	shalt  }
.Lfunc_end2:
_tile_overlayer_lowered:
.L_overlay_start_2:
0x47: {  	(tag) =	ssettag $0x2  }
0x48: {  	s0 =	rddreg [dreg:$0x0];
	s2 =	stileid.u32  }
0x49: {  	s1 =	rddreg [dreg:$0x1];
	p0 =	sne.s32 s2, $0x0  }
0x4a: {  	s3 =	rddreg [dreg:$0x2];
	[bflag:$0x3] =	sbarrier.arrive $0xFFFF;
	s2 =	simm.s32 @!p0 $0x1C03  }
0x4b: {  	[timem:s3], [sflag:s2] =	dma.local @!p0 [hbm:s0], s1  }
0x4c: {  	s0 =	simm.s32 @!p0 $0x3  }
0x4d: {  	_ =	swait.ge @!p0 [sflag:s0], s1  }
0x4e: {  	s1 =	ssub.s32 @!p0 $0x0, s1;
	[sflag:s0] =	ssyncset.done @!p0 $0x0  }
0x4f: {  	[sflag:s0] =	ssyncadd.s32 @!p0 s1  }
0x50: {  	[bflag:$0x3] =	sbarrier.arrive $0xFFFF  }
0x51: {  	_ =	shalt  }

// kernel: kernel.39.cloned.1.call-start
scs
__scs_entry_jumppad:
0x0: {  	(pc) =	sbr.rel $0x88, $3  }
0x1: {  	(tag) =	ssettag $0x0;
	lr =	simm.s32 $0x1  }
0x2: {  	[smem:$0x3F94] =	sst lr;
	_ =	strace $0xD0000000  }
0x3: {  	_ = 	snop  }
0x4: {  	_ = 	snop  }
0x5: {  	_ = 	snop  }
0x6: {  	_ = 	snop  }
0x7: {  	_ = 	snop  }
__scs_overlays_trampoline_lowered:
0x8: {  	[smem:$0x3FA3] =	sst s0  }
0x9: {  	[smem:$0x3FA4] =	sst s1  }
0xa: {  	[smem:$0x3FA5] =	sst s2  }
0xb: {  	[smem:$0x3FA6] =	sst s3  }
0xc: {  	[smem:$0x3FA7] =	sst s4  }
0xd: {  	[smem:$0x3FA8] =	sst s5  }
0xe: {  	[smem:$0x3FA9] =	sst s6  }
0xf: {  	[smem:$0x3FAA] =	sst s7  }
0x10: {  	[smem:$0x3FAB] =	sst s8  }
0x11: {  	[smem:$0x3FAC] =	sst s9;
	s0 =	simm.s32 @!p0 $0x0  }
0x12: {  	s1 =	sld [smem:$0x3F92];
	s0 =	simm.s32 @p0 $0x1  }
0x13: {  	[smem:$0x3FAD] =	sst s0;
	s0 =	simm.s32 @!p1 $0x0  }
0x14: {  	s2 =	sld [smem:$0x3F91];
	s0 =	simm.s32 @p1 $0x1  }
0x15: {  	[smem:$0x3FAE] =	sst s0;
	s0 =	simm.s32 @!p2 $0x0  }
0x16: {  	s3 =	sld [smem:$0x3FDB];
	s0 =	simm.s32 @p2 $0x1  }
0x17: {  	s4 =	simm.s32 $0x1BF5;
	[smem:$0x3FB0] =	sst s0  }
0x18: {  	s0 =	sld [smem:$0x3F93];
	_ =	swait.ge [sflag:s4], $0x0  }
0x19: {  	s7 =	sld [smem:$0x3F94]  }
0x1a: {  	s8 =	sadd.s32 $0xFFFFE003, lr  }
0x1b: {  	s9 =	sadd.s32 $0xFFFFFEF7, lr;
	s5 =	simm.s32 $0xFFFFFFFF;
	p2 =	slt.u32 s8, $0xFFFFF086  }
0x1c: {  	p1 =	slt.u32 s9, $0xF7A;
	s5 =	simm.s32 @!p2 $0x0  }
0x1d: {  	s5 =	simm.s32 @p1 $0x1;
	p0 =	seq.s32 s7, s2  }
0x1e: {  	s7 =	smul.u32 @!p0 $0xF7A, s2;
	p2 =	seq.s32 @!p0 s5, $0x0  }
0x1f: {  	s9 =	smul.u32 $0xF7A, s1;
	s8 =	simm.s32 @!p0 $0x1BF5;
	p2 =	por !p2, p0  }
0x20: {  	[sflag:s8] =	ssyncset.s32 @!p0 $0xFFFFF086;
	s6 =	sadd.s32 @!p0 s3, s7;
	s7 =	simm.s32 @!p0 $0x108  }
0x21: {  	s3 =	sadd.s32 s3, s9;
	s6 =	sadd.s32 @!p0 $0x88, s6;
	s7 =	simm.s32 @p2 $0x1082  }
0x22: {  	[simem:s7], [sflag:s8] =	dma.local @!p0 [hbm:s6], $0xF7A  }
0x23: {  	s9 =	sor.u32 $0xD0000000, s2;
	s6 =	simm.s32 $0x108;
	_ =	swait.ge @!p0 [sflag:s8], $0x0  }
0x24: {  	s3 =	sadd.s32 $0x88, s3;
	s6 =	simm.s32 @!p1 $0x1082;
	[sflag:s4] =	ssyncset.s32 $0xFFFFF086  }
0x25: {  	[simem:s6], [sflag:s4] =	dma.local [hbm:s3], $0xF7A  }
0x26: {  	[smem:$0x3F94] =	sst s1;
	(tag) =	ssettag s2;
	_ =	strace s9  }
0x27: {  	s1 =	sld [smem:$0x3FA4]  }
0x28: {  	s2 =	sld [smem:$0x3FA5]  }
0x29: {  	s4 =	sld [smem:$0x3FA7]  }
0x2a: {  	p0 =	seq.s32 s5, $0x0;
	s5 =	sld [smem:$0x3FA8]  }
0x2b: {  	s6 =	sld [smem:$0x3FA9]  }
0x2c: {  	s7 =	sld [smem:$0x3FAA]  }
0x2d: {  	s3 =	simm.s32 $0x108;
	s8 =	sld [smem:$0x3FAB]  }
0x2e: {  	s3 =	simm.s32 @!p0 $0x1082;
	s9 =	sld [smem:$0x3FAC]  }
0x2f: {  	lr =	sadd.s32 s0, s3;
	s0 =	sld [smem:$0x3FA3]  }
0x30: {  	s3 =	sld [smem:$0x3FA6]  }
0x31: {  	[smem:$0x3FAF] =	sst s10  }
0x32: {  	s10 =	sld [smem:$0x3FAD];
	_ =	sdelay $0x3  }
0x33: {  	p0 =	seq.s32 s10, $0x1;
	s10 =	sld [smem:$0x3FAF];
	_ =	sdelay $0x3  }
0x34: {  	[smem:$0x3FAF] =	sst s10  }
0x35: {  	s10 =	sld [smem:$0x3FAE];
	_ =	sdelay $0x3  }
0x36: {  	p1 =	seq.s32 s10, $0x1;
	s10 =	sld [smem:$0x3FAF];
	_ =	sdelay $0x3  }
0x37: {  	[smem:$0x3FAF] =	sst s10  }
0x38: {  	s10 =	sld [smem:$0x3FB0]  }
0x39: {  	_ = 	snop;
	(pc) =	sbr.ind lr, $3  }
0x3a: {  	_ = 	snop  }
0x3b: {  	_ = 	snop  }
0x3c: {  	p2 =	seq.s32 s10, $0x1;
	s10 =	sld [smem:$0x3FAF]  }
0x3d: {  	_ =	shalt  }
0x3e: {  	_ =	shalt  }
0x3f: {  	_ =	shalt  }
0x40: {  	_ =	shalt  }
0x41: {  	_ =	shalt  }
0x42: {  	_ =	shalt  }
0x43: {  	_ =	shalt  }
0x44: {  	_ =	shalt  }
0x45: {  	_ =	shalt  }
0x46: {  	_ =	shalt  }
0x47: {  	_ =	shalt  }
0x48: {  	_ =	shalt  }
0x49: {  	_ =	shalt  }
0x4a: {  	_ =	shalt  }
0x4b: {  	_ =	shalt  }
0x4c: {  	_ =	shalt  }
0x4d: {  	_ =	shalt  }
0x4e: {  	_ =	shalt  }
0x4f: {  	_ =	shalt  }
0x50: {  	_ =	shalt  }
0x51: {  	_ =	shalt  }
0x52: {  	_ =	shalt  }
0x53: {  	_ =	shalt  }
0x54: {  	_ =	shalt  }
0x55: {  	_ =	shalt  }
0x56: {  	_ =	shalt  }
0x57: {  	_ =	shalt  }
0x58: {  	_ =	shalt  }
0x59: {  	_ =	shalt  }
0x5a: {  	_ =	shalt  }
0x5b: {  	_ =	shalt  }
0x5c: {  	_ =	shalt  }
0x5d: {  	_ =	shalt  }
0x5e: {  	_ =	shalt  }
0x5f: {  	_ =	shalt  }
0x60: {  	_ =	shalt  }
0x61: {  	_ =	shalt  }
0x62: {  	_ =	shalt  }
0x63: {  	_ =	shalt  }
0x64: {  	_ =	shalt  }
0x65: {  	_ =	shalt  }
0x66: {  	_ =	shalt  }
0x67: {  	_ =	shalt  }
0x68: {  	_ =	shalt  }
0x69: {  	_ =	shalt  }
0x6a: {  	_ =	shalt  }
0x6b: {  	_ =	shalt  }
0x6c: {  	_ =	shalt  }
0x6d: {  	_ =	shalt  }
0x6e: {  	_ =	shalt  }
0x6f: {  	_ =	shalt  }
0x70: {  	_ =	shalt  }
0x71: {  	_ =	shalt  }
0x72: {  	_ =	shalt  }
0x73: {  	_ =	shalt  }
0x74: {  	_ =	shalt  }
0x75: {  	_ =	shalt  }
0x76: {  	_ =	shalt  }
0x77: {  	_ =	shalt  }
0x78: {  	_ =	shalt  }
0x79: {  	_ =	shalt  }
0x7a: {  	_ =	shalt  }
0x7b: {  	_ =	shalt  }
0x7c: {  	_ =	shalt  }
0x7d: {  	_ =	shalt  }
0x7e: {  	_ =	shalt  }
0x7f: {  	_ =	shalt  }
0x80: {  	_ =	shalt  }
0x81: {  	_ =	shalt  }
0x82: {  	_ =	shalt  }
0x83: {  	_ =	shalt  }
0x84: {  	_ =	shalt  }
0x85: {  	_ =	shalt  }
0x86: {  	_ =	shalt  }
0x87: {  	_ =	shalt  }
.Lfunc_end0:
.L_simem_size_0:
called_computation.8_lowered:
.L_overlay_start_0:
0x88: {  	s2 =	sld [smem:$0x3FD9]  }
0x89: {  	s3 =	sld [smem:$0x3FFE];
	_ =	sdelay $0x1  }
0x8a: {  	s1 =	srdreg.scid  }
0x8b: {  	s0 =	sand.u32 $0x1, s1  }
0x8c: {  	s17 =	sshll.u32 s0, $0xA;
	s2 =	sadd.s32 s3, s2  }
0x8d: {  	s2 =	sadd.s32 s2, s17  }
0x8e: {  	[smem:$0x3FBB] =	sst s2  }
0x8f: {  	_ = 	snop  }
0x90: {  	s18 =	sld [smem:$0x3FD0];
	(tm) =	ssettm $0x1  }
0x91: {  	s19 =	sld [smem:$0x3FFB];
	_ =	sdelay $0x3  }
0x92: {  	_ =	strace s19  }
0x93: {  	s2 =	sld [smem:$0x3FFC];
	_ =	sdelay $0x3  }
0x94: {  	_ =	strace s2  }
0x95: {  	s2 =	sld [smem:$0x3FFD];
	_ =	sdelay $0x3  }
0x96: {  	_ =	strace s2  }
0x97: {  	_ =	strace $0x8FFFFFFF  }
0x98: {  	s20 =	sld [smem:$0x3FDB];
	_ =	sdelay $0x1  }
0x99: {  	s4 =	simm.s32 $_scs_section_size  }
0x9a: {  	s5 =	simm.s32 $_size__tile_overlayer_lowered;
	s6 =	simm.s32 $_tile_overlayer_lowered  }
0x9b: {  	s7 =	simm.s32 $0x1BFF;
	s21 =	sshll.u32 s6, $0x1;
	s4 =	sadd.s32 s4, s20  }
0x9c: {  	s22 =	simm.s32 $0x0;
	s5 =	sshll.u32 s5, $0x1;
	s6 =	sadd.s32 s21, s4  }
0x9d: {  	[timem:s22], [sflag:s7] =	dma.local [hbm:s6], s5  }
0x9e: {  	_ =	swait.ge [sflag:s7], s5  }
0x9f: {  	s5 =	ssub.s32 $0x0, s5;
	[sflag:s7] =	ssyncset.done $0x0  }
0xa0: {  	[sflag:s7] =	ssyncadd.s32 s5;
	_ =	sdelay $0x1  }
0xa1: {  	s23 =	simm.s32 $0x1B8B  }
0xa2: {  	_ =	swait.ge [sflag:s23], $0x1  }
0xa3: {  	[sflag:s23] =	ssyncset.done $0x0  }
0xa4: {  	[sflag:s23] =	ssyncadd.s32 $0xFFFFFFFF  }
0xa5: {  	s5 =	sld [smem:$0x0]  }
0xa6: {  	s6 =	sand.u32 $0xFFFFFFFE, s1  }
0xa7: {  	p0 =	sne.s32 s1, s6  }
0xa8: {  	s6 =	sshll.u32 @p0 s6, $0xE  }
0xa9: {  	s6 =	sadd.s32 @p0 $0x11B8D, s6;
	s7 =	sshll.u32 @p0 s5, $0x11  }
0xaa: {  	s6 =	sor.u32 @p0 s7, s6  }
0xab: {  	[sflag:s6] =	ssyncadd.remote.s32 @p0 $0x1;
	_ =	sdelay $0x1  }
0xac: {  	s6 =	simm.s32 @p0 $0x1B8D  }
0xad: {  	_ =	swait.eq @p0 [sflag:s6], $0x1  }
0xae: {  	[sflag:s6] =	ssyncadd.s32 @p0 $0xFFFFFFFF  }
0xaf: {  	s7 =	sshll.u32 @!p0 s1, $0xE  }
0xb0: {  	s7 =	sor.u32 @!p0 $0x4000, s7;
	s6 =	simm.s32 @!p0 $0x1B8D  }
0xb1: {  	s5 =	sshll.u32 @!p0 s5, $0x11;
	s7 =	sadd.s32 @!p0 $0x11B8D, s7;
	_ =	swait.eq @!p0 [sflag:s6], $0x1  }
0xb2: {  	s5 =	sor.u32 @!p0 s5, s7;
	[sflag:s6] =	ssyncadd.s32 @!p0 $0xFFFFFFFF  }
0xb3: {  	s25 =	simm.s32 $0x1B8E;
	s24 =	sld [smem:$0x3FFE];
	[sflag:s5] =	ssyncadd.remote.s32 @!p0 $0x1  }
0xb4: {  	s26 =	simm.s32 $execute0_lowered;
	[smem:$0x3FD2] =	sst s25  }
0xb5: {  	s6 =	sshll.u32 s26, $0x1;
	_ =	strace $0x80000055;
	[dreg:$0x1] =	wrdreg $0xFFFFFFFF  }
0xb6: {  	s28 =	simm.s32 $_size_execute0_lowered;
	s4 =	sadd.s32 s4, s6;
	[dreg:$0x0] =	wrdreg $0x0  }
0xb7: {  	s6 =	sshll.u32 s28, $0x1;
	[dreg:$0x2] =	wrdreg s4  }
0xb8: {  	[dreg:$0x3] =	wrdreg s6  }
0xb9: {  	[dreg:$0x4] =	wrdreg $0xC0  }
0xba: {  	_ =	task [dreg:s22], $0x5FFFF  }
0xbb: {  	[dreg:$0x1] =	wrdreg $0xFFFFFFFF  }
0xbc: {  	[dreg:$0x0] =	wrdreg $0x60  }
0xbd: {  	[dreg:$0x2] =	wrdreg s24  }
0xbe: {  	[dreg:$0x3] =	wrdreg s18  }
0xbf: {  	[dreg:$0x4] =	wrdreg $0xE4000  }
0xc0: {  	[dreg:$0x5] =	wrdreg $0xE  }
0xc1: {  	_ =	task.clear_ibuf [dreg:s22], $0x6FFFF;
	_ =	strace $0x90000055  }
0xc2: {  	s29 =	simm.s32 $0xE;
	_ =	strace $0x80000057  }
0xc3: {  	_ =	swait.ge [sflag:s29], $0x1  }
0xc4: {  	[sflag:s29] =	ssyncadd.s32 $0xFFFFFFFF  }
0xc5: {  	_ =	strace $0x90000057  }
0xc6: {  	_ =	sfence  }
0xc7: {  	s30 =	sld [smem:$0x0];
	_ =	sdelay $0x2  }
0xc8: {  	s31 =	sshll.u32 s1, $0xD;
	s1 =	sshrl.u32 s1, $0x2  }
0xc9: {  	s4 =	sand.u32 $0x4000, s31;
	s1 =	sadd.s32 s1, s30  }
0xca: {  	s0 =	sor.u32 s4, s0;
	s1 =	sshll.u32 s1, $0x11  }
0xcb: {  	s0 =	sor.u32 s1, s0  }
0xcc: {  	s0 =	sadd.s32 $0x8F2B, s0  }
0xcd: {  	[sflag:s0] =	ssyncadd.remote.s32 $0x1  }
0xce: {  	_ =	sfence.sel $0xFFFF  }
0xcf: {  	[dreg:$0x0] =	wrdreg $0xFFFFFFFF;
	(pc) =	sbr.abs _section_cstart, $3  }
0xd0: {  	[dreg:$0x1] =	wrdreg $0xFFFFFFFF  }
0xd1: {  	_ =	task.clear_ibuf [dreg:s22], $0x2FFFF;
	_ =	strace $0x9FFFFFFF  }
0xd2: {  	(tm) =	ssettm $0x7FFFFFFF  }
0xd3: {  	_ =	shalt  }
tec
execute0_lowered:
.L_overlay_start_1:
0x0: {  	(tag) =	ssettag $0x1  }
0x1: {  	s4 =	rddreg [dreg:$0x0]  }
0x2: {  	s6 =	rddreg [dreg:$0x1];
	s0 =	srdreg.scid  }
0x3: {  	s1 =	rddreg [dreg:$0x2];
	s15 =	stileid.u32  }
0x4: {  	s2 =	simm.s32 $0x0;
	s13 =	simm.s32 $0xE000;
	s14 =	simm.s32 $0x1800  }
0x5: {  	s16 =	simm.s32 $0xE080;
	s17 =	simm.s32 $0x6000;
	s18 =	simm.s32 $0xE100  }
0x6: {  	s19 =	simm.s32 $0x8000;
	s20 =	simm.s32 $0xE180;
	s21 =	simm.s32 $0xA000  }
0x7: {  	s22 =	simm.s32 $0xE200;
	s5 =	sand.u32 $0x1, s0;
	s0 =	rddreg [dreg:$0x3]  }
0x8: {  	s23 =	simm.s32 $0xC000;
	s25 =	simm.s32 $0x0;
	[smem:$0x7FF] =	sst s2  }
0x9: {  	v0 =	vlaneseq.u32;
	s11 =	sshll.u32 s15, $0xD;
	s12 =	smul.u32 $0xD700, s15;
	p0 =	sgt.u32 s15, $0x4  }
0xa: {  	v0 =	vmul.u32 $0x80, v0;
	p1 =	sne.s32 s15, $0x0;
	s3 =	sshll.u32 s5, $0x4;
	s7 =	smul.u32 $0xD7000, s5  }
0xb: {  	_ =	strace $0x80000056;
	s9 =	ssub.s32 $0x2, s5;
	s10 =	smul.u32 $0x1400, s5  }
0xc: {  	s11 =	sadd.s32 s11, s1;
	s24 =	sshrl.u32 @!p1 s1, $0x3;
	s3 =	sor.u32 s15, s3;
	v1 =	vor.u32 $0x1, v0  }
0xd: {  	s30 =	sshrl.u32 s9, $0x1;
	v4 =	vor.u32 $0x800, v0;
	v5 =	vor.u32 $0x801, v0;
	v6 =	vor.u32 $0x802, v0;
	s3 =	smul.u32 $0x300, s3;
	s7 =	sadd.s32 s7, s4  }
0xe: {  	v7 =	vor.u32 $0x803, v0;
	v8 =	vor.u32 $0x1000, v0;
	v9 =	vor.u32 $0x1001, v0;
	s9 =	ssub.s32 s9, s30;
	s6 =	sadd.s32 s6, s10;
	s10 =	sshrl.u32 @!p0 s11, $0x3  }
0xf: {  	v10 =	vor.u32 $0x1002, v0;
	v11 =	vor.u32 $0x1003, v0;
	v12 =	vor.u32 $0x1800, v0;
	s11 =	simm.s32 $0x1;
	s31 =	sadd.s32 s12, s7;
	s7 =	smax.u32 s9, $0x1  }
0x10: {  	v13 =	vor.u32 $0x1801, v0;
	v14 =	vor.u32 $0x1802, v0;
	v15 =	vor.u32 $0x1803, v0;
	s9 =	sshll.u32 @!p0 s15, $0x6;
	s8 =	sadd.s32 s3, s4;
	s3 =	sadd.s32 $0x9E8800, s4  }
0x11: {  	v2 =	vor.u32 $0x2, v0;
	v16 =	vor.u32 $0x2000, v0;
	v17 =	vor.u32 $0x2001, v0;
	s12 =	simm.s32 $0x4000;
	s4 =	sadd.s32 $0xD1C800, s4;
	s9 =	sor.u32 @!p0 $0x1C01, s9  }
0x12: {  	v3 =	vor.u32 $0x3, v0;
	v18 =	vor.u32 $0x2002, v0;
	v19 =	vor.u32 $0x2003, v0;
	s15 =	simm.s32 $0x40;
	s5 =	sadd.s32 $0x686800, s8;
	s8 =	sadd.s32 $0x11EAA00, s31  }
.LBB2_1:
0x13: {  	[spmem:s10], [sflag:s9] =	dma.local @!p0 [hbm:s3], $0x400  }
0x14: {  	s26 =	simm.s32 @!p0 $0x1  }
0x15: {  	_ =	swait.ge @!p0 [sflag:s26], $0x400  }
0x16: {  	[sflag:s26] =	ssyncset.done @!p0 $0x0  }
0x17: {  	[sflag:s26] =	ssyncadd.s32 @!p0 $0xFFFFFC00  }
0x18: {  	[tilespmem:s2], [sflag:$0x1] =	stream.linear.gather [hbm4b:s5+s2], $0x1580, $0x38;
	[tilespmem:$0xEE00] =	vst v63  }
0x19: {  	_ =	swait.ge [sflag:s11], $0x1580  }
0x1a: {  	[sflag:s11] =	ssyncset.done $0x0  }
0x1b: {  	[sflag:s11] =	ssyncadd.s32 $0xFFFFEA80  }
0x1c: {  	[tilespmem:s12], [sflag:$0x1] =	stream.linear.gather [hbm4b:s3+s2], $0xA000, $0x38;
	[tilespmem:$0xEE00] =	vst v63  }
0x1d: {  	_ =	swait.ge [sflag:s11], $0xA000  }
0x1e: {  	[sflag:s11] =	ssyncset.done $0x0  }
0x1f: {  	[sflag:s11] =	ssyncadd.s32 $0xFFFF6000  }
0x20: {  	[tilespmem:s13], [sflag:$0x1] =	stream.linear.gather [hbm4b:s4+s2], $0x280, $0x38;
	[tilespmem:$0xEE00] =	vst v63  }
0x21: {  	_ =	swait.ge [sflag:s11], $0x280  }
0x22: {  	[sflag:s11] =	ssyncset.done $0x0  }
0x23: {  	[sflag:s11] =	ssyncadd.s32 $0xFFFFFD80  }
0x24: {  	s28 =	simm.s32 $0x0;
	s26 =	simm.s32 $0x20;
	[bflag:$0x0] =	sbarrier.arrive $0xFFFF  }
.LBB2_2:
0x25: {  	s29 =	sadd.s32 s28, s8  }
0x26: {  	[tilespmem:s14], [sflag:$0x1] =	stream.linear.gather [hbm4b:s29+s2], $0x2800, $0x38;
	[tilespmem:$0xEE00] =	vst v63  }
0x27: {  	_ =	swait.ge [sflag:s11], $0x2800  }
0x28: {  	[sflag:s11] =	ssyncset.done $0x0  }
0x29: {  	[sflag:s11] =	ssyncadd.s32 $0xFFFFD800  }
0x2a: {  	v20 =	vld [tilespmem:s26+$0xFFFFFFE0];
	_ =	sdelay $0x4  }
0x2b: {  	v21 =	vld.idx.msk [tilespmem:v0+s14+$0x0], $0xffff;
	v20 =	vshll.u32 v20, $0x2;
	_ =	sdelay $0x4  }
0x2c: {  	[tilespmem:v20+s12+$0x0] =	vst.idx.add.f32.msk $0xffff, v21  }
0x2d: {  	v22 =	vor.u32 $0x1, v20;
	v21 =	vld.idx.msk [tilespmem:v1+s14+$0x0], $0xffff;
	_ =	sdelay $0x4  }
0x2e: {  	[tilespmem:v22+s12+$0x0] =	vst.idx.add.f32.msk $0xffff, v21  }
0x2f: {  	v55 =	vor.u32 $0x2, v20;
	v21 =	vld.idx.msk [tilespmem:v2+s14+$0x0], $0xffff;
	_ =	sdelay $0x4  }
0x30: {  	[tilespmem:v55+s12+$0x0] =	vst.idx.add.f32.msk $0xffff, v21  }
0x31: {  	v20 =	vor.u32 $0x3, v20;
	v21 =	vld.idx.msk [tilespmem:v3+s14+$0x0], $0xffff;
	_ =	sdelay $0x4  }
0x32: {  	[tilespmem:v20+s12+$0x0] =	vst.idx.add.f32.msk $0xffff, v21  }
0x33: {  	v20 =	vld [tilespmem:s26+$0xFFFFFFF0];
	_ =	sdelay $0x4  }
0x34: {  	v21 =	vld.idx.msk [tilespmem:v4+s14+$0x0], $0xffff;
	v20 =	vshll.u32 v20, $0x2;
	_ =	sdelay $0x4  }
0x35: {  	[tilespmem:v20+s12+$0x0] =	vst.idx.add.f32.msk $0xffff, v21  }
0x36: {  	v56 =	vor.u32 $0x1, v20;
	v21 =	vld.idx.msk [tilespmem:v5+s14+$0x0], $0xffff;
	_ =	sdelay $0x4  }
0x37: {  	[tilespmem:v56+s12+$0x0] =	vst.idx.add.f32.msk $0xffff, v21  }
0x38: {  	v57 =	vor.u32 $0x2, v20;
	v21 =	vld.idx.msk [tilespmem:v6+s14+$0x0], $0xffff;
	_ =	sdelay $0x4  }
0x39: {  	[tilespmem:v57+s12+$0x0] =	vst.idx.add.f32.msk $0xffff, v21  }
0x3a: {  	v20 =	vor.u32 $0x3, v20;
	v21 =	vld.idx.msk [tilespmem:v7+s14+$0x0], $0xffff;
	_ =	sdelay $0x4  }
0x3b: {  	[tilespmem:v20+s12+$0x0] =	vst.idx.add.f32.msk $0xffff, v21  }
0x3c: {  	v20 =	vld [tilespmem:s26+$0x0];
	_ =	sdelay $0x4  }
0x3d: {  	v21 =	vld.idx.msk [tilespmem:v8+s14+$0x0], $0xffff;
	v20 =	vshll.u32 v20, $0x2;
	_ =	sdelay $0x4  }
0x3e: {  	[tilespmem:v20+s12+$0x0] =	vst.idx.add.f32.msk $0xffff, v21  }
0x3f: {  	v58 =	vor.u32 $0x1, v20;
	v21 =	vld.idx.msk [tilespmem:v9+s14+$0x0], $0xffff;
	_ =	sdelay $0x4  }
0x40: {  	[tilespmem:v58+s12+$0x0] =	vst.idx.add.f32.msk $0xffff, v21  }
0x41: {  	v59 =	vor.u32 $0x2, v20;
	v21 =	vld.idx.msk [tilespmem:v10+s14+$0x0], $0xffff;
	_ =	sdelay $0x4  }
0x42: {  	[tilespmem:v59+s12+$0x0] =	vst.idx.add.f32.msk $0xffff, v21  }
0x43: {  	v20 =	vor.u32 $0x3, v20;
	v21 =	vld.idx.msk [tilespmem:v11+s14+$0x0], $0xffff;
	_ =	sdelay $0x4  }
0x44: {  	[tilespmem:v20+s12+$0x0] =	vst.idx.add.f32.msk $0xffff, v21  }
0x45: {  	v20 =	vld [tilespmem:s26+$0x10];
	_ =	sdelay $0x4  }
0x46: {  	v21 =	vld.idx.msk [tilespmem:v12+s14+$0x0], $0xffff;
	v20 =	vshll.u32 v20, $0x2;
	_ =	sdelay $0x4  }
0x47: {  	[tilespmem:v20+s12+$0x0] =	vst.idx.add.f32.msk $0xffff, v21  }
0x48: {  	v60 =	vor.u32 $0x1, v20;
	v21 =	vld.idx.msk [tilespmem:v13+s14+$0x0], $0xffff;
	_ =	sdelay $0x4  }
0x49: {  	[tilespmem:v60+s12+$0x0] =	vst.idx.add.f32.msk $0xffff, v21  }
0x4a: {  	v61 =	vor.u32 $0x2, v20;
	v21 =	vld.idx.msk [tilespmem:v14+s14+$0x0], $0xffff;
	_ =	sdelay $0x4  }
0x4b: {  	[tilespmem:v61+s12+$0x0] =	vst.idx.add.f32.msk $0xffff, v21  }
0x4c: {  	v20 =	vor.u32 $0x3, v20;
	v21 =	vld.idx.msk [tilespmem:v15+s14+$0x0], $0xffff;
	_ =	sdelay $0x4  }
0x4d: {  	[tilespmem:v20+s12+$0x0] =	vst.idx.add.f32.msk $0xffff, v21  }
0x4e: {  	v20 =	vld [tilespmem:s26+$0x20];
	_ =	sdelay $0x4  }
0x4f: {  	v21 =	vld.idx.msk [tilespmem:v16+s14+$0x0], $0xffff;
	v20 =	vshll.u32 v20, $0x2;
	_ =	sdelay $0x4  }
0x50: {  	[tilespmem:v20+s12+$0x0] =	vst.idx.add.f32.msk $0xffff, v21  }
0x51: {  	v62 =	vor.u32 $0x1, v20;
	v21 =	vld.idx.msk [tilespmem:v17+s14+$0x0], $0xffff;
	_ =	sdelay $0x4  }
0x52: {  	[tilespmem:v62+s12+$0x0] =	vst.idx.add.f32.msk $0xffff, v21  }
0x53: {  	v63 =	vor.u32 $0x2, v20;
	v21 =	vld.idx.msk [tilespmem:v18+s14+$0x0], $0xffff;
	_ =	sdelay $0x4  }
0x54: {  	[tilespmem:v63+s12+$0x0] =	vst.idx.add.f32.msk $0xffff, v21  }
0x55: {  	p2 =	sne.s32 s28, $0xD200;
	v20 =	vor.u32 $0x3, v20;
	v21 =	vld.idx.msk [tilespmem:v19+s14+$0x0], $0xffff  }
.Ltmp0:
0x56: {  	_ = 	snop;
	(pc) =	sbr.rel @p2 .LBB2_2-.Ltmp0, $2  }
0x57: {  	_ =	sdelay $0x2  }
0x58: {  	s28 =	sadd.s32 $0x500, s28;
	s26 =	sadd.s32 $0x80, s26;
	[tilespmem:v20+s12+$0x0] =	vst.idx.add.f32.msk $0xffff, v21  }
0x59: {  	[spmem:s1] =	stream.indirect.scatter.add.f32 [tilespmem:s12], [sflag:$0x1], $0x80, s13, s15, $0xb8;
	[tilespmem:$0xEE00] =	vst v63  }
0x5a: {  	_ =	swait.ge [sflag:s11], $0x2000  }
0x5b: {  	[sflag:s11] =	ssyncset.done $0x0  }
0x5c: {  	[sflag:s11] =	ssyncadd.s32 $0xFFFFE000  }
0x5d: {  	[spmem:s1] =	stream.indirect.scatter.add.f32 [tilespmem:s17], [sflag:$0x1], $0x80, s16, s15, $0xb8;
	[tilespmem:$0xEE00] =	vst v63  }
0x5e: {  	_ =	swait.ge [sflag:s11], $0x2000  }
0x5f: {  	[sflag:s11] =	ssyncset.done $0x0  }
0x60: {  	[sflag:s11] =	ssyncadd.s32 $0xFFFFE000  }
0x61: {  	[spmem:s1] =	stream.indirect.scatter.add.f32 [tilespmem:s19], [sflag:$0x1], $0x80, s18, s15, $0xb8;
	[tilespmem:$0xEE00] =	vst v63  }
0x62: {  	_ =	swait.ge [sflag:s11], $0x2000  }
0x63: {  	[sflag:s11] =	ssyncset.done $0x0  }
0x64: {  	[sflag:s11] =	ssyncadd.s32 $0xFFFFE000  }
0x65: {  	[spmem:s1] =	stream.indirect.scatter.add.f32 [tilespmem:s21], [sflag:$0x1], $0x80, s20, s15, $0xb8;
	[tilespmem:$0xEE00] =	vst v63  }
0x66: {  	_ =	swait.ge [sflag:s11], $0x2000  }
0x67: {  	[sflag:s11] =	ssyncset.done $0x0  }
0x68: {  	[sflag:s11] =	ssyncadd.s32 $0xFFFFE000  }
0x69: {  	[spmem:s1] =	stream.indirect.scatter.add.f32 [tilespmem:s23], [sflag:$0x1], $0x80, s22, s15, $0xb8;
	[tilespmem:$0xEE00] =	vst v63  }
0x6a: {  	_ =	swait.ge [sflag:s11], $0x2000  }
0x6b: {  	[sflag:s11] =	ssyncset.done $0x0  }
0x6c: {  	s25 =	sadd.s32 $0x1, s25;
	[sflag:s11] =	ssyncadd.s32 $0xFFFFE000  }
0x6d: {  	s26 =	simm.s32 @!p1 $0x1C01;
	p2 =	sne.s32 s25, s7;
	[bflag:$0x0] =	sbarrier.arrive $0xFFFF  }
0x6e: {  	[hbm:s6], [sflag:s26] =	dma.local @!p1 [spmem:s24], $0x1400  }
.Ltmp1:
0x6f: {  	_ = 	snop;
	(pc) =	sbr.rel @p2 .LBB2_1-.Ltmp1, $4  }
0x70: {  	s26 =	simm.s32 @!p1 $0x1  }
0x71: {  	_ =	swait.ge @!p1 [sflag:s26], $0x1400  }
0x72: {  	[sflag:s26] =	ssyncset.done @!p1 $0x0  }
0x73: {  	[sflag:s26] =	ssyncadd.s32 @!p1 $0xFFFFEC00  }
0x74: {  	_ =	sfence.sel $0x180000  }
0x75: {  	[bflag:$0x0] =	sbarrier.arrive $0xFFFF  }
0x76: {  	_ =	strace $0x90000056  }
0x77: {  	s0 =	sadd.s32 @!p1 $0x100000, s0;
	[bflag:$0x2] =	sbarrier.arrive $0xFFFF  }
0x78: {  	[sflag:s0] =	ssyncadd.tile.s32 @!p1 $0x1;
	_ =	shalt  }
.Lfunc_end2:
_tile_overlayer_lowered:
.L_overlay_start_2:
0x79: {  	(tag) =	ssettag $0x2  }
0x7a: {  	s0 =	rddreg [dreg:$0x0];
	s2 =	stileid.u32  }
0x7b: {  	s1 =	rddreg [dreg:$0x1];
	p0 =	sne.s32 s2, $0x0  }
0x7c: {  	s3 =	rddreg [dreg:$0x2];
	[bflag:$0x3] =	sbarrier.arrive $0xFFFF;
	s2 =	simm.s32 @!p0 $0x1C01  }
0x7d: {  	[timem:s3], [sflag:s2] =	dma.local @!p0 [hbm:s0], s1  }
0x7e: {  	s0 =	simm.s32 @!p0 $0x1  }
0x7f: {  	_ =	swait.ge @!p0 [sflag:s0], s1  }
0x80: {  	s1 =	ssub.s32 @!p0 $0x0, s1;
	[sflag:s0] =	ssyncset.done @!p0 $0x0  }
0x81: {  	[sflag:s0] =	ssyncadd.s32 @!p0 s1  }
0x82: {  	[bflag:$0x3] =	sbarrier.arrive $0xFFFF  }
0x83: {  	_ =	shalt  }

</sc_bundles>
